<compile_context>
chip_gen: v7x
topology: tpu7x:2x2x1
jax: 0.10.2.dev20260603
libtpu: 0.0.44.dev20260713+nightly
codegen_flags: <defaults>
</compile_context>

<pallas_src>
import functools

import jax
import jax.numpy as jnp
from jax import lax
from jax.experimental import pallas as pl
from jax.experimental.pallas import tpu as pltpu
from jax.experimental.pallas import tpu_sc as plsc

N = 10000
E = 320000
D = 128
H = 20
HP = 32
C = 10

NC = 2
NS = 16
NW = NC * NS
CH = 128
NCHUNK = 80
EPT = NCHUNK * CH
EP = NW * EPT
NA = 10240
PR = NA // 4
NBUF = 4
EPR = E // NW
RPT = NA // NS
QR = PR // 4


def _sc_agg_body(ei_hbm, y_hbm, zeros_hbm, out_hbm,
                 src_t, dst1d, dst_t, rows, y_s, agg_s, gsem, ssem):
    c = lax.axis_index("c")
    s = lax.axis_index("s")
    wid = c * NS + s

    pltpu.sync_copy(ei_hbm.at[0, pl.ds(wid * EPR, EPR)],
                    src_t.at[pl.ds(0, EPR)])
    pltpu.sync_copy(ei_hbm.at[1, pl.ds(wid * EPR, EPR)], dst1d)
    chunk = s // 4
    quart = s % 4
    pltpu.sync_copy(
        y_hbm.at[pl.ds(quart * QR, QR), pl.ds(chunk * HP, HP)],
        y_s.at[pl.ds(chunk * PR + quart * QR, QR)])
    pltpu.sync_copy(zeros_hbm.at[pl.ds(s * RPT, RPT)],
                    agg_s.at[pl.ds(s * RPT, RPT)])

    zs = jnp.zeros((16,), jnp.int32)
    ds_pad = jnp.full((16,), N, jnp.int32)
    for k in range((EPT - EPR) // 16):
        src_t[pl.ds(EPR + 16 * k, 16)] = zs

    def rp(j, carry):
        for k in range(CH // 16):
            dst_t[j, pl.ds(16 * k, 16)] = dst1d[pl.ds(j * CH + 16 * k, 16)]
        return carry

    full_rows = EPR // CH
    lax.fori_loop(0, full_rows, rp, 0)
    dst_t[full_rows, pl.ds(0, 16)] = dst1d[pl.ds(full_rows * CH, 16)]
    for k in range(1, CH // 16):
        dst_t[full_rows, pl.ds(16 * k, 16)] = ds_pad
    for k in range(CH // 16):
        dst_t[full_rows + 1, pl.ds(16 * k, 16)] = ds_pad
    plsc.subcore_barrier()

    def gather_start(j, b):
        pltpu.async_copy(y_s.at[src_t.at[pl.ds(j * CH, CH)]], rows.at[b],
                         gsem.at[b])

    def gather_wait(j, b):
        pltpu.make_async_copy(y_s.at[src_t.at[pl.ds(j * CH, CH)]], rows.at[b],
                              gsem.at[b]).wait()

    def scatter_start(j, b):
        pltpu.async_copy(rows.at[b], agg_s.at[dst_t.at[j]], ssem.at[b],
                         add=True)

    def scatter_wait(j, b):
        pltpu.make_async_copy(rows.at[b], agg_s.at[dst_t.at[j]],
                              ssem.at[b]).wait()

    for k in range(NBUF - 1):
        gather_start(k, k)

    def outer(j0, carry):
        for b in range(NBUF):
            j = j0 * NBUF + b
            gather_wait(j, j % NBUF)
            scatter_start(j, j % NBUF)
            if b == 0:
                @pl.when(j0 == 0)
                def _():
                    gather_start(NBUF - 1, NBUF - 1)

                cond = j0 >= 1
            else:
                cond = j0 < NCHUNK // NBUF - 1

            @pl.when(cond)
            def _():
                scatter_wait(j - 1, (j - 1) % NBUF)
                gather_start(j + NBUF - 1, (j - 1) % NBUF)
        return carry

    lax.fori_loop(0, NCHUNK // NBUF, outer, 0)

    for j in range(NCHUNK - NBUF, NCHUNK):
        scatter_wait(j, j % NBUF)

    plsc.subcore_barrier()
    pltpu.sync_copy(
        agg_s.at[pl.ds(chunk * PR + quart * QR, QR)],
        out_hbm.at[c, pl.ds(quart * QR, QR), pl.ds(chunk * HP, HP)])


_sc_agg = functools.partial(
    pl.kernel,
    out_type=jax.ShapeDtypeStruct((NC, PR, 4 * HP), jnp.float32),
    mesh=plsc.VectorSubcoreMesh(core_axis_name="c", subcore_axis_name="s"),
    scratch_types=[
        pltpu.VMEM((EPT,), jnp.int32),
        pltpu.VMEM((EPR,), jnp.int32),
        pltpu.VMEM((NCHUNK, CH), jnp.int32),
        pltpu.VMEM((NBUF, CH, HP), jnp.float32),
        pltpu.VMEM_SHARED((NA, HP), jnp.float32),
        pltpu.VMEM_SHARED((NA, HP), jnp.float32),
        pltpu.SemaphoreType.DMA((NBUF,)),
        pltpu.SemaphoreType.DMA((NBUF,)),
    ],
    compiler_params=pltpu.CompilerParams(use_tc_tiling_on_sc=False),
)(_sc_agg_body)


def _proj_body(x_ref, w_ref, o_ref):
    parts = []
    for cc in range(4):
        lo = cc * PR
        hi = min(lo + PR, N)
        yc = jnp.dot(x_ref[lo:hi], w_ref[...],
                     preferred_element_type=jnp.float32)
        if hi - lo < PR:
            yc = jnp.concatenate(
                [yc, jnp.zeros((PR - (hi - lo), HP), jnp.float32)], axis=0)
        parts.append(yc)
    o_ref[...] = jnp.concatenate(parts, axis=1)


_proj = pl.pallas_call(
    _proj_body,
    out_shape=jax.ShapeDtypeStruct((PR, 4 * HP), jnp.float32),
)


def _packed_mlp(p_ref, ba_ref, wbd_ref, bb_ref, sel_ref, selt_ref):
    a = p_ref[0] + p_ref[1]
    t = jnp.maximum(a + ba_ref[...], 0.0)
    u = jnp.maximum(
        jnp.dot(t, wbd_ref[...], preferred_element_type=jnp.float32)
        + bb_ref[...], 0.0)
    ss = jnp.dot(u * u, sel_ref[...], preferred_element_type=jnp.float32)
    nrm = jnp.maximum(jnp.sqrt(ss), 1e-12)
    den = jnp.dot(nrm, selt_ref[...], preferred_element_type=jnp.float32)
    return jnp.maximum(u / den, 0.0)


def _mid_body(p_ref, ba_ref, wbd_ref, bb_ref, sel_ref, selt_ref, wnd_ref,
              o_ref):
    h = _packed_mlp(p_ref, ba_ref, wbd_ref, bb_ref, sel_ref, selt_ref)
    o_ref[...] = jnp.dot(h, wnd_ref[...], preferred_element_type=jnp.float32)


_mid = pl.pallas_call(
    _mid_body,
    out_shape=jax.ShapeDtypeStruct((PR, 4 * HP), jnp.float32),
)


def _fin_body(p_ref, ba_ref, wbd_ref, bb_ref, sel_ref, selt_ref,
              wl1_ref, wl2_ref, bl_ref, o_ref):
    h = _packed_mlp(p_ref, ba_ref, wbd_ref, bb_ref, sel_ref, selt_ref)
    rid = lax.broadcasted_iota(jnp.int32, (PR, 4 * HP), 0)
    cid = lax.broadcasted_iota(jnp.int32, (PR, 4 * HP), 1)
    valid = jnp.logical_or(cid < 3 * HP, rid < N - 3 * PR)
    hv = jnp.where(valid, h, 0.0)
    m = jnp.max(hv, axis=0, keepdims=True)
    sm = jnp.sum(hv, axis=0, keepdims=True)
    m32 = jnp.maximum(jnp.maximum(m[:, 0:HP], m[:, HP:2 * HP]),
                      jnp.maximum(m[:, 2 * HP:3 * HP], m[:, 3 * HP:4 * HP]))
    s32 = (sm[:, 0:HP] + sm[:, HP:2 * HP] + sm[:, 2 * HP:3 * HP]
           + sm[:, 3 * HP:4 * HP]) * (1.0 / N)
    o_ref[...] = (
        jnp.dot(m32, wl1_ref[...], preferred_element_type=jnp.float32)
        + jnp.dot(s32, wl2_ref[...], preferred_element_type=jnp.float32)
        + bl_ref[...])


_fin = pl.pallas_call(
    _fin_body,
    out_shape=jax.ShapeDtypeStruct((1, C), jnp.float32),
)


def _pad_w(w):
    return jnp.pad(w, ((0, HP - H), (0, HP - H)))


def _blkdiag(w):
    return jnp.kron(jnp.eye(4, dtype=jnp.float32), _pad_w(w))


def _pad_b4(b):
    return jnp.tile(jnp.pad(b, (0, HP - H)), 4).reshape(1, 4 * HP)


def kernel(x, edge_index, W1a, b1a, W1b, b1b, W2a, b2a, W2b, b2b,
           W3a, b3a, W3b, b3b, Wlin, blin):
    zeros = jnp.zeros((NA, HP), jnp.float32)

    W1a_p = jnp.pad(W1a, ((0, 0), (0, HP - H)))
    W1b_d, W2a_d, W2b_d, W3a_d, W3b_d = map(
        _blkdiag, (W1b, W2a, W2b, W3a, W3b))
    b1a_p, b1b_p, b2a_p, b2b_p, b3a_p, b3b_p = map(
        _pad_b4, (b1a, b1b, b2a, b2b, b3a, b3b))
    sel = jnp.kron(jnp.eye(4, dtype=jnp.float32),
                   jnp.ones((HP, 1), jnp.float32))
    selt = sel.T
    wl1 = jnp.pad(Wlin[:H], ((0, HP - H), (0, 0)))
    wl2 = jnp.pad(Wlin[H:], ((0, HP - H), (0, 0)))
    bl = blin.reshape(1, C)

    y1 = _proj(x, W1a_p)
    p1 = _sc_agg(edge_index, y1, zeros)
    y2 = _mid(p1, b1a_p, W1b_d, b1b_p, sel, selt, W2a_d)
    p2 = _sc_agg(edge_index, y2, zeros)
    y3 = _mid(p2, b2a_p, W2b_d, b2b_p, sel, selt, W3a_d)
    p3 = _sc_agg(edge_index, y3, zeros)
    return _fin(p3, b3a_p, W3b_d, b3b_p, sel, selt, wl1, wl2, bl)

# --- scband reference (transcript-rebuilt; emitter-appended) ---
"""Pipeline reference for scband-graph-gin-70944269795972 (READ-ONLY COPY).

The authoritative reference and input builder live on the scoring server;
editing this copy changes nothing except your own understanding.
"""

import jax, jax.numpy as jnp
import numpy as np

N = 10000
E = 320000
D = 128
H = 20
C = 10


def _lin_init(key, fan_in, fan_out):
    k1, k2 = jax.random.split(key)
    bound = 1.0 / np.sqrt(fan_in)
    W = jax.random.uniform(k1, (fan_in, fan_out), minval=-bound, maxval=bound, dtype=jnp.float32)
    b = jax.random.uniform(k2, (fan_out,), minval=-bound, maxval=bound, dtype=jnp.float32)
    return W, b


def setup_inputs(seed: int = 0) -> dict:
    key = jax.random.key(seed)
    ks = jax.random.split(key, 10)
    x = jax.random.normal(ks[0], (N, D), dtype=jnp.float32)
    edge_index = jax.random.randint(ks[1], (2, E), 0, N, dtype=jnp.int32)
    W1a, b1a = _lin_init(ks[2], D, H)
    W1b, b1b = _lin_init(ks[3], H, H)
    W2a, b2a = _lin_init(ks[4], H, H)
    W2b, b2b = _lin_init(ks[5], H, H)
    W3a, b3a = _lin_init(ks[6], H, H)
    W3b, b3b = _lin_init(ks[7], H, H)
    Wlin, blin = _lin_init(ks[8], 2 * H, C)
    return {"x": x, "edge_index": edge_index,
            "W1a": W1a, "b1a": b1a, "W1b": W1b, "b1b": b1b,
            "W2a": W2a, "b2a": b2a, "W2b": W2b, "b2b": b2b,
            "W3a": W3a, "b3a": b3a, "W3b": W3b, "b3b": b3b,
            "Wlin": Wlin, "blin": blin}


def _gin_layer(x, src, dst, ew, Wa, ba, Wb, bb):
    # GINConv_mask with explicit edge_weight: no self-loops added, no (1+eps)*x_r term
    # (the overridden forward drops the self-connection and only uses propagate output)
    msg = x[src] * ew[:, None]
    agg = jax.ops.segment_sum(msg, dst, num_segments=x.shape[0])
    h = jax.nn.relu(agg @ Wa + ba)
    h = jax.nn.relu(h @ Wb + bb)
    # F.normalize(p=2, dim=1) with clamp_min eps=1e-12
    norm = jnp.maximum(jnp.linalg.norm(h, axis=1, keepdims=True), 1e-12)
    h = h / norm
    return jax.nn.relu(h)


def reference(x, edge_index, W1a, b1a, W1b, b1b, W2a, b2a, W2b, b2b, W3a, b3a, W3b, b3b, Wlin, blin):
    src = edge_index[0]
    dst = edge_index[1]
    ew = jnp.ones((edge_index.shape[1],), dtype=x.dtype)  # embedding() creates ones when edge_weights is None
    h = _gin_layer(x, src, dst, ew, W1a, b1a, W1b, b1b)
    h = _gin_layer(h, src, dst, ew, W2a, b2a, W2b, b2b)
    h = _gin_layer(h, src, dst, ew, W3a, b3a, W3b, b3b)
    # batch=None -> all nodes in one graph: global max/mean pool over all nodes
    out1 = jnp.max(h, axis=0, keepdims=True)
    out2 = jnp.mean(h, axis=0, keepdims=True)
    input_lin = jnp.concatenate([out1, out2], axis=-1)
    final = input_lin @ Wlin + blin
    return final

if __name__ == "__main__":
    import jax
    _d = setup_inputs()
    print(jax.jit(kernel)(*tuple(_d.values())))

</pallas_src>

<mosaic_0001>
#map = affine_map<(d0, d1) -> (0, 0)>
#map1 = affine_map<(d0, d1) -> (0, 0, 0)>
module attributes {stable_mosaic.version = 14 : i64} {
  func.func @_sc_agg_body(%arg0: i32, %arg1: i32, %arg2: memref<2x320000xi32, #tpu.memory_space<hbm>>, %arg3: memref<2560x128xf32, #tpu.memory_space<hbm>>, %arg4: memref<10240x32xf32, #tpu.memory_space<hbm>>, %arg5: memref<2x2560x128xf32, #tpu.memory_space<hbm>>, %arg6: memref<10240xi32, #tpu.memory_space<vmem>>, %arg7: memref<10000xi32, #tpu.memory_space<vmem>>, %arg8: memref<80x128xi32, #tpu.memory_space<vmem>>, %arg9: memref<4x128x32xf32, #tpu.memory_space<vmem>>, %arg10: memref<10240x32xf32, #tpu.memory_space<vmem_shared>>, %arg11: memref<10240x32xf32, #tpu.memory_space<vmem_shared>>, %arg12: memref<4x!tpu.dma_semaphore, #tpu.memory_space<semaphore_mem>>, %arg13: memref<4x!tpu.dma_semaphore, #tpu.memory_space<semaphore_mem>>) attributes {dimension_semantics = [#tpu.dimension_semantics<core_parallel>, #tpu.dimension_semantics<subcore_parallel>], iteration_bounds = array<i64: 2, 16>, scalar_prefetch = 0 : i64, scratch_operands = 8 : i64, tpu.core_type = #tpu.core_type<sc_vector_subcore>, window_params = [{transform_indices = #map}, {transform_indices = #map}, {transform_indices = #map}, {transform_indices = #map1}]} {
    %mul3A = arith.constant 16 : i32
    %mul3A_0 = arith.muli %arg0, %mul3A : i32
    %add3A = arith.addi %mul3A_0, %arg1 : i32
    %mul3A_1 = arith.constant 10000 : i32
    %mul3A_2 = arith.muli %add3A, %mul3A_1 : i32
    %run_scoped3A = arith.constant 0 : i32
    "tpu.region"() ({
      %run_scoped3A_327 = tpu.sem_alloc : memref<!tpu.dma_semaphore, #tpu.memory_space<semaphore_mem>>
      %dma_start3A_328 = arith.constant 0 : i32
      %dma_start3A_329 = tpu.memref_slice %arg6[%dma_start3A_328] : memref<10240xi32, #tpu.memory_space<vmem>> -> memref<10000xi32, #tpu.memory_space<vmem>>
      %dma_start3A_330 = tpu.memref_slice %arg2[%run_scoped3A, %mul3A_2] : memref<2x320000xi32, #tpu.memory_space<hbm>> -> memref<1x10000xi32, #tpu.memory_space<hbm>>
      %dma_start3A_331 = tpu.memref_squeeze %dma_start3A_330 : memref<1x10000xi32, #tpu.memory_space<hbm>> -> memref<10000xi32, #tpu.memory_space<hbm>>
      %dma_start3A_332 = arith.constant 0 : i32
      %dma_start3A_333 = tpu.memref_slice %arg6[%dma_start3A_332] : memref<10240xi32, #tpu.memory_space<vmem>> -> memref<10000xi32, #tpu.memory_space<vmem>>
      %dma_start3A_334 = tpu.memref_slice %arg2[%run_scoped3A, %mul3A_2] : memref<2x320000xi32, #tpu.memory_space<hbm>> -> memref<1x10000xi32, #tpu.memory_space<hbm>>
      %dma_start3A_335 = tpu.memref_squeeze %dma_start3A_334 : memref<1x10000xi32, #tpu.memory_space<hbm>> -> memref<10000xi32, #tpu.memory_space<hbm>>
      tpu.enqueue_dma source(%dma_start3A_335 : memref<10000xi32, #tpu.memory_space<hbm>>) target(%dma_start3A_333 : memref<10000xi32, #tpu.memory_space<vmem>>) target_semaphore(%run_scoped3A_327 : memref<!tpu.dma_semaphore, #tpu.memory_space<semaphore_mem>>)
      %dma_wait3A_336 = arith.constant 0 : i32
      %dma_wait3A_337 = tpu.memref_slice %arg6[%dma_wait3A_336] : memref<10240xi32, #tpu.memory_space<vmem>> -> memref<10000xi32, #tpu.memory_space<vmem>>
      %dma_wait3A_338 = tpu.memref_slice %arg2[%run_scoped3A, %mul3A_2] : memref<2x320000xi32, #tpu.memory_space<hbm>> -> memref<1x10000xi32, #tpu.memory_space<hbm>>
      %dma_wait3A_339 = tpu.memref_squeeze %dma_wait3A_338 : memref<1x10000xi32, #tpu.memory_space<hbm>> -> memref<10000xi32, #tpu.memory_space<hbm>>
      %dma_wait3A_340 = arith.constant 0 : i32
      %dma_wait3A_341 = tpu.memref_slice %arg6[%dma_wait3A_340] : memref<10240xi32, #tpu.memory_space<vmem>> -> memref<10000xi32, #tpu.memory_space<vmem>>
      %dma_wait3A_342 = tpu.memref_slice %arg2[%run_scoped3A, %mul3A_2] : memref<2x320000xi32, #tpu.memory_space<hbm>> -> memref<1x10000xi32, #tpu.memory_space<hbm>>
      %dma_wait3A_343 = tpu.memref_squeeze %dma_wait3A_342 : memref<1x10000xi32, #tpu.memory_space<hbm>> -> memref<10000xi32, #tpu.memory_space<hbm>>
      tpu.wait_dma2 semaphore(%run_scoped3A_327 : memref<!tpu.dma_semaphore, #tpu.memory_space<semaphore_mem>>) src(%dma_wait3A_343 : memref<10000xi32, #tpu.memory_space<hbm>>) dst(%dma_wait3A_341 : memref<10000xi32, #tpu.memory_space<vmem>>)
      tpu.yield
    }) : () -> ()
    %mul3A_3 = arith.constant 10000 : i32
    %mul3A_4 = arith.muli %add3A, %mul3A_3 : i32
    %run_scoped3A_5 = arith.constant 1 : i32
    "tpu.region"() ({
      %run_scoped3A_327 = tpu.sem_alloc : memref<!tpu.dma_semaphore, #tpu.memory_space<semaphore_mem>>
      %dma_start3A_328 = tpu.memref_slice %arg2[%run_scoped3A_5, %mul3A_4] : memref<2x320000xi32, #tpu.memory_space<hbm>> -> memref<1x10000xi32, #tpu.memory_space<hbm>>
      %dma_start3A_329 = tpu.memref_squeeze %dma_start3A_328 : memref<1x10000xi32, #tpu.memory_space<hbm>> -> memref<10000xi32, #tpu.memory_space<hbm>>
      %dma_start3A_330 = tpu.memref_slice %arg2[%run_scoped3A_5, %mul3A_4] : memref<2x320000xi32, #tpu.memory_space<hbm>> -> memref<1x10000xi32, #tpu.memory_space<hbm>>
      %dma_start3A_331 = tpu.memref_squeeze %dma_start3A_330 : memref<1x10000xi32, #tpu.memory_space<hbm>> -> memref<10000xi32, #tpu.memory_space<hbm>>
      tpu.enqueue_dma source(%dma_start3A_331 : memref<10000xi32, #tpu.memory_space<hbm>>) target(%arg7 : memref<10000xi32, #tpu.memory_space<vmem>>) target_semaphore(%run_scoped3A_327 : memref<!tpu.dma_semaphore, #tpu.memory_space<semaphore_mem>>)
      %dma_wait3A_332 = tpu.memref_slice %arg2[%run_scoped3A_5, %mul3A_4] : memref<2x320000xi32, #tpu.memory_space<hbm>> -> memref<1x10000xi32, #tpu.memory_space<hbm>>
      %dma_wait3A_333 = tpu.memref_squeeze %dma_wait3A_332 : memref<1x10000xi32, #tpu.memory_space<hbm>> -> memref<10000xi32, #tpu.memory_space<hbm>>
      %dma_wait3A_334 = tpu.memref_slice %arg2[%run_scoped3A_5, %mul3A_4] : memref<2x320000xi32, #tpu.memory_space<hbm>> -> memref<1x10000xi32, #tpu.memory_space<hbm>>
      %dma_wait3A_335 = tpu.memref_squeeze %dma_wait3A_334 : memref<1x10000xi32, #tpu.memory_space<hbm>> -> memref<10000xi32, #tpu.memory_space<hbm>>
      tpu.wait_dma2 semaphore(%run_scoped3A_327 : memref<!tpu.dma_semaphore, #tpu.memory_space<semaphore_mem>>) src(%dma_wait3A_335 : memref<10000xi32, #tpu.memory_space<hbm>>) dst(%arg7 : memref<10000xi32, #tpu.memory_space<vmem>>)
      tpu.yield
    }) : () -> ()
    %jit3A = arith.constant 4 : i32
    %div3A = arith.divsi %arg1, %jit3A : i32
    %sign3A = arith.constant 0 : i32
    %sign3A_6 = arith.cmpi sgt, %arg1, %sign3A : i32
    %sign3A_7 = arith.extui %sign3A_6 : i1 to i32
    %sign3A_8 = arith.constant 0 : i32
    %sign3A_9 = arith.cmpi slt, %arg1, %sign3A_8 : i32
    %sign3A_10 = arith.extui %sign3A_9 : i1 to i32
    %sign3A_11 = arith.subi %sign3A_7, %sign3A_10 : i32
    %sign3A_12 = arith.constant 0 : i32
    %sign3A_13 = arith.cmpi sgt, %jit3A, %sign3A_12 : i32
    %sign3A_14 = arith.extui %sign3A_13 : i1 to i32
    %sign3A_15 = arith.constant 0 : i32
    %sign3A_16 = arith.cmpi slt, %jit3A, %sign3A_15 : i32
    %sign3A_17 = arith.extui %sign3A_16 : i1 to i32
    %sign3A_18 = arith.subi %sign3A_14, %sign3A_17 : i32
    %ne3A = arith.cmpi ne, %sign3A_11, %sign3A_18 : i32
    %rem3A = arith.remsi %arg1, %jit3A : i32
    %ne3A_19 = arith.constant 0 : i32
    %ne3A_20 = arith.cmpi ne, %rem3A, %ne3A_19 : i32
    %and3A = arith.andi %ne3A, %ne3A_20 : i1
    %sub3A = arith.constant 1 : i32
    %sub3A_21 = arith.subi %div3A, %sub3A : i32
    %select_n3A = arith.select %and3A, %sub3A_21, %div3A : i32
    %jit3A_22 = arith.constant 4 : i32
    %eq3A = arith.constant 0 : i32
    %eq3A_23 = arith.cmpi eq, %jit3A_22, %eq3A : i32
    %jit3A_24 = arith.constant 1 : i32
    %select_n3A_25 = arith.select %eq3A_23, %jit3A_24, %jit3A_22 : i32
    %rem3A_26 = arith.remsi %arg1, %select_n3A_25 : i32
    %ne3A_27 = arith.constant 0 : i32
    %ne3A_28 = arith.cmpi ne, %rem3A_26, %ne3A_27 : i32
    %lt3A = arith.constant 0 : i32
    %lt3A_29 = arith.cmpi slt, %rem3A_26, %lt3A : i32
    %lt3A_30 = arith.constant 0 : i32
    %lt3A_31 = arith.cmpi slt, %select_n3A_25, %lt3A_30 : i32
    %ne3A_32 = arith.xori %lt3A_29, %lt3A_31 : i1
    %and3A_33 = arith.andi %ne3A_32, %ne3A_28 : i1
    %add3A_34 = arith.addi %rem3A_26, %select_n3A_25 : i32
    %select_n3A_35 = arith.select %and3A_33, %add3A_34, %rem3A_26 : i32
    %mul3A_36 = arith.constant 640 : i32
    %mul3A_37 = arith.muli %select_n3A_35, %mul3A_36 : i32
    %mul3A_38 = arith.constant 32 : i32
    %mul3A_39 = arith.muli %select_n3A, %mul3A_38 : i32
    %mul3A_40 = arith.constant 2560 : i32
    %mul3A_41 = arith.muli %select_n3A, %mul3A_40 : i32
    %mul3A_42 = arith.constant 640 : i32
    %mul3A_43 = arith.muli %select_n3A_35, %mul3A_42 : i32
    %add3A_44 = arith.addi %mul3A_41, %mul3A_43 : i32
    "tpu.region"() ({
      %run_scoped3A_327 = tpu.sem_alloc : memref<!tpu.dma_semaphore, #tpu.memory_space<semaphore_mem>>
      %dma_start3A_328 = arith.constant 0 : i32
      %dma_start3A_329 = tpu.memref_slice %arg10[%add3A_44, %dma_start3A_328] : memref<10240x32xf32, #tpu.memory_space<vmem_shared>> -> memref<640x32xf32, #tpu.memory_space<vmem_shared>>
      %dma_start3A_330 = tpu.memref_slice %arg3[%mul3A_37, %mul3A_39] : memref<2560x128xf32, #tpu.memory_space<hbm>> -> memref<640x32xf32, #tpu.memory_space<hbm>>
      tpu.enqueue_dma source(%dma_start3A_330 : memref<640x32xf32, #tpu.memory_space<hbm>>) target(%dma_start3A_329 : memref<640x32xf32, #tpu.memory_space<vmem_shared>>) target_semaphore(%run_scoped3A_327 : memref<!tpu.dma_semaphore, #tpu.memory_space<semaphore_mem>>)
      %dma_wait3A_331 = arith.constant 0 : i32
      %dma_wait3A_332 = tpu.memref_slice %arg10[%add3A_44, %dma_wait3A_331] : memref<10240x32xf32, #tpu.memory_space<vmem_shared>> -> memref<640x32xf32, #tpu.memory_space<vmem_shared>>
      %dma_wait3A_333 = tpu.memref_slice %arg3[%mul3A_37, %mul3A_39] : memref<2560x128xf32, #tpu.memory_space<hbm>> -> memref<640x32xf32, #tpu.memory_space<hbm>>
      tpu.wait_dma2 semaphore(%run_scoped3A_327 : memref<!tpu.dma_semaphore, #tpu.memory_space<semaphore_mem>>) src(%dma_wait3A_333 : memref<640x32xf32, #tpu.memory_space<hbm>>) dst(%dma_wait3A_332 : memref<640x32xf32, #tpu.memory_space<vmem_shared>>)
      tpu.yield
    }) : () -> ()
    %mul3A_45 = arith.constant 640 : i32
    %mul3A_46 = arith.muli %arg1, %mul3A_45 : i32
    %mul3A_47 = arith.constant 640 : i32
    %mul3A_48 = arith.muli %arg1, %mul3A_47 : i32
    "tpu.region"() ({
      %run_scoped3A_327 = tpu.sem_alloc : memref<!tpu.dma_semaphore, #tpu.memory_space<semaphore_mem>>
      %dma_start3A_328 = arith.constant 0 : i32
      %dma_start3A_329 = tpu.memref_slice %arg11[%mul3A_48, %dma_start3A_328] : memref<10240x32xf32, #tpu.memory_space<vmem_shared>> -> memref<640x32xf32, #tpu.memory_space<vmem_shared>>
      %dma_start3A_330 = arith.constant 0 : i32
      %dma_start3A_331 = tpu.memref_slice %arg4[%mul3A_46, %dma_start3A_330] : memref<10240x32xf32, #tpu.memory_space<hbm>> -> memref<640x32xf32, #tpu.memory_space<hbm>>
      tpu.enqueue_dma source(%dma_start3A_331 : memref<640x32xf32, #tpu.memory_space<hbm>>) target(%dma_start3A_329 : memref<640x32xf32, #tpu.memory_space<vmem_shared>>) target_semaphore(%run_scoped3A_327 : memref<!tpu.dma_semaphore, #tpu.memory_space<semaphore_mem>>)
      %dma_wait3A_332 = arith.constant 0 : i32
      %dma_wait3A_333 = tpu.memref_slice %arg11[%mul3A_48, %dma_wait3A_332] : memref<10240x32xf32, #tpu.memory_space<vmem_shared>> -> memref<640x32xf32, #tpu.memory_space<vmem_shared>>
      %dma_wait3A_334 = arith.constant 0 : i32
      %dma_wait3A_335 = tpu.memref_slice %arg4[%mul3A_46, %dma_wait3A_334] : memref<10240x32xf32, #tpu.memory_space<hbm>> -> memref<640x32xf32, #tpu.memory_space<hbm>>
      tpu.wait_dma2 semaphore(%run_scoped3A_327 : memref<!tpu.dma_semaphore, #tpu.memory_space<semaphore_mem>>) src(%dma_wait3A_335 : memref<640x32xf32, #tpu.memory_space<hbm>>) dst(%dma_wait3A_333 : memref<640x32xf32, #tpu.memory_space<vmem_shared>>)
      tpu.yield
    }) : () -> ()
    %broadcast_in_dim3A = arith.constant 0 : i32
    %broadcast_in_dim3A_49 = vector.broadcast %broadcast_in_dim3A : i32 to vector<16xi32>
    %broadcast_in_dim3A_50 = arith.constant 10000 : i32
    %broadcast_in_dim3A_51 = vector.broadcast %broadcast_in_dim3A_50 : i32 to vector<16xi32>
    %swap3A = arith.constant 10000 : index
    %swap3A_52 = tpu.vector_load %arg6[%swap3A] {strides = array<i32>} : memref<10240xi32, #tpu.memory_space<vmem>>, vector<16xi32>,
    %swap3A_53 = vector.shape_cast %swap3A_52 : vector<16xi32> to vector<16xi32>
    %swap3A_54 = vector.shape_cast %broadcast_in_dim3A_49 : vector<16xi32> to vector<16xi32>
    tpu.vector_store %arg6[%swap3A], %swap3A_54 {strides = array<i32>} : memref<10240xi32, #tpu.memory_space<vmem>>, vector<16xi32>,
    %swap3A_55 = arith.constant 10016 : index
    %swap3A_56 = tpu.vector_load %arg6[%swap3A_55] {strides = array<i32>} : memref<10240xi32, #tpu.memory_space<vmem>>, vector<16xi32>,
    %swap3A_57 = vector.shape_cast %swap3A_56 : vector<16xi32> to vector<16xi32>
    %swap3A_58 = vector.shape_cast %broadcast_in_dim3A_49 : vector<16xi32> to vector<16xi32>
    tpu.vector_store %arg6[%swap3A_55], %swap3A_58 {strides = array<i32>} : memref<10240xi32, #tpu.memory_space<vmem>>, vector<16xi32>,
    %swap3A_59 = arith.constant 10032 : index
    %swap3A_60 = tpu.vector_load %arg6[%swap3A_59] {strides = array<i32>} : memref<10240xi32, #tpu.memory_space<vmem>>, vector<16xi32>,
    %swap3A_61 = vector.shape_cast %swap3A_60 : vector<16xi32> to vector<16xi32>
    %swap3A_62 = vector.shape_cast %broadcast_in_dim3A_49 : vector<16xi32> to vector<16xi32>
    tpu.vector_store %arg6[%swap3A_59], %swap3A_62 {strides = array<i32>} : memref<10240xi32, #tpu.memory_space<vmem>>, vector<16xi32>,
    %swap3A_63 = arith.constant 10048 : index
    %swap3A_64 = tpu.vector_load %arg6[%swap3A_63] {strides = array<i32>} : memref<10240xi32, #tpu.memory_space<vmem>>, vector<16xi32>,
    %swap3A_65 = vector.shape_cast %swap3A_64 : vector<16xi32> to vector<16xi32>
    %swap3A_66 = vector.shape_cast %broadcast_in_dim3A_49 : vector<16xi32> to vector<16xi32>
    tpu.vector_store %arg6[%swap3A_63], %swap3A_66 {strides = array<i32>} : memref<10240xi32, #tpu.memory_space<vmem>>, vector<16xi32>,
    %swap3A_67 = arith.constant 10064 : index
    %swap3A_68 = tpu.vector_load %arg6[%swap3A_67] {strides = array<i32>} : memref<10240xi32, #tpu.memory_space<vmem>>, vector<16xi32>,
    %swap3A_69 = vector.shape_cast %swap3A_68 : vector<16xi32> to vector<16xi32>
    %swap3A_70 = vector.shape_cast %broadcast_in_dim3A_49 : vector<16xi32> to vector<16xi32>
    tpu.vector_store %arg6[%swap3A_67], %swap3A_70 {strides = array<i32>} : memref<10240xi32, #tpu.memory_space<vmem>>, vector<16xi32>,
    %swap3A_71 = arith.constant 10080 : index
    %swap3A_72 = tpu.vector_load %arg6[%swap3A_71] {strides = array<i32>} : memref<10240xi32, #tpu.memory_space<vmem>>, vector<16xi32>,
    %swap3A_73 = vector.shape_cast %swap3A_72 : vector<16xi32> to vector<16xi32>
    %swap3A_74 = vector.shape_cast %broadcast_in_dim3A_49 : vector<16xi32> to vector<16xi32>
    tpu.vector_store %arg6[%swap3A_71], %swap3A_74 {strides = array<i32>} : memref<10240xi32, #tpu.memory_space<vmem>>, vector<16xi32>,
    %swap3A_75 = arith.constant 10096 : index
    %swap3A_76 = tpu.vector_load %arg6[%swap3A_75] {strides = array<i32>} : memref<10240xi32, #tpu.memory_space<vmem>>, vector<16xi32>,
    %swap3A_77 = vector.shape_cast %swap3A_76 : vector<16xi32> to vector<16xi32>
    %swap3A_78 = vector.shape_cast %broadcast_in_dim3A_49 : vector<16xi32> to vector<16xi32>
    tpu.vector_store %arg6[%swap3A_75], %swap3A_78 {strides = array<i32>} : memref<10240xi32, #tpu.memory_space<vmem>>, vector<16xi32>,
    %swap3A_79 = arith.constant 10112 : index
    %swap3A_80 = tpu.vector_load %arg6[%swap3A_79] {strides = array<i32>} : memref<10240xi32, #tpu.memory_space<vmem>>, vector<16xi32>,
    %swap3A_81 = vector.shape_cast %swap3A_80 : vector<16xi32> to vector<16xi32>
    %swap3A_82 = vector.shape_cast %broadcast_in_dim3A_49 : vector<16xi32> to vector<16xi32>
    tpu.vector_store %arg6[%swap3A_79], %swap3A_82 {strides = array<i32>} : memref<10240xi32, #tpu.memory_space<vmem>>, vector<16xi32>,
    %swap3A_83 = arith.constant 10128 : index
    %swap3A_84 = tpu.vector_load %arg6[%swap3A_83] {strides = array<i32>} : memref<10240xi32, #tpu.memory_space<vmem>>, vector<16xi32>,
    %swap3A_85 = vector.shape_cast %swap3A_84 : vector<16xi32> to vector<16xi32>
    %swap3A_86 = vector.shape_cast %broadcast_in_dim3A_49 : vector<16xi32> to vector<16xi32>
    tpu.vector_store %arg6[%swap3A_83], %swap3A_86 {strides = array<i32>} : memref<10240xi32, #tpu.memory_space<vmem>>, vector<16xi32>,
    %swap3A_87 = arith.constant 10144 : index
    %swap3A_88 = tpu.vector_load %arg6[%swap3A_87] {strides = array<i32>} : memref<10240xi32, #tpu.memory_space<vmem>>, vector<16xi32>,
    %swap3A_89 = vector.shape_cast %swap3A_88 : vector<16xi32> to vector<16xi32>
    %swap3A_90 = vector.shape_cast %broadcast_in_dim3A_49 : vector<16xi32> to vector<16xi32>
    tpu.vector_store %arg6[%swap3A_87], %swap3A_90 {strides = array<i32>} : memref<10240xi32, #tpu.memory_space<vmem>>, vector<16xi32>,
    %swap3A_91 = arith.constant 10160 : index
    %swap3A_92 = tpu.vector_load %arg6[%swap3A_91] {strides = array<i32>} : memref<10240xi32, #tpu.memory_space<vmem>>, vector<16xi32>,
    %swap3A_93 = vector.shape_cast %swap3A_92 : vector<16xi32> to vector<16xi32>
    %swap3A_94 = vector.shape_cast %broadcast_in_dim3A_49 : vector<16xi32> to vector<16xi32>
    tpu.vector_store %arg6[%swap3A_91], %swap3A_94 {strides = array<i32>} : memref<10240xi32, #tpu.memory_space<vmem>>, vector<16xi32>,
    %swap3A_95 = arith.constant 10176 : index
    %swap3A_96 = tpu.vector_load %arg6[%swap3A_95] {strides = array<i32>} : memref<10240xi32, #tpu.memory_space<vmem>>, vector<16xi32>,
    %swap3A_97 = vector.shape_cast %swap3A_96 : vector<16xi32> to vector<16xi32>
    %swap3A_98 = vector.shape_cast %broadcast_in_dim3A_49 : vector<16xi32> to vector<16xi32>
    tpu.vector_store %arg6[%swap3A_95], %swap3A_98 {strides = array<i32>} : memref<10240xi32, #tpu.memory_space<vmem>>, vector<16xi32>,
    %swap3A_99 = arith.constant 10192 : index
    %swap3A_100 = tpu.vector_load %arg6[%swap3A_99] {strides = array<i32>} : memref<10240xi32, #tpu.memory_space<vmem>>, vector<16xi32>,
    %swap3A_101 = vector.shape_cast %swap3A_100 : vector<16xi32> to vector<16xi32>
    %swap3A_102 = vector.shape_cast %broadcast_in_dim3A_49 : vector<16xi32> to vector<16xi32>
    tpu.vector_store %arg6[%swap3A_99], %swap3A_102 {strides = array<i32>} : memref<10240xi32, #tpu.memory_space<vmem>>, vector<16xi32>,
    %swap3A_103 = arith.constant 10208 : index
    %swap3A_104 = tpu.vector_load %arg6[%swap3A_103] {strides = array<i32>} : memref<10240xi32, #tpu.memory_space<vmem>>, vector<16xi32>,
    %swap3A_105 = vector.shape_cast %swap3A_104 : vector<16xi32> to vector<16xi32>
    %swap3A_106 = vector.shape_cast %broadcast_in_dim3A_49 : vector<16xi32> to vector<16xi32>
    tpu.vector_store %arg6[%swap3A_103], %swap3A_106 {strides = array<i32>} : memref<10240xi32, #tpu.memory_space<vmem>>, vector<16xi32>,
    %swap3A_107 = arith.constant 10224 : index
    %swap3A_108 = tpu.vector_load %arg6[%swap3A_107] {strides = array<i32>} : memref<10240xi32, #tpu.memory_space<vmem>>, vector<16xi32>,
    %swap3A_109 = vector.shape_cast %swap3A_108 : vector<16xi32> to vector<16xi32>
    %swap3A_110 = vector.shape_cast %broadcast_in_dim3A_49 : vector<16xi32> to vector<16xi32>
    tpu.vector_store %arg6[%swap3A_107], %swap3A_110 {strides = array<i32>} : memref<10240xi32, #tpu.memory_space<vmem>>, vector<16xi32>,
    %scan3A = arith.constant 0 : i32
    %scan3A_111 = arith.constant 0 : i32
    %scan3A_112 = arith.constant 78 : i32
    %scan3A_113 = arith.addi %scan3A_111, %scan3A_112 : i32
    %scan3A_114 = arith.constant 1 : i32
    scf.for %scan3A_327 = %scan3A_111 to %scan3A_113 step %scan3A_114  : i32 {
      %mul3A_328 = arith.constant 128 : i32
      %mul3A_329 = arith.muli %scan3A_327, %mul3A_328 : i32
      %add3A_330 = arith.constant 0 : i32
      %add3A_331 = arith.addi %mul3A_329, %add3A_330 : i32
      %get3A_332 = arith.index_cast %add3A_331 : i32 to index
      %get3A_333 = tpu.vector_load %arg7[%get3A_332] {strides = array<i32>} : memref<10000xi32, #tpu.memory_space<vmem>>, vector<16xi32>,
      %get3A_334 = vector.shape_cast %get3A_333 : vector<16xi32> to vector<16xi32>
      %swap3A_335 = arith.index_cast %scan3A_327 : i32 to index
      %swap3A_336 = arith.constant 0 : index
      %swap3A_337 = tpu.vector_load %arg8[%swap3A_335, %swap3A_336] {strides = array<i32>} : memref<80x128xi32, #tpu.memory_space<vmem>>, vector<1x16xi32>,
      %swap3A_338 = vector.shape_cast %swap3A_337 : vector<1x16xi32> to vector<16xi32>
      %swap3A_339 = vector.shape_cast %get3A_334 : vector<16xi32> to vector<1x16xi32>
      tpu.vector_store %arg8[%swap3A_335, %swap3A_336], %swap3A_339 {strides = array<i32>} : memref<80x128xi32, #tpu.memory_space<vmem>>, vector<1x16xi32>,
      %mul3A_340 = arith.constant 128 : i32
      %mul3A_341 = arith.muli %scan3A_327, %mul3A_340 : i32
      %add3A_342 = arith.constant 16 : i32
      %add3A_343 = arith.addi %mul3A_341, %add3A_342 : i32
      %get3A_344 = arith.index_cast %add3A_343 : i32 to index
      %get3A_345 = tpu.vector_load %arg7[%get3A_344] {strides = array<i32>} : memref<10000xi32, #tpu.memory_space<vmem>>, vector<16xi32>,
      %get3A_346 = vector.shape_cast %get3A_345 : vector<16xi32> to vector<16xi32>
      %swap3A_347 = arith.index_cast %scan3A_327 : i32 to index
      %swap3A_348 = arith.constant 16 : index
      %swap3A_349 = tpu.vector_load %arg8[%swap3A_347, %swap3A_348] {strides = array<i32>} : memref<80x128xi32, #tpu.memory_space<vmem>>, vector<1x16xi32>,
      %swap3A_350 = vector.shape_cast %swap3A_349 : vector<1x16xi32> to vector<16xi32>
      %swap3A_351 = vector.shape_cast %get3A_346 : vector<16xi32> to vector<1x16xi32>
      tpu.vector_store %arg8[%swap3A_347, %swap3A_348], %swap3A_351 {strides = array<i32>} : memref<80x128xi32, #tpu.memory_space<vmem>>, vector<1x16xi32>,
      %mul3A_352 = arith.constant 128 : i32
      %mul3A_353 = arith.muli %scan3A_327, %mul3A_352 : i32
      %add3A_354 = arith.constant 32 : i32
      %add3A_355 = arith.addi %mul3A_353, %add3A_354 : i32
      %get3A_356 = arith.index_cast %add3A_355 : i32 to index
      %get3A_357 = tpu.vector_load %arg7[%get3A_356] {strides = array<i32>} : memref<10000xi32, #tpu.memory_space<vmem>>, vector<16xi32>,
      %get3A_358 = vector.shape_cast %get3A_357 : vector<16xi32> to vector<16xi32>
      %swap3A_359 = arith.index_cast %scan3A_327 : i32 to index
      %swap3A_360 = arith.constant 32 : index
      %swap3A_361 = tpu.vector_load %arg8[%swap3A_359, %swap3A_360] {strides = array<i32>} : memref<80x128xi32, #tpu.memory_space<vmem>>, vector<1x16xi32>,
      %swap3A_362 = vector.shape_cast %swap3A_361 : vector<1x16xi32> to vector<16xi32>
      %swap3A_363 = vector.shape_cast %get3A_358 : vector<16xi32> to vector<1x16xi32>
      tpu.vector_store %arg8[%swap3A_359, %swap3A_360], %swap3A_363 {strides = array<i32>} : memref<80x128xi32, #tpu.memory_space<vmem>>, vector<1x16xi32>,
      %mul3A_364 = arith.constant 128 : i32
      %mul3A_365 = arith.muli %scan3A_327, %mul3A_364 : i32
      %add3A_366 = arith.constant 48 : i32
      %add3A_367 = arith.addi %mul3A_365, %add3A_366 : i32
      %get3A_368 = arith.index_cast %add3A_367 : i32 to index
      %get3A_369 = tpu.vector_load %arg7[%get3A_368] {strides = array<i32>} : memref<10000xi32, #tpu.memory_space<vmem>>, vector<16xi32>,
      %get3A_370 = vector.shape_cast %get3A_369 : vector<16xi32> to vector<16xi32>
      %swap3A_371 = arith.index_cast %scan3A_327 : i32 to index
      %swap3A_372 = arith.constant 48 : index
      %swap3A_373 = tpu.vector_load %arg8[%swap3A_371, %swap3A_372] {strides = array<i32>} : memref<80x128xi32, #tpu.memory_space<vmem>>, vector<1x16xi32>,
      %swap3A_374 = vector.shape_cast %swap3A_373 : vector<1x16xi32> to vector<16xi32>
      %swap3A_375 = vector.shape_cast %get3A_370 : vector<16xi32> to vector<1x16xi32>
      tpu.vector_store %arg8[%swap3A_371, %swap3A_372], %swap3A_375 {strides = array<i32>} : memref<80x128xi32, #tpu.memory_space<vmem>>, vector<1x16xi32>,
      %mul3A_376 = arith.constant 128 : i32
      %mul3A_377 = arith.muli %scan3A_327, %mul3A_376 : i32
      %add3A_378 = arith.constant 64 : i32
      %add3A_379 = arith.addi %mul3A_377, %add3A_378 : i32
      %get3A_380 = arith.index_cast %add3A_379 : i32 to index
      %get3A_381 = tpu.vector_load %arg7[%get3A_380] {strides = array<i32>} : memref<10000xi32, #tpu.memory_space<vmem>>, vector<16xi32>,
      %get3A_382 = vector.shape_cast %get3A_381 : vector<16xi32> to vector<16xi32>
      %swap3A_383 = arith.index_cast %scan3A_327 : i32 to index
      %swap3A_384 = arith.constant 64 : index
      %swap3A_385 = tpu.vector_load %arg8[%swap3A_383, %swap3A_384] {strides = array<i32>} : memref<80x128xi32, #tpu.memory_space<vmem>>, vector<1x16xi32>,
      %swap3A_386 = vector.shape_cast %swap3A_385 : vector<1x16xi32> to vector<16xi32>
      %swap3A_387 = vector.shape_cast %get3A_382 : vector<16xi32> to vector<1x16xi32>
      tpu.vector_store %arg8[%swap3A_383, %swap3A_384], %swap3A_387 {strides = array<i32>} : memref<80x128xi32, #tpu.memory_space<vmem>>, vector<1x16xi32>,
      %mul3A_388 = arith.constant 128 : i32
      %mul3A_389 = arith.muli %scan3A_327, %mul3A_388 : i32
      %add3A_390 = arith.constant 80 : i32
      %add3A_391 = arith.addi %mul3A_389, %add3A_390 : i32
      %get3A_392 = arith.index_cast %add3A_391 : i32 to index
      %get3A_393 = tpu.vector_load %arg7[%get3A_392] {strides = array<i32>} : memref<10000xi32, #tpu.memory_space<vmem>>, vector<16xi32>,
      %get3A_394 = vector.shape_cast %get3A_393 : vector<16xi32> to vector<16xi32>
      %swap3A_395 = arith.index_cast %scan3A_327 : i32 to index
      %swap3A_396 = arith.constant 80 : index
      %swap3A_397 = tpu.vector_load %arg8[%swap3A_395, %swap3A_396] {strides = array<i32>} : memref<80x128xi32, #tpu.memory_space<vmem>>, vector<1x16xi32>,
      %swap3A_398 = vector.shape_cast %swap3A_397 : vector<1x16xi32> to vector<16xi32>
      %swap3A_399 = vector.shape_cast %get3A_394 : vector<16xi32> to vector<1x16xi32>
      tpu.vector_store %arg8[%swap3A_395, %swap3A_396], %swap3A_399 {strides = array<i32>} : memref<80x128xi32, #tpu.memory_space<vmem>>, vector<1x16xi32>,
      %mul3A_400 = arith.constant 128 : i32
      %mul3A_401 = arith.muli %scan3A_327, %mul3A_400 : i32
      %add3A_402 = arith.constant 96 : i32
      %add3A_403 = arith.addi %mul3A_401, %add3A_402 : i32
      %get3A_404 = arith.index_cast %add3A_403 : i32 to index
      %get3A_405 = tpu.vector_load %arg7[%get3A_404] {strides = array<i32>} : memref<10000xi32, #tpu.memory_space<vmem>>, vector<16xi32>,
      %get3A_406 = vector.shape_cast %get3A_405 : vector<16xi32> to vector<16xi32>
      %swap3A_407 = arith.index_cast %scan3A_327 : i32 to index
      %swap3A_408 = arith.constant 96 : index
      %swap3A_409 = tpu.vector_load %arg8[%swap3A_407, %swap3A_408] {strides = array<i32>} : memref<80x128xi32, #tpu.memory_space<vmem>>, vector<1x16xi32>,
      %swap3A_410 = vector.shape_cast %swap3A_409 : vector<1x16xi32> to vector<16xi32>
      %swap3A_411 = vector.shape_cast %get3A_406 : vector<16xi32> to vector<1x16xi32>
      tpu.vector_store %arg8[%swap3A_407, %swap3A_408], %swap3A_411 {strides = array<i32>} : memref<80x128xi32, #tpu.memory_space<vmem>>, vector<1x16xi32>,
      %mul3A_412 = arith.constant 128 : i32
      %mul3A_413 = arith.muli %scan3A_327, %mul3A_412 : i32
      %add3A_414 = arith.constant 112 : i32
      %add3A_415 = arith.addi %mul3A_413, %add3A_414 : i32
      %get3A_416 = arith.index_cast %add3A_415 : i32 to index
      %get3A_417 = tpu.vector_load %arg7[%get3A_416] {strides = array<i32>} : memref<10000xi32, #tpu.memory_space<vmem>>, vector<16xi32>,
      %get3A_418 = vector.shape_cast %get3A_417 : vector<16xi32> to vector<16xi32>
      %swap3A_419 = arith.index_cast %scan3A_327 : i32 to index
      %swap3A_420 = arith.constant 112 : index
      %swap3A_421 = tpu.vector_load %arg8[%swap3A_419, %swap3A_420] {strides = array<i32>} : memref<80x128xi32, #tpu.memory_space<vmem>>, vector<1x16xi32>,
      %swap3A_422 = vector.shape_cast %swap3A_421 : vector<1x16xi32> to vector<16xi32>
      %swap3A_423 = vector.shape_cast %get3A_418 : vector<16xi32> to vector<1x16xi32>
      tpu.vector_store %arg8[%swap3A_419, %swap3A_420], %swap3A_423 {strides = array<i32>} : memref<80x128xi32, #tpu.memory_space<vmem>>, vector<1x16xi32>,
    }
    %scan3A_115 = arith.constant 78 : i32
    %get3A = arith.constant 9984 : index
    %get3A_116 = tpu.vector_load %arg7[%get3A] {strides = array<i32>} : memref<10000xi32, #tpu.memory_space<vmem>>, vector<16xi32>,
    %get3A_117 = vector.shape_cast %get3A_116 : vector<16xi32> to vector<16xi32>
    %swap3A_118 = arith.constant 78 : i32
    %swap3A_119 = arith.index_cast %swap3A_118 : i32 to index
    %swap3A_120 = arith.constant 0 : index
    %swap3A_121 = tpu.vector_load %arg8[%swap3A_119, %swap3A_120] {strides = array<i32>} : memref<80x128xi32, #tpu.memory_space<vmem>>, vector<1x16xi32>,
    %swap3A_122 = vector.shape_cast %swap3A_121 : vector<1x16xi32> to vector<16xi32>
    %swap3A_123 = vector.shape_cast %get3A_117 : vector<16xi32> to vector<1x16xi32>
    tpu.vector_store %arg8[%swap3A_119, %swap3A_120], %swap3A_123 {strides = array<i32>} : memref<80x128xi32, #tpu.memory_space<vmem>>, vector<1x16xi32>,
    %swap3A_124 = arith.constant 78 : i32
    %swap3A_125 = arith.index_cast %swap3A_124 : i32 to index
    %swap3A_126 = arith.constant 16 : index
    %swap3A_127 = tpu.vector_load %arg8[%swap3A_125, %swap3A_126] {strides = array<i32>} : memref<80x128xi32, #tpu.memory_space<vmem>>, vector<1x16xi32>,
    %swap3A_128 = vector.shape_cast %swap3A_127 : vector<1x16xi32> to vector<16xi32>
    %swap3A_129 = vector.shape_cast %broadcast_in_dim3A_51 : vector<16xi32> to vector<1x16xi32>
    tpu.vector_store %arg8[%swap3A_125, %swap3A_126], %swap3A_129 {strides = array<i32>} : memref<80x128xi32, #tpu.memory_space<vmem>>, vector<1x16xi32>,
    %swap3A_130 = arith.constant 78 : i32
    %swap3A_131 = arith.index_cast %swap3A_130 : i32 to index
    %swap3A_132 = arith.constant 32 : index
    %swap3A_133 = tpu.vector_load %arg8[%swap3A_131, %swap3A_132] {strides = array<i32>} : memref<80x128xi32, #tpu.memory_space<vmem>>, vector<1x16xi32>,
    %swap3A_134 = vector.shape_cast %swap3A_133 : vector<1x16xi32> to vector<16xi32>
    %swap3A_135 = vector.shape_cast %broadcast_in_dim3A_51 : vector<16xi32> to vector<1x16xi32>
    tpu.vector_store %arg8[%swap3A_131, %swap3A_132], %swap3A_135 {strides = array<i32>} : memref<80x128xi32, #tpu.memory_space<vmem>>, vector<1x16xi32>,
    %swap3A_136 = arith.constant 78 : i32
    %swap3A_137 = arith.index_cast %swap3A_136 : i32 to index
    %swap3A_138 = arith.constant 48 : index
    %swap3A_139 = tpu.vector_load %arg8[%swap3A_137, %swap3A_138] {strides = array<i32>} : memref<80x128xi32, #tpu.memory_space<vmem>>, vector<1x16xi32>,
    %swap3A_140 = vector.shape_cast %swap3A_139 : vector<1x16xi32> to vector<16xi32>
    %swap3A_141 = vector.shape_cast %broadcast_in_dim3A_51 : vector<16xi32> to vector<1x16xi32>
    tpu.vector_store %arg8[%swap3A_137, %swap3A_138], %swap3A_141 {strides = array<i32>} : memref<80x128xi32, #tpu.memory_space<vmem>>, vector<1x16xi32>,
    %swap3A_142 = arith.constant 78 : i32
    %swap3A_143 = arith.index_cast %swap3A_142 : i32 to index
    %swap3A_144 = arith.constant 64 : index
    %swap3A_145 = tpu.vector_load %arg8[%swap3A_143, %swap3A_144] {strides = array<i32>} : memref<80x128xi32, #tpu.memory_space<vmem>>, vector<1x16xi32>,
    %swap3A_146 = vector.shape_cast %swap3A_145 : vector<1x16xi32> to vector<16xi32>
    %swap3A_147 = vector.shape_cast %broadcast_in_dim3A_51 : vector<16xi32> to vector<1x16xi32>
    tpu.vector_store %arg8[%swap3A_143, %swap3A_144], %swap3A_147 {strides = array<i32>} : memref<80x128xi32, #tpu.memory_space<vmem>>, vector<1x16xi32>,
    %swap3A_148 = arith.constant 78 : i32
    %swap3A_149 = arith.index_cast %swap3A_148 : i32 to index
    %swap3A_150 = arith.constant 80 : index
    %swap3A_151 = tpu.vector_load %arg8[%swap3A_149, %swap3A_150] {strides = array<i32>} : memref<80x128xi32, #tpu.memory_space<vmem>>, vector<1x16xi32>,
    %swap3A_152 = vector.shape_cast %swap3A_151 : vector<1x16xi32> to vector<16xi32>
    %swap3A_153 = vector.shape_cast %broadcast_in_dim3A_51 : vector<16xi32> to vector<1x16xi32>
    tpu.vector_store %arg8[%swap3A_149, %swap3A_150], %swap3A_153 {strides = array<i32>} : memref<80x128xi32, #tpu.memory_space<vmem>>, vector<1x16xi32>,
    %swap3A_154 = arith.constant 78 : i32
    %swap3A_155 = arith.index_cast %swap3A_154 : i32 to index
    %swap3A_156 = arith.constant 96 : index
    %swap3A_157 = tpu.vector_load %arg8[%swap3A_155, %swap3A_156] {strides = array<i32>} : memref<80x128xi32, #tpu.memory_space<vmem>>, vector<1x16xi32>,
    %swap3A_158 = vector.shape_cast %swap3A_157 : vector<1x16xi32> to vector<16xi32>
    %swap3A_159 = vector.shape_cast %broadcast_in_dim3A_51 : vector<16xi32> to vector<1x16xi32>
    tpu.vector_store %arg8[%swap3A_155, %swap3A_156], %swap3A_159 {strides = array<i32>} : memref<80x128xi32, #tpu.memory_space<vmem>>, vector<1x16xi32>,
    %swap3A_160 = arith.constant 78 : i32
    %swap3A_161 = arith.index_cast %swap3A_160 : i32 to index
    %swap3A_162 = arith.constant 112 : index
    %swap3A_163 = tpu.vector_load %arg8[%swap3A_161, %swap3A_162] {strides = array<i32>} : memref<80x128xi32, #tpu.memory_space<vmem>>, vector<1x16xi32>,
    %swap3A_164 = vector.shape_cast %swap3A_163 : vector<1x16xi32> to vector<16xi32>
    %swap3A_165 = vector.shape_cast %broadcast_in_dim3A_51 : vector<16xi32> to vector<1x16xi32>
    tpu.vector_store %arg8[%swap3A_161, %swap3A_162], %swap3A_165 {strides = array<i32>} : memref<80x128xi32, #tpu.memory_space<vmem>>, vector<1x16xi32>,
    %swap3A_166 = arith.constant 79 : i32
    %swap3A_167 = arith.index_cast %swap3A_166 : i32 to index
    %swap3A_168 = arith.constant 0 : index
    %swap3A_169 = tpu.vector_load %arg8[%swap3A_167, %swap3A_168] {strides = array<i32>} : memref<80x128xi32, #tpu.memory_space<vmem>>, vector<1x16xi32>,
    %swap3A_170 = vector.shape_cast %swap3A_169 : vector<1x16xi32> to vector<16xi32>
    %swap3A_171 = vector.shape_cast %broadcast_in_dim3A_51 : vector<16xi32> to vector<1x16xi32>
    tpu.vector_store %arg8[%swap3A_167, %swap3A_168], %swap3A_171 {strides = array<i32>} : memref<80x128xi32, #tpu.memory_space<vmem>>, vector<1x16xi32>,
    %swap3A_172 = arith.constant 79 : i32
    %swap3A_173 = arith.index_cast %swap3A_172 : i32 to index
    %swap3A_174 = arith.constant 16 : index
    %swap3A_175 = tpu.vector_load %arg8[%swap3A_173, %swap3A_174] {strides = array<i32>} : memref<80x128xi32, #tpu.memory_space<vmem>>, vector<1x16xi32>,
    %swap3A_176 = vector.shape_cast %swap3A_175 : vector<1x16xi32> to vector<16xi32>
    %swap3A_177 = vector.shape_cast %broadcast_in_dim3A_51 : vector<16xi32> to vector<1x16xi32>
    tpu.vector_store %arg8[%swap3A_173, %swap3A_174], %swap3A_177 {strides = array<i32>} : memref<80x128xi32, #tpu.memory_space<vmem>>, vector<1x16xi32>,
    %swap3A_178 = arith.constant 79 : i32
    %swap3A_179 = arith.index_cast %swap3A_178 : i32 to index
    %swap3A_180 = arith.constant 32 : index
    %swap3A_181 = tpu.vector_load %arg8[%swap3A_179, %swap3A_180] {strides = array<i32>} : memref<80x128xi32, #tpu.memory_space<vmem>>, vector<1x16xi32>,
    %swap3A_182 = vector.shape_cast %swap3A_181 : vector<1x16xi32> to vector<16xi32>
    %swap3A_183 = vector.shape_cast %broadcast_in_dim3A_51 : vector<16xi32> to vector<1x16xi32>
    tpu.vector_store %arg8[%swap3A_179, %swap3A_180], %swap3A_183 {strides = array<i32>} : memref<80x128xi32, #tpu.memory_space<vmem>>, vector<1x16xi32>,
    %swap3A_184 = arith.constant 79 : i32
    %swap3A_185 = arith.index_cast %swap3A_184 : i32 to index
    %swap3A_186 = arith.constant 48 : index
    %swap3A_187 = tpu.vector_load %arg8[%swap3A_185, %swap3A_186] {strides = array<i32>} : memref<80x128xi32, #tpu.memory_space<vmem>>, vector<1x16xi32>,
    %swap3A_188 = vector.shape_cast %swap3A_187 : vector<1x16xi32> to vector<16xi32>
    %swap3A_189 = vector.shape_cast %broadcast_in_dim3A_51 : vector<16xi32> to vector<1x16xi32>
    tpu.vector_store %arg8[%swap3A_185, %swap3A_186], %swap3A_189 {strides = array<i32>} : memref<80x128xi32, #tpu.memory_space<vmem>>, vector<1x16xi32>,
    %swap3A_190 = arith.constant 79 : i32
    %swap3A_191 = arith.index_cast %swap3A_190 : i32 to index
    %swap3A_192 = arith.constant 64 : index
    %swap3A_193 = tpu.vector_load %arg8[%swap3A_191, %swap3A_192] {strides = array<i32>} : memref<80x128xi32, #tpu.memory_space<vmem>>, vector<1x16xi32>,
    %swap3A_194 = vector.shape_cast %swap3A_193 : vector<1x16xi32> to vector<16xi32>
    %swap3A_195 = vector.shape_cast %broadcast_in_dim3A_51 : vector<16xi32> to vector<1x16xi32>
    tpu.vector_store %arg8[%swap3A_191, %swap3A_192], %swap3A_195 {strides = array<i32>} : memref<80x128xi32, #tpu.memory_space<vmem>>, vector<1x16xi32>,
    %swap3A_196 = arith.constant 79 : i32
    %swap3A_197 = arith.index_cast %swap3A_196 : i32 to index
    %swap3A_198 = arith.constant 80 : index
    %swap3A_199 = tpu.vector_load %arg8[%swap3A_197, %swap3A_198] {strides = array<i32>} : memref<80x128xi32, #tpu.memory_space<vmem>>, vector<1x16xi32>,
    %swap3A_200 = vector.shape_cast %swap3A_199 : vector<1x16xi32> to vector<16xi32>
    %swap3A_201 = vector.shape_cast %broadcast_in_dim3A_51 : vector<16xi32> to vector<1x16xi32>
    tpu.vector_store %arg8[%swap3A_197, %swap3A_198], %swap3A_201 {strides = array<i32>} : memref<80x128xi32, #tpu.memory_space<vmem>>, vector<1x16xi32>,
    %swap3A_202 = arith.constant 79 : i32
    %swap3A_203 = arith.index_cast %swap3A_202 : i32 to index
    %swap3A_204 = arith.constant 96 : index
    %swap3A_205 = tpu.vector_load %arg8[%swap3A_203, %swap3A_204] {strides = array<i32>} : memref<80x128xi32, #tpu.memory_space<vmem>>, vector<1x16xi32>,
    %swap3A_206 = vector.shape_cast %swap3A_205 : vector<1x16xi32> to vector<16xi32>
    %swap3A_207 = vector.shape_cast %broadcast_in_dim3A_51 : vector<16xi32> to vector<1x16xi32>
    tpu.vector_store %arg8[%swap3A_203, %swap3A_204], %swap3A_207 {strides = array<i32>} : memref<80x128xi32, #tpu.memory_space<vmem>>, vector<1x16xi32>,
    %swap3A_208 = arith.constant 79 : i32
    %swap3A_209 = arith.index_cast %swap3A_208 : i32 to index
    %swap3A_210 = arith.constant 112 : index
    %swap3A_211 = tpu.vector_load %arg8[%swap3A_209, %swap3A_210] {strides = array<i32>} : memref<80x128xi32, #tpu.memory_space<vmem>>, vector<1x16xi32>,
    %swap3A_212 = vector.shape_cast %swap3A_211 : vector<1x16xi32> to vector<16xi32>
    %swap3A_213 = vector.shape_cast %broadcast_in_dim3A_51 : vector<16xi32> to vector<1x16xi32>
    tpu.vector_store %arg8[%swap3A_209, %swap3A_210], %swap3A_213 {strides = array<i32>} : memref<80x128xi32, #tpu.memory_space<vmem>>, vector<1x16xi32>,
    %barrier3A = arith.constant 0 : index
    tpu.barrier barrier_id(%barrier3A)
    %dma_start3A = arith.constant 0 : i32
    %dma_start3A_214 = arith.constant 0 : i32
    %dma_start3A_215 = arith.constant 0 : i32
    %dma_start3A_216 = arith.constant 0 : i32
    %dma_start3A_217 = tpu.memref_slice %arg9[%dma_start3A, %dma_start3A_215, %dma_start3A_216] : memref<4x128x32xf32, #tpu.memory_space<vmem>> -> memref<1x128x32xf32, #tpu.memory_space<vmem>>
    %dma_start3A_218 = tpu.memref_squeeze %dma_start3A_217 : memref<1x128x32xf32, #tpu.memory_space<vmem>> -> memref<128x32xf32, #tpu.memory_space<vmem>>
    %dma_start3A_219 = arith.constant 0 : i32
    %dma_start3A_220 = tpu.memref_slice %arg6[%dma_start3A_219] : memref<10240xi32, #tpu.memory_space<vmem>> -> memref<128xi32, #tpu.memory_space<vmem>>
    %dma_start3A_221 = arith.constant 0 : i32
    %dma_start3A_222 = arith.constant 0 : i32
    %dma_start3A_223 = tpu.memref_slice %arg10[%dma_start3A_221, %dma_start3A_222] : memref<10240x32xf32, #tpu.memory_space<vmem_shared>> -> memref<10240x32xf32, #tpu.memory_space<vmem_shared>>
    %dma_start3A_224 = tpu.memref_slice %arg12[%dma_start3A_214] : memref<4x!tpu.dma_semaphore, #tpu.memory_space<semaphore_mem>> -> memref<1x!tpu.dma_semaphore, #tpu.memory_space<semaphore_mem>>
    %dma_start3A_225 = tpu.memref_squeeze %dma_start3A_224 : memref<1x!tpu.dma_semaphore, #tpu.memory_space<semaphore_mem>> -> memref<!tpu.dma_semaphore, #tpu.memory_space<semaphore_mem>>
    tpu.enqueue_indirect_dma source(%dma_start3A_223 : memref<10240x32xf32, #tpu.memory_space<vmem_shared>>) target(%dma_start3A_218 : memref<128x32xf32, #tpu.memory_space<vmem>>) offsets(%dma_start3A_220 : memref<128xi32, #tpu.memory_space<vmem>>) semaphore(%dma_start3A_225 : memref<!tpu.dma_semaphore, #tpu.memory_space<semaphore_mem>>)
    %dma_start3A_226 = arith.constant 1 : i32
    %dma_start3A_227 = arith.constant 1 : i32
    %dma_start3A_228 = arith.constant 0 : i32
    %dma_start3A_229 = arith.constant 0 : i32
    %dma_start3A_230 = tpu.memref_slice %arg9[%dma_start3A_226, %dma_start3A_228, %dma_start3A_229] : memref<4x128x32xf32, #tpu.memory_space<vmem>> -> memref<1x128x32xf32, #tpu.memory_space<vmem>>
    %dma_start3A_231 = tpu.memref_squeeze %dma_start3A_230 : memref<1x128x32xf32, #tpu.memory_space<vmem>> -> memref<128x32xf32, #tpu.memory_space<vmem>>
    %dma_start3A_232 = arith.constant 128 : i32
    %dma_start3A_233 = tpu.memref_slice %arg6[%dma_start3A_232] : memref<10240xi32, #tpu.memory_space<vmem>> -> memref<128xi32, #tpu.memory_space<vmem>>
    %dma_start3A_234 = arith.constant 0 : i32
    %dma_start3A_235 = arith.constant 0 : i32
    %dma_start3A_236 = tpu.memref_slice %arg10[%dma_start3A_234, %dma_start3A_235] : memref<10240x32xf32, #tpu.memory_space<vmem_shared>> -> memref<10240x32xf32, #tpu.memory_space<vmem_shared>>
    %dma_start3A_237 = tpu.memref_slice %arg12[%dma_start3A_227] : memref<4x!tpu.dma_semaphore, #tpu.memory_space<semaphore_mem>> -> memref<1x!tpu.dma_semaphore, #tpu.memory_space<semaphore_mem>>
    %dma_start3A_238 = tpu.memref_squeeze %dma_start3A_237 : memref<1x!tpu.dma_semaphore, #tpu.memory_space<semaphore_mem>> -> memref<!tpu.dma_semaphore, #tpu.memory_space<semaphore_mem>>
    tpu.enqueue_indirect_dma source(%dma_start3A_236 : memref<10240x32xf32, #tpu.memory_space<vmem_shared>>) target(%dma_start3A_231 : memref<128x32xf32, #tpu.memory_space<vmem>>) offsets(%dma_start3A_233 : memref<128xi32, #tpu.memory_space<vmem>>) semaphore(%dma_start3A_238 : memref<!tpu.dma_semaphore, #tpu.memory_space<semaphore_mem>>)
    %dma_start3A_239 = arith.constant 2 : i32
    %dma_start3A_240 = arith.constant 2 : i32
    %dma_start3A_241 = arith.constant 0 : i32
    %dma_start3A_242 = arith.constant 0 : i32
    %dma_start3A_243 = tpu.memref_slice %arg9[%dma_start3A_239, %dma_start3A_241, %dma_start3A_242] : memref<4x128x32xf32, #tpu.memory_space<vmem>> -> memref<1x128x32xf32, #tpu.memory_space<vmem>>
    %dma_start3A_244 = tpu.memref_squeeze %dma_start3A_243 : memref<1x128x32xf32, #tpu.memory_space<vmem>> -> memref<128x32xf32, #tpu.memory_space<vmem>>
    %dma_start3A_245 = arith.constant 256 : i32
    %dma_start3A_246 = tpu.memref_slice %arg6[%dma_start3A_245] : memref<10240xi32, #tpu.memory_space<vmem>> -> memref<128xi32, #tpu.memory_space<vmem>>
    %dma_start3A_247 = arith.constant 0 : i32
    %dma_start3A_248 = arith.constant 0 : i32
    %dma_start3A_249 = tpu.memref_slice %arg10[%dma_start3A_247, %dma_start3A_248] : memref<10240x32xf32, #tpu.memory_space<vmem_shared>> -> memref<10240x32xf32, #tpu.memory_space<vmem_shared>>
    %dma_start3A_250 = tpu.memref_slice %arg12[%dma_start3A_240] : memref<4x!tpu.dma_semaphore, #tpu.memory_space<semaphore_mem>> -> memref<1x!tpu.dma_semaphore, #tpu.memory_space<semaphore_mem>>
    %dma_start3A_251 = tpu.memref_squeeze %dma_start3A_250 : memref<1x!tpu.dma_semaphore, #tpu.memory_space<semaphore_mem>> -> memref<!tpu.dma_semaphore, #tpu.memory_space<semaphore_mem>>
    tpu.enqueue_indirect_dma source(%dma_start3A_249 : memref<10240x32xf32, #tpu.memory_space<vmem_shared>>) target(%dma_start3A_244 : memref<128x32xf32, #tpu.memory_space<vmem>>) offsets(%dma_start3A_246 : memref<128xi32, #tpu.memory_space<vmem>>) semaphore(%dma_start3A_251 : memref<!tpu.dma_semaphore, #tpu.memory_space<semaphore_mem>>)
    %scan3A_252 = arith.constant 0 : i32
    %scan3A_253 = arith.constant 0 : i32
    %scan3A_254 = arith.constant 20 : i32
    %scan3A_255 = arith.addi %scan3A_253, %scan3A_254 : i32
    %scan3A_256 = arith.constant 1 : i32
    scf.for %scan3A_327 = %scan3A_253 to %scan3A_255 step %scan3A_256  : i32 {
      %mul3A_328 = arith.constant 4 : i32
      %mul3A_329 = arith.muli %scan3A_327, %mul3A_328 : i32
      %add3A_330 = arith.constant 0 : i32
      %add3A_331 = arith.addi %mul3A_329, %add3A_330 : i32
      %jit3A_332 = arith.constant 4 : i32
      %eq3A_333 = arith.constant 0 : i32
      %eq3A_334 = arith.cmpi eq, %jit3A_332, %eq3A_333 : i32
      %jit3A_335 = arith.constant 1 : i32
      %select_n3A_336 = arith.select %eq3A_334, %jit3A_335, %jit3A_332 : i32
      %rem3A_337 = arith.remsi %add3A_331, %select_n3A_336 : i32
      %ne3A_338 = arith.constant 0 : i32
      %ne3A_339 = arith.cmpi ne, %rem3A_337, %ne3A_338 : i32
      %lt3A_340 = arith.constant 0 : i32
      %lt3A_341 = arith.cmpi slt, %rem3A_337, %lt3A_340 : i32
      %lt3A_342 = arith.constant 0 : i32
      %lt3A_343 = arith.cmpi slt, %select_n3A_336, %lt3A_342 : i32
      %ne3A_344 = arith.xori %lt3A_341, %lt3A_343 : i1
      %and3A_345 = arith.andi %ne3A_344, %ne3A_339 : i1
      %add3A_346 = arith.addi %rem3A_337, %select_n3A_336 : i32
      %select_n3A_347 = arith.select %and3A_345, %add3A_346, %rem3A_337 : i32
      %mul3A_348 = arith.constant 128 : i32
      %mul3A_349 = arith.muli %add3A_331, %mul3A_348 : i32
      %dma_wait3A_350 = arith.constant 0 : i32
      %dma_wait3A_351 = arith.constant 0 : i32
      %dma_wait3A_352 = tpu.memref_slice %arg9[%select_n3A_347, %dma_wait3A_350, %dma_wait3A_351] : memref<4x128x32xf32, #tpu.memory_space<vmem>> -> memref<1x128x32xf32, #tpu.memory_space<vmem>>
      %dma_wait3A_353 = tpu.memref_squeeze %dma_wait3A_352 : memref<1x128x32xf32, #tpu.memory_space<vmem>> -> memref<128x32xf32, #tpu.memory_space<vmem>>
      %dma_wait3A_354 = tpu.memref_slice %arg6[%mul3A_349] : memref<10240xi32, #tpu.memory_space<vmem>> -> memref<128xi32, #tpu.memory_space<vmem>>
      %dma_wait3A_355 = arith.constant 0 : i32
      %dma_wait3A_356 = arith.constant 0 : i32
      %dma_wait3A_357 = tpu.memref_slice %arg10[%dma_wait3A_355, %dma_wait3A_356] : memref<10240x32xf32, #tpu.memory_space<vmem_shared>> -> memref<10240x32xf32, #tpu.memory_space<vmem_shared>>
      %dma_wait3A_358 = tpu.memref_slice %arg12[%select_n3A_347] : memref<4x!tpu.dma_semaphore, #tpu.memory_space<semaphore_mem>> -> memref<1x!tpu.dma_semaphore, #tpu.memory_space<semaphore_mem>>
      %dma_wait3A_359 = tpu.memref_squeeze %dma_wait3A_358 : memref<1x!tpu.dma_semaphore, #tpu.memory_space<semaphore_mem>> -> memref<!tpu.dma_semaphore, #tpu.memory_space<semaphore_mem>>
      tpu.wait_indirect_dma semaphore(%dma_wait3A_359 : memref<!tpu.dma_semaphore, #tpu.memory_space<semaphore_mem>>) src(%dma_wait3A_357 : memref<10240x32xf32, #tpu.memory_space<vmem_shared>>) dst(%dma_wait3A_353 : memref<128x32xf32, #tpu.memory_space<vmem>>)
      %jit3A_360 = arith.constant 4 : i32
      %eq3A_361 = arith.constant 0 : i32
      %eq3A_362 = arith.cmpi eq, %jit3A_360, %eq3A_361 : i32
      %jit3A_363 = arith.constant 1 : i32
      %select_n3A_364 = arith.select %eq3A_362, %jit3A_363, %jit3A_360 : i32
      %rem3A_365 = arith.remsi %add3A_331, %select_n3A_364 : i32
      %ne3A_366 = arith.constant 0 : i32
      %ne3A_367 = arith.cmpi ne, %rem3A_365, %ne3A_366 : i32
      %lt3A_368 = arith.constant 0 : i32
      %lt3A_369 = arith.cmpi slt, %rem3A_365, %lt3A_368 : i32
      %lt3A_370 = arith.constant 0 : i32
      %lt3A_371 = arith.cmpi slt, %select_n3A_364, %lt3A_370 : i32
      %ne3A_372 = arith.xori %lt3A_369, %lt3A_371 : i1
      %and3A_373 = arith.andi %ne3A_372, %ne3A_367 : i1
      %add3A_374 = arith.addi %rem3A_365, %select_n3A_364 : i32
      %select_n3A_375 = arith.select %and3A_373, %add3A_374, %rem3A_365 : i32
      %dma_start3A_376 = arith.constant 0 : i32
      %dma_start3A_377 = arith.constant 0 : i32
      %dma_start3A_378 = tpu.memref_slice %arg9[%select_n3A_375, %dma_start3A_376, %dma_start3A_377] : memref<4x128x32xf32, #tpu.memory_space<vmem>> -> memref<1x128x32xf32, #tpu.memory_space<vmem>>
      %dma_start3A_379 = tpu.memref_squeeze %dma_start3A_378 : memref<1x128x32xf32, #tpu.memory_space<vmem>> -> memref<128x32xf32, #tpu.memory_space<vmem>>
      %dma_start3A_380 = arith.constant 0 : i32
      %dma_start3A_381 = tpu.memref_slice %arg8[%add3A_331, %dma_start3A_380] : memref<80x128xi32, #tpu.memory_space<vmem>> -> memref<1x128xi32, #tpu.memory_space<vmem>>
      %dma_start3A_382 = tpu.memref_squeeze %dma_start3A_381 : memref<1x128xi32, #tpu.memory_space<vmem>> -> memref<128xi32, #tpu.memory_space<vmem>>
      %dma_start3A_383 = arith.constant 0 : i32
      %dma_start3A_384 = arith.constant 0 : i32
      %dma_start3A_385 = tpu.memref_slice %arg11[%dma_start3A_383, %dma_start3A_384] : memref<10240x32xf32, #tpu.memory_space<vmem_shared>> -> memref<10240x32xf32, #tpu.memory_space<vmem_shared>>
      %dma_start3A_386 = tpu.memref_slice %arg13[%select_n3A_375] : memref<4x!tpu.dma_semaphore, #tpu.memory_space<semaphore_mem>> -> memref<1x!tpu.dma_semaphore, #tpu.memory_space<semaphore_mem>>
      %dma_start3A_387 = tpu.memref_squeeze %dma_start3A_386 : memref<1x!tpu.dma_semaphore, #tpu.memory_space<semaphore_mem>> -> memref<!tpu.dma_semaphore, #tpu.memory_space<semaphore_mem>>
      tpu.enqueue_indirect_dma source(%dma_start3A_379 : memref<128x32xf32, #tpu.memory_space<vmem>>) target(%dma_start3A_385 : memref<10240x32xf32, #tpu.memory_space<vmem_shared>>) offsets(%dma_start3A_382 : memref<128xi32, #tpu.memory_space<vmem>>) semaphore(%dma_start3A_387 : memref<!tpu.dma_semaphore, #tpu.memory_space<semaphore_mem>>) {add = true}
      %eq3A_388 = arith.constant 0 : i32
      %eq3A_389 = arith.cmpi eq, %scan3A_327, %eq3A_388 : i32
      %convert_element_type3A = arith.extui %eq3A_389 : i1 to i32
      %cond3A = arith.constant 0 : i32
      %cond3A_390 = arith.cmpi ne, %convert_element_type3A, %cond3A : i32
      scf.if %cond3A_390 {
        %dma_start3A_590 = arith.constant 3 : i32
        %dma_start3A_591 = arith.constant 3 : i32
        %dma_start3A_592 = arith.constant 0 : i32
        %dma_start3A_593 = arith.constant 0 : i32
        %dma_start3A_594 = tpu.memref_slice %arg9[%dma_start3A_590, %dma_start3A_592, %dma_start3A_593] : memref<4x128x32xf32, #tpu.memory_space<vmem>> -> memref<1x128x32xf32, #tpu.memory_space<vmem>>
        %dma_start3A_595 = tpu.memref_squeeze %dma_start3A_594 : memref<1x128x32xf32, #tpu.memory_space<vmem>> -> memref<128x32xf32, #tpu.memory_space<vmem>>
        %dma_start3A_596 = arith.constant 384 : i32
        %dma_start3A_597 = tpu.memref_slice %arg6[%dma_start3A_596] : memref<10240xi32, #tpu.memory_space<vmem>> -> memref<128xi32, #tpu.memory_space<vmem>>
        %dma_start3A_598 = arith.constant 0 : i32
        %dma_start3A_599 = arith.constant 0 : i32
        %dma_start3A_600 = tpu.memref_slice %arg10[%dma_start3A_598, %dma_start3A_599] : memref<10240x32xf32, #tpu.memory_space<vmem_shared>> -> memref<10240x32xf32, #tpu.memory_space<vmem_shared>>
        %dma_start3A_601 = tpu.memref_slice %arg12[%dma_start3A_591] : memref<4x!tpu.dma_semaphore, #tpu.memory_space<semaphore_mem>> -> memref<1x!tpu.dma_semaphore, #tpu.memory_space<semaphore_mem>>
        %dma_start3A_602 = tpu.memref_squeeze %dma_start3A_601 : memref<1x!tpu.dma_semaphore, #tpu.memory_space<semaphore_mem>> -> memref<!tpu.dma_semaphore, #tpu.memory_space<semaphore_mem>>
        tpu.enqueue_indirect_dma source(%dma_start3A_600 : memref<10240x32xf32, #tpu.memory_space<vmem_shared>>) target(%dma_start3A_595 : memref<128x32xf32, #tpu.memory_space<vmem>>) offsets(%dma_start3A_597 : memref<128xi32, #tpu.memory_space<vmem>>) semaphore(%dma_start3A_602 : memref<!tpu.dma_semaphore, #tpu.memory_space<semaphore_mem>>)
      } else {
      }
      %ge3A = arith.constant 1 : i32
      %ge3A_391 = arith.cmpi sge, %scan3A_327, %ge3A : i32
      %convert_element_type3A_392 = arith.extui %ge3A_391 : i1 to i32
      %cond3A_393 = arith.constant 0 : i32
      %cond3A_394 = arith.cmpi ne, %convert_element_type3A_392, %cond3A_393 : i32
      scf.if %cond3A_394 {
        %sub3A_590 = arith.constant 1 : i32
        %sub3A_591 = arith.subi %add3A_331, %sub3A_590 : i32
        %sub3A_592 = arith.constant 1 : i32
        %sub3A_593 = arith.subi %add3A_331, %sub3A_592 : i32
        %jit3A_594 = arith.constant 4 : i32
        %eq3A_595 = arith.constant 0 : i32
        %eq3A_596 = arith.cmpi eq, %jit3A_594, %eq3A_595 : i32
        %jit3A_597 = arith.constant 1 : i32
        %select_n3A_598 = arith.select %eq3A_596, %jit3A_597, %jit3A_594 : i32
        %rem3A_599 = arith.remsi %sub3A_593, %select_n3A_598 : i32
        %ne3A_600 = arith.constant 0 : i32
        %ne3A_601 = arith.cmpi ne, %rem3A_599, %ne3A_600 : i32
        %lt3A_602 = arith.constant 0 : i32
        %lt3A_603 = arith.cmpi slt, %rem3A_599, %lt3A_602 : i32
        %lt3A_604 = arith.constant 0 : i32
        %lt3A_605 = arith.cmpi slt, %select_n3A_598, %lt3A_604 : i32
        %ne3A_606 = arith.xori %lt3A_603, %lt3A_605 : i1
        %and3A_607 = arith.andi %ne3A_606, %ne3A_601 : i1
        %add3A_608 = arith.addi %rem3A_599, %select_n3A_598 : i32
        %select_n3A_609 = arith.select %and3A_607, %add3A_608, %rem3A_599 : i32
        %dma_wait3A_610 = arith.constant 0 : i32
        %dma_wait3A_611 = arith.constant 0 : i32
        %dma_wait3A_612 = tpu.memref_slice %arg9[%select_n3A_609, %dma_wait3A_610, %dma_wait3A_611] : memref<4x128x32xf32, #tpu.memory_space<vmem>> -> memref<1x128x32xf32, #tpu.memory_space<vmem>>
        %dma_wait3A_613 = tpu.memref_squeeze %dma_wait3A_612 : memref<1x128x32xf32, #tpu.memory_space<vmem>> -> memref<128x32xf32, #tpu.memory_space<vmem>>
        %dma_wait3A_614 = arith.constant 0 : i32
        %dma_wait3A_615 = tpu.memref_slice %arg8[%sub3A_591, %dma_wait3A_614] : memref<80x128xi32, #tpu.memory_space<vmem>> -> memref<1x128xi32, #tpu.memory_space<vmem>>
        %dma_wait3A_616 = tpu.memref_squeeze %dma_wait3A_615 : memref<1x128xi32, #tpu.memory_space<vmem>> -> memref<128xi32, #tpu.memory_space<vmem>>
        %dma_wait3A_617 = arith.constant 0 : i32
        %dma_wait3A_618 = arith.constant 0 : i32
        %dma_wait3A_619 = tpu.memref_slice %arg11[%dma_wait3A_617, %dma_wait3A_618] : memref<10240x32xf32, #tpu.memory_space<vmem_shared>> -> memref<10240x32xf32, #tpu.memory_space<vmem_shared>>
        %dma_wait3A_620 = tpu.memref_slice %arg13[%select_n3A_609] : memref<4x!tpu.dma_semaphore, #tpu.memory_space<semaphore_mem>> -> memref<1x!tpu.dma_semaphore, #tpu.memory_space<semaphore_mem>>
        %dma_wait3A_621 = tpu.memref_squeeze %dma_wait3A_620 : memref<1x!tpu.dma_semaphore, #tpu.memory_space<semaphore_mem>> -> memref<!tpu.dma_semaphore, #tpu.memory_space<semaphore_mem>>
        tpu.wait_indirect_dma semaphore(%dma_wait3A_621 : memref<!tpu.dma_semaphore, #tpu.memory_space<semaphore_mem>>) src(%dma_wait3A_613 : memref<128x32xf32, #tpu.memory_space<vmem>>) dst(%dma_wait3A_619 : memref<10240x32xf32, #tpu.memory_space<vmem_shared>>)
        %add3A_622 = arith.constant 4 : i32
        %add3A_623 = arith.addi %add3A_331, %add3A_622 : i32
        %sub3A_624 = arith.constant 1 : i32
        %sub3A_625 = arith.subi %add3A_623, %sub3A_624 : i32
        %sub3A_626 = arith.constant 1 : i32
        %sub3A_627 = arith.subi %add3A_331, %sub3A_626 : i32
        %jit3A_628 = arith.constant 4 : i32
        %eq3A_629 = arith.constant 0 : i32
        %eq3A_630 = arith.cmpi eq, %jit3A_628, %eq3A_629 : i32
        %jit3A_631 = arith.constant 1 : i32
        %select_n3A_632 = arith.select %eq3A_630, %jit3A_631, %jit3A_628 : i32
        %rem3A_633 = arith.remsi %sub3A_627, %select_n3A_632 : i32
        %ne3A_634 = arith.constant 0 : i32
        %ne3A_635 = arith.cmpi ne, %rem3A_633, %ne3A_634 : i32
        %lt3A_636 = arith.constant 0 : i32
        %lt3A_637 = arith.cmpi slt, %rem3A_633, %lt3A_636 : i32
        %lt3A_638 = arith.constant 0 : i32
        %lt3A_639 = arith.cmpi slt, %select_n3A_632, %lt3A_638 : i32
        %ne3A_640 = arith.xori %lt3A_637, %lt3A_639 : i1
        %and3A_641 = arith.andi %ne3A_640, %ne3A_635 : i1
        %add3A_642 = arith.addi %rem3A_633, %select_n3A_632 : i32
        %select_n3A_643 = arith.select %and3A_641, %add3A_642, %rem3A_633 : i32
        %mul3A_644 = arith.constant 128 : i32
        %mul3A_645 = arith.muli %sub3A_625, %mul3A_644 : i32
        %dma_start3A_646 = arith.constant 0 : i32
        %dma_start3A_647 = arith.constant 0 : i32
        %dma_start3A_648 = tpu.memref_slice %arg9[%select_n3A_643, %dma_start3A_646, %dma_start3A_647] : memref<4x128x32xf32, #tpu.memory_space<vmem>> -> memref<1x128x32xf32, #tpu.memory_space<vmem>>
        %dma_start3A_649 = tpu.memref_squeeze %dma_start3A_648 : memref<1x128x32xf32, #tpu.memory_space<vmem>> -> memref<128x32xf32, #tpu.memory_space<vmem>>
        %dma_start3A_650 = tpu.memref_slice %arg6[%mul3A_645] : memref<10240xi32, #tpu.memory_space<vmem>> -> memref<128xi32, #tpu.memory_space<vmem>>
        %dma_start3A_651 = arith.constant 0 : i32
        %dma_start3A_652 = arith.constant 0 : i32
        %dma_start3A_653 = tpu.memref_slice %arg10[%dma_start3A_651, %dma_start3A_652] : memref<10240x32xf32, #tpu.memory_space<vmem_shared>> -> memref<10240x32xf32, #tpu.memory_space<vmem_shared>>
        %dma_start3A_654 = tpu.memref_slice %arg12[%select_n3A_643] : memref<4x!tpu.dma_semaphore, #tpu.memory_space<semaphore_mem>> -> memref<1x!tpu.dma_semaphore, #tpu.memory_space<semaphore_mem>>
        %dma_start3A_655 = tpu.memref_squeeze %dma_start3A_654 : memref<1x!tpu.dma_semaphore, #tpu.memory_space<semaphore_mem>> -> memref<!tpu.dma_semaphore, #tpu.memory_space<semaphore_mem>>
        tpu.enqueue_indirect_dma source(%dma_start3A_653 : memref<10240x32xf32, #tpu.memory_space<vmem_shared>>) target(%dma_start3A_649 : memref<128x32xf32, #tpu.memory_space<vmem>>) offsets(%dma_start3A_650 : memref<128xi32, #tpu.memory_space<vmem>>) semaphore(%dma_start3A_655 : memref<!tpu.dma_semaphore, #tpu.memory_space<semaphore_mem>>)
      } else {
      }
      %mul3A_395 = arith.constant 4 : i32
      %mul3A_396 = arith.muli %scan3A_327, %mul3A_395 : i32
      %add3A_397 = arith.constant 1 : i32
      %add3A_398 = arith.addi %mul3A_396, %add3A_397 : i32
      %jit3A_399 = arith.constant 4 : i32
      %eq3A_400 = arith.constant 0 : i32
      %eq3A_401 = arith.cmpi eq, %jit3A_399, %eq3A_400 : i32
      %jit3A_402 = arith.constant 1 : i32
      %select_n3A_403 = arith.select %eq3A_401, %jit3A_402, %jit3A_399 : i32
      %rem3A_404 = arith.remsi %add3A_398, %select_n3A_403 : i32
      %ne3A_405 = arith.constant 0 : i32
      %ne3A_406 = arith.cmpi ne, %rem3A_404, %ne3A_405 : i32
      %lt3A_407 = arith.constant 0 : i32
      %lt3A_408 = arith.cmpi slt, %rem3A_404, %lt3A_407 : i32
      %lt3A_409 = arith.constant 0 : i32
      %lt3A_410 = arith.cmpi slt, %select_n3A_403, %lt3A_409 : i32
      %ne3A_411 = arith.xori %lt3A_408, %lt3A_410 : i1
      %and3A_412 = arith.andi %ne3A_411, %ne3A_406 : i1
      %add3A_413 = arith.addi %rem3A_404, %select_n3A_403 : i32
      %select_n3A_414 = arith.select %and3A_412, %add3A_413, %rem3A_404 : i32
      %mul3A_415 = arith.constant 128 : i32
      %mul3A_416 = arith.muli %add3A_398, %mul3A_415 : i32
      %dma_wait3A_417 = arith.constant 0 : i32
      %dma_wait3A_418 = arith.constant 0 : i32
      %dma_wait3A_419 = tpu.memref_slice %arg9[%select_n3A_414, %dma_wait3A_417, %dma_wait3A_418] : memref<4x128x32xf32, #tpu.memory_space<vmem>> -> memref<1x128x32xf32, #tpu.memory_space<vmem>>
      %dma_wait3A_420 = tpu.memref_squeeze %dma_wait3A_419 : memref<1x128x32xf32, #tpu.memory_space<vmem>> -> memref<128x32xf32, #tpu.memory_space<vmem>>
      %dma_wait3A_421 = tpu.memref_slice %arg6[%mul3A_416] : memref<10240xi32, #tpu.memory_space<vmem>> -> memref<128xi32, #tpu.memory_space<vmem>>
      %dma_wait3A_422 = arith.constant 0 : i32
      %dma_wait3A_423 = arith.constant 0 : i32
      %dma_wait3A_424 = tpu.memref_slice %arg10[%dma_wait3A_422, %dma_wait3A_423] : memref<10240x32xf32, #tpu.memory_space<vmem_shared>> -> memref<10240x32xf32, #tpu.memory_space<vmem_shared>>
      %dma_wait3A_425 = tpu.memref_slice %arg12[%select_n3A_414] : memref<4x!tpu.dma_semaphore, #tpu.memory_space<semaphore_mem>> -> memref<1x!tpu.dma_semaphore, #tpu.memory_space<semaphore_mem>>
      %dma_wait3A_426 = tpu.memref_squeeze %dma_wait3A_425 : memref<1x!tpu.dma_semaphore, #tpu.memory_space<semaphore_mem>> -> memref<!tpu.dma_semaphore, #tpu.memory_space<semaphore_mem>>
      tpu.wait_indirect_dma semaphore(%dma_wait3A_426 : memref<!tpu.dma_semaphore, #tpu.memory_space<semaphore_mem>>) src(%dma_wait3A_424 : memref<10240x32xf32, #tpu.memory_space<vmem_shared>>) dst(%dma_wait3A_420 : memref<128x32xf32, #tpu.memory_space<vmem>>)
      %jit3A_427 = arith.constant 4 : i32
      %eq3A_428 = arith.constant 0 : i32
      %eq3A_429 = arith.cmpi eq, %jit3A_427, %eq3A_428 : i32
      %jit3A_430 = arith.constant 1 : i32
      %select_n3A_431 = arith.select %eq3A_429, %jit3A_430, %jit3A_427 : i32
      %rem3A_432 = arith.remsi %add3A_398, %select_n3A_431 : i32
      %ne3A_433 = arith.constant 0 : i32
      %ne3A_434 = arith.cmpi ne, %rem3A_432, %ne3A_433 : i32
      %lt3A_435 = arith.constant 0 : i32
      %lt3A_436 = arith.cmpi slt, %rem3A_432, %lt3A_435 : i32
      %lt3A_437 = arith.constant 0 : i32
      %lt3A_438 = arith.cmpi slt, %select_n3A_431, %lt3A_437 : i32
      %ne3A_439 = arith.xori %lt3A_436, %lt3A_438 : i1
      %and3A_440 = arith.andi %ne3A_439, %ne3A_434 : i1
      %add3A_441 = arith.addi %rem3A_432, %select_n3A_431 : i32
      %select_n3A_442 = arith.select %and3A_440, %add3A_441, %rem3A_432 : i32
      %dma_start3A_443 = arith.constant 0 : i32
      %dma_start3A_444 = arith.constant 0 : i32
      %dma_start3A_445 = tpu.memref_slice %arg9[%select_n3A_442, %dma_start3A_443, %dma_start3A_444] : memref<4x128x32xf32, #tpu.memory_space<vmem>> -> memref<1x128x32xf32, #tpu.memory_space<vmem>>
      %dma_start3A_446 = tpu.memref_squeeze %dma_start3A_445 : memref<1x128x32xf32, #tpu.memory_space<vmem>> -> memref<128x32xf32, #tpu.memory_space<vmem>>
      %dma_start3A_447 = arith.constant 0 : i32
      %dma_start3A_448 = tpu.memref_slice %arg8[%add3A_398, %dma_start3A_447] : memref<80x128xi32, #tpu.memory_space<vmem>> -> memref<1x128xi32, #tpu.memory_space<vmem>>
      %dma_start3A_449 = tpu.memref_squeeze %dma_start3A_448 : memref<1x128xi32, #tpu.memory_space<vmem>> -> memref<128xi32, #tpu.memory_space<vmem>>
      %dma_start3A_450 = arith.constant 0 : i32
      %dma_start3A_451 = arith.constant 0 : i32
      %dma_start3A_452 = tpu.memref_slice %arg11[%dma_start3A_450, %dma_start3A_451] : memref<10240x32xf32, #tpu.memory_space<vmem_shared>> -> memref<10240x32xf32, #tpu.memory_space<vmem_shared>>
      %dma_start3A_453 = tpu.memref_slice %arg13[%select_n3A_442] : memref<4x!tpu.dma_semaphore, #tpu.memory_space<semaphore_mem>> -> memref<1x!tpu.dma_semaphore, #tpu.memory_space<semaphore_mem>>
      %dma_start3A_454 = tpu.memref_squeeze %dma_start3A_453 : memref<1x!tpu.dma_semaphore, #tpu.memory_space<semaphore_mem>> -> memref<!tpu.dma_semaphore, #tpu.memory_space<semaphore_mem>>
      tpu.enqueue_indirect_dma source(%dma_start3A_446 : memref<128x32xf32, #tpu.memory_space<vmem>>) target(%dma_start3A_452 : memref<10240x32xf32, #tpu.memory_space<vmem_shared>>) offsets(%dma_start3A_449 : memref<128xi32, #tpu.memory_space<vmem>>) semaphore(%dma_start3A_454 : memref<!tpu.dma_semaphore, #tpu.memory_space<semaphore_mem>>) {add = true}
      %lt3A_455 = arith.constant 19 : i32
      %lt3A_456 = arith.cmpi slt, %scan3A_327, %lt3A_455 : i32
      %convert_element_type3A_457 = arith.extui %lt3A_456 : i1 to i32
      %cond3A_458 = arith.constant 0 : i32
      %cond3A_459 = arith.cmpi ne, %convert_element_type3A_457, %cond3A_458 : i32
      scf.if %cond3A_459 {
        %sub3A_590 = arith.constant 1 : i32
        %sub3A_591 = arith.subi %add3A_398, %sub3A_590 : i32
        %sub3A_592 = arith.constant 1 : i32
        %sub3A_593 = arith.subi %add3A_398, %sub3A_592 : i32
        %jit3A_594 = arith.constant 4 : i32
        %eq3A_595 = arith.constant 0 : i32
        %eq3A_596 = arith.cmpi eq, %jit3A_594, %eq3A_595 : i32
        %jit3A_597 = arith.constant 1 : i32
        %select_n3A_598 = arith.select %eq3A_596, %jit3A_597, %jit3A_594 : i32
        %rem3A_599 = arith.remsi %sub3A_593, %select_n3A_598 : i32
        %ne3A_600 = arith.constant 0 : i32
        %ne3A_601 = arith.cmpi ne, %rem3A_599, %ne3A_600 : i32
        %lt3A_602 = arith.constant 0 : i32
        %lt3A_603 = arith.cmpi slt, %rem3A_599, %lt3A_602 : i32
        %lt3A_604 = arith.constant 0 : i32
        %lt3A_605 = arith.cmpi slt, %select_n3A_598, %lt3A_604 : i32
        %ne3A_606 = arith.xori %lt3A_603, %lt3A_605 : i1
        %and3A_607 = arith.andi %ne3A_606, %ne3A_601 : i1
        %add3A_608 = arith.addi %rem3A_599, %select_n3A_598 : i32
        %select_n3A_609 = arith.select %and3A_607, %add3A_608, %rem3A_599 : i32
        %dma_wait3A_610 = arith.constant 0 : i32
        %dma_wait3A_611 = arith.constant 0 : i32
        %dma_wait3A_612 = tpu.memref_slice %arg9[%select_n3A_609, %dma_wait3A_610, %dma_wait3A_611] : memref<4x128x32xf32, #tpu.memory_space<vmem>> -> memref<1x128x32xf32, #tpu.memory_space<vmem>>
        %dma_wait3A_613 = tpu.memref_squeeze %dma_wait3A_612 : memref<1x128x32xf32, #tpu.memory_space<vmem>> -> memref<128x32xf32, #tpu.memory_space<vmem>>
        %dma_wait3A_614 = arith.constant 0 : i32
        %dma_wait3A_615 = tpu.memref_slice %arg8[%sub3A_591, %dma_wait3A_614] : memref<80x128xi32, #tpu.memory_space<vmem>> -> memref<1x128xi32, #tpu.memory_space<vmem>>
        %dma_wait3A_616 = tpu.memref_squeeze %dma_wait3A_615 : memref<1x128xi32, #tpu.memory_space<vmem>> -> memref<128xi32, #tpu.memory_space<vmem>>
        %dma_wait3A_617 = arith.constant 0 : i32
        %dma_wait3A_618 = arith.constant 0 : i32
        %dma_wait3A_619 = tpu.memref_slice %arg11[%dma_wait3A_617, %dma_wait3A_618] : memref<10240x32xf32, #tpu.memory_space<vmem_shared>> -> memref<10240x32xf32, #tpu.memory_space<vmem_shared>>
        %dma_wait3A_620 = tpu.memref_slice %arg13[%select_n3A_609] : memref<4x!tpu.dma_semaphore, #tpu.memory_space<semaphore_mem>> -> memref<1x!tpu.dma_semaphore, #tpu.memory_space<semaphore_mem>>
        %dma_wait3A_621 = tpu.memref_squeeze %dma_wait3A_620 : memref<1x!tpu.dma_semaphore, #tpu.memory_space<semaphore_mem>> -> memref<!tpu.dma_semaphore, #tpu.memory_space<semaphore_mem>>
        tpu.wait_indirect_dma semaphore(%dma_wait3A_621 : memref<!tpu.dma_semaphore, #tpu.memory_space<semaphore_mem>>) src(%dma_wait3A_613 : memref<128x32xf32, #tpu.memory_space<vmem>>) dst(%dma_wait3A_619 : memref<10240x32xf32, #tpu.memory_space<vmem_shared>>)
        %add3A_622 = arith.constant 4 : i32
        %add3A_623 = arith.addi %add3A_398, %add3A_622 : i32
        %sub3A_624 = arith.constant 1 : i32
        %sub3A_625 = arith.subi %add3A_623, %sub3A_624 : i32
        %sub3A_626 = arith.constant 1 : i32
        %sub3A_627 = arith.subi %add3A_398, %sub3A_626 : i32
        %jit3A_628 = arith.constant 4 : i32
        %eq3A_629 = arith.constant 0 : i32
        %eq3A_630 = arith.cmpi eq, %jit3A_628, %eq3A_629 : i32
        %jit3A_631 = arith.constant 1 : i32
        %select_n3A_632 = arith.select %eq3A_630, %jit3A_631, %jit3A_628 : i32
        %rem3A_633 = arith.remsi %sub3A_627, %select_n3A_632 : i32
        %ne3A_634 = arith.constant 0 : i32
        %ne3A_635 = arith.cmpi ne, %rem3A_633, %ne3A_634 : i32
        %lt3A_636 = arith.constant 0 : i32
        %lt3A_637 = arith.cmpi slt, %rem3A_633, %lt3A_636 : i32
        %lt3A_638 = arith.constant 0 : i32
        %lt3A_639 = arith.cmpi slt, %select_n3A_632, %lt3A_638 : i32
        %ne3A_640 = arith.xori %lt3A_637, %lt3A_639 : i1
        %and3A_641 = arith.andi %ne3A_640, %ne3A_635 : i1
        %add3A_642 = arith.addi %rem3A_633, %select_n3A_632 : i32
        %select_n3A_643 = arith.select %and3A_641, %add3A_642, %rem3A_633 : i32
        %mul3A_644 = arith.constant 128 : i32
        %mul3A_645 = arith.muli %sub3A_625, %mul3A_644 : i32
        %dma_start3A_646 = arith.constant 0 : i32
        %dma_start3A_647 = arith.constant 0 : i32
        %dma_start3A_648 = tpu.memref_slice %arg9[%select_n3A_643, %dma_start3A_646, %dma_start3A_647] : memref<4x128x32xf32, #tpu.memory_space<vmem>> -> memref<1x128x32xf32, #tpu.memory_space<vmem>>
        %dma_start3A_649 = tpu.memref_squeeze %dma_start3A_648 : memref<1x128x32xf32, #tpu.memory_space<vmem>> -> memref<128x32xf32, #tpu.memory_space<vmem>>
        %dma_start3A_650 = tpu.memref_slice %arg6[%mul3A_645] : memref<10240xi32, #tpu.memory_space<vmem>> -> memref<128xi32, #tpu.memory_space<vmem>>
        %dma_start3A_651 = arith.constant 0 : i32
        %dma_start3A_652 = arith.constant 0 : i32
        %dma_start3A_653 = tpu.memref_slice %arg10[%dma_start3A_651, %dma_start3A_652] : memref<10240x32xf32, #tpu.memory_space<vmem_shared>> -> memref<10240x32xf32, #tpu.memory_space<vmem_shared>>
        %dma_start3A_654 = tpu.memref_slice %arg12[%select_n3A_643] : memref<4x!tpu.dma_semaphore, #tpu.memory_space<semaphore_mem>> -> memref<1x!tpu.dma_semaphore, #tpu.memory_space<semaphore_mem>>
        %dma_start3A_655 = tpu.memref_squeeze %dma_start3A_654 : memref<1x!tpu.dma_semaphore, #tpu.memory_space<semaphore_mem>> -> memref<!tpu.dma_semaphore, #tpu.memory_space<semaphore_mem>>
        tpu.enqueue_indirect_dma source(%dma_start3A_653 : memref<10240x32xf32, #tpu.memory_space<vmem_shared>>) target(%dma_start3A_649 : memref<128x32xf32, #tpu.memory_space<vmem>>) offsets(%dma_start3A_650 : memref<128xi32, #tpu.memory_space<vmem>>) semaphore(%dma_start3A_655 : memref<!tpu.dma_semaphore, #tpu.memory_space<semaphore_mem>>)
      } else {
      }
      %mul3A_460 = arith.constant 4 : i32
      %mul3A_461 = arith.muli %scan3A_327, %mul3A_460 : i32
      %add3A_462 = arith.constant 2 : i32
      %add3A_463 = arith.addi %mul3A_461, %add3A_462 : i32
      %jit3A_464 = arith.constant 4 : i32
      %eq3A_465 = arith.constant 0 : i32
      %eq3A_466 = arith.cmpi eq, %jit3A_464, %eq3A_465 : i32
      %jit3A_467 = arith.constant 1 : i32
      %select_n3A_468 = arith.select %eq3A_466, %jit3A_467, %jit3A_464 : i32
      %rem3A_469 = arith.remsi %add3A_463, %select_n3A_468 : i32
      %ne3A_470 = arith.constant 0 : i32
      %ne3A_471 = arith.cmpi ne, %rem3A_469, %ne3A_470 : i32
      %lt3A_472 = arith.constant 0 : i32
      %lt3A_473 = arith.cmpi slt, %rem3A_469, %lt3A_472 : i32
      %lt3A_474 = arith.constant 0 : i32
      %lt3A_475 = arith.cmpi slt, %select_n3A_468, %lt3A_474 : i32
      %ne3A_476 = arith.xori %lt3A_473, %lt3A_475 : i1
      %and3A_477 = arith.andi %ne3A_476, %ne3A_471 : i1
      %add3A_478 = arith.addi %rem3A_469, %select_n3A_468 : i32
      %select_n3A_479 = arith.select %and3A_477, %add3A_478, %rem3A_469 : i32
      %mul3A_480 = arith.constant 128 : i32
      %mul3A_481 = arith.muli %add3A_463, %mul3A_480 : i32
      %dma_wait3A_482 = arith.constant 0 : i32
      %dma_wait3A_483 = arith.constant 0 : i32
      %dma_wait3A_484 = tpu.memref_slice %arg9[%select_n3A_479, %dma_wait3A_482, %dma_wait3A_483] : memref<4x128x32xf32, #tpu.memory_space<vmem>> -> memref<1x128x32xf32, #tpu.memory_space<vmem>>
      %dma_wait3A_485 = tpu.memref_squeeze %dma_wait3A_484 : memref<1x128x32xf32, #tpu.memory_space<vmem>> -> memref<128x32xf32, #tpu.memory_space<vmem>>
      %dma_wait3A_486 = tpu.memref_slice %arg6[%mul3A_481] : memref<10240xi32, #tpu.memory_space<vmem>> -> memref<128xi32, #tpu.memory_space<vmem>>
      %dma_wait3A_487 = arith.constant 0 : i32
      %dma_wait3A_488 = arith.constant 0 : i32
      %dma_wait3A_489 = tpu.memref_slice %arg10[%dma_wait3A_487, %dma_wait3A_488] : memref<10240x32xf32, #tpu.memory_space<vmem_shared>> -> memref<10240x32xf32, #tpu.memory_space<vmem_shared>>
      %dma_wait3A_490 = tpu.memref_slice %arg12[%select_n3A_479] : memref<4x!tpu.dma_semaphore, #tpu.memory_space<semaphore_mem>> -> memref<1x!tpu.dma_semaphore, #tpu.memory_space<semaphore_mem>>
      %dma_wait3A_491 = tpu.memref_squeeze %dma_wait3A_490 : memref<1x!tpu.dma_semaphore, #tpu.memory_space<semaphore_mem>> -> memref<!tpu.dma_semaphore, #tpu.memory_space<semaphore_mem>>
      tpu.wait_indirect_dma semaphore(%dma_wait3A_491 : memref<!tpu.dma_semaphore, #tpu.memory_space<semaphore_mem>>) src(%dma_wait3A_489 : memref<10240x32xf32, #tpu.memory_space<vmem_shared>>) dst(%dma_wait3A_485 : memref<128x32xf32, #tpu.memory_space<vmem>>)
      %jit3A_492 = arith.constant 4 : i32
      %eq3A_493 = arith.constant 0 : i32
      %eq3A_494 = arith.cmpi eq, %jit3A_492, %eq3A_493 : i32
      %jit3A_495 = arith.constant 1 : i32
      %select_n3A_496 = arith.select %eq3A_494, %jit3A_495, %jit3A_492 : i32
      %rem3A_497 = arith.remsi %add3A_463, %select_n3A_496 : i32
      %ne3A_498 = arith.constant 0 : i32
      %ne3A_499 = arith.cmpi ne, %rem3A_497, %ne3A_498 : i32
      %lt3A_500 = arith.constant 0 : i32
      %lt3A_501 = arith.cmpi slt, %rem3A_497, %lt3A_500 : i32
      %lt3A_502 = arith.constant 0 : i32
      %lt3A_503 = arith.cmpi slt, %select_n3A_496, %lt3A_502 : i32
      %ne3A_504 = arith.xori %lt3A_501, %lt3A_503 : i1
      %and3A_505 = arith.andi %ne3A_504, %ne3A_499 : i1
      %add3A_506 = arith.addi %rem3A_497, %select_n3A_496 : i32
      %select_n3A_507 = arith.select %and3A_505, %add3A_506, %rem3A_497 : i32
      %dma_start3A_508 = arith.constant 0 : i32
      %dma_start3A_509 = arith.constant 0 : i32
      %dma_start3A_510 = tpu.memref_slice %arg9[%select_n3A_507, %dma_start3A_508, %dma_start3A_509] : memref<4x128x32xf32, #tpu.memory_space<vmem>> -> memref<1x128x32xf32, #tpu.memory_space<vmem>>
      %dma_start3A_511 = tpu.memref_squeeze %dma_start3A_510 : memref<1x128x32xf32, #tpu.memory_space<vmem>> -> memref<128x32xf32, #tpu.memory_space<vmem>>
      %dma_start3A_512 = arith.constant 0 : i32
      %dma_start3A_513 = tpu.memref_slice %arg8[%add3A_463, %dma_start3A_512] : memref<80x128xi32, #tpu.memory_space<vmem>> -> memref<1x128xi32, #tpu.memory_space<vmem>>
      %dma_start3A_514 = tpu.memref_squeeze %dma_start3A_513 : memref<1x128xi32, #tpu.memory_space<vmem>> -> memref<128xi32, #tpu.memory_space<vmem>>
      %dma_start3A_515 = arith.constant 0 : i32
      %dma_start3A_516 = arith.constant 0 : i32
      %dma_start3A_517 = tpu.memref_slice %arg11[%dma_start3A_515, %dma_start3A_516] : memref<10240x32xf32, #tpu.memory_space<vmem_shared>> -> memref<10240x32xf32, #tpu.memory_space<vmem_shared>>
      %dma_start3A_518 = tpu.memref_slice %arg13[%select_n3A_507] : memref<4x!tpu.dma_semaphore, #tpu.memory_space<semaphore_mem>> -> memref<1x!tpu.dma_semaphore, #tpu.memory_space<semaphore_mem>>
      %dma_start3A_519 = tpu.memref_squeeze %dma_start3A_518 : memref<1x!tpu.dma_semaphore, #tpu.memory_space<semaphore_mem>> -> memref<!tpu.dma_semaphore, #tpu.memory_space<semaphore_mem>>
      tpu.enqueue_indirect_dma source(%dma_start3A_511 : memref<128x32xf32, #tpu.memory_space<vmem>>) target(%dma_start3A_517 : memref<10240x32xf32, #tpu.memory_space<vmem_shared>>) offsets(%dma_start3A_514 : memref<128xi32, #tpu.memory_space<vmem>>) semaphore(%dma_start3A_519 : memref<!tpu.dma_semaphore, #tpu.memory_space<semaphore_mem>>) {add = true}
      %lt3A_520 = arith.constant 19 : i32
      %lt3A_521 = arith.cmpi slt, %scan3A_327, %lt3A_520 : i32
      %convert_element_type3A_522 = arith.extui %lt3A_521 : i1 to i32
      %cond3A_523 = arith.constant 0 : i32
      %cond3A_524 = arith.cmpi ne, %convert_element_type3A_522, %cond3A_523 : i32
      scf.if %cond3A_524 {
        %sub3A_590 = arith.constant 1 : i32
        %sub3A_591 = arith.subi %add3A_463, %sub3A_590 : i32
        %sub3A_592 = arith.constant 1 : i32
        %sub3A_593 = arith.subi %add3A_463, %sub3A_592 : i32
        %jit3A_594 = arith.constant 4 : i32
        %eq3A_595 = arith.constant 0 : i32
        %eq3A_596 = arith.cmpi eq, %jit3A_594, %eq3A_595 : i32
        %jit3A_597 = arith.constant 1 : i32
        %select_n3A_598 = arith.select %eq3A_596, %jit3A_597, %jit3A_594 : i32
        %rem3A_599 = arith.remsi %sub3A_593, %select_n3A_598 : i32
        %ne3A_600 = arith.constant 0 : i32
        %ne3A_601 = arith.cmpi ne, %rem3A_599, %ne3A_600 : i32
        %lt3A_602 = arith.constant 0 : i32
        %lt3A_603 = arith.cmpi slt, %rem3A_599, %lt3A_602 : i32
        %lt3A_604 = arith.constant 0 : i32
        %lt3A_605 = arith.cmpi slt, %select_n3A_598, %lt3A_604 : i32
        %ne3A_606 = arith.xori %lt3A_603, %lt3A_605 : i1
        %and3A_607 = arith.andi %ne3A_606, %ne3A_601 : i1
        %add3A_608 = arith.addi %rem3A_599, %select_n3A_598 : i32
        %select_n3A_609 = arith.select %and3A_607, %add3A_608, %rem3A_599 : i32
        %dma_wait3A_610 = arith.constant 0 : i32
        %dma_wait3A_611 = arith.constant 0 : i32
        %dma_wait3A_612 = tpu.memref_slice %arg9[%select_n3A_609, %dma_wait3A_610, %dma_wait3A_611] : memref<4x128x32xf32, #tpu.memory_space<vmem>> -> memref<1x128x32xf32, #tpu.memory_space<vmem>>
        %dma_wait3A_613 = tpu.memref_squeeze %dma_wait3A_612 : memref<1x128x32xf32, #tpu.memory_space<vmem>> -> memref<128x32xf32, #tpu.memory_space<vmem>>
        %dma_wait3A_614 = arith.constant 0 : i32
        %dma_wait3A_615 = tpu.memref_slice %arg8[%sub3A_591, %dma_wait3A_614] : memref<80x128xi32, #tpu.memory_space<vmem>> -> memref<1x128xi32, #tpu.memory_space<vmem>>
        %dma_wait3A_616 = tpu.memref_squeeze %dma_wait3A_615 : memref<1x128xi32, #tpu.memory_space<vmem>> -> memref<128xi32, #tpu.memory_space<vmem>>
        %dma_wait3A_617 = arith.constant 0 : i32
        %dma_wait3A_618 = arith.constant 0 : i32
        %dma_wait3A_619 = tpu.memref_slice %arg11[%dma_wait3A_617, %dma_wait3A_618] : memref<10240x32xf32, #tpu.memory_space<vmem_shared>> -> memref<10240x32xf32, #tpu.memory_space<vmem_shared>>
        %dma_wait3A_620 = tpu.memref_slice %arg13[%select_n3A_609] : memref<4x!tpu.dma_semaphore, #tpu.memory_space<semaphore_mem>> -> memref<1x!tpu.dma_semaphore, #tpu.memory_space<semaphore_mem>>
        %dma_wait3A_621 = tpu.memref_squeeze %dma_wait3A_620 : memref<1x!tpu.dma_semaphore, #tpu.memory_space<semaphore_mem>> -> memref<!tpu.dma_semaphore, #tpu.memory_space<semaphore_mem>>
        tpu.wait_indirect_dma semaphore(%dma_wait3A_621 : memref<!tpu.dma_semaphore, #tpu.memory_space<semaphore_mem>>) src(%dma_wait3A_613 : memref<128x32xf32, #tpu.memory_space<vmem>>) dst(%dma_wait3A_619 : memref<10240x32xf32, #tpu.memory_space<vmem_shared>>)
        %add3A_622 = arith.constant 4 : i32
        %add3A_623 = arith.addi %add3A_463, %add3A_622 : i32
        %sub3A_624 = arith.constant 1 : i32
        %sub3A_625 = arith.subi %add3A_623, %sub3A_624 : i32
        %sub3A_626 = arith.constant 1 : i32
        %sub3A_627 = arith.subi %add3A_463, %sub3A_626 : i32
        %jit3A_628 = arith.constant 4 : i32
        %eq3A_629 = arith.constant 0 : i32
        %eq3A_630 = arith.cmpi eq, %jit3A_628, %eq3A_629 : i32
        %jit3A_631 = arith.constant 1 : i32
        %select_n3A_632 = arith.select %eq3A_630, %jit3A_631, %jit3A_628 : i32
        %rem3A_633 = arith.remsi %sub3A_627, %select_n3A_632 : i32
        %ne3A_634 = arith.constant 0 : i32
        %ne3A_635 = arith.cmpi ne, %rem3A_633, %ne3A_634 : i32
        %lt3A_636 = arith.constant 0 : i32
        %lt3A_637 = arith.cmpi slt, %rem3A_633, %lt3A_636 : i32
        %lt3A_638 = arith.constant 0 : i32
        %lt3A_639 = arith.cmpi slt, %select_n3A_632, %lt3A_638 : i32
        %ne3A_640 = arith.xori %lt3A_637, %lt3A_639 : i1
        %and3A_641 = arith.andi %ne3A_640, %ne3A_635 : i1
        %add3A_642 = arith.addi %rem3A_633, %select_n3A_632 : i32
        %select_n3A_643 = arith.select %and3A_641, %add3A_642, %rem3A_633 : i32
        %mul3A_644 = arith.constant 128 : i32
        %mul3A_645 = arith.muli %sub3A_625, %mul3A_644 : i32
        %dma_start3A_646 = arith.constant 0 : i32
        %dma_start3A_647 = arith.constant 0 : i32
        %dma_start3A_648 = tpu.memref_slice %arg9[%select_n3A_643, %dma_start3A_646, %dma_start3A_647] : memref<4x128x32xf32, #tpu.memory_space<vmem>> -> memref<1x128x32xf32, #tpu.memory_space<vmem>>
        %dma_start3A_649 = tpu.memref_squeeze %dma_start3A_648 : memref<1x128x32xf32, #tpu.memory_space<vmem>> -> memref<128x32xf32, #tpu.memory_space<vmem>>
        %dma_start3A_650 = tpu.memref_slice %arg6[%mul3A_645] : memref<10240xi32, #tpu.memory_space<vmem>> -> memref<128xi32, #tpu.memory_space<vmem>>
        %dma_start3A_651 = arith.constant 0 : i32
        %dma_start3A_652 = arith.constant 0 : i32
        %dma_start3A_653 = tpu.memref_slice %arg10[%dma_start3A_651, %dma_start3A_652] : memref<10240x32xf32, #tpu.memory_space<vmem_shared>> -> memref<10240x32xf32, #tpu.memory_space<vmem_shared>>
        %dma_start3A_654 = tpu.memref_slice %arg12[%select_n3A_643] : memref<4x!tpu.dma_semaphore, #tpu.memory_space<semaphore_mem>> -> memref<1x!tpu.dma_semaphore, #tpu.memory_space<semaphore_mem>>
        %dma_start3A_655 = tpu.memref_squeeze %dma_start3A_654 : memref<1x!tpu.dma_semaphore, #tpu.memory_space<semaphore_mem>> -> memref<!tpu.dma_semaphore, #tpu.memory_space<semaphore_mem>>
        tpu.enqueue_indirect_dma source(%dma_start3A_653 : memref<10240x32xf32, #tpu.memory_space<vmem_shared>>) target(%dma_start3A_649 : memref<128x32xf32, #tpu.memory_space<vmem>>) offsets(%dma_start3A_650 : memref<128xi32, #tpu.memory_space<vmem>>) semaphore(%dma_start3A_655 : memref<!tpu.dma_semaphore, #tpu.memory_space<semaphore_mem>>)
      } else {
      }
      %mul3A_525 = arith.constant 4 : i32
      %mul3A_526 = arith.muli %scan3A_327, %mul3A_525 : i32
      %add3A_527 = arith.constant 3 : i32
      %add3A_528 = arith.addi %mul3A_526, %add3A_527 : i32
      %jit3A_529 = arith.constant 4 : i32
      %eq3A_530 = arith.constant 0 : i32
      %eq3A_531 = arith.cmpi eq, %jit3A_529, %eq3A_530 : i32
      %jit3A_532 = arith.constant 1 : i32
      %select_n3A_533 = arith.select %eq3A_531, %jit3A_532, %jit3A_529 : i32
      %rem3A_534 = arith.remsi %add3A_528, %select_n3A_533 : i32
      %ne3A_535 = arith.constant 0 : i32
      %ne3A_536 = arith.cmpi ne, %rem3A_534, %ne3A_535 : i32
      %lt3A_537 = arith.constant 0 : i32
      %lt3A_538 = arith.cmpi slt, %rem3A_534, %lt3A_537 : i32
      %lt3A_539 = arith.constant 0 : i32
      %lt3A_540 = arith.cmpi slt, %select_n3A_533, %lt3A_539 : i32
      %ne3A_541 = arith.xori %lt3A_538, %lt3A_540 : i1
      %and3A_542 = arith.andi %ne3A_541, %ne3A_536 : i1
      %add3A_543 = arith.addi %rem3A_534, %select_n3A_533 : i32
      %select_n3A_544 = arith.select %and3A_542, %add3A_543, %rem3A_534 : i32
      %mul3A_545 = arith.constant 128 : i32
      %mul3A_546 = arith.muli %add3A_528, %mul3A_545 : i32
      %dma_wait3A_547 = arith.constant 0 : i32
      %dma_wait3A_548 = arith.constant 0 : i32
      %dma_wait3A_549 = tpu.memref_slice %arg9[%select_n3A_544, %dma_wait3A_547, %dma_wait3A_548] : memref<4x128x32xf32, #tpu.memory_space<vmem>> -> memref<1x128x32xf32, #tpu.memory_space<vmem>>
      %dma_wait3A_550 = tpu.memref_squeeze %dma_wait3A_549 : memref<1x128x32xf32, #tpu.memory_space<vmem>> -> memref<128x32xf32, #tpu.memory_space<vmem>>
      %dma_wait3A_551 = tpu.memref_slice %arg6[%mul3A_546] : memref<10240xi32, #tpu.memory_space<vmem>> -> memref<128xi32, #tpu.memory_space<vmem>>
      %dma_wait3A_552 = arith.constant 0 : i32
      %dma_wait3A_553 = arith.constant 0 : i32
      %dma_wait3A_554 = tpu.memref_slice %arg10[%dma_wait3A_552, %dma_wait3A_553] : memref<10240x32xf32, #tpu.memory_space<vmem_shared>> -> memref<10240x32xf32, #tpu.memory_space<vmem_shared>>
      %dma_wait3A_555 = tpu.memref_slice %arg12[%select_n3A_544] : memref<4x!tpu.dma_semaphore, #tpu.memory_space<semaphore_mem>> -> memref<1x!tpu.dma_semaphore, #tpu.memory_space<semaphore_mem>>
      %dma_wait3A_556 = tpu.memref_squeeze %dma_wait3A_555 : memref<1x!tpu.dma_semaphore, #tpu.memory_space<semaphore_mem>> -> memref<!tpu.dma_semaphore, #tpu.memory_space<semaphore_mem>>
      tpu.wait_indirect_dma semaphore(%dma_wait3A_556 : memref<!tpu.dma_semaphore, #tpu.memory_space<semaphore_mem>>) src(%dma_wait3A_554 : memref<10240x32xf32, #tpu.memory_space<vmem_shared>>) dst(%dma_wait3A_550 : memref<128x32xf32, #tpu.memory_space<vmem>>)
      %jit3A_557 = arith.constant 4 : i32
      %eq3A_558 = arith.constant 0 : i32
      %eq3A_559 = arith.cmpi eq, %jit3A_557, %eq3A_558 : i32
      %jit3A_560 = arith.constant 1 : i32
      %select_n3A_561 = arith.select %eq3A_559, %jit3A_560, %jit3A_557 : i32
      %rem3A_562 = arith.remsi %add3A_528, %select_n3A_561 : i32
      %ne3A_563 = arith.constant 0 : i32
      %ne3A_564 = arith.cmpi ne, %rem3A_562, %ne3A_563 : i32
      %lt3A_565 = arith.constant 0 : i32
      %lt3A_566 = arith.cmpi slt, %rem3A_562, %lt3A_565 : i32
      %lt3A_567 = arith.constant 0 : i32
      %lt3A_568 = arith.cmpi slt, %select_n3A_561, %lt3A_567 : i32
      %ne3A_569 = arith.xori %lt3A_566, %lt3A_568 : i1
      %and3A_570 = arith.andi %ne3A_569, %ne3A_564 : i1
      %add3A_571 = arith.addi %rem3A_562, %select_n3A_561 : i32
      %select_n3A_572 = arith.select %and3A_570, %add3A_571, %rem3A_562 : i32
      %dma_start3A_573 = arith.constant 0 : i32
      %dma_start3A_574 = arith.constant 0 : i32
      %dma_start3A_575 = tpu.memref_slice %arg9[%select_n3A_572, %dma_start3A_573, %dma_start3A_574] : memref<4x128x32xf32, #tpu.memory_space<vmem>> -> memref<1x128x32xf32, #tpu.memory_space<vmem>>
      %dma_start3A_576 = tpu.memref_squeeze %dma_start3A_575 : memref<1x128x32xf32, #tpu.memory_space<vmem>> -> memref<128x32xf32, #tpu.memory_space<vmem>>
      %dma_start3A_577 = arith.constant 0 : i32
      %dma_start3A_578 = tpu.memref_slice %arg8[%add3A_528, %dma_start3A_577] : memref<80x128xi32, #tpu.memory_space<vmem>> -> memref<1x128xi32, #tpu.memory_space<vmem>>
      %dma_start3A_579 = tpu.memref_squeeze %dma_start3A_578 : memref<1x128xi32, #tpu.memory_space<vmem>> -> memref<128xi32, #tpu.memory_space<vmem>>
      %dma_start3A_580 = arith.constant 0 : i32
      %dma_start3A_581 = arith.constant 0 : i32
      %dma_start3A_582 = tpu.memref_slice %arg11[%dma_start3A_580, %dma_start3A_581] : memref<10240x32xf32, #tpu.memory_space<vmem_shared>> -> memref<10240x32xf32, #tpu.memory_space<vmem_shared>>
      %dma_start3A_583 = tpu.memref_slice %arg13[%select_n3A_572] : memref<4x!tpu.dma_semaphore, #tpu.memory_space<semaphore_mem>> -> memref<1x!tpu.dma_semaphore, #tpu.memory_space<semaphore_mem>>
      %dma_start3A_584 = tpu.memref_squeeze %dma_start3A_583 : memref<1x!tpu.dma_semaphore, #tpu.memory_space<semaphore_mem>> -> memref<!tpu.dma_semaphore, #tpu.memory_space<semaphore_mem>>
      tpu.enqueue_indirect_dma source(%dma_start3A_576 : memref<128x32xf32, #tpu.memory_space<vmem>>) target(%dma_start3A_582 : memref<10240x32xf32, #tpu.memory_space<vmem_shared>>) offsets(%dma_start3A_579 : memref<128xi32, #tpu.memory_space<vmem>>) semaphore(%dma_start3A_584 : memref<!tpu.dma_semaphore, #tpu.memory_space<semaphore_mem>>) {add = true}
      %lt3A_585 = arith.constant 19 : i32
      %lt3A_586 = arith.cmpi slt, %scan3A_327, %lt3A_585 : i32
      %convert_element_type3A_587 = arith.extui %lt3A_586 : i1 to i32
      %cond3A_588 = arith.constant 0 : i32
      %cond3A_589 = arith.cmpi ne, %convert_element_type3A_587, %cond3A_588 : i32
      scf.if %cond3A_589 {
        %sub3A_590 = arith.constant 1 : i32
        %sub3A_591 = arith.subi %add3A_528, %sub3A_590 : i32
        %sub3A_592 = arith.constant 1 : i32
        %sub3A_593 = arith.subi %add3A_528, %sub3A_592 : i32
        %jit3A_594 = arith.constant 4 : i32
        %eq3A_595 = arith.constant 0 : i32
        %eq3A_596 = arith.cmpi eq, %jit3A_594, %eq3A_595 : i32
        %jit3A_597 = arith.constant 1 : i32
        %select_n3A_598 = arith.select %eq3A_596, %jit3A_597, %jit3A_594 : i32
        %rem3A_599 = arith.remsi %sub3A_593, %select_n3A_598 : i32
        %ne3A_600 = arith.constant 0 : i32
        %ne3A_601 = arith.cmpi ne, %rem3A_599, %ne3A_600 : i32
        %lt3A_602 = arith.constant 0 : i32
        %lt3A_603 = arith.cmpi slt, %rem3A_599, %lt3A_602 : i32
        %lt3A_604 = arith.constant 0 : i32
        %lt3A_605 = arith.cmpi slt, %select_n3A_598, %lt3A_604 : i32
        %ne3A_606 = arith.xori %lt3A_603, %lt3A_605 : i1
        %and3A_607 = arith.andi %ne3A_606, %ne3A_601 : i1
        %add3A_608 = arith.addi %rem3A_599, %select_n3A_598 : i32
        %select_n3A_609 = arith.select %and3A_607, %add3A_608, %rem3A_599 : i32
        %dma_wait3A_610 = arith.constant 0 : i32
        %dma_wait3A_611 = arith.constant 0 : i32
        %dma_wait3A_612 = tpu.memref_slice %arg9[%select_n3A_609, %dma_wait3A_610, %dma_wait3A_611] : memref<4x128x32xf32, #tpu.memory_space<vmem>> -> memref<1x128x32xf32, #tpu.memory_space<vmem>>
        %dma_wait3A_613 = tpu.memref_squeeze %dma_wait3A_612 : memref<1x128x32xf32, #tpu.memory_space<vmem>> -> memref<128x32xf32, #tpu.memory_space<vmem>>
        %dma_wait3A_614 = arith.constant 0 : i32
        %dma_wait3A_615 = tpu.memref_slice %arg8[%sub3A_591, %dma_wait3A_614] : memref<80x128xi32, #tpu.memory_space<vmem>> -> memref<1x128xi32, #tpu.memory_space<vmem>>
        %dma_wait3A_616 = tpu.memref_squeeze %dma_wait3A_615 : memref<1x128xi32, #tpu.memory_space<vmem>> -> memref<128xi32, #tpu.memory_space<vmem>>
        %dma_wait3A_617 = arith.constant 0 : i32
        %dma_wait3A_618 = arith.constant 0 : i32
        %dma_wait3A_619 = tpu.memref_slice %arg11[%dma_wait3A_617, %dma_wait3A_618] : memref<10240x32xf32, #tpu.memory_space<vmem_shared>> -> memref<10240x32xf32, #tpu.memory_space<vmem_shared>>
        %dma_wait3A_620 = tpu.memref_slice %arg13[%select_n3A_609] : memref<4x!tpu.dma_semaphore, #tpu.memory_space<semaphore_mem>> -> memref<1x!tpu.dma_semaphore, #tpu.memory_space<semaphore_mem>>
        %dma_wait3A_621 = tpu.memref_squeeze %dma_wait3A_620 : memref<1x!tpu.dma_semaphore, #tpu.memory_space<semaphore_mem>> -> memref<!tpu.dma_semaphore, #tpu.memory_space<semaphore_mem>>
        tpu.wait_indirect_dma semaphore(%dma_wait3A_621 : memref<!tpu.dma_semaphore, #tpu.memory_space<semaphore_mem>>) src(%dma_wait3A_613 : memref<128x32xf32, #tpu.memory_space<vmem>>) dst(%dma_wait3A_619 : memref<10240x32xf32, #tpu.memory_space<vmem_shared>>)
        %add3A_622 = arith.constant 4 : i32
        %add3A_623 = arith.addi %add3A_528, %add3A_622 : i32
        %sub3A_624 = arith.constant 1 : i32
        %sub3A_625 = arith.subi %add3A_623, %sub3A_624 : i32
        %sub3A_626 = arith.constant 1 : i32
        %sub3A_627 = arith.subi %add3A_528, %sub3A_626 : i32
        %jit3A_628 = arith.constant 4 : i32
        %eq3A_629 = arith.constant 0 : i32
        %eq3A_630 = arith.cmpi eq, %jit3A_628, %eq3A_629 : i32
        %jit3A_631 = arith.constant 1 : i32
        %select_n3A_632 = arith.select %eq3A_630, %jit3A_631, %jit3A_628 : i32
        %rem3A_633 = arith.remsi %sub3A_627, %select_n3A_632 : i32
        %ne3A_634 = arith.constant 0 : i32
        %ne3A_635 = arith.cmpi ne, %rem3A_633, %ne3A_634 : i32
        %lt3A_636 = arith.constant 0 : i32
        %lt3A_637 = arith.cmpi slt, %rem3A_633, %lt3A_636 : i32
        %lt3A_638 = arith.constant 0 : i32
        %lt3A_639 = arith.cmpi slt, %select_n3A_632, %lt3A_638 : i32
        %ne3A_640 = arith.xori %lt3A_637, %lt3A_639 : i1
        %and3A_641 = arith.andi %ne3A_640, %ne3A_635 : i1
        %add3A_642 = arith.addi %rem3A_633, %select_n3A_632 : i32
        %select_n3A_643 = arith.select %and3A_641, %add3A_642, %rem3A_633 : i32
        %mul3A_644 = arith.constant 128 : i32
        %mul3A_645 = arith.muli %sub3A_625, %mul3A_644 : i32
        %dma_start3A_646 = arith.constant 0 : i32
        %dma_start3A_647 = arith.constant 0 : i32
        %dma_start3A_648 = tpu.memref_slice %arg9[%select_n3A_643, %dma_start3A_646, %dma_start3A_647] : memref<4x128x32xf32, #tpu.memory_space<vmem>> -> memref<1x128x32xf32, #tpu.memory_space<vmem>>
        %dma_start3A_649 = tpu.memref_squeeze %dma_start3A_648 : memref<1x128x32xf32, #tpu.memory_space<vmem>> -> memref<128x32xf32, #tpu.memory_space<vmem>>
        %dma_start3A_650 = tpu.memref_slice %arg6[%mul3A_645] : memref<10240xi32, #tpu.memory_space<vmem>> -> memref<128xi32, #tpu.memory_space<vmem>>
        %dma_start3A_651 = arith.constant 0 : i32
        %dma_start3A_652 = arith.constant 0 : i32
        %dma_start3A_653 = tpu.memref_slice %arg10[%dma_start3A_651, %dma_start3A_652] : memref<10240x32xf32, #tpu.memory_space<vmem_shared>> -> memref<10240x32xf32, #tpu.memory_space<vmem_shared>>
        %dma_start3A_654 = tpu.memref_slice %arg12[%select_n3A_643] : memref<4x!tpu.dma_semaphore, #tpu.memory_space<semaphore_mem>> -> memref<1x!tpu.dma_semaphore, #tpu.memory_space<semaphore_mem>>
        %dma_start3A_655 = tpu.memref_squeeze %dma_start3A_654 : memref<1x!tpu.dma_semaphore, #tpu.memory_space<semaphore_mem>> -> memref<!tpu.dma_semaphore, #tpu.memory_space<semaphore_mem>>
        tpu.enqueue_indirect_dma source(%dma_start3A_653 : memref<10240x32xf32, #tpu.memory_space<vmem_shared>>) target(%dma_start3A_649 : memref<128x32xf32, #tpu.memory_space<vmem>>) offsets(%dma_start3A_650 : memref<128xi32, #tpu.memory_space<vmem>>) semaphore(%dma_start3A_655 : memref<!tpu.dma_semaphore, #tpu.memory_space<semaphore_mem>>)
      } else {
      }
    }
    %scan3A_257 = arith.constant 20 : i32
    %dma_wait3A = arith.constant 0 : i32
    %dma_wait3A_258 = arith.constant 76 : i32
    %dma_wait3A_259 = arith.constant 0 : i32
    %dma_wait3A_260 = arith.constant 0 : i32
    %dma_wait3A_261 = arith.constant 0 : i32
    %dma_wait3A_262 = tpu.memref_slice %arg9[%dma_wait3A, %dma_wait3A_260, %dma_wait3A_261] : memref<4x128x32xf32, #tpu.memory_space<vmem>> -> memref<1x128x32xf32, #tpu.memory_space<vmem>>
    %dma_wait3A_263 = tpu.memref_squeeze %dma_wait3A_262 : memref<1x128x32xf32, #tpu.memory_space<vmem>> -> memref<128x32xf32, #tpu.memory_space<vmem>>
    %dma_wait3A_264 = arith.constant 0 : i32
    %dma_wait3A_265 = tpu.memref_slice %arg8[%dma_wait3A_258, %dma_wait3A_264] : memref<80x128xi32, #tpu.memory_space<vmem>> -> memref<1x128xi32, #tpu.memory_space<vmem>>
    %dma_wait3A_266 = tpu.memref_squeeze %dma_wait3A_265 : memref<1x128xi32, #tpu.memory_space<vmem>> -> memref<128xi32, #tpu.memory_space<vmem>>
    %dma_wait3A_267 = arith.constant 0 : i32
    %dma_wait3A_268 = arith.constant 0 : i32
    %dma_wait3A_269 = tpu.memref_slice %arg11[%dma_wait3A_267, %dma_wait3A_268] : memref<10240x32xf32, #tpu.memory_space<vmem_shared>> -> memref<10240x32xf32, #tpu.memory_space<vmem_shared>>
    %dma_wait3A_270 = tpu.memref_slice %arg13[%dma_wait3A_259] : memref<4x!tpu.dma_semaphore, #tpu.memory_space<semaphore_mem>> -> memref<1x!tpu.dma_semaphore, #tpu.memory_space<semaphore_mem>>
    %dma_wait3A_271 = tpu.memref_squeeze %dma_wait3A_270 : memref<1x!tpu.dma_semaphore, #tpu.memory_space<semaphore_mem>> -> memref<!tpu.dma_semaphore, #tpu.memory_space<semaphore_mem>>
    tpu.wait_indirect_dma semaphore(%dma_wait3A_271 : memref<!tpu.dma_semaphore, #tpu.memory_space<semaphore_mem>>) src(%dma_wait3A_263 : memref<128x32xf32, #tpu.memory_space<vmem>>) dst(%dma_wait3A_269 : memref<10240x32xf32, #tpu.memory_space<vmem_shared>>)
    %dma_wait3A_272 = arith.constant 1 : i32
    %dma_wait3A_273 = arith.constant 77 : i32
    %dma_wait3A_274 = arith.constant 1 : i32
    %dma_wait3A_275 = arith.constant 0 : i32
    %dma_wait3A_276 = arith.constant 0 : i32
    %dma_wait3A_277 = tpu.memref_slice %arg9[%dma_wait3A_272, %dma_wait3A_275, %dma_wait3A_276] : memref<4x128x32xf32, #tpu.memory_space<vmem>> -> memref<1x128x32xf32, #tpu.memory_space<vmem>>
    %dma_wait3A_278 = tpu.memref_squeeze %dma_wait3A_277 : memref<1x128x32xf32, #tpu.memory_space<vmem>> -> memref<128x32xf32, #tpu.memory_space<vmem>>
    %dma_wait3A_279 = arith.constant 0 : i32
    %dma_wait3A_280 = tpu.memref_slice %arg8[%dma_wait3A_273, %dma_wait3A_279] : memref<80x128xi32, #tpu.memory_space<vmem>> -> memref<1x128xi32, #tpu.memory_space<vmem>>
    %dma_wait3A_281 = tpu.memref_squeeze %dma_wait3A_280 : memref<1x128xi32, #tpu.memory_space<vmem>> -> memref<128xi32, #tpu.memory_space<vmem>>
    %dma_wait3A_282 = arith.constant 0 : i32
    %dma_wait3A_283 = arith.constant 0 : i32
    %dma_wait3A_284 = tpu.memref_slice %arg11[%dma_wait3A_282, %dma_wait3A_283] : memref<10240x32xf32, #tpu.memory_space<vmem_shared>> -> memref<10240x32xf32, #tpu.memory_space<vmem_shared>>
    %dma_wait3A_285 = tpu.memref_slice %arg13[%dma_wait3A_274] : memref<4x!tpu.dma_semaphore, #tpu.memory_space<semaphore_mem>> -> memref<1x!tpu.dma_semaphore, #tpu.memory_space<semaphore_mem>>
    %dma_wait3A_286 = tpu.memref_squeeze %dma_wait3A_285 : memref<1x!tpu.dma_semaphore, #tpu.memory_space<semaphore_mem>> -> memref<!tpu.dma_semaphore, #tpu.memory_space<semaphore_mem>>
    tpu.wait_indirect_dma semaphore(%dma_wait3A_286 : memref<!tpu.dma_semaphore, #tpu.memory_space<semaphore_mem>>) src(%dma_wait3A_278 : memref<128x32xf32, #tpu.memory_space<vmem>>) dst(%dma_wait3A_284 : memref<10240x32xf32, #tpu.memory_space<vmem_shared>>)
    %dma_wait3A_287 = arith.constant 2 : i32
    %dma_wait3A_288 = arith.constant 78 : i32
    %dma_wait3A_289 = arith.constant 2 : i32
    %dma_wait3A_290 = arith.constant 0 : i32
    %dma_wait3A_291 = arith.constant 0 : i32
    %dma_wait3A_292 = tpu.memref_slice %arg9[%dma_wait3A_287, %dma_wait3A_290, %dma_wait3A_291] : memref<4x128x32xf32, #tpu.memory_space<vmem>> -> memref<1x128x32xf32, #tpu.memory_space<vmem>>
    %dma_wait3A_293 = tpu.memref_squeeze %dma_wait3A_292 : memref<1x128x32xf32, #tpu.memory_space<vmem>> -> memref<128x32xf32, #tpu.memory_space<vmem>>
    %dma_wait3A_294 = arith.constant 0 : i32
    %dma_wait3A_295 = tpu.memref_slice %arg8[%dma_wait3A_288, %dma_wait3A_294] : memref<80x128xi32, #tpu.memory_space<vmem>> -> memref<1x128xi32, #tpu.memory_space<vmem>>
    %dma_wait3A_296 = tpu.memref_squeeze %dma_wait3A_295 : memref<1x128xi32, #tpu.memory_space<vmem>> -> memref<128xi32, #tpu.memory_space<vmem>>
    %dma_wait3A_297 = arith.constant 0 : i32
    %dma_wait3A_298 = arith.constant 0 : i32
    %dma_wait3A_299 = tpu.memref_slice %arg11[%dma_wait3A_297, %dma_wait3A_298] : memref<10240x32xf32, #tpu.memory_space<vmem_shared>> -> memref<10240x32xf32, #tpu.memory_space<vmem_shared>>
    %dma_wait3A_300 = tpu.memref_slice %arg13[%dma_wait3A_289] : memref<4x!tpu.dma_semaphore, #tpu.memory_space<semaphore_mem>> -> memref<1x!tpu.dma_semaphore, #tpu.memory_space<semaphore_mem>>
    %dma_wait3A_301 = tpu.memref_squeeze %dma_wait3A_300 : memref<1x!tpu.dma_semaphore, #tpu.memory_space<semaphore_mem>> -> memref<!tpu.dma_semaphore, #tpu.memory_space<semaphore_mem>>
    tpu.wait_indirect_dma semaphore(%dma_wait3A_301 : memref<!tpu.dma_semaphore, #tpu.memory_space<semaphore_mem>>) src(%dma_wait3A_293 : memref<128x32xf32, #tpu.memory_space<vmem>>) dst(%dma_wait3A_299 : memref<10240x32xf32, #tpu.memory_space<vmem_shared>>)
    %dma_wait3A_302 = arith.constant 3 : i32
    %dma_wait3A_303 = arith.constant 79 : i32
    %dma_wait3A_304 = arith.constant 3 : i32
    %dma_wait3A_305 = arith.constant 0 : i32
    %dma_wait3A_306 = arith.constant 0 : i32
    %dma_wait3A_307 = tpu.memref_slice %arg9[%dma_wait3A_302, %dma_wait3A_305, %dma_wait3A_306] : memref<4x128x32xf32, #tpu.memory_space<vmem>> -> memref<1x128x32xf32, #tpu.memory_space<vmem>>
    %dma_wait3A_308 = tpu.memref_squeeze %dma_wait3A_307 : memref<1x128x32xf32, #tpu.memory_space<vmem>> -> memref<128x32xf32, #tpu.memory_space<vmem>>
    %dma_wait3A_309 = arith.constant 0 : i32
    %dma_wait3A_310 = tpu.memref_slice %arg8[%dma_wait3A_303, %dma_wait3A_309] : memref<80x128xi32, #tpu.memory_space<vmem>> -> memref<1x128xi32, #tpu.memory_space<vmem>>
    %dma_wait3A_311 = tpu.memref_squeeze %dma_wait3A_310 : memref<1x128xi32, #tpu.memory_space<vmem>> -> memref<128xi32, #tpu.memory_space<vmem>>
    %dma_wait3A_312 = arith.constant 0 : i32
    %dma_wait3A_313 = arith.constant 0 : i32
    %dma_wait3A_314 = tpu.memref_slice %arg11[%dma_wait3A_312, %dma_wait3A_313] : memref<10240x32xf32, #tpu.memory_space<vmem_shared>> -> memref<10240x32xf32, #tpu.memory_space<vmem_shared>>
    %dma_wait3A_315 = tpu.memref_slice %arg13[%dma_wait3A_304] : memref<4x!tpu.dma_semaphore, #tpu.memory_space<semaphore_mem>> -> memref<1x!tpu.dma_semaphore, #tpu.memory_space<semaphore_mem>>
    %dma_wait3A_316 = tpu.memref_squeeze %dma_wait3A_315 : memref<1x!tpu.dma_semaphore, #tpu.memory_space<semaphore_mem>> -> memref<!tpu.dma_semaphore, #tpu.memory_space<semaphore_mem>>
    tpu.wait_indirect_dma semaphore(%dma_wait3A_316 : memref<!tpu.dma_semaphore, #tpu.memory_space<semaphore_mem>>) src(%dma_wait3A_308 : memref<128x32xf32, #tpu.memory_space<vmem>>) dst(%dma_wait3A_314 : memref<10240x32xf32, #tpu.memory_space<vmem_shared>>)
    %barrier3A_317 = arith.constant 0 : index
    tpu.barrier barrier_id(%barrier3A_317)
    %mul3A_318 = arith.constant 2560 : i32
    %mul3A_319 = arith.muli %select_n3A, %mul3A_318 : i32
    %mul3A_320 = arith.constant 640 : i32
    %mul3A_321 = arith.muli %select_n3A_35, %mul3A_320 : i32
    %add3A_322 = arith.addi %mul3A_319, %mul3A_321 : i32
    %mul3A_323 = arith.constant 640 : i32
    %mul3A_324 = arith.muli %select_n3A_35, %mul3A_323 : i32
    %mul3A_325 = arith.constant 32 : i32
    %mul3A_326 = arith.muli %select_n3A, %mul3A_325 : i32
    "tpu.region"() ({
      %run_scoped3A_327 = tpu.sem_alloc : memref<!tpu.dma_semaphore, #tpu.memory_space<semaphore_mem>>
      %dma_start3A_328 = tpu.memref_slice %arg5[%arg0, %mul3A_324, %mul3A_326] : memref<2x2560x128xf32, #tpu.memory_space<hbm>> -> memref<1x640x32xf32, #tpu.memory_space<hbm>>
      %dma_start3A_329 = tpu.memref_squeeze %dma_start3A_328 : memref<1x640x32xf32, #tpu.memory_space<hbm>> -> memref<640x32xf32, #tpu.memory_space<hbm>>
      %dma_start3A_330 = arith.constant 0 : i32
      %dma_start3A_331 = tpu.memref_slice %arg11[%add3A_322, %dma_start3A_330] : memref<10240x32xf32, #tpu.memory_space<vmem_shared>> -> memref<640x32xf32, #tpu.memory_space<vmem_shared>>
      tpu.enqueue_dma source(%dma_start3A_331 : memref<640x32xf32, #tpu.memory_space<vmem_shared>>) target(%dma_start3A_329 : memref<640x32xf32, #tpu.memory_space<hbm>>) target_semaphore(%run_scoped3A_327 : memref<!tpu.dma_semaphore, #tpu.memory_space<semaphore_mem>>)
      %dma_wait3A_332 = tpu.memref_slice %arg5[%arg0, %mul3A_324, %mul3A_326] : memref<2x2560x128xf32, #tpu.memory_space<hbm>> -> memref<1x640x32xf32, #tpu.memory_space<hbm>>
      %dma_wait3A_333 = tpu.memref_squeeze %dma_wait3A_332 : memref<1x640x32xf32, #tpu.memory_space<hbm>> -> memref<640x32xf32, #tpu.memory_space<hbm>>
      %dma_wait3A_334 = arith.constant 0 : i32
      %dma_wait3A_335 = tpu.memref_slice %arg11[%add3A_322, %dma_wait3A_334] : memref<10240x32xf32, #tpu.memory_space<vmem_shared>> -> memref<640x32xf32, #tpu.memory_space<vmem_shared>>
      tpu.wait_dma2 semaphore(%run_scoped3A_327 : memref<!tpu.dma_semaphore, #tpu.memory_space<semaphore_mem>>) src(%dma_wait3A_335 : memref<640x32xf32, #tpu.memory_space<vmem_shared>>) dst(%dma_wait3A_333 : memref<640x32xf32, #tpu.memory_space<hbm>>)
      tpu.yield
    }) : () -> ()
    return
  }
}

#map = affine_map<(d0, d1) -> (0, 0)>
#map1 = affine_map<(d0, d1) -> (0, 0, 0)>
module attributes {stable_mosaic.version = 14 : i64} {
  func.func @_sc_agg_body(%arg0: i32, %arg1: i32, %arg2: memref<2x320000xi32, #tpu.memory_space<hbm>>, %arg3: memref<2560x128xf32, #tpu.memory_space<hbm>>, %arg4: memref<10240x32xf32, #tpu.memory_space<hbm>>, %arg5: memref<2x2560x128xf32, #tpu.memory_space<hbm>>, %arg6: memref<10240xi32, #tpu.memory_space<vmem>>, %arg7: memref<10000xi32, #tpu.memory_space<vmem>>, %arg8: memref<80x128xi32, #tpu.memory_space<vmem>>, %arg9: memref<4x128x32xf32, #tpu.memory_space<vmem>>, %arg10: memref<10240x32xf32, #tpu.memory_space<vmem_shared>>, %arg11: memref<10240x32xf32, #tpu.memory_space<vmem_shared>>, %arg12: memref<4x!tpu.dma_semaphore, #tpu.memory_space<semaphore_mem>>, %arg13: memref<4x!tpu.dma_semaphore, #tpu.memory_space<semaphore_mem>>) attributes {dimension_semantics = [#tpu.dimension_semantics<core_parallel>, #tpu.dimension_semantics<subcore_parallel>], iteration_bounds = array<i64: 2, 16>, scalar_prefetch = 0 : i64, scratch_operands = 8 : i64, tpu.core_type = #tpu.core_type<sc_vector_subcore>, window_params = [{transform_indices = #map}, {transform_indices = #map}, {transform_indices = #map}, {transform_indices = #map1}]} {
    %mul3A = arith.constant 16 : i32
    %mul3A_0 = arith.muli %arg0, %mul3A : i32
    %add3A = arith.addi %mul3A_0, %arg1 : i32
    %mul3A_1 = arith.constant 10000 : i32
    %mul3A_2 = arith.muli %add3A, %mul3A_1 : i32
    %run_scoped3A = arith.constant 0 : i32
    "tpu.region"() ({
      %run_scoped3A_327 = tpu.sem_alloc : memref<!tpu.dma_semaphore, #tpu.memory_space<semaphore_mem>>
      %dma_start3A_328 = arith.constant 0 : i32
      %dma_start3A_329 = tpu.memref_slice %arg6[%dma_start3A_328] : memref<10240xi32, #tpu.memory_space<vmem>> -> memref<10000xi32, #tpu.memory_space<vmem>>
      %dma_start3A_330 = tpu.memref_slice %arg2[%run_scoped3A, %mul3A_2] : memref<2x320000xi32, #tpu.memory_space<hbm>> -> memref<1x10000xi32, #tpu.memory_space<hbm>>
      %dma_start3A_331 = tpu.memref_squeeze %dma_start3A_330 : memref<1x10000xi32, #tpu.memory_space<hbm>> -> memref<10000xi32, #tpu.memory_space<hbm>>
      %dma_start3A_332 = arith.constant 0 : i32
      %dma_start3A_333 = tpu.memref_slice %arg6[%dma_start3A_332] : memref<10240xi32, #tpu.memory_space<vmem>> -> memref<10000xi32, #tpu.memory_space<vmem>>
      %dma_start3A_334 = tpu.memref_slice %arg2[%run_scoped3A, %mul3A_2] : memref<2x320000xi32, #tpu.memory_space<hbm>> -> memref<1x10000xi32, #tpu.memory_space<hbm>>
      %dma_start3A_335 = tpu.memref_squeeze %dma_start3A_334 : memref<1x10000xi32, #tpu.memory_space<hbm>> -> memref<10000xi32, #tpu.memory_space<hbm>>
      tpu.enqueue_dma source(%dma_start3A_335 : memref<10000xi32, #tpu.memory_space<hbm>>) target(%dma_start3A_333 : memref<10000xi32, #tpu.memory_space<vmem>>) target_semaphore(%run_scoped3A_327 : memref<!tpu.dma_semaphore, #tpu.memory_space<semaphore_mem>>)
      %dma_wait3A_336 = arith.constant 0 : i32
      %dma_wait3A_337 = tpu.memref_slice %arg6[%dma_wait3A_336] : memref<10240xi32, #tpu.memory_space<vmem>> -> memref<10000xi32, #tpu.memory_space<vmem>>
      %dma_wait3A_338 = tpu.memref_slice %arg2[%run_scoped3A, %mul3A_2] : memref<2x320000xi32, #tpu.memory_space<hbm>> -> memref<1x10000xi32, #tpu.memory_space<hbm>>
      %dma_wait3A_339 = tpu.memref_squeeze %dma_wait3A_338 : memref<1x10000xi32, #tpu.memory_space<hbm>> -> memref<10000xi32, #tpu.memory_space<hbm>>
      %dma_wait3A_340 = arith.constant 0 : i32
      %dma_wait3A_341 = tpu.memref_slice %arg6[%dma_wait3A_340] : memref<10240xi32, #tpu.memory_space<vmem>> -> memref<10000xi32, #tpu.memory_space<vmem>>
      %dma_wait3A_342 = tpu.memref_slice %arg2[%run_scoped3A, %mul3A_2] : memref<2x320000xi32, #tpu.memory_space<hbm>> -> memref<1x10000xi32, #tpu.memory_space<hbm>>
      %dma_wait3A_343 = tpu.memref_squeeze %dma_wait3A_342 : memref<1x10000xi32, #tpu.memory_space<hbm>> -> memref<10000xi32, #tpu.memory_space<hbm>>
      tpu.wait_dma2 semaphore(%run_scoped3A_327 : memref<!tpu.dma_semaphore, #tpu.memory_space<semaphore_mem>>) src(%dma_wait3A_343 : memref<10000xi32, #tpu.memory_space<hbm>>) dst(%dma_wait3A_341 : memref<10000xi32, #tpu.memory_space<vmem>>)
      tpu.yield
    }) : () -> ()
    %mul3A_3 = arith.constant 10000 : i32
    %mul3A_4 = arith.muli %add3A, %mul3A_3 : i32
    %run_scoped3A_5 = arith.constant 1 : i32
    "tpu.region"() ({
      %run_scoped3A_327 = tpu.sem_alloc : memref<!tpu.dma_semaphore, #tpu.memory_space<semaphore_mem>>
      %dma_start3A_328 = tpu.memref_slice %arg2[%run_scoped3A_5, %mul3A_4] : memref<2x320000xi32, #tpu.memory_space<hbm>> -> memref<1x10000xi32, #tpu.memory_space<hbm>>
      %dma_start3A_329 = tpu.memref_squeeze %dma_start3A_328 : memref<1x10000xi32, #tpu.memory_space<hbm>> -> memref<10000xi32, #tpu.memory_space<hbm>>
      %dma_start3A_330 = tpu.memref_slice %arg2[%run_scoped3A_5, %mul3A_4] : memref<2x320000xi32, #tpu.memory_space<hbm>> -> memref<1x10000xi32, #tpu.memory_space<hbm>>
      %dma_start3A_331 = tpu.memref_squeeze %dma_start3A_330 : memref<1x10000xi32, #tpu.memory_space<hbm>> -> memref<10000xi32, #tpu.memory_space<hbm>>
      tpu.enqueue_dma source(%dma_start3A_331 : memref<10000xi32, #tpu.memory_space<hbm>>) target(%arg7 : memref<10000xi32, #tpu.memory_space<vmem>>) target_semaphore(%run_scoped3A_327 : memref<!tpu.dma_semaphore, #tpu.memory_space<semaphore_mem>>)
      %dma_wait3A_332 = tpu.memref_slice %arg2[%run_scoped3A_5, %mul3A_4] : memref<2x320000xi32, #tpu.memory_space<hbm>> -> memref<1x10000xi32, #tpu.memory_space<hbm>>
      %dma_wait3A_333 = tpu.memref_squeeze %dma_wait3A_332 : memref<1x10000xi32, #tpu.memory_space<hbm>> -> memref<10000xi32, #tpu.memory_space<hbm>>
      %dma_wait3A_334 = tpu.memref_slice %arg2[%run_scoped3A_5, %mul3A_4] : memref<2x320000xi32, #tpu.memory_space<hbm>> -> memref<1x10000xi32, #tpu.memory_space<hbm>>
      %dma_wait3A_335 = tpu.memref_squeeze %dma_wait3A_334 : memref<1x10000xi32, #tpu.memory_space<hbm>> -> memref<10000xi32, #tpu.memory_space<hbm>>
      tpu.wait_dma2 semaphore(%run_scoped3A_327 : memref<!tpu.dma_semaphore, #tpu.memory_space<semaphore_mem>>) src(%dma_wait3A_335 : memref<10000xi32, #tpu.memory_space<hbm>>) dst(%arg7 : memref<10000xi32, #tpu.memory_space<vmem>>)
      tpu.yield
    }) : () -> ()
    %jit3A = arith.constant 4 : i32
    %div3A = arith.divsi %arg1, %jit3A : i32
    %sign3A = arith.constant 0 : i32
    %sign3A_6 = arith.cmpi sgt, %arg1, %sign3A : i32
    %sign3A_7 = arith.extui %sign3A_6 : i1 to i32
    %sign3A_8 = arith.constant 0 : i32
    %sign3A_9 = arith.cmpi slt, %arg1, %sign3A_8 : i32
    %sign3A_10 = arith.extui %sign3A_9 : i1 to i32
    %sign3A_11 = arith.subi %sign3A_7, %sign3A_10 : i32
    %sign3A_12 = arith.constant 0 : i32
    %sign3A_13 = arith.cmpi sgt, %jit3A, %sign3A_12 : i32
    %sign3A_14 = arith.extui %sign3A_13 : i1 to i32
    %sign3A_15 = arith.constant 0 : i32
    %sign3A_16 = arith.cmpi slt, %jit3A, %sign3A_15 : i32
    %sign3A_17 = arith.extui %sign3A_16 : i1 to i32
    %sign3A_18 = arith.subi %sign3A_14, %sign3A_17 : i32
    %ne3A = arith.cmpi ne, %sign3A_11, %sign3A_18 : i32
    %rem3A = arith.remsi %arg1, %jit3A : i32
    %ne3A_19 = arith.constant 0 : i32
    %ne3A_20 = arith.cmpi ne, %rem3A, %ne3A_19 : i32
    %and3A = arith.andi %ne3A, %ne3A_20 : i1
    %sub3A = arith.constant 1 : i32
    %sub3A_21 = arith.subi %div3A, %sub3A : i32
    %select_n3A = arith.select %and3A, %sub3A_21, %div3A : i32
    %jit3A_22 = arith.constant 4 : i32
    %eq3A = arith.constant 0 : i32
    %eq3A_23 = arith.cmpi eq, %jit3A_22, %eq3A : i32
    %jit3A_24 = arith.constant 1 : i32
    %select_n3A_25 = arith.select %eq3A_23, %jit3A_24, %jit3A_22 : i32
    %rem3A_26 = arith.remsi %arg1, %select_n3A_25 : i32
    %ne3A_27 = arith.constant 0 : i32
    %ne3A_28 = arith.cmpi ne, %rem3A_26, %ne3A_27 : i32
    %lt3A = arith.constant 0 : i32
    %lt3A_29 = arith.cmpi slt, %rem3A_26, %lt3A : i32
    %lt3A_30 = arith.constant 0 : i32
    %lt3A_31 = arith.cmpi slt, %select_n3A_25, %lt3A_30 : i32
    %ne3A_32 = arith.xori %lt3A_29, %lt3A_31 : i1
    %and3A_33 = arith.andi %ne3A_32, %ne3A_28 : i1
    %add3A_34 = arith.addi %rem3A_26, %select_n3A_25 : i32
    %select_n3A_35 = arith.select %and3A_33, %add3A_34, %rem3A_26 : i32
    %mul3A_36 = arith.constant 640 : i32
    %mul3A_37 = arith.muli %select_n3A_35, %mul3A_36 : i32
    %mul3A_38 = arith.constant 32 : i32
    %mul3A_39 = arith.muli %select_n3A, %mul3A_38 : i32
    %mul3A_40 = arith.constant 2560 : i32
    %mul3A_41 = arith.muli %select_n3A, %mul3A_40 : i32
    %mul3A_42 = arith.constant 640 : i32
    %mul3A_43 = arith.muli %select_n3A_35, %mul3A_42 : i32
    %add3A_44 = arith.addi %mul3A_41, %mul3A_43 : i32
    "tpu.region"() ({
      %run_scoped3A_327 = tpu.sem_alloc : memref<!tpu.dma_semaphore, #tpu.memory_space<semaphore_mem>>
      %dma_start3A_328 = arith.constant 0 : i32
      %dma_start3A_329 = tpu.memref_slice %arg10[%add3A_44, %dma_start3A_328] : memref<10240x32xf32, #tpu.memory_space<vmem_shared>> -> memref<640x32xf32, #tpu.memory_space<vmem_shared>>
      %dma_start3A_330 = tpu.memref_slice %arg3[%mul3A_37, %mul3A_39] : memref<2560x128xf32, #tpu.memory_space<hbm>> -> memref<640x32xf32, #tpu.memory_space<hbm>>
      tpu.enqueue_dma source(%dma_start3A_330 : memref<640x32xf32, #tpu.memory_space<hbm>>) target(%dma_start3A_329 : memref<640x32xf32, #tpu.memory_space<vmem_shared>>) target_semaphore(%run_scoped3A_327 : memref<!tpu.dma_semaphore, #tpu.memory_space<semaphore_mem>>)
      %dma_wait3A_331 = arith.constant 0 : i32
      %dma_wait3A_332 = tpu.memref_slice %arg10[%add3A_44, %dma_wait3A_331] : memref<10240x32xf32, #tpu.memory_space<vmem_shared>> -> memref<640x32xf32, #tpu.memory_space<vmem_shared>>
      %dma_wait3A_333 = tpu.memref_slice %arg3[%mul3A_37, %mul3A_39] : memref<2560x128xf32, #tpu.memory_space<hbm>> -> memref<640x32xf32, #tpu.memory_space<hbm>>
      tpu.wait_dma2 semaphore(%run_scoped3A_327 : memref<!tpu.dma_semaphore, #tpu.memory_space<semaphore_mem>>) src(%dma_wait3A_333 : memref<640x32xf32, #tpu.memory_space<hbm>>) dst(%dma_wait3A_332 : memref<640x32xf32, #tpu.memory_space<vmem_shared>>)
      tpu.yield
    }) : () -> ()
    %mul3A_45 = arith.constant 640 : i32
    %mul3A_46 = arith.muli %arg1, %mul3A_45 : i32
    %mul3A_47 = arith.constant 640 : i32
    %mul3A_48 = arith.muli %arg1, %mul3A_47 : i32
    "tpu.region"() ({
      %run_scoped3A_327 = tpu.sem_alloc : memref<!tpu.dma_semaphore, #tpu.memory_space<semaphore_mem>>
      %dma_start3A_328 = arith.constant 0 : i32
      %dma_start3A_329 = tpu.memref_slice %arg11[%mul3A_48, %dma_start3A_328] : memref<10240x32xf32, #tpu.memory_space<vmem_shared>> -> memref<640x32xf32, #tpu.memory_space<vmem_shared>>
      %dma_start3A_330 = arith.constant 0 : i32
      %dma_start3A_331 = tpu.memref_slice %arg4[%mul3A_46, %dma_start3A_330] : memref<10240x32xf32, #tpu.memory_space<hbm>> -> memref<640x32xf32, #tpu.memory_space<hbm>>
      tpu.enqueue_dma source(%dma_start3A_331 : memref<640x32xf32, #tpu.memory_space<hbm>>) target(%dma_start3A_329 : memref<640x32xf32, #tpu.memory_space<vmem_shared>>) target_semaphore(%run_scoped3A_327 : memref<!tpu.dma_semaphore, #tpu.memory_space<semaphore_mem>>)
      %dma_wait3A_332 = arith.constant 0 : i32
      %dma_wait3A_333 = tpu.memref_slice %arg11[%mul3A_48, %dma_wait3A_332] : memref<10240x32xf32, #tpu.memory_space<vmem_shared>> -> memref<640x32xf32, #tpu.memory_space<vmem_shared>>
      %dma_wait3A_334 = arith.constant 0 : i32
      %dma_wait3A_335 = tpu.memref_slice %arg4[%mul3A_46, %dma_wait3A_334] : memref<10240x32xf32, #tpu.memory_space<hbm>> -> memref<640x32xf32, #tpu.memory_space<hbm>>
      tpu.wait_dma2 semaphore(%run_scoped3A_327 : memref<!tpu.dma_semaphore, #tpu.memory_space<semaphore_mem>>) src(%dma_wait3A_335 : memref<640x32xf32, #tpu.memory_space<hbm>>) dst(%dma_wait3A_333 : memref<640x32xf32, #tpu.memory_space<vmem_shared>>)
      tpu.yield
    }) : () -> ()
    %broadcast_in_dim3A = arith.constant 0 : i32
    %broadcast_in_dim3A_49 = vector.broadcast %broadcast_in_dim3A : i32 to vector<16xi32>
    %broadcast_in_dim3A_50 = arith.constant 10000 : i32
    %broadcast_in_dim3A_51 = vector.broadcast %broadcast_in_dim3A_50 : i32 to vector<16xi32>
    %swap3A = arith.constant 10000 : index
    %swap3A_52 = tpu.vector_load %arg6[%swap3A] {strides = array<i32>} : memref<10240xi32, #tpu.memory_space<vmem>>, vector<16xi32>,
    %swap3A_53 = vector.shape_cast %swap3A_52 : vector<16xi32> to vector<16xi32>
    %swap3A_54 = vector.shape_cast %broadcast_in_dim3A_49 : vector<16xi32> to vector<16xi32>
    tpu.vector_store %arg6[%swap3A], %swap3A_54 {strides = array<i32>} : memref<10240xi32, #tpu.memory_space<vmem>>, vector<16xi32>,
    %swap3A_55 = arith.constant 10016 : index
    %swap3A_56 = tpu.vector_load %arg6[%swap3A_55] {strides = array<i32>} : memref<10240xi32, #tpu.memory_space<vmem>>, vector<16xi32>,
    %swap3A_57 = vector.shape_cast %swap3A_56 : vector<16xi32> to vector<16xi32>
    %swap3A_58 = vector.shape_cast %broadcast_in_dim3A_49 : vector<16xi32> to vector<16xi32>
    tpu.vector_store %arg6[%swap3A_55], %swap3A_58 {strides = array<i32>} : memref<10240xi32, #tpu.memory_space<vmem>>, vector<16xi32>,
    %swap3A_59 = arith.constant 10032 : index
    %swap3A_60 = tpu.vector_load %arg6[%swap3A_59] {strides = array<i32>} : memref<10240xi32, #tpu.memory_space<vmem>>, vector<16xi32>,
    %swap3A_61 = vector.shape_cast %swap3A_60 : vector<16xi32> to vector<16xi32>
    %swap3A_62 = vector.shape_cast %broadcast_in_dim3A_49 : vector<16xi32> to vector<16xi32>
    tpu.vector_store %arg6[%swap3A_59], %swap3A_62 {strides = array<i32>} : memref<10240xi32, #tpu.memory_space<vmem>>, vector<16xi32>,
    %swap3A_63 = arith.constant 10048 : index
    %swap3A_64 = tpu.vector_load %arg6[%swap3A_63] {strides = array<i32>} : memref<10240xi32, #tpu.memory_space<vmem>>, vector<16xi32>,
    %swap3A_65 = vector.shape_cast %swap3A_64 : vector<16xi32> to vector<16xi32>
    %swap3A_66 = vector.shape_cast %broadcast_in_dim3A_49 : vector<16xi32> to vector<16xi32>
    tpu.vector_store %arg6[%swap3A_63], %swap3A_66 {strides = array<i32>} : memref<10240xi32, #tpu.memory_space<vmem>>, vector<16xi32>,
    %swap3A_67 = arith.constant 10064 : index
    %swap3A_68 = tpu.vector_load %arg6[%swap3A_67] {strides = array<i32>} : memref<10240xi32, #tpu.memory_space<vmem>>, vector<16xi32>,
    %swap3A_69 = vector.shape_cast %swap3A_68 : vector<16xi32> to vector<16xi32>
    %swap3A_70 = vector.shape_cast %broadcast_in_dim3A_49 : vector<16xi32> to vector<16xi32>
    tpu.vector_store %arg6[%swap3A_67], %swap3A_70 {strides = array<i32>} : memref<10240xi32, #tpu.memory_space<vmem>>, vector<16xi32>,
    %swap3A_71 = arith.constant 10080 : index
    %swap3A_72 = tpu.vector_load %arg6[%swap3A_71] {strides = array<i32>} : memref<10240xi32, #tpu.memory_space<vmem>>, vector<16xi32>,
    %swap3A_73 = vector.shape_cast %swap3A_72 : vector<16xi32> to vector<16xi32>
    %swap3A_74 = vector.shape_cast %broadcast_in_dim3A_49 : vector<16xi32> to vector<16xi32>
    tpu.vector_store %arg6[%swap3A_71], %swap3A_74 {strides = array<i32>} : memref<10240xi32, #tpu.memory_space<vmem>>, vector<16xi32>,
    %swap3A_75 = arith.constant 10096 : index
    %swap3A_76 = tpu.vector_load %arg6[%swap3A_75] {strides = array<i32>} : memref<10240xi32, #tpu.memory_space<vmem>>, vector<16xi32>,
    %swap3A_77 = vector.shape_cast %swap3A_76 : vector<16xi32> to vector<16xi32>
    %swap3A_78 = vector.shape_cast %broadcast_in_dim3A_49 : vector<16xi32> to vector<16xi32>
    tpu.vector_store %arg6[%swap3A_75], %swap3A_78 {strides = array<i32>} : memref<10240xi32, #tpu.memory_space<vmem>>, vector<16xi32>,
    %swap3A_79 = arith.constant 10112 : index
    %swap3A_80 = tpu.vector_load %arg6[%swap3A_79] {strides = array<i32>} : memref<10240xi32, #tpu.memory_space<vmem>>, vector<16xi32>,
    %swap3A_81 = vector.shape_cast %swap3A_80 : vector<16xi32> to vector<16xi32>
    %swap3A_82 = vector.shape_cast %broadcast_in_dim3A_49 : vector<16xi32> to vector<16xi32>
    tpu.vector_store %arg6[%swap3A_79], %swap3A_82 {strides = array<i32>} : memref<10240xi32, #tpu.memory_space<vmem>>, vector<16xi32>,
    %swap3A_83 = arith.constant 10128 : index
    %swap3A_84 = tpu.vector_load %arg6[%swap3A_83] {strides = array<i32>} : memref<10240xi32, #tpu.memory_space<vmem>>, vector<16xi32>,
    %swap3A_85 = vector.shape_cast %swap3A_84 : vector<16xi32> to vector<16xi32>
    %swap3A_86 = vector.shape_cast %broadcast_in_dim3A_49 : vector<16xi32> to vector<16xi32>
    tpu.vector_store %arg6[%swap3A_83], %swap3A_86 {strides = array<i32>} : memref<10240xi32, #tpu.memory_space<vmem>>, vector<16xi32>,
    %swap3A_87 = arith.constant 10144 : index
    %swap3A_88 = tpu.vector_load %arg6[%swap3A_87] {strides = array<i32>} : memref<10240xi32, #tpu.memory_space<vmem>>, vector<16xi32>,
    %swap3A_89 = vector.shape_cast %swap3A_88 : vector<16xi32> to vector<16xi32>
    %swap3A_90 = vector.shape_cast %broadcast_in_dim3A_49 : vector<16xi32> to vector<16xi32>
    tpu.vector_store %arg6[%swap3A_87], %swap3A_90 {strides = array<i32>} : memref<10240xi32, #tpu.memory_space<vmem>>, vector<16xi32>,
    %swap3A_91 = arith.constant 10160 : index
    %swap3A_92 = tpu.vector_load %arg6[%swap3A_91] {strides = array<i32>} : memref<10240xi32, #tpu.memory_space<vmem>>, vector<16xi32>,
    %swap3A_93 = vector.shape_cast %swap3A_92 : vector<16xi32> to vector<16xi32>
    %swap3A_94 = vector.shape_cast %broadcast_in_dim3A_49 : vector<16xi32> to vector<16xi32>
    tpu.vector_store %arg6[%swap3A_91], %swap3A_94 {strides = array<i32>} : memref<10240xi32, #tpu.memory_space<vmem>>, vector<16xi32>,
    %swap3A_95 = arith.constant 10176 : index
    %swap3A_96 = tpu.vector_load %arg6[%swap3A_95] {strides = array<i32>} : memref<10240xi32, #tpu.memory_space<vmem>>, vector<16xi32>,
    %swap3A_97 = vector.shape_cast %swap3A_96 : vector<16xi32> to vector<16xi32>
    %swap3A_98 = vector.shape_cast %broadcast_in_dim3A_49 : vector<16xi32> to vector<16xi32>
    tpu.vector_store %arg6[%swap3A_95], %swap3A_98 {strides = array<i32>} : memref<10240xi32, #tpu.memory_space<vmem>>, vector<16xi32>,
    %swap3A_99 = arith.constant 10192 : index
    %swap3A_100 = tpu.vector_load %arg6[%swap3A_99] {strides = array<i32>} : memref<10240xi32, #tpu.memory_space<vmem>>, vector<16xi32>,
    %swap3A_101 = vector.shape_cast %swap3A_100 : vector<16xi32> to vector<16xi32>
    %swap3A_102 = vector.shape_cast %broadcast_in_dim3A_49 : vector<16xi32> to vector<16xi32>
    tpu.vector_store %arg6[%swap3A_99], %swap3A_102 {strides = array<i32>} : memref<10240xi32, #tpu.memory_space<vmem>>, vector<16xi32>,
    %swap3A_103 = arith.constant 10208 : index
    %swap3A_104 = tpu.vector_load %arg6[%swap3A_103] {strides = array<i32>} : memref<10240xi32, #tpu.memory_space<vmem>>, vector<16xi32>,
    %swap3A_105 = vector.shape_cast %swap3A_104 : vector<16xi32> to vector<16xi32>
    %swap3A_106 = vector.shape_cast %broadcast_in_dim3A_49 : vector<16xi32> to vector<16xi32>
    tpu.vector_store %arg6[%swap3A_103], %swap3A_106 {strides = array<i32>} : memref<10240xi32, #tpu.memory_space<vmem>>, vector<16xi32>,
    %swap3A_107 = arith.constant 10224 : index
    %swap3A_108 = tpu.vector_load %arg6[%swap3A_107] {strides = array<i32>} : memref<10240xi32, #tpu.memory_space<vmem>>, vector<16xi32>,
    %swap3A_109 = vector.shape_cast %swap3A_108 : vector<16xi32> to vector<16xi32>
    %swap3A_110 = vector.shape_cast %broadcast_in_dim3A_49 : vector<16xi32> to vector<16xi32>
    tpu.vector_store %arg6[%swap3A_107], %swap3A_110 {strides = array<i32>} : memref<10240xi32, #tpu.memory_space<vmem>>, vector<16xi32>,
    %scan3A = arith.constant 0 : i32
    %scan3A_111 = arith.constant 0 : i32
    %scan3A_112 = arith.constant 78 : i32
    %scan3A_113 = arith.addi %scan3A_111, %scan3A_112 : i32
    %scan3A_114 = arith.constant 1 : i32
    scf.for %scan3A_327 = %scan3A_111 to %scan3A_113 step %scan3A_114  : i32 {
      %mul3A_328 = arith.constant 128 : i32
      %mul3A_329 = arith.muli %scan3A_327, %mul3A_328 : i32
      %add3A_330 = arith.constant 0 : i32
      %add3A_331 = arith.addi %mul3A_329, %add3A_330 : i32
      %get3A_332 = arith.index_cast %add3A_331 : i32 to index
      %get3A_333 = tpu.vector_load %arg7[%get3A_332] {strides = array<i32>} : memref<10000xi32, #tpu.memory_space<vmem>>, vector<16xi32>,
      %get3A_334 = vector.shape_cast %get3A_333 : vector<16xi32> to vector<16xi32>
      %swap3A_335 = arith.index_cast %scan3A_327 : i32 to index
      %swap3A_336 = arith.constant 0 : index
      %swap3A_337 = tpu.vector_load %arg8[%swap3A_335, %swap3A_336] {strides = array<i32>} : memref<80x128xi32, #tpu.memory_space<vmem>>, vector<1x16xi32>,
      %swap3A_338 = vector.shape_cast %swap3A_337 : vector<1x16xi32> to vector<16xi32>
      %swap3A_339 = vector.shape_cast %get3A_334 : vector<16xi32> to vector<1x16xi32>
      tpu.vector_store %arg8[%swap3A_335, %swap3A_336], %swap3A_339 {strides = array<i32>} : memref<80x128xi32, #tpu.memory_space<vmem>>, vector<1x16xi32>,
      %mul3A_340 = arith.constant 128 : i32
      %mul3A_341 = arith.muli %scan3A_327, %mul3A_340 : i32
      %add3A_342 = arith.constant 16 : i32
      %add3A_343 = arith.addi %mul3A_341, %add3A_342 : i32
      %get3A_344 = arith.index_cast %add3A_343 : i32 to index
      %get3A_345 = tpu.vector_load %arg7[%get3A_344] {strides = array<i32>} : memref<10000xi32, #tpu.memory_space<vmem>>, vector<16xi32>,
      %get3A_346 = vector.shape_cast %get3A_345 : vector<16xi32> to vector<16xi32>
      %swap3A_347 = arith.index_cast %scan3A_327 : i32 to index
      %swap3A_348 = arith.constant 16 : index
      %swap3A_349 = tpu.vector_load %arg8[%swap3A_347, %swap3A_348] {strides = array<i32>} : memref<80x128xi32, #tpu.memory_space<vmem>>, vector<1x16xi32>,
      %swap3A_350 = vector.shape_cast %swap3A_349 : vector<1x16xi32> to vector<16xi32>
      %swap3A_351 = vector.shape_cast %get3A_346 : vector<16xi32> to vector<1x16xi32>
      tpu.vector_store %arg8[%swap3A_347, %swap3A_348], %swap3A_351 {strides = array<i32>} : memref<80x128xi32, #tpu.memory_space<vmem>>, vector<1x16xi32>,
      %mul3A_352 = arith.constant 128 : i32
      %mul3A_353 = arith.muli %scan3A_327, %mul3A_352 : i32
      %add3A_354 = arith.constant 32 : i32
      %add3A_355 = arith.addi %mul3A_353, %add3A_354 : i32
      %get3A_356 = arith.index_cast %add3A_355 : i32 to index
      %get3A_357 = tpu.vector_load %arg7[%get3A_356] {strides = array<i32>} : memref<10000xi32, #tpu.memory_space<vmem>>, vector<16xi32>,
      %get3A_358 = vector.shape_cast %get3A_357 : vector<16xi32> to vector<16xi32>
      %swap3A_359 = arith.index_cast %scan3A_327 : i32 to index
      %swap3A_360 = arith.constant 32 : index
      %swap3A_361 = tpu.vector_load %arg8[%swap3A_359, %swap3A_360] {strides = array<i32>} : memref<80x128xi32, #tpu.memory_space<vmem>>, vector<1x16xi32>,
      %swap3A_362 = vector.shape_cast %swap3A_361 : vector<1x16xi32> to vector<16xi32>
      %swap3A_363 = vector.shape_cast %get3A_358 : vector<16xi32> to vector<1x16xi32>
      tpu.vector_store %arg8[%swap3A_359, %swap3A_360], %swap3A_363 {strides = array<i32>} : memref<80x128xi32, #tpu.memory_space<vmem>>, vector<1x16xi32>,
      %mul3A_364 = arith.constant 128 : i32
      %mul3A_365 = arith.muli %scan3A_327, %mul3A_364 : i32
      %add3A_366 = arith.constant 48 : i32
      %add3A_367 = arith.addi %mul3A_365, %add3A_366 : i32
      %get3A_368 = arith.index_cast %add3A_367 : i32 to index
      %get3A_369 = tpu.vector_load %arg7[%get3A_368] {strides = array<i32>} : memref<10000xi32, #tpu.memory_space<vmem>>, vector<16xi32>,
      %get3A_370 = vector.shape_cast %get3A_369 : vector<16xi32> to vector<16xi32>
      %swap3A_371 = arith.index_cast %scan3A_327 : i32 to index
      %swap3A_372 = arith.constant 48 : index
      %swap3A_373 = tpu.vector_load %arg8[%swap3A_371, %swap3A_372] {strides = array<i32>} : memref<80x128xi32, #tpu.memory_space<vmem>>, vector<1x16xi32>,
      %swap3A_374 = vector.shape_cast %swap3A_373 : vector<1x16xi32> to vector<16xi32>
      %swap3A_375 = vector.shape_cast %get3A_370 : vector<16xi32> to vector<1x16xi32>
      tpu.vector_store %arg8[%swap3A_371, %swap3A_372], %swap3A_375 {strides = array<i32>} : memref<80x128xi32, #tpu.memory_space<vmem>>, vector<1x16xi32>,
      %mul3A_376 = arith.constant 128 : i32
      %mul3A_377 = arith.muli %scan3A_327, %mul3A_376 : i32
      %add3A_378 = arith.constant 64 : i32
      %add3A_379 = arith.addi %mul3A_377, %add3A_378 : i32
      %get3A_380 = arith.index_cast %add3A_379 : i32 to index
      %get3A_381 = tpu.vector_load %arg7[%get3A_380] {strides = array<i32>} : memref<10000xi32, #tpu.memory_space<vmem>>, vector<16xi32>,
      %get3A_382 = vector.shape_cast %get3A_381 : vector<16xi32> to vector<16xi32>
      %swap3A_383 = arith.index_cast %scan3A_327 : i32 to index
      %swap3A_384 = arith.constant 64 : index
      %swap3A_385 = tpu.vector_load %arg8[%swap3A_383, %swap3A_384] {strides = array<i32>} : memref<80x128xi32, #tpu.memory_space<vmem>>, vector<1x16xi32>,
      %swap3A_386 = vector.shape_cast %swap3A_385 : vector<1x16xi32> to vector<16xi32>
      %swap3A_387 = vector.shape_cast %get3A_382 : vector<16xi32> to vector<1x16xi32>
      tpu.vector_store %arg8[%swap3A_383, %swap3A_384], %swap3A_387 {strides = array<i32>} : memref<80x128xi32, #tpu.memory_space<vmem>>, vector<1x16xi32>,
      %mul3A_388 = arith.constant 128 : i32
      %mul3A_389 = arith.muli %scan3A_327, %mul3A_388 : i32
      %add3A_390 = arith.constant 80 : i32
      %add3A_391 = arith.addi %mul3A_389, %add3A_390 : i32
      %get3A_392 = arith.index_cast %add3A_391 : i32 to index
      %get3A_393 = tpu.vector_load %arg7[%get3A_392] {strides = array<i32>} : memref<10000xi32, #tpu.memory_space<vmem>>, vector<16xi32>,
      %get3A_394 = vector.shape_cast %get3A_393 : vector<16xi32> to vector<16xi32>
      %swap3A_395 = arith.index_cast %scan3A_327 : i32 to index
      %swap3A_396 = arith.constant 80 : index
      %swap3A_397 = tpu.vector_load %arg8[%swap3A_395, %swap3A_396] {strides = array<i32>} : memref<80x128xi32, #tpu.memory_space<vmem>>, vector<1x16xi32>,
      %swap3A_398 = vector.shape_cast %swap3A_397 : vector<1x16xi32> to vector<16xi32>
      %swap3A_399 = vector.shape_cast %get3A_394 : vector<16xi32> to vector<1x16xi32>
      tpu.vector_store %arg8[%swap3A_395, %swap3A_396], %swap3A_399 {strides = array<i32>} : memref<80x128xi32, #tpu.memory_space<vmem>>, vector<1x16xi32>,
      %mul3A_400 = arith.constant 128 : i32
      %mul3A_401 = arith.muli %scan3A_327, %mul3A_400 : i32
      %add3A_402 = arith.constant 96 : i32
      %add3A_403 = arith.addi %mul3A_401, %add3A_402 : i32
      %get3A_404 = arith.index_cast %add3A_403 : i32 to index
      %get3A_405 = tpu.vector_load %arg7[%get3A_404] {strides = array<i32>} : memref<10000xi32, #tpu.memory_space<vmem>>, vector<16xi32>,
      %get3A_406 = vector.shape_cast %get3A_405 : vector<16xi32> to vector<16xi32>
      %swap3A_407 = arith.index_cast %scan3A_327 : i32 to index
      %swap3A_408 = arith.constant 96 : index
      %swap3A_409 = tpu.vector_load %arg8[%swap3A_407, %swap3A_408] {strides = array<i32>} : memref<80x128xi32, #tpu.memory_space<vmem>>, vector<1x16xi32>,
      %swap3A_410 = vector.shape_cast %swap3A_409 : vector<1x16xi32> to vector<16xi32>
      %swap3A_411 = vector.shape_cast %get3A_406 : vector<16xi32> to vector<1x16xi32>
      tpu.vector_store %arg8[%swap3A_407, %swap3A_408], %swap3A_411 {strides = array<i32>} : memref<80x128xi32, #tpu.memory_space<vmem>>, vector<1x16xi32>,
      %mul3A_412 = arith.constant 128 : i32
      %mul3A_413 = arith.muli %scan3A_327, %mul3A_412 : i32
      %add3A_414 = arith.constant 112 : i32
      %add3A_415 = arith.addi %mul3A_413, %add3A_414 : i32
      %get3A_416 = arith.index_cast %add3A_415 : i32 to index
      %get3A_417 = tpu.vector_load %arg7[%get3A_416] {strides = array<i32>} : memref<10000xi32, #tpu.memory_space<vmem>>, vector<16xi32>,
      %get3A_418 = vector.shape_cast %get3A_417 : vector<16xi32> to vector<16xi32>
      %swap3A_419 = arith.index_cast %scan3A_327 : i32 to index
      %swap3A_420 = arith.constant 112 : index
      %swap3A_421 = tpu.vector_load %arg8[%swap3A_419, %swap3A_420] {strides = array<i32>} : memref<80x128xi32, #tpu.memory_space<vmem>>, vector<1x16xi32>,
      %swap3A_422 = vector.shape_cast %swap3A_421 : vector<1x16xi32> to vector<16xi32>
      %swap3A_423 = vector.shape_cast %get3A_418 : vector<16xi32> to vector<1x16xi32>
      tpu.vector_store %arg8[%swap3A_419, %swap3A_420], %swap3A_423 {strides = array<i32>} : memref<80x128xi32, #tpu.memory_space<vmem>>, vector<1x16xi32>,
    }
    %scan3A_115 = arith.constant 78 : i32
    %get3A = arith.constant 9984 : index
    %get3A_116 = tpu.vector_load %arg7[%get3A] {strides = array<i32>} : memref<10000xi32, #tpu.memory_space<vmem>>, vector<16xi32>,
    %get3A_117 = vector.shape_cast %get3A_116 : vector<16xi32> to vector<16xi32>
    %swap3A_118 = arith.constant 78 : i32
    %swap3A_119 = arith.index_cast %swap3A_118 : i32 to index
    %swap3A_120 = arith.constant 0 : index
    %swap3A_121 = tpu.vector_load %arg8[%swap3A_119, %swap3A_120] {strides = array<i32>} : memref<80x128xi32, #tpu.memory_space<vmem>>, vector<1x16xi32>,
    %swap3A_122 = vector.shape_cast %swap3A_121 : vector<1x16xi32> to vector<16xi32>
    %swap3A_123 = vector.shape_cast %get3A_117 : vector<16xi32> to vector<1x16xi32>
    tpu.vector_store %arg8[%swap3A_119, %swap3A_120], %swap3A_123 {strides = array<i32>} : memref<80x128xi32, #tpu.memory_space<vmem>>, vector<1x16xi32>,
    %swap3A_124 = arith.constant 78 : i32
    %swap3A_125 = arith.index_cast %swap3A_124 : i32 to index
    %swap3A_126 = arith.constant 16 : index
    %swap3A_127 = tpu.vector_load %arg8[%swap3A_125, %swap3A_126] {strides = array<i32>} : memref<80x128xi32, #tpu.memory_space<vmem>>, vector<1x16xi32>,
    %swap3A_128 = vector.shape_cast %swap3A_127 : vector<1x16xi32> to vector<16xi32>
    %swap3A_129 = vector.shape_cast %broadcast_in_dim3A_51 : vector<16xi32> to vector<1x16xi32>
    tpu.vector_store %arg8[%swap3A_125, %swap3A_126], %swap3A_129 {strides = array<i32>} : memref<80x128xi32, #tpu.memory_space<vmem>>, vector<1x16xi32>,
    %swap3A_130 = arith.constant 78 : i32
    %swap3A_131 = arith.index_cast %swap3A_130 : i32 to index
    %swap3A_132 = arith.constant 32 : index
    %swap3A_133 = tpu.vector_load %arg8[%swap3A_131, %swap3A_132] {strides = array<i32>} : memref<80x128xi32, #tpu.memory_space<vmem>>, vector<1x16xi32>,
    %swap3A_134 = vector.shape_cast %swap3A_133 : vector<1x16xi32> to vector<16xi32>
    %swap3A_135 = vector.shape_cast %broadcast_in_dim3A_51 : vector<16xi32> to vector<1x16xi32>
    tpu.vector_store %arg8[%swap3A_131, %swap3A_132], %swap3A_135 {strides = array<i32>} : memref<80x128xi32, #tpu.memory_space<vmem>>, vector<1x16xi32>,
    %swap3A_136 = arith.constant 78 : i32
    %swap3A_137 = arith.index_cast %swap3A_136 : i32 to index
    %swap3A_138 = arith.constant 48 : index
    %swap3A_139 = tpu.vector_load %arg8[%swap3A_137, %swap3A_138] {strides = array<i32>} : memref<80x128xi32, #tpu.memory_space<vmem>>, vector<1x16xi32>,
    %swap3A_140 = vector.shape_cast %swap3A_139 : vector<1x16xi32> to vector<16xi32>
    %swap3A_141 = vector.shape_cast %broadcast_in_dim3A_51 : vector<16xi32> to vector<1x16xi32>
    tpu.vector_store %arg8[%swap3A_137, %swap3A_138], %swap3A_141 {strides = array<i32>} : memref<80x128xi32, #tpu.memory_space<vmem>>, vector<1x16xi32>,
    %swap3A_142 = arith.constant 78 : i32
    %swap3A_143 = arith.index_cast %swap3A_142 : i32 to index
    %swap3A_144 = arith.constant 64 : index
    %swap3A_145 = tpu.vector_load %arg8[%swap3A_143, %swap3A_144] {strides = array<i32>} : memref<80x128xi32, #tpu.memory_space<vmem>>, vector<1x16xi32>,
    %swap3A_146 = vector.shape_cast %swap3A_145 : vector<1x16xi32> to vector<16xi32>
    %swap3A_147 = vector.shape_cast %broadcast_in_dim3A_51 : vector<16xi32> to vector<1x16xi32>
    tpu.vector_store %arg8[%swap3A_143, %swap3A_144], %swap3A_147 {strides = array<i32>} : memref<80x128xi32, #tpu.memory_space<vmem>>, vector<1x16xi32>,
    %swap3A_148 = arith.constant 78 : i32
    %swap3A_149 = arith.index_cast %swap3A_148 : i32 to index
    %swap3A_150 = arith.constant 80 : index
    %swap3A_151 = tpu.vector_load %arg8[%swap3A_149, %swap3A_150] {strides = array<i32>} : memref<80x128xi32, #tpu.memory_space<vmem>>, vector<1x16xi32>,
    %swap3A_152 = vector.shape_cast %swap3A_151 : vector<1x16xi32> to vector<16xi32>
    %swap3A_153 = vector.shape_cast %broadcast_in_dim3A_51 : vector<16xi32> to vector<1x16xi32>
    tpu.vector_store %arg8[%swap3A_149, %swap3A_150], %swap3A_153 {strides = array<i32>} : memref<80x128xi32, #tpu.memory_space<vmem>>, vector<1x16xi32>,
    %swap3A_154 = arith.constant 78 : i32
    %swap3A_155 = arith.index_cast %swap3A_154 : i32 to index
    %swap3A_156 = arith.constant 96 : index
    %swap3A_157 = tpu.vector_load %arg8[%swap3A_155, %swap3A_156] {strides = array<i32>} : memref<80x128xi32, #tpu.memory_space<vmem>>, vector<1x16xi32>,
    %swap3A_158 = vector.shape_cast %swap3A_157 : vector<1x16xi32> to vector<16xi32>
    %swap3A_159 = vector.shape_cast %broadcast_in_dim3A_51 : vector<16xi32> to vector<1x16xi32>
    tpu.vector_store %arg8[%swap3A_155, %swap3A_156], %swap3A_159 {strides = array<i32>} : memref<80x128xi32, #tpu.memory_space<vmem>>, vector<1x16xi32>,
    %swap3A_160 = arith.constant 78 : i32
    %swap3A_161 = arith.index_cast %swap3A_160 : i32 to index
    %swap3A_162 = arith.constant 112 : index
    %swap3A_163 = tpu.vector_load %arg8[%swap3A_161, %swap3A_162] {strides = array<i32>} : memref<80x128xi32, #tpu.memory_space<vmem>>, vector<1x16xi32>,
    %swap3A_164 = vector.shape_cast %swap3A_163 : vector<1x16xi32> to vector<16xi32>
    %swap3A_165 = vector.shape_cast %broadcast_in_dim3A_51 : vector<16xi32> to vector<1x16xi32>
    tpu.vector_store %arg8[%swap3A_161, %swap3A_162], %swap3A_165 {strides = array<i32>} : memref<80x128xi32, #tpu.memory_space<vmem>>, vector<1x16xi32>,
    %swap3A_166 = arith.constant 79 : i32
    %swap3A_167 = arith.index_cast %swap3A_166 : i32 to index
    %swap3A_168 = arith.constant 0 : index
    %swap3A_169 = tpu.vector_load %arg8[%swap3A_167, %swap3A_168] {strides = array<i32>} : memref<80x128xi32, #tpu.memory_space<vmem>>, vector<1x16xi32>,
    %swap3A_170 = vector.shape_cast %swap3A_169 : vector<1x16xi32> to vector<16xi32>
    %swap3A_171 = vector.shape_cast %broadcast_in_dim3A_51 : vector<16xi32> to vector<1x16xi32>
    tpu.vector_store %arg8[%swap3A_167, %swap3A_168], %swap3A_171 {strides = array<i32>} : memref<80x128xi32, #tpu.memory_space<vmem>>, vector<1x16xi32>,
    %swap3A_172 = arith.constant 79 : i32
    %swap3A_173 = arith.index_cast %swap3A_172 : i32 to index
    %swap3A_174 = arith.constant 16 : index
    %swap3A_175 = tpu.vector_load %arg8[%swap3A_173, %swap3A_174] {strides = array<i32>} : memref<80x128xi32, #tpu.memory_space<vmem>>, vector<1x16xi32>,
    %swap3A_176 = vector.shape_cast %swap3A_175 : vector<1x16xi32> to vector<16xi32>
    %swap3A_177 = vector.shape_cast %broadcast_in_dim3A_51 : vector<16xi32> to vector<1x16xi32>
    tpu.vector_store %arg8[%swap3A_173, %swap3A_174], %swap3A_177 {strides = array<i32>} : memref<80x128xi32, #tpu.memory_space<vmem>>, vector<1x16xi32>,
    %swap3A_178 = arith.constant 79 : i32
    %swap3A_179 = arith.index_cast %swap3A_178 : i32 to index
    %swap3A_180 = arith.constant 32 : index
    %swap3A_181 = tpu.vector_load %arg8[%swap3A_179, %swap3A_180] {strides = array<i32>} : memref<80x128xi32, #tpu.memory_space<vmem>>, vector<1x16xi32>,
    %swap3A_182 = vector.shape_cast %swap3A_181 : vector<1x16xi32> to vector<16xi32>
    %swap3A_183 = vector.shape_cast %broadcast_in_dim3A_51 : vector<16xi32> to vector<1x16xi32>
    tpu.vector_store %arg8[%swap3A_179, %swap3A_180], %swap3A_183 {strides = array<i32>} : memref<80x128xi32, #tpu.memory_space<vmem>>, vector<1x16xi32>,
    %swap3A_184 = arith.constant 79 : i32
    %swap3A_185 = arith.index_cast %swap3A_184 : i32 to index
    %swap3A_186 = arith.constant 48 : index
    %swap3A_187 = tpu.vector_load %arg8[%swap3A_185, %swap3A_186] {strides = array<i32>} : memref<80x128xi32, #tpu.memory_space<vmem>>, vector<1x16xi32>,
    %swap3A_188 = vector.shape_cast %swap3A_187 : vector<1x16xi32> to vector<16xi32>
    %swap3A_189 = vector.shape_cast %broadcast_in_dim3A_51 : vector<16xi32> to vector<1x16xi32>
    tpu.vector_store %arg8[%swap3A_185, %swap3A_186], %swap3A_189 {strides = array<i32>} : memref<80x128xi32, #tpu.memory_space<vmem>>, vector<1x16xi32>,
    %swap3A_190 = arith.constant 79 : i32
    %swap3A_191 = arith.index_cast %swap3A_190 : i32 to index
    %swap3A_192 = arith.constant 64 : index
    %swap3A_193 = tpu.vector_load %arg8[%swap3A_191, %swap3A_192] {strides = array<i32>} : memref<80x128xi32, #tpu.memory_space<vmem>>, vector<1x16xi32>,
    %swap3A_194 = vector.shape_cast %swap3A_193 : vector<1x16xi32> to vector<16xi32>
    %swap3A_195 = vector.shape_cast %broadcast_in_dim3A_51 : vector<16xi32> to vector<1x16xi32>
    tpu.vector_store %arg8[%swap3A_191, %swap3A_192], %swap3A_195 {strides = array<i32>} : memref<80x128xi32, #tpu.memory_space<vmem>>, vector<1x16xi32>,
    %swap3A_196 = arith.constant 79 : i32
    %swap3A_197 = arith.index_cast %swap3A_196 : i32 to index
    %swap3A_198 = arith.constant 80 : index
    %swap3A_199 = tpu.vector_load %arg8[%swap3A_197, %swap3A_198] {strides = array<i32>} : memref<80x128xi32, #tpu.memory_space<vmem>>, vector<1x16xi32>,
    %swap3A_200 = vector.shape_cast %swap3A_199 : vector<1x16xi32> to vector<16xi32>
    %swap3A_201 = vector.shape_cast %broadcast_in_dim3A_51 : vector<16xi32> to vector<1x16xi32>
    tpu.vector_store %arg8[%swap3A_197, %swap3A_198], %swap3A_201 {strides = array<i32>} : memref<80x128xi32, #tpu.memory_space<vmem>>, vector<1x16xi32>,
    %swap3A_202 = arith.constant 79 : i32
    %swap3A_203 = arith.index_cast %swap3A_202 : i32 to index
    %swap3A_204 = arith.constant 96 : index
    %swap3A_205 = tpu.vector_load %arg8[%swap3A_203, %swap3A_204] {strides = array<i32>} : memref<80x128xi32, #tpu.memory_space<vmem>>, vector<1x16xi32>,
    %swap3A_206 = vector.shape_cast %swap3A_205 : vector<1x16xi32> to vector<16xi32>
    %swap3A_207 = vector.shape_cast %broadcast_in_dim3A_51 : vector<16xi32> to vector<1x16xi32>
    tpu.vector_store %arg8[%swap3A_203, %swap3A_204], %swap3A_207 {strides = array<i32>} : memref<80x128xi32, #tpu.memory_space<vmem>>, vector<1x16xi32>,
    %swap3A_208 = arith.constant 79 : i32
    %swap3A_209 = arith.index_cast %swap3A_208 : i32 to index
    %swap3A_210 = arith.constant 112 : index
    %swap3A_211 = tpu.vector_load %arg8[%swap3A_209, %swap3A_210] {strides = array<i32>} : memref<80x128xi32, #tpu.memory_space<vmem>>, vector<1x16xi32>,
    %swap3A_212 = vector.shape_cast %swap3A_211 : vector<1x16xi32> to vector<16xi32>
    %swap3A_213 = vector.shape_cast %broadcast_in_dim3A_51 : vector<16xi32> to vector<1x16xi32>
    tpu.vector_store %arg8[%swap3A_209, %swap3A_210], %swap3A_213 {strides = array<i32>} : memref<80x128xi32, #tpu.memory_space<vmem>>, vector<1x16xi32>,
    %barrier3A = arith.constant 0 : index
    tpu.barrier barrier_id(%barrier3A)
    %dma_start3A = arith.constant 0 : i32
    %dma_start3A_214 = arith.constant 0 : i32
    %dma_start3A_215 = arith.constant 0 : i32
    %dma_start3A_216 = arith.constant 0 : i32
    %dma_start3A_217 = tpu.memref_slice %arg9[%dma_start3A, %dma_start3A_215, %dma_start3A_216] : memref<4x128x32xf32, #tpu.memory_space<vmem>> -> memref<1x128x32xf32, #tpu.memory_space<vmem>>
    %dma_start3A_218 = tpu.memref_squeeze %dma_start3A_217 : memref<1x128x32xf32, #tpu.memory_space<vmem>> -> memref<128x32xf32, #tpu.memory_space<vmem>>
    %dma_start3A_219 = arith.constant 0 : i32
    %dma_start3A_220 = tpu.memref_slice %arg6[%dma_start3A_219] : memref<10240xi32, #tpu.memory_space<vmem>> -> memref<128xi32, #tpu.memory_space<vmem>>
    %dma_start3A_221 = arith.constant 0 : i32
    %dma_start3A_222 = arith.constant 0 : i32
    %dma_start3A_223 = tpu.memref_slice %arg10[%dma_start3A_221, %dma_start3A_222] : memref<10240x32xf32, #tpu.memory_space<vmem_shared>> -> memref<10240x32xf32, #tpu.memory_space<vmem_shared>>
    %dma_start3A_224 = tpu.memref_slice %arg12[%dma_start3A_214] : memref<4x!tpu.dma_semaphore, #tpu.memory_space<semaphore_mem>> -> memref<1x!tpu.dma_semaphore, #tpu.memory_space<semaphore_mem>>
    %dma_start3A_225 = tpu.memref_squeeze %dma_start3A_224 : memref<1x!tpu.dma_semaphore, #tpu.memory_space<semaphore_mem>> -> memref<!tpu.dma_semaphore, #tpu.memory_space<semaphore_mem>>
    tpu.enqueue_indirect_dma source(%dma_start3A_223 : memref<10240x32xf32, #tpu.memory_space<vmem_shared>>) target(%dma_start3A_218 : memref<128x32xf32, #tpu.memory_space<vmem>>) offsets(%dma_start3A_220 : memref<128xi32, #tpu.memory_space<vmem>>) semaphore(%dma_start3A_225 : memref<!tpu.dma_semaphore, #tpu.memory_space<semaphore_mem>>)
    %dma_start3A_226 = arith.constant 1 : i32
    %dma_start3A_227 = arith.constant 1 : i32
    %dma_start3A_228 = arith.constant 0 : i32
    %dma_start3A_229 = arith.constant 0 : i32
    %dma_start3A_230 = tpu.memref_slice %arg9[%dma_start3A_226, %dma_start3A_228, %dma_start3A_229] : memref<4x128x32xf32, #tpu.memory_space<vmem>> -> memref<1x128x32xf32, #tpu.memory_space<vmem>>
    %dma_start3A_231 = tpu.memref_squeeze %dma_start3A_230 : memref<1x128x32xf32, #tpu.memory_space<vmem>> -> memref<128x32xf32, #tpu.memory_space<vmem>>
    %dma_start3A_232 = arith.constant 128 : i32
    %dma_start3A_233 = tpu.memref_slice %arg6[%dma_start3A_232] : memref<10240xi32, #tpu.memory_space<vmem>> -> memref<128xi32, #tpu.memory_space<vmem>>
    %dma_start3A_234 = arith.constant 0 : i32
    %dma_start3A_235 = arith.constant 0 : i32
    %dma_start3A_236 = tpu.memref_slice %arg10[%dma_start3A_234, %dma_start3A_235] : memref<10240x32xf32, #tpu.memory_space<vmem_shared>> -> memref<10240x32xf32, #tpu.memory_space<vmem_shared>>
    %dma_start3A_237 = tpu.memref_slice %arg12[%dma_start3A_227] : memref<4x!tpu.dma_semaphore, #tpu.memory_space<semaphore_mem>> -> memref<1x!tpu.dma_semaphore, #tpu.memory_space<semaphore_mem>>
    %dma_start3A_238 = tpu.memref_squeeze %dma_start3A_237 : memref<1x!tpu.dma_semaphore, #tpu.memory_space<semaphore_mem>> -> memref<!tpu.dma_semaphore, #tpu.memory_space<semaphore_mem>>
    tpu.enqueue_indirect_dma source(%dma_start3A_236 : memref<10240x32xf32, #tpu.memory_space<vmem_shared>>) target(%dma_start3A_231 : memref<128x32xf32, #tpu.memory_space<vmem>>) offsets(%dma_start3A_233 : memref<128xi32, #tpu.memory_space<vmem>>) semaphore(%dma_start3A_238 : memref<!tpu.dma_semaphore, #tpu.memory_space<semaphore_mem>>)
    %dma_start3A_239 = arith.constant 2 : i32
    %dma_start3A_240 = arith.constant 2 : i32
    %dma_start3A_241 = arith.constant 0 : i32
    %dma_start3A_242 = arith.constant 0 : i32
    %dma_start3A_243 = tpu.memref_slice %arg9[%dma_start3A_239, %dma_start3A_241, %dma_start3A_242] : memref<4x128x32xf32, #tpu.memory_space<vmem>> -> memref<1x128x32xf32, #tpu.memory_space<vmem>>
    %dma_start3A_244 = tpu.memref_squeeze %dma_start3A_243 : memref<1x128x32xf32, #tpu.memory_space<vmem>> -> memref<128x32xf32, #tpu.memory_space<vmem>>
    %dma_start3A_245 = arith.constant 256 : i32
    %dma_start3A_246 = tpu.memref_slice %arg6[%dma_start3A_245] : memref<10240xi32, #tpu.memory_space<vmem>> -> memref<128xi32, #tpu.memory_space<vmem>>
    %dma_start3A_247 = arith.constant 0 : i32
    %dma_start3A_248 = arith.constant 0 : i32
    %dma_start3A_249 = tpu.memref_slice %arg10[%dma_start3A_247, %dma_start3A_248] : memref<10240x32xf32, #tpu.memory_space<vmem_shared>> -> memref<10240x32xf32, #tpu.memory_space<vmem_shared>>
    %dma_start3A_250 = tpu.memref_slice %arg12[%dma_start3A_240] : memref<4x!tpu.dma_semaphore, #tpu.memory_space<semaphore_mem>> -> memref<1x!tpu.dma_semaphore, #tpu.memory_space<semaphore_mem>>
    %dma_start3A_251 = tpu.memref_squeeze %dma_start3A_250 : memref<1x!tpu.dma_semaphore, #tpu.memory_space<semaphore_mem>> -> memref<!tpu.dma_semaphore, #tpu.memory_space<semaphore_mem>>
    tpu.enqueue_indirect_dma source(%dma_start3A_249 : memref<10240x32xf32, #tpu.memory_space<vmem_shared>>) target(%dma_start3A_244 : memref<128x32xf32, #tpu.memory_space<vmem>>) offsets(%dma_start3A_246 : memref<128xi32, #tpu.memory_space<vmem>>) semaphore(%dma_start3A_251 : memref<!tpu.dma_semaphore, #tpu.memory_space<semaphore_mem>>)
    %scan3A_252 = arith.constant 0 : i32
    %scan3A_253 = arith.constant 0 : i32
    %scan3A_254 = arith.constant 20 : i32
    %scan3A_255 = arith.addi %scan3A_253, %scan3A_254 : i32
    %scan3A_256 = arith.constant 1 : i32
    scf.for %scan3A_327 = %scan3A_253 to %scan3A_255 step %scan3A_256  : i32 {
      %mul3A_328 = arith.constant 4 : i32
      %mul3A_329 = arith.muli %scan3A_327, %mul3A_328 : i32
      %add3A_330 = arith.constant 0 : i32
      %add3A_331 = arith.addi %mul3A_329, %add3A_330 : i32
      %jit3A_332 = arith.constant 4 : i32
      %eq3A_333 = arith.constant 0 : i32
      %eq3A_334 = arith.cmpi eq, %jit3A_332, %eq3A_333 : i32
      %jit3A_335 = arith.constant 1 : i32
      %select_n3A_336 = arith.select %eq3A_334, %jit3A_335, %jit3A_332 : i32
      %rem3A_337 = arith.remsi %add3A_331, %select_n3A_336 : i32
      %ne3A_338 = arith.constant 0 : i32
      %ne3A_339 = arith.cmpi ne, %rem3A_337, %ne3A_338 : i32
      %lt3A_340 = arith.constant 0 : i32
      %lt3A_341 = arith.cmpi slt, %rem3A_337, %lt3A_340 : i32
      %lt3A_342 = arith.constant 0 : i32
      %lt3A_343 = arith.cmpi slt, %select_n3A_336, %lt3A_342 : i32
      %ne3A_344 = arith.xori %lt3A_341, %lt3A_343 : i1
      %and3A_345 = arith.andi %ne3A_344, %ne3A_339 : i1
      %add3A_346 = arith.addi %rem3A_337, %select_n3A_336 : i32
      %select_n3A_347 = arith.select %and3A_345, %add3A_346, %rem3A_337 : i32
      %mul3A_348 = arith.constant 128 : i32
      %mul3A_349 = arith.muli %add3A_331, %mul3A_348 : i32
      %dma_wait3A_350 = arith.constant 0 : i32
      %dma_wait3A_351 = arith.constant 0 : i32
      %dma_wait3A_352 = tpu.memref_slice %arg9[%select_n3A_347, %dma_wait3A_350, %dma_wait3A_351] : memref<4x128x32xf32, #tpu.memory_space<vmem>> -> memref<1x128x32xf32, #tpu.memory_space<vmem>>
      %dma_wait3A_353 = tpu.memref_squeeze %dma_wait3A_352 : memref<1x128x32xf32, #tpu.memory_space<vmem>> -> memref<128x32xf32, #tpu.memory_space<vmem>>
      %dma_wait3A_354 = tpu.memref_slice %arg6[%mul3A_349] : memref<10240xi32, #tpu.memory_space<vmem>> -> memref<128xi32, #tpu.memory_space<vmem>>
      %dma_wait3A_355 = arith.constant 0 : i32
      %dma_wait3A_356 = arith.constant 0 : i32
      %dma_wait3A_357 = tpu.memref_slice %arg10[%dma_wait3A_355, %dma_wait3A_356] : memref<10240x32xf32, #tpu.memory_space<vmem_shared>> -> memref<10240x32xf32, #tpu.memory_space<vmem_shared>>
      %dma_wait3A_358 = tpu.memref_slice %arg12[%select_n3A_347] : memref<4x!tpu.dma_semaphore, #tpu.memory_space<semaphore_mem>> -> memref<1x!tpu.dma_semaphore, #tpu.memory_space<semaphore_mem>>
      %dma_wait3A_359 = tpu.memref_squeeze %dma_wait3A_358 : memref<1x!tpu.dma_semaphore, #tpu.memory_space<semaphore_mem>> -> memref<!tpu.dma_semaphore, #tpu.memory_space<semaphore_mem>>
      tpu.wait_indirect_dma semaphore(%dma_wait3A_359 : memref<!tpu.dma_semaphore, #tpu.memory_space<semaphore_mem>>) src(%dma_wait3A_357 : memref<10240x32xf32, #tpu.memory_space<vmem_shared>>) dst(%dma_wait3A_353 : memref<128x32xf32, #tpu.memory_space<vmem>>)
      %jit3A_360 = arith.constant 4 : i32
      %eq3A_361 = arith.constant 0 : i32
      %eq3A_362 = arith.cmpi eq, %jit3A_360, %eq3A_361 : i32
      %jit3A_363 = arith.constant 1 : i32
      %select_n3A_364 = arith.select %eq3A_362, %jit3A_363, %jit3A_360 : i32
      %rem3A_365 = arith.remsi %add3A_331, %select_n3A_364 : i32
      %ne3A_366 = arith.constant 0 : i32
      %ne3A_367 = arith.cmpi ne, %rem3A_365, %ne3A_366 : i32
      %lt3A_368 = arith.constant 0 : i32
      %lt3A_369 = arith.cmpi slt, %rem3A_365, %lt3A_368 : i32
      %lt3A_370 = arith.constant 0 : i32
      %lt3A_371 = arith.cmpi slt, %select_n3A_364, %lt3A_370 : i32
      %ne3A_372 = arith.xori %lt3A_369, %lt3A_371 : i1
      %and3A_373 = arith.andi %ne3A_372, %ne3A_367 : i1
      %add3A_374 = arith.addi %rem3A_365, %select_n3A_364 : i32
      %select_n3A_375 = arith.select %and3A_373, %add3A_374, %rem3A_365 : i32
      %dma_start3A_376 = arith.constant 0 : i32
      %dma_start3A_377 = arith.constant 0 : i32
      %dma_start3A_378 = tpu.memref_slice %arg9[%select_n3A_375, %dma_start3A_376, %dma_start3A_377] : memref<4x128x32xf32, #tpu.memory_space<vmem>> -> memref<1x128x32xf32, #tpu.memory_space<vmem>>
      %dma_start3A_379 = tpu.memref_squeeze %dma_start3A_378 : memref<1x128x32xf32, #tpu.memory_space<vmem>> -> memref<128x32xf32, #tpu.memory_space<vmem>>
      %dma_start3A_380 = arith.constant 0 : i32
      %dma_start3A_381 = tpu.memref_slice %arg8[%add3A_331, %dma_start3A_380] : memref<80x128xi32, #tpu.memory_space<vmem>> -> memref<1x128xi32, #tpu.memory_space<vmem>>
      %dma_start3A_382 = tpu.memref_squeeze %dma_start3A_381 : memref<1x128xi32, #tpu.memory_space<vmem>> -> memref<128xi32, #tpu.memory_space<vmem>>
      %dma_start3A_383 = arith.constant 0 : i32
      %dma_start3A_384 = arith.constant 0 : i32
      %dma_start3A_385 = tpu.memref_slice %arg11[%dma_start3A_383, %dma_start3A_384] : memref<10240x32xf32, #tpu.memory_space<vmem_shared>> -> memref<10240x32xf32, #tpu.memory_space<vmem_shared>>
      %dma_start3A_386 = tpu.memref_slice %arg13[%select_n3A_375] : memref<4x!tpu.dma_semaphore, #tpu.memory_space<semaphore_mem>> -> memref<1x!tpu.dma_semaphore, #tpu.memory_space<semaphore_mem>>
      %dma_start3A_387 = tpu.memref_squeeze %dma_start3A_386 : memref<1x!tpu.dma_semaphore, #tpu.memory_space<semaphore_mem>> -> memref<!tpu.dma_semaphore, #tpu.memory_space<semaphore_mem>>
      tpu.enqueue_indirect_dma source(%dma_start3A_379 : memref<128x32xf32, #tpu.memory_space<vmem>>) target(%dma_start3A_385 : memref<10240x32xf32, #tpu.memory_space<vmem_shared>>) offsets(%dma_start3A_382 : memref<128xi32, #tpu.memory_space<vmem>>) semaphore(%dma_start3A_387 : memref<!tpu.dma_semaphore, #tpu.memory_space<semaphore_mem>>) {add = true}
      %eq3A_388 = arith.constant 0 : i32
      %eq3A_389 = arith.cmpi eq, %scan3A_327, %eq3A_388 : i32
      %convert_element_type3A = arith.extui %eq3A_389 : i1 to i32
      %cond3A = arith.constant 0 : i32
      %cond3A_390 = arith.cmpi ne, %convert_element_type3A, %cond3A : i32
      scf.if %cond3A_390 {
        %dma_start3A_590 = arith.constant 3 : i32
        %dma_start3A_591 = arith.constant 3 : i32
        %dma_start3A_592 = arith.constant 0 : i32
        %dma_start3A_593 = arith.constant 0 : i32
        %dma_start3A_594 = tpu.memref_slice %arg9[%dma_start3A_590, %dma_start3A_592, %dma_start3A_593] : memref<4x128x32xf32, #tpu.memory_space<vmem>> -> memref<1x128x32xf32, #tpu.memory_space<vmem>>
        %dma_start3A_595 = tpu.memref_squeeze %dma_start3A_594 : memref<1x128x32xf32, #tpu.memory_space<vmem>> -> memref<128x32xf32, #tpu.memory_space<vmem>>
        %dma_start3A_596 = arith.constant 384 : i32
        %dma_start3A_597 = tpu.memref_slice %arg6[%dma_start3A_596] : memref<10240xi32, #tpu.memory_space<vmem>> -> memref<128xi32, #tpu.memory_space<vmem>>
        %dma_start3A_598 = arith.constant 0 : i32
        %dma_start3A_599 = arith.constant 0 : i32
        %dma_start3A_600 = tpu.memref_slice %arg10[%dma_start3A_598, %dma_start3A_599] : memref<10240x32xf32, #tpu.memory_space<vmem_shared>> -> memref<10240x32xf32, #tpu.memory_space<vmem_shared>>
        %dma_start3A_601 = tpu.memref_slice %arg12[%dma_start3A_591] : memref<4x!tpu.dma_semaphore, #tpu.memory_space<semaphore_mem>> -> memref<1x!tpu.dma_semaphore, #tpu.memory_space<semaphore_mem>>
        %dma_start3A_602 = tpu.memref_squeeze %dma_start3A_601 : memref<1x!tpu.dma_semaphore, #tpu.memory_space<semaphore_mem>> -> memref<!tpu.dma_semaphore, #tpu.memory_space<semaphore_mem>>
        tpu.enqueue_indirect_dma source(%dma_start3A_600 : memref<10240x32xf32, #tpu.memory_space<vmem_shared>>) target(%dma_start3A_595 : memref<128x32xf32, #tpu.memory_space<vmem>>) offsets(%dma_start3A_597 : memref<128xi32, #tpu.memory_space<vmem>>) semaphore(%dma_start3A_602 : memref<!tpu.dma_semaphore, #tpu.memory_space<semaphore_mem>>)
      } else {
      }
      %ge3A = arith.constant 1 : i32
      %ge3A_391 = arith.cmpi sge, %scan3A_327, %ge3A : i32
      %convert_element_type3A_392 = arith.extui %ge3A_391 : i1 to i32
      %cond3A_393 = arith.constant 0 : i32
      %cond3A_394 = arith.cmpi ne, %convert_element_type3A_392, %cond3A_393 : i32
      scf.if %cond3A_394 {
        %sub3A_590 = arith.constant 1 : i32
        %sub3A_591 = arith.subi %add3A_331, %sub3A_590 : i32
        %sub3A_592 = arith.constant 1 : i32
        %sub3A_593 = arith.subi %add3A_331, %sub3A_592 : i32
        %jit3A_594 = arith.constant 4 : i32
        %eq3A_595 = arith.constant 0 : i32
        %eq3A_596 = arith.cmpi eq, %jit3A_594, %eq3A_595 : i32
        %jit3A_597 = arith.constant 1 : i32
        %select_n3A_598 = arith.select %eq3A_596, %jit3A_597, %jit3A_594 : i32
        %rem3A_599 = arith.remsi %sub3A_593, %select_n3A_598 : i32
        %ne3A_600 = arith.constant 0 : i32
        %ne3A_601 = arith.cmpi ne, %rem3A_599, %ne3A_600 : i32
        %lt3A_602 = arith.constant 0 : i32
        %lt3A_603 = arith.cmpi slt, %rem3A_599, %lt3A_602 : i32
        %lt3A_604 = arith.constant 0 : i32
        %lt3A_605 = arith.cmpi slt, %select_n3A_598, %lt3A_604 : i32
        %ne3A_606 = arith.xori %lt3A_603, %lt3A_605 : i1
        %and3A_607 = arith.andi %ne3A_606, %ne3A_601 : i1
        %add3A_608 = arith.addi %rem3A_599, %select_n3A_598 : i32
        %select_n3A_609 = arith.select %and3A_607, %add3A_608, %rem3A_599 : i32
        %dma_wait3A_610 = arith.constant 0 : i32
        %dma_wait3A_611 = arith.constant 0 : i32
        %dma_wait3A_612 = tpu.memref_slice %arg9[%select_n3A_609, %dma_wait3A_610, %dma_wait3A_611] : memref<4x128x32xf32, #tpu.memory_space<vmem>> -> memref<1x128x32xf32, #tpu.memory_space<vmem>>
        %dma_wait3A_613 = tpu.memref_squeeze %dma_wait3A_612 : memref<1x128x32xf32, #tpu.memory_space<vmem>> -> memref<128x32xf32, #tpu.memory_space<vmem>>
        %dma_wait3A_614 = arith.constant 0 : i32
        %dma_wait3A_615 = tpu.memref_slice %arg8[%sub3A_591, %dma_wait3A_614] : memref<80x128xi32, #tpu.memory_space<vmem>> -> memref<1x128xi32, #tpu.memory_space<vmem>>
        %dma_wait3A_616 = tpu.memref_squeeze %dma_wait3A_615 : memref<1x128xi32, #tpu.memory_space<vmem>> -> memref<128xi32, #tpu.memory_space<vmem>>
        %dma_wait3A_617 = arith.constant 0 : i32
        %dma_wait3A_618 = arith.constant 0 : i32
        %dma_wait3A_619 = tpu.memref_slice %arg11[%dma_wait3A_617, %dma_wait3A_618] : memref<10240x32xf32, #tpu.memory_space<vmem_shared>> -> memref<10240x32xf32, #tpu.memory_space<vmem_shared>>
        %dma_wait3A_620 = tpu.memref_slice %arg13[%select_n3A_609] : memref<4x!tpu.dma_semaphore, #tpu.memory_space<semaphore_mem>> -> memref<1x!tpu.dma_semaphore, #tpu.memory_space<semaphore_mem>>
        %dma_wait3A_621 = tpu.memref_squeeze %dma_wait3A_620 : memref<1x!tpu.dma_semaphore, #tpu.memory_space<semaphore_mem>> -> memref<!tpu.dma_semaphore, #tpu.memory_space<semaphore_mem>>
        tpu.wait_indirect_dma semaphore(%dma_wait3A_621 : memref<!tpu.dma_semaphore, #tpu.memory_space<semaphore_mem>>) src(%dma_wait3A_613 : memref<128x32xf32, #tpu.memory_space<vmem>>) dst(%dma_wait3A_619 : memref<10240x32xf32, #tpu.memory_space<vmem_shared>>)
        %add3A_622 = arith.constant 4 : i32
        %add3A_623 = arith.addi %add3A_331, %add3A_622 : i32
        %sub3A_624 = arith.constant 1 : i32
        %sub3A_625 = arith.subi %add3A_623, %sub3A_624 : i32
        %sub3A_626 = arith.constant 1 : i32
        %sub3A_627 = arith.subi %add3A_331, %sub3A_626 : i32
        %jit3A_628 = arith.constant 4 : i32
        %eq3A_629 = arith.constant 0 : i32
        %eq3A_630 = arith.cmpi eq, %jit3A_628, %eq3A_629 : i32
        %jit3A_631 = arith.constant 1 : i32
        %select_n3A_632 = arith.select %eq3A_630, %jit3A_631, %jit3A_628 : i32
        %rem3A_633 = arith.remsi %sub3A_627, %select_n3A_632 : i32
        %ne3A_634 = arith.constant 0 : i32
        %ne3A_635 = arith.cmpi ne, %rem3A_633, %ne3A_634 : i32
        %lt3A_636 = arith.constant 0 : i32
        %lt3A_637 = arith.cmpi slt, %rem3A_633, %lt3A_636 : i32
        %lt3A_638 = arith.constant 0 : i32
        %lt3A_639 = arith.cmpi slt, %select_n3A_632, %lt3A_638 : i32
        %ne3A_640 = arith.xori %lt3A_637, %lt3A_639 : i1
        %and3A_641 = arith.andi %ne3A_640, %ne3A_635 : i1
        %add3A_642 = arith.addi %rem3A_633, %select_n3A_632 : i32
        %select_n3A_643 = arith.select %and3A_641, %add3A_642, %rem3A_633 : i32
        %mul3A_644 = arith.constant 128 : i32
        %mul3A_645 = arith.muli %sub3A_625, %mul3A_644 : i32
        %dma_start3A_646 = arith.constant 0 : i32
        %dma_start3A_647 = arith.constant 0 : i32
        %dma_start3A_648 = tpu.memref_slice %arg9[%select_n3A_643, %dma_start3A_646, %dma_start3A_647] : memref<4x128x32xf32, #tpu.memory_space<vmem>> -> memref<1x128x32xf32, #tpu.memory_space<vmem>>
        %dma_start3A_649 = tpu.memref_squeeze %dma_start3A_648 : memref<1x128x32xf32, #tpu.memory_space<vmem>> -> memref<128x32xf32, #tpu.memory_space<vmem>>
        %dma_start3A_650 = tpu.memref_slice %arg6[%mul3A_645] : memref<10240xi32, #tpu.memory_space<vmem>> -> memref<128xi32, #tpu.memory_space<vmem>>
        %dma_start3A_651 = arith.constant 0 : i32
        %dma_start3A_652 = arith.constant 0 : i32
        %dma_start3A_653 = tpu.memref_slice %arg10[%dma_start3A_651, %dma_start3A_652] : memref<10240x32xf32, #tpu.memory_space<vmem_shared>> -> memref<10240x32xf32, #tpu.memory_space<vmem_shared>>
        %dma_start3A_654 = tpu.memref_slice %arg12[%select_n3A_643] : memref<4x!tpu.dma_semaphore, #tpu.memory_space<semaphore_mem>> -> memref<1x!tpu.dma_semaphore, #tpu.memory_space<semaphore_mem>>
        %dma_start3A_655 = tpu.memref_squeeze %dma_start3A_654 : memref<1x!tpu.dma_semaphore, #tpu.memory_space<semaphore_mem>> -> memref<!tpu.dma_semaphore, #tpu.memory_space<semaphore_mem>>
        tpu.enqueue_indirect_dma source(%dma_start3A_653 : memref<10240x32xf32, #tpu.memory_space<vmem_shared>>) target(%dma_start3A_649 : memref<128x32xf32, #tpu.memory_space<vmem>>) offsets(%dma_start3A_650 : memref<128xi32, #tpu.memory_space<vmem>>) semaphore(%dma_start3A_655 : memref<!tpu.dma_semaphore, #tpu.memory_space<semaphore_mem>>)
      } else {
      }
      %mul3A_395 = arith.constant 4 : i32
      %mul3A_396 = arith.muli %scan3A_327, %mul3A_395 : i32
      %add3A_397 = arith.constant 1 : i32
      %add3A_398 = arith.addi %mul3A_396, %add3A_397 : i32
      %jit3A_399 = arith.constant 4 : i32
      %eq3A_400 = arith.constant 0 : i32
      %eq3A_401 = arith.cmpi eq, %jit3A_399, %eq3A_400 : i32
      %jit3A_402 = arith.constant 1 : i32
      %select_n3A_403 = arith.select %eq3A_401, %jit3A_402, %jit3A_399 : i32
      %rem3A_404 = arith.remsi %add3A_398, %select_n3A_403 : i32
      %ne3A_405 = arith.constant 0 : i32
      %ne3A_406 = arith.cmpi ne, %rem3A_404, %ne3A_405 : i32
      %lt3A_407 = arith.constant 0 : i32
      %lt3A_408 = arith.cmpi slt, %rem3A_404, %lt3A_407 : i32
      %lt3A_409 = arith.constant 0 : i32
      %lt3A_410 = arith.cmpi slt, %select_n3A_403, %lt3A_409 : i32
      %ne3A_411 = arith.xori %lt3A_408, %lt3A_410 : i1
      %and3A_412 = arith.andi %ne3A_411, %ne3A_406 : i1
      %add3A_413 = arith.addi %rem3A_404, %select_n3A_403 : i32
      %select_n3A_414 = arith.select %and3A_412, %add3A_413, %rem3A_404 : i32
      %mul3A_415 = arith.constant 128 : i32
      %mul3A_416 = arith.muli %add3A_398, %mul3A_415 : i32
      %dma_wait3A_417 = arith.constant 0 : i32
      %dma_wait3A_418 = arith.constant 0 : i32
      %dma_wait3A_419 = tpu.memref_slice %arg9[%select_n3A_414, %dma_wait3A_417, %dma_wait3A_418] : memref<4x128x32xf32, #tpu.memory_space<vmem>> -> memref<1x128x32xf32, #tpu.memory_space<vmem>>
      %dma_wait3A_420 = tpu.memref_squeeze %dma_wait3A_419 : memref<1x128x32xf32, #tpu.memory_space<vmem>> -> memref<128x32xf32, #tpu.memory_space<vmem>>
      %dma_wait3A_421 = tpu.memref_slice %arg6[%mul3A_416] : memref<10240xi32, #tpu.memory_space<vmem>> -> memref<128xi32, #tpu.memory_space<vmem>>
      %dma_wait3A_422 = arith.constant 0 : i32
      %dma_wait3A_423 = arith.constant 0 : i32
      %dma_wait3A_424 = tpu.memref_slice %arg10[%dma_wait3A_422, %dma_wait3A_423] : memref<10240x32xf32, #tpu.memory_space<vmem_shared>> -> memref<10240x32xf32, #tpu.memory_space<vmem_shared>>
      %dma_wait3A_425 = tpu.memref_slice %arg12[%select_n3A_414] : memref<4x!tpu.dma_semaphore, #tpu.memory_space<semaphore_mem>> -> memref<1x!tpu.dma_semaphore, #tpu.memory_space<semaphore_mem>>
      %dma_wait3A_426 = tpu.memref_squeeze %dma_wait3A_425 : memref<1x!tpu.dma_semaphore, #tpu.memory_space<semaphore_mem>> -> memref<!tpu.dma_semaphore, #tpu.memory_space<semaphore_mem>>
      tpu.wait_indirect_dma semaphore(%dma_wait3A_426 : memref<!tpu.dma_semaphore, #tpu.memory_space<semaphore_mem>>) src(%dma_wait3A_424 : memref<10240x32xf32, #tpu.memory_space<vmem_shared>>) dst(%dma_wait3A_420 : memref<128x32xf32, #tpu.memory_space<vmem>>)
      %jit3A_427 = arith.constant 4 : i32
      %eq3A_428 = arith.constant 0 : i32
      %eq3A_429 = arith.cmpi eq, %jit3A_427, %eq3A_428 : i32
      %jit3A_430 = arith.constant 1 : i32
      %select_n3A_431 = arith.select %eq3A_429, %jit3A_430, %jit3A_427 : i32
      %rem3A_432 = arith.remsi %add3A_398, %select_n3A_431 : i32
      %ne3A_433 = arith.constant 0 : i32
      %ne3A_434 = arith.cmpi ne, %rem3A_432, %ne3A_433 : i32
      %lt3A_435 = arith.constant 0 : i32
      %lt3A_436 = arith.cmpi slt, %rem3A_432, %lt3A_435 : i32
      %lt3A_437 = arith.constant 0 : i32
      %lt3A_438 = arith.cmpi slt, %select_n3A_431, %lt3A_437 : i32
      %ne3A_439 = arith.xori %lt3A_436, %lt3A_438 : i1
      %and3A_440 = arith.andi %ne3A_439, %ne3A_434 : i1
      %add3A_441 = arith.addi %rem3A_432, %select_n3A_431 : i32
      %select_n3A_442 = arith.select %and3A_440, %add3A_441, %rem3A_432 : i32
      %dma_start3A_443 = arith.constant 0 : i32
      %dma_start3A_444 = arith.constant 0 : i32
      %dma_start3A_445 = tpu.memref_slice %arg9[%select_n3A_442, %dma_start3A_443, %dma_start3A_444] : memref<4x128x32xf32, #tpu.memory_space<vmem>> -> memref<1x128x32xf32, #tpu.memory_space<vmem>>
      %dma_start3A_446 = tpu.memref_squeeze %dma_start3A_445 : memref<1x128x32xf32, #tpu.memory_space<vmem>> -> memref<128x32xf32, #tpu.memory_space<vmem>>
      %dma_start3A_447 = arith.constant 0 : i32
      %dma_start3A_448 = tpu.memref_slice %arg8[%add3A_398, %dma_start3A_447] : memref<80x128xi32, #tpu.memory_space<vmem>> -> memref<1x128xi32, #tpu.memory_space<vmem>>
      %dma_start3A_449 = tpu.memref_squeeze %dma_start3A_448 : memref<1x128xi32, #tpu.memory_space<vmem>> -> memref<128xi32, #tpu.memory_space<vmem>>
      %dma_start3A_450 = arith.constant 0 : i32
      %dma_start3A_451 = arith.constant 0 : i32
      %dma_start3A_452 = tpu.memref_slice %arg11[%dma_start3A_450, %dma_start3A_451] : memref<10240x32xf32, #tpu.memory_space<vmem_shared>> -> memref<10240x32xf32, #tpu.memory_space<vmem_shared>>
      %dma_start3A_453 = tpu.memref_slice %arg13[%select_n3A_442] : memref<4x!tpu.dma_semaphore, #tpu.memory_space<semaphore_mem>> -> memref<1x!tpu.dma_semaphore, #tpu.memory_space<semaphore_mem>>
      %dma_start3A_454 = tpu.memref_squeeze %dma_start3A_453 : memref<1x!tpu.dma_semaphore, #tpu.memory_space<semaphore_mem>> -> memref<!tpu.dma_semaphore, #tpu.memory_space<semaphore_mem>>
      tpu.enqueue_indirect_dma source(%dma_start3A_446 : memref<128x32xf32, #tpu.memory_space<vmem>>) target(%dma_start3A_452 : memref<10240x32xf32, #tpu.memory_space<vmem_shared>>) offsets(%dma_start3A_449 : memref<128xi32, #tpu.memory_space<vmem>>) semaphore(%dma_start3A_454 : memref<!tpu.dma_semaphore, #tpu.memory_space<semaphore_mem>>) {add = true}
      %lt3A_455 = arith.constant 19 : i32
      %lt3A_456 = arith.cmpi slt, %scan3A_327, %lt3A_455 : i32
      %convert_element_type3A_457 = arith.extui %lt3A_456 : i1 to i32
      %cond3A_458 = arith.constant 0 : i32
      %cond3A_459 = arith.cmpi ne, %convert_element_type3A_457, %cond3A_458 : i32
      scf.if %cond3A_459 {
        %sub3A_590 = arith.constant 1 : i32
        %sub3A_591 = arith.subi %add3A_398, %sub3A_590 : i32
        %sub3A_592 = arith.constant 1 : i32
        %sub3A_593 = arith.subi %add3A_398, %sub3A_592 : i32
        %jit3A_594 = arith.constant 4 : i32
        %eq3A_595 = arith.constant 0 : i32
        %eq3A_596 = arith.cmpi eq, %jit3A_594, %eq3A_595 : i32
        %jit3A_597 = arith.constant 1 : i32
        %select_n3A_598 = arith.select %eq3A_596, %jit3A_597, %jit3A_594 : i32
        %rem3A_599 = arith.remsi %sub3A_593, %select_n3A_598 : i32
        %ne3A_600 = arith.constant 0 : i32
        %ne3A_601 = arith.cmpi ne, %rem3A_599, %ne3A_600 : i32
        %lt3A_602 = arith.constant 0 : i32
        %lt3A_603 = arith.cmpi slt, %rem3A_599, %lt3A_602 : i32
        %lt3A_604 = arith.constant 0 : i32
        %lt3A_605 = arith.cmpi slt, %select_n3A_598, %lt3A_604 : i32
        %ne3A_606 = arith.xori %lt3A_603, %lt3A_605 : i1
        %and3A_607 = arith.andi %ne3A_606, %ne3A_601 : i1
        %add3A_608 = arith.addi %rem3A_599, %select_n3A_598 : i32
        %select_n3A_609 = arith.select %and3A_607, %add3A_608, %rem3A_599 : i32
        %dma_wait3A_610 = arith.constant 0 : i32
        %dma_wait3A_611 = arith.constant 0 : i32
        %dma_wait3A_612 = tpu.memref_slice %arg9[%select_n3A_609, %dma_wait3A_610, %dma_wait3A_611] : memref<4x128x32xf32, #tpu.memory_space<vmem>> -> memref<1x128x32xf32, #tpu.memory_space<vmem>>
        %dma_wait3A_613 = tpu.memref_squeeze %dma_wait3A_612 : memref<1x128x32xf32, #tpu.memory_space<vmem>> -> memref<128x32xf32, #tpu.memory_space<vmem>>
        %dma_wait3A_614 = arith.constant 0 : i32
        %dma_wait3A_615 = tpu.memref_slice %arg8[%sub3A_591, %dma_wait3A_614] : memref<80x128xi32, #tpu.memory_space<vmem>> -> memref<1x128xi32, #tpu.memory_space<vmem>>
        %dma_wait3A_616 = tpu.memref_squeeze %dma_wait3A_615 : memref<1x128xi32, #tpu.memory_space<vmem>> -> memref<128xi32, #tpu.memory_space<vmem>>
        %dma_wait3A_617 = arith.constant 0 : i32
        %dma_wait3A_618 = arith.constant 0 : i32
        %dma_wait3A_619 = tpu.memref_slice %arg11[%dma_wait3A_617, %dma_wait3A_618] : memref<10240x32xf32, #tpu.memory_space<vmem_shared>> -> memref<10240x32xf32, #tpu.memory_space<vmem_shared>>
        %dma_wait3A_620 = tpu.memref_slice %arg13[%select_n3A_609] : memref<4x!tpu.dma_semaphore, #tpu.memory_space<semaphore_mem>> -> memref<1x!tpu.dma_semaphore, #tpu.memory_space<semaphore_mem>>
        %dma_wait3A_621 = tpu.memref_squeeze %dma_wait3A_620 : memref<1x!tpu.dma_semaphore, #tpu.memory_space<semaphore_mem>> -> memref<!tpu.dma_semaphore, #tpu.memory_space<semaphore_mem>>
        tpu.wait_indirect_dma semaphore(%dma_wait3A_621 : memref<!tpu.dma_semaphore, #tpu.memory_space<semaphore_mem>>) src(%dma_wait3A_613 : memref<128x32xf32, #tpu.memory_space<vmem>>) dst(%dma_wait3A_619 : memref<10240x32xf32, #tpu.memory_space<vmem_shared>>)
        %add3A_622 = arith.constant 4 : i32
        %add3A_623 = arith.addi %add3A_398, %add3A_622 : i32
        %sub3A_624 = arith.constant 1 : i32
        %sub3A_625 = arith.subi %add3A_623, %sub3A_624 : i32
        %sub3A_626 = arith.constant 1 : i32
        %sub3A_627 = arith.subi %add3A_398, %sub3A_626 : i32
        %jit3A_628 = arith.constant 4 : i32
        %eq3A_629 = arith.constant 0 : i32
        %eq3A_630 = arith.cmpi eq, %jit3A_628, %eq3A_629 : i32
        %jit3A_631 = arith.constant 1 : i32
        %select_n3A_632 = arith.select %eq3A_630, %jit3A_631, %jit3A_628 : i32
        %rem3A_633 = arith.remsi %sub3A_627, %select_n3A_632 : i32
        %ne3A_634 = arith.constant 0 : i32
        %ne3A_635 = arith.cmpi ne, %rem3A_633, %ne3A_634 : i32
        %lt3A_636 = arith.constant 0 : i32
        %lt3A_637 = arith.cmpi slt, %rem3A_633, %lt3A_636 : i32
        %lt3A_638 = arith.constant 0 : i32
        %lt3A_639 = arith.cmpi slt, %select_n3A_632, %lt3A_638 : i32
        %ne3A_640 = arith.xori %lt3A_637, %lt3A_639 : i1
        %and3A_641 = arith.andi %ne3A_640, %ne3A_635 : i1
        %add3A_642 = arith.addi %rem3A_633, %select_n3A_632 : i32
        %select_n3A_643 = arith.select %and3A_641, %add3A_642, %rem3A_633 : i32
        %mul3A_644 = arith.constant 128 : i32
        %mul3A_645 = arith.muli %sub3A_625, %mul3A_644 : i32
        %dma_start3A_646 = arith.constant 0 : i32
        %dma_start3A_647 = arith.constant 0 : i32
        %dma_start3A_648 = tpu.memref_slice %arg9[%select_n3A_643, %dma_start3A_646, %dma_start3A_647] : memref<4x128x32xf32, #tpu.memory_space<vmem>> -> memref<1x128x32xf32, #tpu.memory_space<vmem>>
        %dma_start3A_649 = tpu.memref_squeeze %dma_start3A_648 : memref<1x128x32xf32, #tpu.memory_space<vmem>> -> memref<128x32xf32, #tpu.memory_space<vmem>>
        %dma_start3A_650 = tpu.memref_slice %arg6[%mul3A_645] : memref<10240xi32, #tpu.memory_space<vmem>> -> memref<128xi32, #tpu.memory_space<vmem>>
        %dma_start3A_651 = arith.constant 0 : i32
        %dma_start3A_652 = arith.constant 0 : i32
        %dma_start3A_653 = tpu.memref_slice %arg10[%dma_start3A_651, %dma_start3A_652] : memref<10240x32xf32, #tpu.memory_space<vmem_shared>> -> memref<10240x32xf32, #tpu.memory_space<vmem_shared>>
        %dma_start3A_654 = tpu.memref_slice %arg12[%select_n3A_643] : memref<4x!tpu.dma_semaphore, #tpu.memory_space<semaphore_mem>> -> memref<1x!tpu.dma_semaphore, #tpu.memory_space<semaphore_mem>>
        %dma_start3A_655 = tpu.memref_squeeze %dma_start3A_654 : memref<1x!tpu.dma_semaphore, #tpu.memory_space<semaphore_mem>> -> memref<!tpu.dma_semaphore, #tpu.memory_space<semaphore_mem>>
        tpu.enqueue_indirect_dma source(%dma_start3A_653 : memref<10240x32xf32, #tpu.memory_space<vmem_shared>>) target(%dma_start3A_649 : memref<128x32xf32, #tpu.memory_space<vmem>>) offsets(%dma_start3A_650 : memref<128xi32, #tpu.memory_space<vmem>>) semaphore(%dma_start3A_655 : memref<!tpu.dma_semaphore, #tpu.memory_space<semaphore_mem>>)
      } else {
      }
      %mul3A_460 = arith.constant 4 : i32
      %mul3A_461 = arith.muli %scan3A_327, %mul3A_460 : i32
      %add3A_462 = arith.constant 2 : i32
      %add3A_463 = arith.addi %mul3A_461, %add3A_462 : i32
      %jit3A_464 = arith.constant 4 : i32
      %eq3A_465 = arith.constant 0 : i32
      %eq3A_466 = arith.cmpi eq, %jit3A_464, %eq3A_465 : i32
      %jit3A_467 = arith.constant 1 : i32
      %select_n3A_468 = arith.select %eq3A_466, %jit3A_467, %jit3A_464 : i32
      %rem3A_469 = arith.remsi %add3A_463, %select_n3A_468 : i32
      %ne3A_470 = arith.constant 0 : i32
      %ne3A_471 = arith.cmpi ne, %rem3A_469, %ne3A_470 : i32
      %lt3A_472 = arith.constant 0 : i32
      %lt3A_473 = arith.cmpi slt, %rem3A_469, %lt3A_472 : i32
      %lt3A_474 = arith.constant 0 : i32
      %lt3A_475 = arith.cmpi slt, %select_n3A_468, %lt3A_474 : i32
      %ne3A_476 = arith.xori %lt3A_473, %lt3A_475 : i1
      %and3A_477 = arith.andi %ne3A_476, %ne3A_471 : i1
      %add3A_478 = arith.addi %rem3A_469, %select_n3A_468 : i32
      %select_n3A_479 = arith.select %and3A_477, %add3A_478, %rem3A_469 : i32
      %mul3A_480 = arith.constant 128 : i32
      %mul3A_481 = arith.muli %add3A_463, %mul3A_480 : i32
      %dma_wait3A_482 = arith.constant 0 : i32
      %dma_wait3A_483 = arith.constant 0 : i32
      %dma_wait3A_484 = tpu.memref_slice %arg9[%select_n3A_479, %dma_wait3A_482, %dma_wait3A_483] : memref<4x128x32xf32, #tpu.memory_space<vmem>> -> memref<1x128x32xf32, #tpu.memory_space<vmem>>
      %dma_wait3A_485 = tpu.memref_squeeze %dma_wait3A_484 : memref<1x128x32xf32, #tpu.memory_space<vmem>> -> memref<128x32xf32, #tpu.memory_space<vmem>>
      %dma_wait3A_486 = tpu.memref_slice %arg6[%mul3A_481] : memref<10240xi32, #tpu.memory_space<vmem>> -> memref<128xi32, #tpu.memory_space<vmem>>
      %dma_wait3A_487 = arith.constant 0 : i32
      %dma_wait3A_488 = arith.constant 0 : i32
      %dma_wait3A_489 = tpu.memref_slice %arg10[%dma_wait3A_487, %dma_wait3A_488] : memref<10240x32xf32, #tpu.memory_space<vmem_shared>> -> memref<10240x32xf32, #tpu.memory_space<vmem_shared>>
      %dma_wait3A_490 = tpu.memref_slice %arg12[%select_n3A_479] : memref<4x!tpu.dma_semaphore, #tpu.memory_space<semaphore_mem>> -> memref<1x!tpu.dma_semaphore, #tpu.memory_space<semaphore_mem>>
      %dma_wait3A_491 = tpu.memref_squeeze %dma_wait3A_490 : memref<1x!tpu.dma_semaphore, #tpu.memory_space<semaphore_mem>> -> memref<!tpu.dma_semaphore, #tpu.memory_space<semaphore_mem>>
      tpu.wait_indirect_dma semaphore(%dma_wait3A_491 : memref<!tpu.dma_semaphore, #tpu.memory_space<semaphore_mem>>) src(%dma_wait3A_489 : memref<10240x32xf32, #tpu.memory_space<vmem_shared>>) dst(%dma_wait3A_485 : memref<128x32xf32, #tpu.memory_space<vmem>>)
      %jit3A_492 = arith.constant 4 : i32
      %eq3A_493 = arith.constant 0 : i32
      %eq3A_494 = arith.cmpi eq, %jit3A_492, %eq3A_493 : i32
      %jit3A_495 = arith.constant 1 : i32
      %select_n3A_496 = arith.select %eq3A_494, %jit3A_495, %jit3A_492 : i32
      %rem3A_497 = arith.remsi %add3A_463, %select_n3A_496 : i32
      %ne3A_498 = arith.constant 0 : i32
      %ne3A_499 = arith.cmpi ne, %rem3A_497, %ne3A_498 : i32
      %lt3A_500 = arith.constant 0 : i32
      %lt3A_501 = arith.cmpi slt, %rem3A_497, %lt3A_500 : i32
      %lt3A_502 = arith.constant 0 : i32
      %lt3A_503 = arith.cmpi slt, %select_n3A_496, %lt3A_502 : i32
      %ne3A_504 = arith.xori %lt3A_501, %lt3A_503 : i1
      %and3A_505 = arith.andi %ne3A_504, %ne3A_499 : i1
      %add3A_506 = arith.addi %rem3A_497, %select_n3A_496 : i32
      %select_n3A_507 = arith.select %and3A_505, %add3A_506, %rem3A_497 : i32
      %dma_start3A_508 = arith.constant 0 : i32
      %dma_start3A_509 = arith.constant 0 : i32
      %dma_start3A_510 = tpu.memref_slice %arg9[%select_n3A_507, %dma_start3A_508, %dma_start3A_509] : memref<4x128x32xf32, #tpu.memory_space<vmem>> -> memref<1x128x32xf32, #tpu.memory_space<vmem>>
      %dma_start3A_511 = tpu.memref_squeeze %dma_start3A_510 : memref<1x128x32xf32, #tpu.memory_space<vmem>> -> memref<128x32xf32, #tpu.memory_space<vmem>>
      %dma_start3A_512 = arith.constant 0 : i32
      %dma_start3A_513 = tpu.memref_slice %arg8[%add3A_463, %dma_start3A_512] : memref<80x128xi32, #tpu.memory_space<vmem>> -> memref<1x128xi32, #tpu.memory_space<vmem>>
      %dma_start3A_514 = tpu.memref_squeeze %dma_start3A_513 : memref<1x128xi32, #tpu.memory_space<vmem>> -> memref<128xi32, #tpu.memory_space<vmem>>
      %dma_start3A_515 = arith.constant 0 : i32
      %dma_start3A_516 = arith.constant 0 : i32
      %dma_start3A_517 = tpu.memref_slice %arg11[%dma_start3A_515, %dma_start3A_516] : memref<10240x32xf32, #tpu.memory_space<vmem_shared>> -> memref<10240x32xf32, #tpu.memory_space<vmem_shared>>
      %dma_start3A_518 = tpu.memref_slice %arg13[%select_n3A_507] : memref<4x!tpu.dma_semaphore, #tpu.memory_space<semaphore_mem>> -> memref<1x!tpu.dma_semaphore, #tpu.memory_space<semaphore_mem>>
      %dma_start3A_519 = tpu.memref_squeeze %dma_start3A_518 : memref<1x!tpu.dma_semaphore, #tpu.memory_space<semaphore_mem>> -> memref<!tpu.dma_semaphore, #tpu.memory_space<semaphore_mem>>
      tpu.enqueue_indirect_dma source(%dma_start3A_511 : memref<128x32xf32, #tpu.memory_space<vmem>>) target(%dma_start3A_517 : memref<10240x32xf32, #tpu.memory_space<vmem_shared>>) offsets(%dma_start3A_514 : memref<128xi32, #tpu.memory_space<vmem>>) semaphore(%dma_start3A_519 : memref<!tpu.dma_semaphore, #tpu.memory_space<semaphore_mem>>) {add = true}
      %lt3A_520 = arith.constant 19 : i32
      %lt3A_521 = arith.cmpi slt, %scan3A_327, %lt3A_520 : i32
      %convert_element_type3A_522 = arith.extui %lt3A_521 : i1 to i32
      %cond3A_523 = arith.constant 0 : i32
      %cond3A_524 = arith.cmpi ne, %convert_element_type3A_522, %cond3A_523 : i32
      scf.if %cond3A_524 {
        %sub3A_590 = arith.constant 1 : i32
        %sub3A_591 = arith.subi %add3A_463, %sub3A_590 : i32
        %sub3A_592 = arith.constant 1 : i32
        %sub3A_593 = arith.subi %add3A_463, %sub3A_592 : i32
        %jit3A_594 = arith.constant 4 : i32
        %eq3A_595 = arith.constant 0 : i32
        %eq3A_596 = arith.cmpi eq, %jit3A_594, %eq3A_595 : i32
        %jit3A_597 = arith.constant 1 : i32
        %select_n3A_598 = arith.select %eq3A_596, %jit3A_597, %jit3A_594 : i32
        %rem3A_599 = arith.remsi %sub3A_593, %select_n3A_598 : i32
        %ne3A_600 = arith.constant 0 : i32
        %ne3A_601 = arith.cmpi ne, %rem3A_599, %ne3A_600 : i32
        %lt3A_602 = arith.constant 0 : i32
        %lt3A_603 = arith.cmpi slt, %rem3A_599, %lt3A_602 : i32
        %lt3A_604 = arith.constant 0 : i32
        %lt3A_605 = arith.cmpi slt, %select_n3A_598, %lt3A_604 : i32
        %ne3A_606 = arith.xori %lt3A_603, %lt3A_605 : i1
        %and3A_607 = arith.andi %ne3A_606, %ne3A_601 : i1
        %add3A_608 = arith.addi %rem3A_599, %select_n3A_598 : i32
        %select_n3A_609 = arith.select %and3A_607, %add3A_608, %rem3A_599 : i32
        %dma_wait3A_610 = arith.constant 0 : i32
        %dma_wait3A_611 = arith.constant 0 : i32
        %dma_wait3A_612 = tpu.memref_slice %arg9[%select_n3A_609, %dma_wait3A_610, %dma_wait3A_611] : memref<4x128x32xf32, #tpu.memory_space<vmem>> -> memref<1x128x32xf32, #tpu.memory_space<vmem>>
        %dma_wait3A_613 = tpu.memref_squeeze %dma_wait3A_612 : memref<1x128x32xf32, #tpu.memory_space<vmem>> -> memref<128x32xf32, #tpu.memory_space<vmem>>
        %dma_wait3A_614 = arith.constant 0 : i32
        %dma_wait3A_615 = tpu.memref_slice %arg8[%sub3A_591, %dma_wait3A_614] : memref<80x128xi32, #tpu.memory_space<vmem>> -> memref<1x128xi32, #tpu.memory_space<vmem>>
        %dma_wait3A_616 = tpu.memref_squeeze %dma_wait3A_615 : memref<1x128xi32, #tpu.memory_space<vmem>> -> memref<128xi32, #tpu.memory_space<vmem>>
        %dma_wait3A_617 = arith.constant 0 : i32
        %dma_wait3A_618 = arith.constant 0 : i32
        %dma_wait3A_619 = tpu.memref_slice %arg11[%dma_wait3A_617, %dma_wait3A_618] : memref<10240x32xf32, #tpu.memory_space<vmem_shared>> -> memref<10240x32xf32, #tpu.memory_space<vmem_shared>>
        %dma_wait3A_620 = tpu.memref_slice %arg13[%select_n3A_609] : memref<4x!tpu.dma_semaphore, #tpu.memory_space<semaphore_mem>> -> memref<1x!tpu.dma_semaphore, #tpu.memory_space<semaphore_mem>>
        %dma_wait3A_621 = tpu.memref_squeeze %dma_wait3A_620 : memref<1x!tpu.dma_semaphore, #tpu.memory_space<semaphore_mem>> -> memref<!tpu.dma_semaphore, #tpu.memory_space<semaphore_mem>>
        tpu.wait_indirect_dma semaphore(%dma_wait3A_621 : memref<!tpu.dma_semaphore, #tpu.memory_space<semaphore_mem>>) src(%dma_wait3A_613 : memref<128x32xf32, #tpu.memory_space<vmem>>) dst(%dma_wait3A_619 : memref<10240x32xf32, #tpu.memory_space<vmem_shared>>)
        %add3A_622 = arith.constant 4 : i32
        %add3A_623 = arith.addi %add3A_463, %add3A_622 : i32
        %sub3A_624 = arith.constant 1 : i32
        %sub3A_625 = arith.subi %add3A_623, %sub3A_624 : i32
        %sub3A_626 = arith.constant 1 : i32
        %sub3A_627 = arith.subi %add3A_463, %sub3A_626 : i32
        %jit3A_628 = arith.constant 4 : i32
        %eq3A_629 = arith.constant 0 : i32
        %eq3A_630 = arith.cmpi eq, %jit3A_628, %eq3A_629 : i32
        %jit3A_631 = arith.constant 1 : i32
        %select_n3A_632 = arith.select %eq3A_630, %jit3A_631, %jit3A_628 : i32
        %rem3A_633 = arith.remsi %sub3A_627, %select_n3A_632 : i32
        %ne3A_634 = arith.constant 0 : i32
        %ne3A_635 = arith.cmpi ne, %rem3A_633, %ne3A_634 : i32
        %lt3A_636 = arith.constant 0 : i32
        %lt3A_637 = arith.cmpi slt, %rem3A_633, %lt3A_636 : i32
        %lt3A_638 = arith.constant 0 : i32
        %lt3A_639 = arith.cmpi slt, %select_n3A_632, %lt3A_638 : i32
        %ne3A_640 = arith.xori %lt3A_637, %lt3A_639 : i1
        %and3A_641 = arith.andi %ne3A_640, %ne3A_635 : i1
        %add3A_642 = arith.addi %rem3A_633, %select_n3A_632 : i32
        %select_n3A_643 = arith.select %and3A_641, %add3A_642, %rem3A_633 : i32
        %mul3A_644 = arith.constant 128 : i32
        %mul3A_645 = arith.muli %sub3A_625, %mul3A_644 : i32
        %dma_start3A_646 = arith.constant 0 : i32
        %dma_start3A_647 = arith.constant 0 : i32
        %dma_start3A_648 = tpu.memref_slice %arg9[%select_n3A_643, %dma_start3A_646, %dma_start3A_647] : memref<4x128x32xf32, #tpu.memory_space<vmem>> -> memref<1x128x32xf32, #tpu.memory_space<vmem>>
        %dma_start3A_649 = tpu.memref_squeeze %dma_start3A_648 : memref<1x128x32xf32, #tpu.memory_space<vmem>> -> memref<128x32xf32, #tpu.memory_space<vmem>>
        %dma_start3A_650 = tpu.memref_slice %arg6[%mul3A_645] : memref<10240xi32, #tpu.memory_space<vmem>> -> memref<128xi32, #tpu.memory_space<vmem>>
        %dma_start3A_651 = arith.constant 0 : i32
        %dma_start3A_652 = arith.constant 0 : i32
        %dma_start3A_653 = tpu.memref_slice %arg10[%dma_start3A_651, %dma_start3A_652] : memref<10240x32xf32, #tpu.memory_space<vmem_shared>> -> memref<10240x32xf32, #tpu.memory_space<vmem_shared>>
        %dma_start3A_654 = tpu.memref_slice %arg12[%select_n3A_643] : memref<4x!tpu.dma_semaphore, #tpu.memory_space<semaphore_mem>> -> memref<1x!tpu.dma_semaphore, #tpu.memory_space<semaphore_mem>>
        %dma_start3A_655 = tpu.memref_squeeze %dma_start3A_654 : memref<1x!tpu.dma_semaphore, #tpu.memory_space<semaphore_mem>> -> memref<!tpu.dma_semaphore, #tpu.memory_space<semaphore_mem>>
        tpu.enqueue_indirect_dma source(%dma_start3A_653 : memref<10240x32xf32, #tpu.memory_space<vmem_shared>>) target(%dma_start3A_649 : memref<128x32xf32, #tpu.memory_space<vmem>>) offsets(%dma_start3A_650 : memref<128xi32, #tpu.memory_space<vmem>>) semaphore(%dma_start3A_655 : memref<!tpu.dma_semaphore, #tpu.memory_space<semaphore_mem>>)
      } else {
      }
      %mul3A_525 = arith.constant 4 : i32
      %mul3A_526 = arith.muli %scan3A_327, %mul3A_525 : i32
      %add3A_527 = arith.constant 3 : i32
      %add3A_528 = arith.addi %mul3A_526, %add3A_527 : i32
      %jit3A_529 = arith.constant 4 : i32
      %eq3A_530 = arith.constant 0 : i32
      %eq3A_531 = arith.cmpi eq, %jit3A_529, %eq3A_530 : i32
      %jit3A_532 = arith.constant 1 : i32
      %select_n3A_533 = arith.select %eq3A_531, %jit3A_532, %jit3A_529 : i32
      %rem3A_534 = arith.remsi %add3A_528, %select_n3A_533 : i32
      %ne3A_535 = arith.constant 0 : i32
      %ne3A_536 = arith.cmpi ne, %rem3A_534, %ne3A_535 : i32
      %lt3A_537 = arith.constant 0 : i32
      %lt3A_538 = arith.cmpi slt, %rem3A_534, %lt3A_537 : i32
      %lt3A_539 = arith.constant 0 : i32
      %lt3A_540 = arith.cmpi slt, %select_n3A_533, %lt3A_539 : i32
      %ne3A_541 = arith.xori %lt3A_538, %lt3A_540 : i1
      %and3A_542 = arith.andi %ne3A_541, %ne3A_536 : i1
      %add3A_543 = arith.addi %rem3A_534, %select_n3A_533 : i32
      %select_n3A_544 = arith.select %and3A_542, %add3A_543, %rem3A_534 : i32
      %mul3A_545 = arith.constant 128 : i32
      %mul3A_546 = arith.muli %add3A_528, %mul3A_545 : i32
      %dma_wait3A_547 = arith.constant 0 : i32
      %dma_wait3A_548 = arith.constant 0 : i32
      %dma_wait3A_549 = tpu.memref_slice %arg9[%select_n3A_544, %dma_wait3A_547, %dma_wait3A_548] : memref<4x128x32xf32, #tpu.memory_space<vmem>> -> memref<1x128x32xf32, #tpu.memory_space<vmem>>
      %dma_wait3A_550 = tpu.memref_squeeze %dma_wait3A_549 : memref<1x128x32xf32, #tpu.memory_space<vmem>> -> memref<128x32xf32, #tpu.memory_space<vmem>>
      %dma_wait3A_551 = tpu.memref_slice %arg6[%mul3A_546] : memref<10240xi32, #tpu.memory_space<vmem>> -> memref<128xi32, #tpu.memory_space<vmem>>
      %dma_wait3A_552 = arith.constant 0 : i32
      %dma_wait3A_553 = arith.constant 0 : i32
      %dma_wait3A_554 = tpu.memref_slice %arg10[%dma_wait3A_552, %dma_wait3A_553] : memref<10240x32xf32, #tpu.memory_space<vmem_shared>> -> memref<10240x32xf32, #tpu.memory_space<vmem_shared>>
      %dma_wait3A_555 = tpu.memref_slice %arg12[%select_n3A_544] : memref<4x!tpu.dma_semaphore, #tpu.memory_space<semaphore_mem>> -> memref<1x!tpu.dma_semaphore, #tpu.memory_space<semaphore_mem>>
      %dma_wait3A_556 = tpu.memref_squeeze %dma_wait3A_555 : memref<1x!tpu.dma_semaphore, #tpu.memory_space<semaphore_mem>> -> memref<!tpu.dma_semaphore, #tpu.memory_space<semaphore_mem>>
      tpu.wait_indirect_dma semaphore(%dma_wait3A_556 : memref<!tpu.dma_semaphore, #tpu.memory_space<semaphore_mem>>) src(%dma_wait3A_554 : memref<10240x32xf32, #tpu.memory_space<vmem_shared>>) dst(%dma_wait3A_550 : memref<128x32xf32, #tpu.memory_space<vmem>>)
      %jit3A_557 = arith.constant 4 : i32
      %eq3A_558 = arith.constant 0 : i32
      %eq3A_559 = arith.cmpi eq, %jit3A_557, %eq3A_558 : i32
      %jit3A_560 = arith.constant 1 : i32
      %select_n3A_561 = arith.select %eq3A_559, %jit3A_560, %jit3A_557 : i32
      %rem3A_562 = arith.remsi %add3A_528, %select_n3A_561 : i32
      %ne3A_563 = arith.constant 0 : i32
      %ne3A_564 = arith.cmpi ne, %rem3A_562, %ne3A_563 : i32
      %lt3A_565 = arith.constant 0 : i32
      %lt3A_566 = arith.cmpi slt, %rem3A_562, %lt3A_565 : i32
      %lt3A_567 = arith.constant 0 : i32
      %lt3A_568 = arith.cmpi slt, %select_n3A_561, %lt3A_567 : i32
      %ne3A_569 = arith.xori %lt3A_566, %lt3A_568 : i1
      %and3A_570 = arith.andi %ne3A_569, %ne3A_564 : i1
      %add3A_571 = arith.addi %rem3A_562, %select_n3A_561 : i32
      %select_n3A_572 = arith.select %and3A_570, %add3A_571, %rem3A_562 : i32
      %dma_start3A_573 = arith.constant 0 : i32
      %dma_start3A_574 = arith.constant 0 : i32
      %dma_start3A_575 = tpu.memref_slice %arg9[%select_n3A_572, %dma_start3A_573, %dma_start3A_574] : memref<4x128x32xf32, #tpu.memory_space<vmem>> -> memref<1x128x32xf32, #tpu.memory_space<vmem>>
      %dma_start3A_576 = tpu.memref_squeeze %dma_start3A_575 : memref<1x128x32xf32, #tpu.memory_space<vmem>> -> memref<128x32xf32, #tpu.memory_space<vmem>>
      %dma_start3A_577 = arith.constant 0 : i32
      %dma_start3A_578 = tpu.memref_slice %arg8[%add3A_528, %dma_start3A_577] : memref<80x128xi32, #tpu.memory_space<vmem>> -> memref<1x128xi32, #tpu.memory_space<vmem>>
      %dma_start3A_579 = tpu.memref_squeeze %dma_start3A_578 : memref<1x128xi32, #tpu.memory_space<vmem>> -> memref<128xi32, #tpu.memory_space<vmem>>
      %dma_start3A_580 = arith.constant 0 : i32
      %dma_start3A_581 = arith.constant 0 : i32
      %dma_start3A_582 = tpu.memref_slice %arg11[%dma_start3A_580, %dma_start3A_581] : memref<10240x32xf32, #tpu.memory_space<vmem_shared>> -> memref<10240x32xf32, #tpu.memory_space<vmem_shared>>
      %dma_start3A_583 = tpu.memref_slice %arg13[%select_n3A_572] : memref<4x!tpu.dma_semaphore, #tpu.memory_space<semaphore_mem>> -> memref<1x!tpu.dma_semaphore, #tpu.memory_space<semaphore_mem>>
      %dma_start3A_584 = tpu.memref_squeeze %dma_start3A_583 : memref<1x!tpu.dma_semaphore, #tpu.memory_space<semaphore_mem>> -> memref<!tpu.dma_semaphore, #tpu.memory_space<semaphore_mem>>
      tpu.enqueue_indirect_dma source(%dma_start3A_576 : memref<128x32xf32, #tpu.memory_space<vmem>>) target(%dma_start3A_582 : memref<10240x32xf32, #tpu.memory_space<vmem_shared>>) offsets(%dma_start3A_579 : memref<128xi32, #tpu.memory_space<vmem>>) semaphore(%dma_start3A_584 : memref<!tpu.dma_semaphore, #tpu.memory_space<semaphore_mem>>) {add = true}
      %lt3A_585 = arith.constant 19 : i32
      %lt3A_586 = arith.cmpi slt, %scan3A_327, %lt3A_585 : i32
      %convert_element_type3A_587 = arith.extui %lt3A_586 : i1 to i32
      %cond3A_588 = arith.constant 0 : i32
      %cond3A_589 = arith.cmpi ne, %convert_element_type3A_587, %cond3A_588 : i32
      scf.if %cond3A_589 {
        %sub3A_590 = arith.constant 1 : i32
        %sub3A_591 = arith.subi %add3A_528, %sub3A_590 : i32
        %sub3A_592 = arith.constant 1 : i32
        %sub3A_593 = arith.subi %add3A_528, %sub3A_592 : i32
        %jit3A_594 = arith.constant 4 : i32
        %eq3A_595 = arith.constant 0 : i32
        %eq3A_596 = arith.cmpi eq, %jit3A_594, %eq3A_595 : i32
        %jit3A_597 = arith.constant 1 : i32
        %select_n3A_598 = arith.select %eq3A_596, %jit3A_597, %jit3A_594 : i32
        %rem3A_599 = arith.remsi %sub3A_593, %select_n3A_598 : i32
        %ne3A_600 = arith.constant 0 : i32
        %ne3A_601 = arith.cmpi ne, %rem3A_599, %ne3A_600 : i32
        %lt3A_602 = arith.constant 0 : i32
        %lt3A_603 = arith.cmpi slt, %rem3A_599, %lt3A_602 : i32
        %lt3A_604 = arith.constant 0 : i32
        %lt3A_605 = arith.cmpi slt, %select_n3A_598, %lt3A_604 : i32
        %ne3A_606 = arith.xori %lt3A_603, %lt3A_605 : i1
        %and3A_607 = arith.andi %ne3A_606, %ne3A_601 : i1
        %add3A_608 = arith.addi %rem3A_599, %select_n3A_598 : i32
        %select_n3A_609 = arith.select %and3A_607, %add3A_608, %rem3A_599 : i32
        %dma_wait3A_610 = arith.constant 0 : i32
        %dma_wait3A_611 = arith.constant 0 : i32
        %dma_wait3A_612 = tpu.memref_slice %arg9[%select_n3A_609, %dma_wait3A_610, %dma_wait3A_611] : memref<4x128x32xf32, #tpu.memory_space<vmem>> -> memref<1x128x32xf32, #tpu.memory_space<vmem>>
        %dma_wait3A_613 = tpu.memref_squeeze %dma_wait3A_612 : memref<1x128x32xf32, #tpu.memory_space<vmem>> -> memref<128x32xf32, #tpu.memory_space<vmem>>
        %dma_wait3A_614 = arith.constant 0 : i32
        %dma_wait3A_615 = tpu.memref_slice %arg8[%sub3A_591, %dma_wait3A_614] : memref<80x128xi32, #tpu.memory_space<vmem>> -> memref<1x128xi32, #tpu.memory_space<vmem>>
        %dma_wait3A_616 = tpu.memref_squeeze %dma_wait3A_615 : memref<1x128xi32, #tpu.memory_space<vmem>> -> memref<128xi32, #tpu.memory_space<vmem>>
        %dma_wait3A_617 = arith.constant 0 : i32
        %dma_wait3A_618 = arith.constant 0 : i32
        %dma_wait3A_619 = tpu.memref_slice %arg11[%dma_wait3A_617, %dma_wait3A_618] : memref<10240x32xf32, #tpu.memory_space<vmem_shared>> -> memref<10240x32xf32, #tpu.memory_space<vmem_shared>>
        %dma_wait3A_620 = tpu.memref_slice %arg13[%select_n3A_609] : memref<4x!tpu.dma_semaphore, #tpu.memory_space<semaphore_mem>> -> memref<1x!tpu.dma_semaphore, #tpu.memory_space<semaphore_mem>>
        %dma_wait3A_621 = tpu.memref_squeeze %dma_wait3A_620 : memref<1x!tpu.dma_semaphore, #tpu.memory_space<semaphore_mem>> -> memref<!tpu.dma_semaphore, #tpu.memory_space<semaphore_mem>>
        tpu.wait_indirect_dma semaphore(%dma_wait3A_621 : memref<!tpu.dma_semaphore, #tpu.memory_space<semaphore_mem>>) src(%dma_wait3A_613 : memref<128x32xf32, #tpu.memory_space<vmem>>) dst(%dma_wait3A_619 : memref<10240x32xf32, #tpu.memory_space<vmem_shared>>)
        %add3A_622 = arith.constant 4 : i32
        %add3A_623 = arith.addi %add3A_528, %add3A_622 : i32
        %sub3A_624 = arith.constant 1 : i32
        %sub3A_625 = arith.subi %add3A_623, %sub3A_624 : i32
        %sub3A_626 = arith.constant 1 : i32
        %sub3A_627 = arith.subi %add3A_528, %sub3A_626 : i32
        %jit3A_628 = arith.constant 4 : i32
        %eq3A_629 = arith.constant 0 : i32
        %eq3A_630 = arith.cmpi eq, %jit3A_628, %eq3A_629 : i32
        %jit3A_631 = arith.constant 1 : i32
        %select_n3A_632 = arith.select %eq3A_630, %jit3A_631, %jit3A_628 : i32
        %rem3A_633 = arith.remsi %sub3A_627, %select_n3A_632 : i32
        %ne3A_634 = arith.constant 0 : i32
        %ne3A_635 = arith.cmpi ne, %rem3A_633, %ne3A_634 : i32
        %lt3A_636 = arith.constant 0 : i32
        %lt3A_637 = arith.cmpi slt, %rem3A_633, %lt3A_636 : i32
        %lt3A_638 = arith.constant 0 : i32
        %lt3A_639 = arith.cmpi slt, %select_n3A_632, %lt3A_638 : i32
        %ne3A_640 = arith.xori %lt3A_637, %lt3A_639 : i1
        %and3A_641 = arith.andi %ne3A_640, %ne3A_635 : i1
        %add3A_642 = arith.addi %rem3A_633, %select_n3A_632 : i32
        %select_n3A_643 = arith.select %and3A_641, %add3A_642, %rem3A_633 : i32
        %mul3A_644 = arith.constant 128 : i32
        %mul3A_645 = arith.muli %sub3A_625, %mul3A_644 : i32
        %dma_start3A_646 = arith.constant 0 : i32
        %dma_start3A_647 = arith.constant 0 : i32
        %dma_start3A_648 = tpu.memref_slice %arg9[%select_n3A_643, %dma_start3A_646, %dma_start3A_647] : memref<4x128x32xf32, #tpu.memory_space<vmem>> -> memref<1x128x32xf32, #tpu.memory_space<vmem>>
        %dma_start3A_649 = tpu.memref_squeeze %dma_start3A_648 : memref<1x128x32xf32, #tpu.memory_space<vmem>> -> memref<128x32xf32, #tpu.memory_space<vmem>>
        %dma_start3A_650 = tpu.memref_slice %arg6[%mul3A_645] : memref<10240xi32, #tpu.memory_space<vmem>> -> memref<128xi32, #tpu.memory_space<vmem>>
        %dma_start3A_651 = arith.constant 0 : i32
        %dma_start3A_652 = arith.constant 0 : i32
        %dma_start3A_653 = tpu.memref_slice %arg10[%dma_start3A_651, %dma_start3A_652] : memref<10240x32xf32, #tpu.memory_space<vmem_shared>> -> memref<10240x32xf32, #tpu.memory_space<vmem_shared>>
        %dma_start3A_654 = tpu.memref_slice %arg12[%select_n3A_643] : memref<4x!tpu.dma_semaphore, #tpu.memory_space<semaphore_mem>> -> memref<1x!tpu.dma_semaphore, #tpu.memory_space<semaphore_mem>>
        %dma_start3A_655 = tpu.memref_squeeze %dma_start3A_654 : memref<1x!tpu.dma_semaphore, #tpu.memory_space<semaphore_mem>> -> memref<!tpu.dma_semaphore, #tpu.memory_space<semaphore_mem>>
        tpu.enqueue_indirect_dma source(%dma_start3A_653 : memref<10240x32xf32, #tpu.memory_space<vmem_shared>>) target(%dma_start3A_649 : memref<128x32xf32, #tpu.memory_space<vmem>>) offsets(%dma_start3A_650 : memref<128xi32, #tpu.memory_space<vmem>>) semaphore(%dma_start3A_655 : memref<!tpu.dma_semaphore, #tpu.memory_space<semaphore_mem>>)
      } else {
      }
    }
    %scan3A_257 = arith.constant 20 : i32
    %dma_wait3A = arith.constant 0 : i32
    %dma_wait3A_258 = arith.constant 76 : i32
    %dma_wait3A_259 = arith.constant 0 : i32
    %dma_wait3A_260 = arith.constant 0 : i32
    %dma_wait3A_261 = arith.constant 0 : i32
    %dma_wait3A_262 = tpu.memref_slice %arg9[%dma_wait3A, %dma_wait3A_260, %dma_wait3A_261] : memref<4x128x32xf32, #tpu.memory_space<vmem>> -> memref<1x128x32xf32, #tpu.memory_space<vmem>>
    %dma_wait3A_263 = tpu.memref_squeeze %dma_wait3A_262 : memref<1x128x32xf32, #tpu.memory_space<vmem>> -> memref<128x32xf32, #tpu.memory_space<vmem>>
    %dma_wait3A_264 = arith.constant 0 : i32
    %dma_wait3A_265 = tpu.memref_slice %arg8[%dma_wait3A_258, %dma_wait3A_264] : memref<80x128xi32, #tpu.memory_space<vmem>> -> memref<1x128xi32, #tpu.memory_space<vmem>>
    %dma_wait3A_266 = tpu.memref_squeeze %dma_wait3A_265 : memref<1x128xi32, #tpu.memory_space<vmem>> -> memref<128xi32, #tpu.memory_space<vmem>>
    %dma_wait3A_267 = arith.constant 0 : i32
    %dma_wait3A_268 = arith.constant 0 : i32
    %dma_wait3A_269 = tpu.memref_slice %arg11[%dma_wait3A_267, %dma_wait3A_268] : memref<10240x32xf32, #tpu.memory_space<vmem_shared>> -> memref<10240x32xf32, #tpu.memory_space<vmem_shared>>
    %dma_wait3A_270 = tpu.memref_slice %arg13[%dma_wait3A_259] : memref<4x!tpu.dma_semaphore, #tpu.memory_space<semaphore_mem>> -> memref<1x!tpu.dma_semaphore, #tpu.memory_space<semaphore_mem>>
    %dma_wait3A_271 = tpu.memref_squeeze %dma_wait3A_270 : memref<1x!tpu.dma_semaphore, #tpu.memory_space<semaphore_mem>> -> memref<!tpu.dma_semaphore, #tpu.memory_space<semaphore_mem>>
    tpu.wait_indirect_dma semaphore(%dma_wait3A_271 : memref<!tpu.dma_semaphore, #tpu.memory_space<semaphore_mem>>) src(%dma_wait3A_263 : memref<128x32xf32, #tpu.memory_space<vmem>>) dst(%dma_wait3A_269 : memref<10240x32xf32, #tpu.memory_space<vmem_shared>>)
    %dma_wait3A_272 = arith.constant 1 : i32
    %dma_wait3A_273 = arith.constant 77 : i32
    %dma_wait3A_274 = arith.constant 1 : i32
    %dma_wait3A_275 = arith.constant 0 : i32
    %dma_wait3A_276 = arith.constant 0 : i32
    %dma_wait3A_277 = tpu.memref_slice %arg9[%dma_wait3A_272, %dma_wait3A_275, %dma_wait3A_276] : memref<4x128x32xf32, #tpu.memory_space<vmem>> -> memref<1x128x32xf32, #tpu.memory_space<vmem>>
    %dma_wait3A_278 = tpu.memref_squeeze %dma_wait3A_277 : memref<1x128x32xf32, #tpu.memory_space<vmem>> -> memref<128x32xf32, #tpu.memory_space<vmem>>
    %dma_wait3A_279 = arith.constant 0 : i32
    %dma_wait3A_280 = tpu.memref_slice %arg8[%dma_wait3A_273, %dma_wait3A_279] : memref<80x128xi32, #tpu.memory_space<vmem>> -> memref<1x128xi32, #tpu.memory_space<vmem>>
    %dma_wait3A_281 = tpu.memref_squeeze %dma_wait3A_280 : memref<1x128xi32, #tpu.memory_space<vmem>> -> memref<128xi32, #tpu.memory_space<vmem>>
    %dma_wait3A_282 = arith.constant 0 : i32
    %dma_wait3A_283 = arith.constant 0 : i32
    %dma_wait3A_284 = tpu.memref_slice %arg11[%dma_wait3A_282, %dma_wait3A_283] : memref<10240x32xf32, #tpu.memory_space<vmem_shared>> -> memref<10240x32xf32, #tpu.memory_space<vmem_shared>>
    %dma_wait3A_285 = tpu.memref_slice %arg13[%dma_wait3A_274] : memref<4x!tpu.dma_semaphore, #tpu.memory_space<semaphore_mem>> -> memref<1x!tpu.dma_semaphore, #tpu.memory_space<semaphore_mem>>
    %dma_wait3A_286 = tpu.memref_squeeze %dma_wait3A_285 : memref<1x!tpu.dma_semaphore, #tpu.memory_space<semaphore_mem>> -> memref<!tpu.dma_semaphore, #tpu.memory_space<semaphore_mem>>
    tpu.wait_indirect_dma semaphore(%dma_wait3A_286 : memref<!tpu.dma_semaphore, #tpu.memory_space<semaphore_mem>>) src(%dma_wait3A_278 : memref<128x32xf32, #tpu.memory_space<vmem>>) dst(%dma_wait3A_284 : memref<10240x32xf32, #tpu.memory_space<vmem_shared>>)
    %dma_wait3A_287 = arith.constant 2 : i32
    %dma_wait3A_288 = arith.constant 78 : i32
    %dma_wait3A_289 = arith.constant 2 : i32
    %dma_wait3A_290 = arith.constant 0 : i32
    %dma_wait3A_291 = arith.constant 0 : i32
    %dma_wait3A_292 = tpu.memref_slice %arg9[%dma_wait3A_287, %dma_wait3A_290, %dma_wait3A_291] : memref<4x128x32xf32, #tpu.memory_space<vmem>> -> memref<1x128x32xf32, #tpu.memory_space<vmem>>
    %dma_wait3A_293 = tpu.memref_squeeze %dma_wait3A_292 : memref<1x128x32xf32, #tpu.memory_space<vmem>> -> memref<128x32xf32, #tpu.memory_space<vmem>>
    %dma_wait3A_294 = arith.constant 0 : i32
    %dma_wait3A_295 = tpu.memref_slice %arg8[%dma_wait3A_288, %dma_wait3A_294] : memref<80x128xi32, #tpu.memory_space<vmem>> -> memref<1x128xi32, #tpu.memory_space<vmem>>
    %dma_wait3A_296 = tpu.memref_squeeze %dma_wait3A_295 : memref<1x128xi32, #tpu.memory_space<vmem>> -> memref<128xi32, #tpu.memory_space<vmem>>
    %dma_wait3A_297 = arith.constant 0 : i32
    %dma_wait3A_298 = arith.constant 0 : i32
    %dma_wait3A_299 = tpu.memref_slice %arg11[%dma_wait3A_297, %dma_wait3A_298] : memref<10240x32xf32, #tpu.memory_space<vmem_shared>> -> memref<10240x32xf32, #tpu.memory_space<vmem_shared>>
    %dma_wait3A_300 = tpu.memref_slice %arg13[%dma_wait3A_289] : memref<4x!tpu.dma_semaphore, #tpu.memory_space<semaphore_mem>> -> memref<1x!tpu.dma_semaphore, #tpu.memory_space<semaphore_mem>>
    %dma_wait3A_301 = tpu.memref_squeeze %dma_wait3A_300 : memref<1x!tpu.dma_semaphore, #tpu.memory_space<semaphore_mem>> -> memref<!tpu.dma_semaphore, #tpu.memory_space<semaphore_mem>>
    tpu.wait_indirect_dma semaphore(%dma_wait3A_301 : memref<!tpu.dma_semaphore, #tpu.memory_space<semaphore_mem>>) src(%dma_wait3A_293 : memref<128x32xf32, #tpu.memory_space<vmem>>) dst(%dma_wait3A_299 : memref<10240x32xf32, #tpu.memory_space<vmem_shared>>)
    %dma_wait3A_302 = arith.constant 3 : i32
    %dma_wait3A_303 = arith.constant 79 : i32
    %dma_wait3A_304 = arith.constant 3 : i32
    %dma_wait3A_305 = arith.constant 0 : i32
    %dma_wait3A_306 = arith.constant 0 : i32
    %dma_wait3A_307 = tpu.memref_slice %arg9[%dma_wait3A_302, %dma_wait3A_305, %dma_wait3A_306] : memref<4x128x32xf32, #tpu.memory_space<vmem>> -> memref<1x128x32xf32, #tpu.memory_space<vmem>>
    %dma_wait3A_308 = tpu.memref_squeeze %dma_wait3A_307 : memref<1x128x32xf32, #tpu.memory_space<vmem>> -> memref<128x32xf32, #tpu.memory_space<vmem>>
    %dma_wait3A_309 = arith.constant 0 : i32
    %dma_wait3A_310 = tpu.memref_slice %arg8[%dma_wait3A_303, %dma_wait3A_309] : memref<80x128xi32, #tpu.memory_space<vmem>> -> memref<1x128xi32, #tpu.memory_space<vmem>>
    %dma_wait3A_311 = tpu.memref_squeeze %dma_wait3A_310 : memref<1x128xi32, #tpu.memory_space<vmem>> -> memref<128xi32, #tpu.memory_space<vmem>>
    %dma_wait3A_312 = arith.constant 0 : i32
    %dma_wait3A_313 = arith.constant 0 : i32
    %dma_wait3A_314 = tpu.memref_slice %arg11[%dma_wait3A_312, %dma_wait3A_313] : memref<10240x32xf32, #tpu.memory_space<vmem_shared>> -> memref<10240x32xf32, #tpu.memory_space<vmem_shared>>
    %dma_wait3A_315 = tpu.memref_slice %arg13[%dma_wait3A_304] : memref<4x!tpu.dma_semaphore, #tpu.memory_space<semaphore_mem>> -> memref<1x!tpu.dma_semaphore, #tpu.memory_space<semaphore_mem>>
    %dma_wait3A_316 = tpu.memref_squeeze %dma_wait3A_315 : memref<1x!tpu.dma_semaphore, #tpu.memory_space<semaphore_mem>> -> memref<!tpu.dma_semaphore, #tpu.memory_space<semaphore_mem>>
    tpu.wait_indirect_dma semaphore(%dma_wait3A_316 : memref<!tpu.dma_semaphore, #tpu.memory_space<semaphore_mem>>) src(%dma_wait3A_308 : memref<128x32xf32, #tpu.memory_space<vmem>>) dst(%dma_wait3A_314 : memref<10240x32xf32, #tpu.memory_space<vmem_shared>>)
    %barrier3A_317 = arith.constant 0 : index
    tpu.barrier barrier_id(%barrier3A_317)
    %mul3A_318 = arith.constant 2560 : i32
    %mul3A_319 = arith.muli %select_n3A, %mul3A_318 : i32
    %mul3A_320 = arith.constant 640 : i32
    %mul3A_321 = arith.muli %select_n3A_35, %mul3A_320 : i32
    %add3A_322 = arith.addi %mul3A_319, %mul3A_321 : i32
    %mul3A_323 = arith.constant 640 : i32
    %mul3A_324 = arith.muli %select_n3A_35, %mul3A_323 : i32
    %mul3A_325 = arith.constant 32 : i32
    %mul3A_326 = arith.muli %select_n3A, %mul3A_325 : i32
    "tpu.region"() ({
      %run_scoped3A_327 = tpu.sem_alloc : memref<!tpu.dma_semaphore, #tpu.memory_space<semaphore_mem>>
      %dma_start3A_328 = tpu.memref_slice %arg5[%arg0, %mul3A_324, %mul3A_326] : memref<2x2560x128xf32, #tpu.memory_space<hbm>> -> memref<1x640x32xf32, #tpu.memory_space<hbm>>
      %dma_start3A_329 = tpu.memref_squeeze %dma_start3A_328 : memref<1x640x32xf32, #tpu.memory_space<hbm>> -> memref<640x32xf32, #tpu.memory_space<hbm>>
      %dma_start3A_330 = arith.constant 0 : i32
      %dma_start3A_331 = tpu.memref_slice %arg11[%add3A_322, %dma_start3A_330] : memref<10240x32xf32, #tpu.memory_space<vmem_shared>> -> memref<640x32xf32, #tpu.memory_space<vmem_shared>>
      tpu.enqueue_dma source(%dma_start3A_331 : memref<640x32xf32, #tpu.memory_space<vmem_shared>>) target(%dma_start3A_329 : memref<640x32xf32, #tpu.memory_space<hbm>>) target_semaphore(%run_scoped3A_327 : memref<!tpu.dma_semaphore, #tpu.memory_space<semaphore_mem>>)
      %dma_wait3A_332 = tpu.memref_slice %arg5[%arg0, %mul3A_324, %mul3A_326] : memref<2x2560x128xf32, #tpu.memory_space<hbm>> -> memref<1x640x32xf32, #tpu.memory_space<hbm>>
      %dma_wait3A_333 = tpu.memref_squeeze %dma_wait3A_332 : memref<1x640x32xf32, #tpu.memory_space<hbm>> -> memref<640x32xf32, #tpu.memory_space<hbm>>
      %dma_wait3A_334 = arith.constant 0 : i32
      %dma_wait3A_335 = tpu.memref_slice %arg11[%add3A_322, %dma_wait3A_334] : memref<10240x32xf32, #tpu.memory_space<vmem_shared>> -> memref<640x32xf32, #tpu.memory_space<vmem_shared>>
      tpu.wait_dma2 semaphore(%run_scoped3A_327 : memref<!tpu.dma_semaphore, #tpu.memory_space<semaphore_mem>>) src(%dma_wait3A_335 : memref<640x32xf32, #tpu.memory_space<vmem_shared>>) dst(%dma_wait3A_333 : memref<640x32xf32, #tpu.memory_space<hbm>>)
      tpu.yield
    }) : () -> ()
    return
  }
}

#map = affine_map<(d0, d1) -> (0, 0)>
#map1 = affine_map<(d0, d1) -> (0, 0, 0)>
module attributes {stable_mosaic.version = 14 : i64} {
  func.func @_sc_agg_body(%arg0: i32, %arg1: i32, %arg2: memref<2x320000xi32, #tpu.memory_space<hbm>>, %arg3: memref<2560x128xf32, #tpu.memory_space<hbm>>, %arg4: memref<10240x32xf32, #tpu.memory_space<hbm>>, %arg5: memref<2x2560x128xf32, #tpu.memory_space<hbm>>, %arg6: memref<10240xi32, #tpu.memory_space<vmem>>, %arg7: memref<10000xi32, #tpu.memory_space<vmem>>, %arg8: memref<80x128xi32, #tpu.memory_space<vmem>>, %arg9: memref<4x128x32xf32, #tpu.memory_space<vmem>>, %arg10: memref<10240x32xf32, #tpu.memory_space<vmem_shared>>, %arg11: memref<10240x32xf32, #tpu.memory_space<vmem_shared>>, %arg12: memref<4x!tpu.dma_semaphore, #tpu.memory_space<semaphore_mem>>, %arg13: memref<4x!tpu.dma_semaphore, #tpu.memory_space<semaphore_mem>>) attributes {dimension_semantics = [#tpu.dimension_semantics<core_parallel>, #tpu.dimension_semantics<subcore_parallel>], iteration_bounds = array<i64: 2, 16>, scalar_prefetch = 0 : i64, scratch_operands = 8 : i64, tpu.core_type = #tpu.core_type<sc_vector_subcore>, window_params = [{transform_indices = #map}, {transform_indices = #map}, {transform_indices = #map}, {transform_indices = #map1}]} {
    %mul3A = arith.constant 16 : i32
    %mul3A_0 = arith.muli %arg0, %mul3A : i32
    %add3A = arith.addi %mul3A_0, %arg1 : i32
    %mul3A_1 = arith.constant 10000 : i32
    %mul3A_2 = arith.muli %add3A, %mul3A_1 : i32
    %run_scoped3A = arith.constant 0 : i32
    "tpu.region"() ({
      %run_scoped3A_327 = tpu.sem_alloc : memref<!tpu.dma_semaphore, #tpu.memory_space<semaphore_mem>>
      %dma_start3A_328 = arith.constant 0 : i32
      %dma_start3A_329 = tpu.memref_slice %arg6[%dma_start3A_328] : memref<10240xi32, #tpu.memory_space<vmem>> -> memref<10000xi32, #tpu.memory_space<vmem>>
      %dma_start3A_330 = tpu.memref_slice %arg2[%run_scoped3A, %mul3A_2] : memref<2x320000xi32, #tpu.memory_space<hbm>> -> memref<1x10000xi32, #tpu.memory_space<hbm>>
      %dma_start3A_331 = tpu.memref_squeeze %dma_start3A_330 : memref<1x10000xi32, #tpu.memory_space<hbm>> -> memref<10000xi32, #tpu.memory_space<hbm>>
      %dma_start3A_332 = arith.constant 0 : i32
      %dma_start3A_333 = tpu.memref_slice %arg6[%dma_start3A_332] : memref<10240xi32, #tpu.memory_space<vmem>> -> memref<10000xi32, #tpu.memory_space<vmem>>
      %dma_start3A_334 = tpu.memref_slice %arg2[%run_scoped3A, %mul3A_2] : memref<2x320000xi32, #tpu.memory_space<hbm>> -> memref<1x10000xi32, #tpu.memory_space<hbm>>
      %dma_start3A_335 = tpu.memref_squeeze %dma_start3A_334 : memref<1x10000xi32, #tpu.memory_space<hbm>> -> memref<10000xi32, #tpu.memory_space<hbm>>
      tpu.enqueue_dma source(%dma_start3A_335 : memref<10000xi32, #tpu.memory_space<hbm>>) target(%dma_start3A_333 : memref<10000xi32, #tpu.memory_space<vmem>>) target_semaphore(%run_scoped3A_327 : memref<!tpu.dma_semaphore, #tpu.memory_space<semaphore_mem>>)
      %dma_wait3A_336 = arith.constant 0 : i32
      %dma_wait3A_337 = tpu.memref_slice %arg6[%dma_wait3A_336] : memref<10240xi32, #tpu.memory_space<vmem>> -> memref<10000xi32, #tpu.memory_space<vmem>>
      %dma_wait3A_338 = tpu.memref_slice %arg2[%run_scoped3A, %mul3A_2] : memref<2x320000xi32, #tpu.memory_space<hbm>> -> memref<1x10000xi32, #tpu.memory_space<hbm>>
      %dma_wait3A_339 = tpu.memref_squeeze %dma_wait3A_338 : memref<1x10000xi32, #tpu.memory_space<hbm>> -> memref<10000xi32, #tpu.memory_space<hbm>>
      %dma_wait3A_340 = arith.constant 0 : i32
      %dma_wait3A_341 = tpu.memref_slice %arg6[%dma_wait3A_340] : memref<10240xi32, #tpu.memory_space<vmem>> -> memref<10000xi32, #tpu.memory_space<vmem>>
      %dma_wait3A_342 = tpu.memref_slice %arg2[%run_scoped3A, %mul3A_2] : memref<2x320000xi32, #tpu.memory_space<hbm>> -> memref<1x10000xi32, #tpu.memory_space<hbm>>
      %dma_wait3A_343 = tpu.memref_squeeze %dma_wait3A_342 : memref<1x10000xi32, #tpu.memory_space<hbm>> -> memref<10000xi32, #tpu.memory_space<hbm>>
      tpu.wait_dma2 semaphore(%run_scoped3A_327 : memref<!tpu.dma_semaphore, #tpu.memory_space<semaphore_mem>>) src(%dma_wait3A_343 : memref<10000xi32, #tpu.memory_space<hbm>>) dst(%dma_wait3A_341 : memref<10000xi32, #tpu.memory_space<vmem>>)
      tpu.yield
    }) : () -> ()
    %mul3A_3 = arith.constant 10000 : i32
    %mul3A_4 = arith.muli %add3A, %mul3A_3 : i32
    %run_scoped3A_5 = arith.constant 1 : i32
    "tpu.region"() ({
      %run_scoped3A_327 = tpu.sem_alloc : memref<!tpu.dma_semaphore, #tpu.memory_space<semaphore_mem>>
      %dma_start3A_328 = tpu.memref_slice %arg2[%run_scoped3A_5, %mul3A_4] : memref<2x320000xi32, #tpu.memory_space<hbm>> -> memref<1x10000xi32, #tpu.memory_space<hbm>>
      %dma_start3A_329 = tpu.memref_squeeze %dma_start3A_328 : memref<1x10000xi32, #tpu.memory_space<hbm>> -> memref<10000xi32, #tpu.memory_space<hbm>>
      %dma_start3A_330 = tpu.memref_slice %arg2[%run_scoped3A_5, %mul3A_4] : memref<2x320000xi32, #tpu.memory_space<hbm>> -> memref<1x10000xi32, #tpu.memory_space<hbm>>
      %dma_start3A_331 = tpu.memref_squeeze %dma_start3A_330 : memref<1x10000xi32, #tpu.memory_space<hbm>> -> memref<10000xi32, #tpu.memory_space<hbm>>
      tpu.enqueue_dma source(%dma_start3A_331 : memref<10000xi32, #tpu.memory_space<hbm>>) target(%arg7 : memref<10000xi32, #tpu.memory_space<vmem>>) target_semaphore(%run_scoped3A_327 : memref<!tpu.dma_semaphore, #tpu.memory_space<semaphore_mem>>)
      %dma_wait3A_332 = tpu.memref_slice %arg2[%run_scoped3A_5, %mul3A_4] : memref<2x320000xi32, #tpu.memory_space<hbm>> -> memref<1x10000xi32, #tpu.memory_space<hbm>>
      %dma_wait3A_333 = tpu.memref_squeeze %dma_wait3A_332 : memref<1x10000xi32, #tpu.memory_space<hbm>> -> memref<10000xi32, #tpu.memory_space<hbm>>
      %dma_wait3A_334 = tpu.memref_slice %arg2[%run_scoped3A_5, %mul3A_4] : memref<2x320000xi32, #tpu.memory_space<hbm>> -> memref<1x10000xi32, #tpu.memory_space<hbm>>
      %dma_wait3A_335 = tpu.memref_squeeze %dma_wait3A_334 : memref<1x10000xi32, #tpu.memory_space<hbm>> -> memref<10000xi32, #tpu.memory_space<hbm>>
      tpu.wait_dma2 semaphore(%run_scoped3A_327 : memref<!tpu.dma_semaphore, #tpu.memory_space<semaphore_mem>>) src(%dma_wait3A_335 : memref<10000xi32, #tpu.memory_space<hbm>>) dst(%arg7 : memref<10000xi32, #tpu.memory_space<vmem>>)
      tpu.yield
    }) : () -> ()
    %jit3A = arith.constant 4 : i32
    %div3A = arith.divsi %arg1, %jit3A : i32
    %sign3A = arith.constant 0 : i32
    %sign3A_6 = arith.cmpi sgt, %arg1, %sign3A : i32
    %sign3A_7 = arith.extui %sign3A_6 : i1 to i32
    %sign3A_8 = arith.constant 0 : i32
    %sign3A_9 = arith.cmpi slt, %arg1, %sign3A_8 : i32
    %sign3A_10 = arith.extui %sign3A_9 : i1 to i32
    %sign3A_11 = arith.subi %sign3A_7, %sign3A_10 : i32
    %sign3A_12 = arith.constant 0 : i32
    %sign3A_13 = arith.cmpi sgt, %jit3A, %sign3A_12 : i32
    %sign3A_14 = arith.extui %sign3A_13 : i1 to i32
    %sign3A_15 = arith.constant 0 : i32
    %sign3A_16 = arith.cmpi slt, %jit3A, %sign3A_15 : i32
    %sign3A_17 = arith.extui %sign3A_16 : i1 to i32
    %sign3A_18 = arith.subi %sign3A_14, %sign3A_17 : i32
    %ne3A = arith.cmpi ne, %sign3A_11, %sign3A_18 : i32
    %rem3A = arith.remsi %arg1, %jit3A : i32
    %ne3A_19 = arith.constant 0 : i32
    %ne3A_20 = arith.cmpi ne, %rem3A, %ne3A_19 : i32
    %and3A = arith.andi %ne3A, %ne3A_20 : i1
    %sub3A = arith.constant 1 : i32
    %sub3A_21 = arith.subi %div3A, %sub3A : i32
    %select_n3A = arith.select %and3A, %sub3A_21, %div3A : i32
    %jit3A_22 = arith.constant 4 : i32
    %eq3A = arith.constant 0 : i32
    %eq3A_23 = arith.cmpi eq, %jit3A_22, %eq3A : i32
    %jit3A_24 = arith.constant 1 : i32
    %select_n3A_25 = arith.select %eq3A_23, %jit3A_24, %jit3A_22 : i32
    %rem3A_26 = arith.remsi %arg1, %select_n3A_25 : i32
    %ne3A_27 = arith.constant 0 : i32
    %ne3A_28 = arith.cmpi ne, %rem3A_26, %ne3A_27 : i32
    %lt3A = arith.constant 0 : i32
    %lt3A_29 = arith.cmpi slt, %rem3A_26, %lt3A : i32
    %lt3A_30 = arith.constant 0 : i32
    %lt3A_31 = arith.cmpi slt, %select_n3A_25, %lt3A_30 : i32
    %ne3A_32 = arith.xori %lt3A_29, %lt3A_31 : i1
    %and3A_33 = arith.andi %ne3A_32, %ne3A_28 : i1
    %add3A_34 = arith.addi %rem3A_26, %select_n3A_25 : i32
    %select_n3A_35 = arith.select %and3A_33, %add3A_34, %rem3A_26 : i32
    %mul3A_36 = arith.constant 640 : i32
    %mul3A_37 = arith.muli %select_n3A_35, %mul3A_36 : i32
    %mul3A_38 = arith.constant 32 : i32
    %mul3A_39 = arith.muli %select_n3A, %mul3A_38 : i32
    %mul3A_40 = arith.constant 2560 : i32
    %mul3A_41 = arith.muli %select_n3A, %mul3A_40 : i32
    %mul3A_42 = arith.constant 640 : i32
    %mul3A_43 = arith.muli %select_n3A_35, %mul3A_42 : i32
    %add3A_44 = arith.addi %mul3A_41, %mul3A_43 : i32
    "tpu.region"() ({
      %run_scoped3A_327 = tpu.sem_alloc : memref<!tpu.dma_semaphore, #tpu.memory_space<semaphore_mem>>
      %dma_start3A_328 = arith.constant 0 : i32
      %dma_start3A_329 = tpu.memref_slice %arg10[%add3A_44, %dma_start3A_328] : memref<10240x32xf32, #tpu.memory_space<vmem_shared>> -> memref<640x32xf32, #tpu.memory_space<vmem_shared>>
      %dma_start3A_330 = tpu.memref_slice %arg3[%mul3A_37, %mul3A_39] : memref<2560x128xf32, #tpu.memory_space<hbm>> -> memref<640x32xf32, #tpu.memory_space<hbm>>
      tpu.enqueue_dma source(%dma_start3A_330 : memref<640x32xf32, #tpu.memory_space<hbm>>) target(%dma_start3A_329 : memref<640x32xf32, #tpu.memory_space<vmem_shared>>) target_semaphore(%run_scoped3A_327 : memref<!tpu.dma_semaphore, #tpu.memory_space<semaphore_mem>>)
      %dma_wait3A_331 = arith.constant 0 : i32
      %dma_wait3A_332 = tpu.memref_slice %arg10[%add3A_44, %dma_wait3A_331] : memref<10240x32xf32, #tpu.memory_space<vmem_shared>> -> memref<640x32xf32, #tpu.memory_space<vmem_shared>>
      %dma_wait3A_333 = tpu.memref_slice %arg3[%mul3A_37, %mul3A_39] : memref<2560x128xf32, #tpu.memory_space<hbm>> -> memref<640x32xf32, #tpu.memory_space<hbm>>
      tpu.wait_dma2 semaphore(%run_scoped3A_327 : memref<!tpu.dma_semaphore, #tpu.memory_space<semaphore_mem>>) src(%dma_wait3A_333 : memref<640x32xf32, #tpu.memory_space<hbm>>) dst(%dma_wait3A_332 : memref<640x32xf32, #tpu.memory_space<vmem_shared>>)
      tpu.yield
    }) : () -> ()
    %mul3A_45 = arith.constant 640 : i32
    %mul3A_46 = arith.muli %arg1, %mul3A_45 : i32
    %mul3A_47 = arith.constant 640 : i32
    %mul3A_48 = arith.muli %arg1, %mul3A_47 : i32
    "tpu.region"() ({
      %run_scoped3A_327 = tpu.sem_alloc : memref<!tpu.dma_semaphore, #tpu.memory_space<semaphore_mem>>
      %dma_start3A_328 = arith.constant 0 : i32
      %dma_start3A_329 = tpu.memref_slice %arg11[%mul3A_48, %dma_start3A_328] : memref<10240x32xf32, #tpu.memory_space<vmem_shared>> -> memref<640x32xf32, #tpu.memory_space<vmem_shared>>
      %dma_start3A_330 = arith.constant 0 : i32
      %dma_start3A_331 = tpu.memref_slice %arg4[%mul3A_46, %dma_start3A_330] : memref<10240x32xf32, #tpu.memory_space<hbm>> -> memref<640x32xf32, #tpu.memory_space<hbm>>
      tpu.enqueue_dma source(%dma_start3A_331 : memref<640x32xf32, #tpu.memory_space<hbm>>) target(%dma_start3A_329 : memref<640x32xf32, #tpu.memory_space<vmem_shared>>) target_semaphore(%run_scoped3A_327 : memref<!tpu.dma_semaphore, #tpu.memory_space<semaphore_mem>>)
      %dma_wait3A_332 = arith.constant 0 : i32
      %dma_wait3A_333 = tpu.memref_slice %arg11[%mul3A_48, %dma_wait3A_332] : memref<10240x32xf32, #tpu.memory_space<vmem_shared>> -> memref<640x32xf32, #tpu.memory_space<vmem_shared>>
      %dma_wait3A_334 = arith.constant 0 : i32
      %dma_wait3A_335 = tpu.memref_slice %arg4[%mul3A_46, %dma_wait3A_334] : memref<10240x32xf32, #tpu.memory_space<hbm>> -> memref<640x32xf32, #tpu.memory_space<hbm>>
      tpu.wait_dma2 semaphore(%run_scoped3A_327 : memref<!tpu.dma_semaphore, #tpu.memory_space<semaphore_mem>>) src(%dma_wait3A_335 : memref<640x32xf32, #tpu.memory_space<hbm>>) dst(%dma_wait3A_333 : memref<640x32xf32, #tpu.memory_space<vmem_shared>>)
      tpu.yield
    }) : () -> ()
    %broadcast_in_dim3A = arith.constant 0 : i32
    %broadcast_in_dim3A_49 = vector.broadcast %broadcast_in_dim3A : i32 to vector<16xi32>
    %broadcast_in_dim3A_50 = arith.constant 10000 : i32
    %broadcast_in_dim3A_51 = vector.broadcast %broadcast_in_dim3A_50 : i32 to vector<16xi32>
    %swap3A = arith.constant 10000 : index
    %swap3A_52 = tpu.vector_load %arg6[%swap3A] {strides = array<i32>} : memref<10240xi32, #tpu.memory_space<vmem>>, vector<16xi32>,
    %swap3A_53 = vector.shape_cast %swap3A_52 : vector<16xi32> to vector<16xi32>
    %swap3A_54 = vector.shape_cast %broadcast_in_dim3A_49 : vector<16xi32> to vector<16xi32>
    tpu.vector_store %arg6[%swap3A], %swap3A_54 {strides = array<i32>} : memref<10240xi32, #tpu.memory_space<vmem>>, vector<16xi32>,
    %swap3A_55 = arith.constant 10016 : index
    %swap3A_56 = tpu.vector_load %arg6[%swap3A_55] {strides = array<i32>} : memref<10240xi32, #tpu.memory_space<vmem>>, vector<16xi32>,
    %swap3A_57 = vector.shape_cast %swap3A_56 : vector<16xi32> to vector<16xi32>
    %swap3A_58 = vector.shape_cast %broadcast_in_dim3A_49 : vector<16xi32> to vector<16xi32>
    tpu.vector_store %arg6[%swap3A_55], %swap3A_58 {strides = array<i32>} : memref<10240xi32, #tpu.memory_space<vmem>>, vector<16xi32>,
    %swap3A_59 = arith.constant 10032 : index
    %swap3A_60 = tpu.vector_load %arg6[%swap3A_59] {strides = array<i32>} : memref<10240xi32, #tpu.memory_space<vmem>>, vector<16xi32>,
    %swap3A_61 = vector.shape_cast %swap3A_60 : vector<16xi32> to vector<16xi32>
    %swap3A_62 = vector.shape_cast %broadcast_in_dim3A_49 : vector<16xi32> to vector<16xi32>
    tpu.vector_store %arg6[%swap3A_59], %swap3A_62 {strides = array<i32>} : memref<10240xi32, #tpu.memory_space<vmem>>, vector<16xi32>,
    %swap3A_63 = arith.constant 10048 : index
    %swap3A_64 = tpu.vector_load %arg6[%swap3A_63] {strides = array<i32>} : memref<10240xi32, #tpu.memory_space<vmem>>, vector<16xi32>,
    %swap3A_65 = vector.shape_cast %swap3A_64 : vector<16xi32> to vector<16xi32>
    %swap3A_66 = vector.shape_cast %broadcast_in_dim3A_49 : vector<16xi32> to vector<16xi32>
    tpu.vector_store %arg6[%swap3A_63], %swap3A_66 {strides = array<i32>} : memref<10240xi32, #tpu.memory_space<vmem>>, vector<16xi32>,
    %swap3A_67 = arith.constant 10064 : index
    %swap3A_68 = tpu.vector_load %arg6[%swap3A_67] {strides = array<i32>} : memref<10240xi32, #tpu.memory_space<vmem>>, vector<16xi32>,
    %swap3A_69 = vector.shape_cast %swap3A_68 : vector<16xi32> to vector<16xi32>
    %swap3A_70 = vector.shape_cast %broadcast_in_dim3A_49 : vector<16xi32> to vector<16xi32>
    tpu.vector_store %arg6[%swap3A_67], %swap3A_70 {strides = array<i32>} : memref<10240xi32, #tpu.memory_space<vmem>>, vector<16xi32>,
    %swap3A_71 = arith.constant 10080 : index
    %swap3A_72 = tpu.vector_load %arg6[%swap3A_71] {strides = array<i32>} : memref<10240xi32, #tpu.memory_space<vmem>>, vector<16xi32>,
    %swap3A_73 = vector.shape_cast %swap3A_72 : vector<16xi32> to vector<16xi32>
    %swap3A_74 = vector.shape_cast %broadcast_in_dim3A_49 : vector<16xi32> to vector<16xi32>
    tpu.vector_store %arg6[%swap3A_71], %swap3A_74 {strides = array<i32>} : memref<10240xi32, #tpu.memory_space<vmem>>, vector<16xi32>,
    %swap3A_75 = arith.constant 10096 : index
    %swap3A_76 = tpu.vector_load %arg6[%swap3A_75] {strides = array<i32>} : memref<10240xi32, #tpu.memory_space<vmem>>, vector<16xi32>,
    %swap3A_77 = vector.shape_cast %swap3A_76 : vector<16xi32> to vector<16xi32>
    %swap3A_78 = vector.shape_cast %broadcast_in_dim3A_49 : vector<16xi32> to vector<16xi32>
    tpu.vector_store %arg6[%swap3A_75], %swap3A_78 {strides = array<i32>} : memref<10240xi32, #tpu.memory_space<vmem>>, vector<16xi32>,
    %swap3A_79 = arith.constant 10112 : index
    %swap3A_80 = tpu.vector_load %arg6[%swap3A_79] {strides = array<i32>} : memref<10240xi32, #tpu.memory_space<vmem>>, vector<16xi32>,
    %swap3A_81 = vector.shape_cast %swap3A_80 : vector<16xi32> to vector<16xi32>
    %swap3A_82 = vector.shape_cast %broadcast_in_dim3A_49 : vector<16xi32> to vector<16xi32>
    tpu.vector_store %arg6[%swap3A_79], %swap3A_82 {strides = array<i32>} : memref<10240xi32, #tpu.memory_space<vmem>>, vector<16xi32>,
    %swap3A_83 = arith.constant 10128 : index
    %swap3A_84 = tpu.vector_load %arg6[%swap3A_83] {strides = array<i32>} : memref<10240xi32, #tpu.memory_space<vmem>>, vector<16xi32>,
    %swap3A_85 = vector.shape_cast %swap3A_84 : vector<16xi32> to vector<16xi32>
    %swap3A_86 = vector.shape_cast %broadcast_in_dim3A_49 : vector<16xi32> to vector<16xi32>
    tpu.vector_store %arg6[%swap3A_83], %swap3A_86 {strides = array<i32>} : memref<10240xi32, #tpu.memory_space<vmem>>, vector<16xi32>,
    %swap3A_87 = arith.constant 10144 : index
    %swap3A_88 = tpu.vector_load %arg6[%swap3A_87] {strides = array<i32>} : memref<10240xi32, #tpu.memory_space<vmem>>, vector<16xi32>,
    %swap3A_89 = vector.shape_cast %swap3A_88 : vector<16xi32> to vector<16xi32>
    %swap3A_90 = vector.shape_cast %broadcast_in_dim3A_49 : vector<16xi32> to vector<16xi32>
    tpu.vector_store %arg6[%swap3A_87], %swap3A_90 {strides = array<i32>} : memref<10240xi32, #tpu.memory_space<vmem>>, vector<16xi32>,
    %swap3A_91 = arith.constant 10160 : index
    %swap3A_92 = tpu.vector_load %arg6[%swap3A_91] {strides = array<i32>} : memref<10240xi32, #tpu.memory_space<vmem>>, vector<16xi32>,
    %swap3A_93 = vector.shape_cast %swap3A_92 : vector<16xi32> to vector<16xi32>
    %swap3A_94 = vector.shape_cast %broadcast_in_dim3A_49 : vector<16xi32> to vector<16xi32>
    tpu.vector_store %arg6[%swap3A_91], %swap3A_94 {strides = array<i32>} : memref<10240xi32, #tpu.memory_space<vmem>>, vector<16xi32>,
    %swap3A_95 = arith.constant 10176 : index
    %swap3A_96 = tpu.vector_load %arg6[%swap3A_95] {strides = array<i32>} : memref<10240xi32, #tpu.memory_space<vmem>>, vector<16xi32>,
    %swap3A_97 = vector.shape_cast %swap3A_96 : vector<16xi32> to vector<16xi32>
    %swap3A_98 = vector.shape_cast %broadcast_in_dim3A_49 : vector<16xi32> to vector<16xi32>
    tpu.vector_store %arg6[%swap3A_95], %swap3A_98 {strides = array<i32>} : memref<10240xi32, #tpu.memory_space<vmem>>, vector<16xi32>,
    %swap3A_99 = arith.constant 10192 : index
    %swap3A_100 = tpu.vector_load %arg6[%swap3A_99] {strides = array<i32>} : memref<10240xi32, #tpu.memory_space<vmem>>, vector<16xi32>,
    %swap3A_101 = vector.shape_cast %swap3A_100 : vector<16xi32> to vector<16xi32>
    %swap3A_102 = vector.shape_cast %broadcast_in_dim3A_49 : vector<16xi32> to vector<16xi32>
    tpu.vector_store %arg6[%swap3A_99], %swap3A_102 {strides = array<i32>} : memref<10240xi32, #tpu.memory_space<vmem>>, vector<16xi32>,
    %swap3A_103 = arith.constant 10208 : index
    %swap3A_104 = tpu.vector_load %arg6[%swap3A_103] {strides = array<i32>} : memref<10240xi32, #tpu.memory_space<vmem>>, vector<16xi32>,
    %swap3A_105 = vector.shape_cast %swap3A_104 : vector<16xi32> to vector<16xi32>
    %swap3A_106 = vector.shape_cast %broadcast_in_dim3A_49 : vector<16xi32> to vector<16xi32>
    tpu.vector_store %arg6[%swap3A_103], %swap3A_106 {strides = array<i32>} : memref<10240xi32, #tpu.memory_space<vmem>>, vector<16xi32>,
    %swap3A_107 = arith.constant 10224 : index
    %swap3A_108 = tpu.vector_load %arg6[%swap3A_107] {strides = array<i32>} : memref<10240xi32, #tpu.memory_space<vmem>>, vector<16xi32>,
    %swap3A_109 = vector.shape_cast %swap3A_108 : vector<16xi32> to vector<16xi32>
    %swap3A_110 = vector.shape_cast %broadcast_in_dim3A_49 : vector<16xi32> to vector<16xi32>
    tpu.vector_store %arg6[%swap3A_107], %swap3A_110 {strides = array<i32>} : memref<10240xi32, #tpu.memory_space<vmem>>, vector<16xi32>,
    %scan3A = arith.constant 0 : i32
    %scan3A_111 = arith.constant 0 : i32
    %scan3A_112 = arith.constant 78 : i32
    %scan3A_113 = arith.addi %scan3A_111, %scan3A_112 : i32
    %scan3A_114 = arith.constant 1 : i32
    scf.for %scan3A_327 = %scan3A_111 to %scan3A_113 step %scan3A_114  : i32 {
      %mul3A_328 = arith.constant 128 : i32
      %mul3A_329 = arith.muli %scan3A_327, %mul3A_328 : i32
      %add3A_330 = arith.constant 0 : i32
      %add3A_331 = arith.addi %mul3A_329, %add3A_330 : i32
      %get3A_332 = arith.index_cast %add3A_331 : i32 to index
      %get3A_333 = tpu.vector_load %arg7[%get3A_332] {strides = array<i32>} : memref<10000xi32, #tpu.memory_space<vmem>>, vector<16xi32>,
      %get3A_334 = vector.shape_cast %get3A_333 : vector<16xi32> to vector<16xi32>
      %swap3A_335 = arith.index_cast %scan3A_327 : i32 to index
      %swap3A_336 = arith.constant 0 : index
      %swap3A_337 = tpu.vector_load %arg8[%swap3A_335, %swap3A_336] {strides = array<i32>} : memref<80x128xi32, #tpu.memory_space<vmem>>, vector<1x16xi32>,
      %swap3A_338 = vector.shape_cast %swap3A_337 : vector<1x16xi32> to vector<16xi32>
      %swap3A_339 = vector.shape_cast %get3A_334 : vector<16xi32> to vector<1x16xi32>
      tpu.vector_store %arg8[%swap3A_335, %swap3A_336], %swap3A_339 {strides = array<i32>} : memref<80x128xi32, #tpu.memory_space<vmem>>, vector<1x16xi32>,
      %mul3A_340 = arith.constant 128 : i32
      %mul3A_341 = arith.muli %scan3A_327, %mul3A_340 : i32
      %add3A_342 = arith.constant 16 : i32
      %add3A_343 = arith.addi %mul3A_341, %add3A_342 : i32
      %get3A_344 = arith.index_cast %add3A_343 : i32 to index
      %get3A_345 = tpu.vector_load %arg7[%get3A_344] {strides = array<i32>} : memref<10000xi32, #tpu.memory_space<vmem>>, vector<16xi32>,
      %get3A_346 = vector.shape_cast %get3A_345 : vector<16xi32> to vector<16xi32>
      %swap3A_347 = arith.index_cast %scan3A_327 : i32 to index
      %swap3A_348 = arith.constant 16 : index
      %swap3A_349 = tpu.vector_load %arg8[%swap3A_347, %swap3A_348] {strides = array<i32>} : memref<80x128xi32, #tpu.memory_space<vmem>>, vector<1x16xi32>,
      %swap3A_350 = vector.shape_cast %swap3A_349 : vector<1x16xi32> to vector<16xi32>
      %swap3A_351 = vector.shape_cast %get3A_346 : vector<16xi32> to vector<1x16xi32>
      tpu.vector_store %arg8[%swap3A_347, %swap3A_348], %swap3A_351 {strides = array<i32>} : memref<80x128xi32, #tpu.memory_space<vmem>>, vector<1x16xi32>,
      %mul3A_352 = arith.constant 128 : i32
      %mul3A_353 = arith.muli %scan3A_327, %mul3A_352 : i32
      %add3A_354 = arith.constant 32 : i32
      %add3A_355 = arith.addi %mul3A_353, %add3A_354 : i32
      %get3A_356 = arith.index_cast %add3A_355 : i32 to index
      %get3A_357 = tpu.vector_load %arg7[%get3A_356] {strides = array<i32>} : memref<10000xi32, #tpu.memory_space<vmem>>, vector<16xi32>,
      %get3A_358 = vector.shape_cast %get3A_357 : vector<16xi32> to vector<16xi32>
      %swap3A_359 = arith.index_cast %scan3A_327 : i32 to index
      %swap3A_360 = arith.constant 32 : index
      %swap3A_361 = tpu.vector_load %arg8[%swap3A_359, %swap3A_360] {strides = array<i32>} : memref<80x128xi32, #tpu.memory_space<vmem>>, vector<1x16xi32>,
      %swap3A_362 = vector.shape_cast %swap3A_361 : vector<1x16xi32> to vector<16xi32>
      %swap3A_363 = vector.shape_cast %get3A_358 : vector<16xi32> to vector<1x16xi32>
      tpu.vector_store %arg8[%swap3A_359, %swap3A_360], %swap3A_363 {strides = array<i32>} : memref<80x128xi32, #tpu.memory_space<vmem>>, vector<1x16xi32>,
      %mul3A_364 = arith.constant 128 : i32
      %mul3A_365 = arith.muli %scan3A_327, %mul3A_364 : i32
      %add3A_366 = arith.constant 48 : i32
      %add3A_367 = arith.addi %mul3A_365, %add3A_366 : i32
      %get3A_368 = arith.index_cast %add3A_367 : i32 to index
      %get3A_369 = tpu.vector_load %arg7[%get3A_368] {strides = array<i32>} : memref<10000xi32, #tpu.memory_space<vmem>>, vector<16xi32>,
      %get3A_370 = vector.shape_cast %get3A_369 : vector<16xi32> to vector<16xi32>
      %swap3A_371 = arith.index_cast %scan3A_327 : i32 to index
      %swap3A_372 = arith.constant 48 : index
      %swap3A_373 = tpu.vector_load %arg8[%swap3A_371, %swap3A_372] {strides = array<i32>} : memref<80x128xi32, #tpu.memory_space<vmem>>, vector<1x16xi32>,
      %swap3A_374 = vector.shape_cast %swap3A_373 : vector<1x16xi32> to vector<16xi32>
      %swap3A_375 = vector.shape_cast %get3A_370 : vector<16xi32> to vector<1x16xi32>
      tpu.vector_store %arg8[%swap3A_371, %swap3A_372], %swap3A_375 {strides = array<i32>} : memref<80x128xi32, #tpu.memory_space<vmem>>, vector<1x16xi32>,
      %mul3A_376 = arith.constant 128 : i32
      %mul3A_377 = arith.muli %scan3A_327, %mul3A_376 : i32
      %add3A_378 = arith.constant 64 : i32
      %add3A_379 = arith.addi %mul3A_377, %add3A_378 : i32
      %get3A_380 = arith.index_cast %add3A_379 : i32 to index
      %get3A_381 = tpu.vector_load %arg7[%get3A_380] {strides = array<i32>} : memref<10000xi32, #tpu.memory_space<vmem>>, vector<16xi32>,
      %get3A_382 = vector.shape_cast %get3A_381 : vector<16xi32> to vector<16xi32>
      %swap3A_383 = arith.index_cast %scan3A_327 : i32 to index
      %swap3A_384 = arith.constant 64 : index
      %swap3A_385 = tpu.vector_load %arg8[%swap3A_383, %swap3A_384] {strides = array<i32>} : memref<80x128xi32, #tpu.memory_space<vmem>>, vector<1x16xi32>,
      %swap3A_386 = vector.shape_cast %swap3A_385 : vector<1x16xi32> to vector<16xi32>
      %swap3A_387 = vector.shape_cast %get3A_382 : vector<16xi32> to vector<1x16xi32>
      tpu.vector_store %arg8[%swap3A_383, %swap3A_384], %swap3A_387 {strides = array<i32>} : memref<80x128xi32, #tpu.memory_space<vmem>>, vector<1x16xi32>,
      %mul3A_388 = arith.constant 128 : i32
      %mul3A_389 = arith.muli %scan3A_327, %mul3A_388 : i32
      %add3A_390 = arith.constant 80 : i32
      %add3A_391 = arith.addi %mul3A_389, %add3A_390 : i32
      %get3A_392 = arith.index_cast %add3A_391 : i32 to index
      %get3A_393 = tpu.vector_load %arg7[%get3A_392] {strides = array<i32>} : memref<10000xi32, #tpu.memory_space<vmem>>, vector<16xi32>,
      %get3A_394 = vector.shape_cast %get3A_393 : vector<16xi32> to vector<16xi32>
      %swap3A_395 = arith.index_cast %scan3A_327 : i32 to index
      %swap3A_396 = arith.constant 80 : index
      %swap3A_397 = tpu.vector_load %arg8[%swap3A_395, %swap3A_396] {strides = array<i32>} : memref<80x128xi32, #tpu.memory_space<vmem>>, vector<1x16xi32>,
      %swap3A_398 = vector.shape_cast %swap3A_397 : vector<1x16xi32> to vector<16xi32>
      %swap3A_399 = vector.shape_cast %get3A_394 : vector<16xi32> to vector<1x16xi32>
      tpu.vector_store %arg8[%swap3A_395, %swap3A_396], %swap3A_399 {strides = array<i32>} : memref<80x128xi32, #tpu.memory_space<vmem>>, vector<1x16xi32>,
      %mul3A_400 = arith.constant 128 : i32
      %mul3A_401 = arith.muli %scan3A_327, %mul3A_400 : i32
      %add3A_402 = arith.constant 96 : i32
      %add3A_403 = arith.addi %mul3A_401, %add3A_402 : i32
      %get3A_404 = arith.index_cast %add3A_403 : i32 to index
      %get3A_405 = tpu.vector_load %arg7[%get3A_404] {strides = array<i32>} : memref<10000xi32, #tpu.memory_space<vmem>>, vector<16xi32>,
      %get3A_406 = vector.shape_cast %get3A_405 : vector<16xi32> to vector<16xi32>
      %swap3A_407 = arith.index_cast %scan3A_327 : i32 to index
      %swap3A_408 = arith.constant 96 : index
      %swap3A_409 = tpu.vector_load %arg8[%swap3A_407, %swap3A_408] {strides = array<i32>} : memref<80x128xi32, #tpu.memory_space<vmem>>, vector<1x16xi32>,
      %swap3A_410 = vector.shape_cast %swap3A_409 : vector<1x16xi32> to vector<16xi32>
      %swap3A_411 = vector.shape_cast %get3A_406 : vector<16xi32> to vector<1x16xi32>
      tpu.vector_store %arg8[%swap3A_407, %swap3A_408], %swap3A_411 {strides = array<i32>} : memref<80x128xi32, #tpu.memory_space<vmem>>, vector<1x16xi32>,
      %mul3A_412 = arith.constant 128 : i32
      %mul3A_413 = arith.muli %scan3A_327, %mul3A_412 : i32
      %add3A_414 = arith.constant 112 : i32
      %add3A_415 = arith.addi %mul3A_413, %add3A_414 : i32
      %get3A_416 = arith.index_cast %add3A_415 : i32 to index
      %get3A_417 = tpu.vector_load %arg7[%get3A_416] {strides = array<i32>} : memref<10000xi32, #tpu.memory_space<vmem>>, vector<16xi32>,
      %get3A_418 = vector.shape_cast %get3A_417 : vector<16xi32> to vector<16xi32>
      %swap3A_419 = arith.index_cast %scan3A_327 : i32 to index
      %swap3A_420 = arith.constant 112 : index
      %swap3A_421 = tpu.vector_load %arg8[%swap3A_419, %swap3A_420] {strides = array<i32>} : memref<80x128xi32, #tpu.memory_space<vmem>>, vector<1x16xi32>,
      %swap3A_422 = vector.shape_cast %swap3A_421 : vector<1x16xi32> to vector<16xi32>
      %swap3A_423 = vector.shape_cast %get3A_418 : vector<16xi32> to vector<1x16xi32>
      tpu.vector_store %arg8[%swap3A_419, %swap3A_420], %swap3A_423 {strides = array<i32>} : memref<80x128xi32, #tpu.memory_space<vmem>>, vector<1x16xi32>,
    }
    %scan3A_115 = arith.constant 78 : i32
    %get3A = arith.constant 9984 : index
    %get3A_116 = tpu.vector_load %arg7[%get3A] {strides = array<i32>} : memref<10000xi32, #tpu.memory_space<vmem>>, vector<16xi32>,
    %get3A_117 = vector.shape_cast %get3A_116 : vector<16xi32> to vector<16xi32>
    %swap3A_118 = arith.constant 78 : i32
    %swap3A_119 = arith.index_cast %swap3A_118 : i32 to index
    %swap3A_120 = arith.constant 0 : index
    %swap3A_121 = tpu.vector_load %arg8[%swap3A_119, %swap3A_120] {strides = array<i32>} : memref<80x128xi32, #tpu.memory_space<vmem>>, vector<1x16xi32>,
    %swap3A_122 = vector.shape_cast %swap3A_121 : vector<1x16xi32> to vector<16xi32>
    %swap3A_123 = vector.shape_cast %get3A_117 : vector<16xi32> to vector<1x16xi32>
    tpu.vector_store %arg8[%swap3A_119, %swap3A_120], %swap3A_123 {strides = array<i32>} : memref<80x128xi32, #tpu.memory_space<vmem>>, vector<1x16xi32>,
    %swap3A_124 = arith.constant 78 : i32
    %swap3A_125 = arith.index_cast %swap3A_124 : i32 to index
    %swap3A_126 = arith.constant 16 : index
    %swap3A_127 = tpu.vector_load %arg8[%swap3A_125, %swap3A_126] {strides = array<i32>} : memref<80x128xi32, #tpu.memory_space<vmem>>, vector<1x16xi32>,
    %swap3A_128 = vector.shape_cast %swap3A_127 : vector<1x16xi32> to vector<16xi32>
    %swap3A_129 = vector.shape_cast %broadcast_in_dim3A_51 : vector<16xi32> to vector<1x16xi32>
    tpu.vector_store %arg8[%swap3A_125, %swap3A_126], %swap3A_129 {strides = array<i32>} : memref<80x128xi32, #tpu.memory_space<vmem>>, vector<1x16xi32>,
    %swap3A_130 = arith.constant 78 : i32
    %swap3A_131 = arith.index_cast %swap3A_130 : i32 to index
    %swap3A_132 = arith.constant 32 : index
    %swap3A_133 = tpu.vector_load %arg8[%swap3A_131, %swap3A_132] {strides = array<i32>} : memref<80x128xi32, #tpu.memory_space<vmem>>, vector<1x16xi32>,
    %swap3A_134 = vector.shape_cast %swap3A_133 : vector<1x16xi32> to vector<16xi32>
    %swap3A_135 = vector.shape_cast %broadcast_in_dim3A_51 : vector<16xi32> to vector<1x16xi32>
    tpu.vector_store %arg8[%swap3A_131, %swap3A_132], %swap3A_135 {strides = array<i32>} : memref<80x128xi32, #tpu.memory_space<vmem>>, vector<1x16xi32>,
    %swap3A_136 = arith.constant 78 : i32
    %swap3A_137 = arith.index_cast %swap3A_136 : i32 to index
    %swap3A_138 = arith.constant 48 : index
    %swap3A_139 = tpu.vector_load %arg8[%swap3A_137, %swap3A_138] {strides = array<i32>} : memref<80x128xi32, #tpu.memory_space<vmem>>, vector<1x16xi32>,
    %swap3A_140 = vector.shape_cast %swap3A_139 : vector<1x16xi32> to vector<16xi32>
    %swap3A_141 = vector.shape_cast %broadcast_in_dim3A_51 : vector<16xi32> to vector<1x16xi32>
    tpu.vector_store %arg8[%swap3A_137, %swap3A_138], %swap3A_141 {strides = array<i32>} : memref<80x128xi32, #tpu.memory_space<vmem>>, vector<1x16xi32>,
    %swap3A_142 = arith.constant 78 : i32
    %swap3A_143 = arith.index_cast %swap3A_142 : i32 to index
    %swap3A_144 = arith.constant 64 : index
    %swap3A_145 = tpu.vector_load %arg8[%swap3A_143, %swap3A_144] {strides = array<i32>} : memref<80x128xi32, #tpu.memory_space<vmem>>, vector<1x16xi32>,
    %swap3A_146 = vector.shape_cast %swap3A_145 : vector<1x16xi32> to vector<16xi32>
    %swap3A_147 = vector.shape_cast %broadcast_in_dim3A_51 : vector<16xi32> to vector<1x16xi32>
    tpu.vector_store %arg8[%swap3A_143, %swap3A_144], %swap3A_147 {strides = array<i32>} : memref<80x128xi32, #tpu.memory_space<vmem>>, vector<1x16xi32>,
    %swap3A_148 = arith.constant 78 : i32
    %swap3A_149 = arith.index_cast %swap3A_148 : i32 to index
    %swap3A_150 = arith.constant 80 : index
    %swap3A_151 = tpu.vector_load %arg8[%swap3A_149, %swap3A_150] {strides = array<i32>} : memref<80x128xi32, #tpu.memory_space<vmem>>, vector<1x16xi32>,
    %swap3A_152 = vector.shape_cast %swap3A_151 : vector<1x16xi32> to vector<16xi32>
    %swap3A_153 = vector.shape_cast %broadcast_in_dim3A_51 : vector<16xi32> to vector<1x16xi32>
    tpu.vector_store %arg8[%swap3A_149, %swap3A_150], %swap3A_153 {strides = array<i32>} : memref<80x128xi32, #tpu.memory_space<vmem>>, vector<1x16xi32>,
    %swap3A_154 = arith.constant 78 : i32
    %swap3A_155 = arith.index_cast %swap3A_154 : i32 to index
    %swap3A_156 = arith.constant 96 : index
    %swap3A_157 = tpu.vector_load %arg8[%swap3A_155, %swap3A_156] {strides = array<i32>} : memref<80x128xi32, #tpu.memory_space<vmem>>, vector<1x16xi32>,
    %swap3A_158 = vector.shape_cast %swap3A_157 : vector<1x16xi32> to vector<16xi32>
    %swap3A_159 = vector.shape_cast %broadcast_in_dim3A_51 : vector<16xi32> to vector<1x16xi32>
    tpu.vector_store %arg8[%swap3A_155, %swap3A_156], %swap3A_159 {strides = array<i32>} : memref<80x128xi32, #tpu.memory_space<vmem>>, vector<1x16xi32>,
    %swap3A_160 = arith.constant 78 : i32
    %swap3A_161 = arith.index_cast %swap3A_160 : i32 to index
    %swap3A_162 = arith.constant 112 : index
    %swap3A_163 = tpu.vector_load %arg8[%swap3A_161, %swap3A_162] {strides = array<i32>} : memref<80x128xi32, #tpu.memory_space<vmem>>, vector<1x16xi32>,
    %swap3A_164 = vector.shape_cast %swap3A_163 : vector<1x16xi32> to vector<16xi32>
    %swap3A_165 = vector.shape_cast %broadcast_in_dim3A_51 : vector<16xi32> to vector<1x16xi32>
    tpu.vector_store %arg8[%swap3A_161, %swap3A_162], %swap3A_165 {strides = array<i32>} : memref<80x128xi32, #tpu.memory_space<vmem>>, vector<1x16xi32>,
    %swap3A_166 = arith.constant 79 : i32
    %swap3A_167 = arith.index_cast %swap3A_166 : i32 to index
    %swap3A_168 = arith.constant 0 : index
    %swap3A_169 = tpu.vector_load %arg8[%swap3A_167, %swap3A_168] {strides = array<i32>} : memref<80x128xi32, #tpu.memory_space<vmem>>, vector<1x16xi32>,
    %swap3A_170 = vector.shape_cast %swap3A_169 : vector<1x16xi32> to vector<16xi32>
    %swap3A_171 = vector.shape_cast %broadcast_in_dim3A_51 : vector<16xi32> to vector<1x16xi32>
    tpu.vector_store %arg8[%swap3A_167, %swap3A_168], %swap3A_171 {strides = array<i32>} : memref<80x128xi32, #tpu.memory_space<vmem>>, vector<1x16xi32>,
    %swap3A_172 = arith.constant 79 : i32
    %swap3A_173 = arith.index_cast %swap3A_172 : i32 to index
    %swap3A_174 = arith.constant 16 : index
    %swap3A_175 = tpu.vector_load %arg8[%swap3A_173, %swap3A_174] {strides = array<i32>} : memref<80x128xi32, #tpu.memory_space<vmem>>, vector<1x16xi32>,
    %swap3A_176 = vector.shape_cast %swap3A_175 : vector<1x16xi32> to vector<16xi32>
    %swap3A_177 = vector.shape_cast %broadcast_in_dim3A_51 : vector<16xi32> to vector<1x16xi32>
    tpu.vector_store %arg8[%swap3A_173, %swap3A_174], %swap3A_177 {strides = array<i32>} : memref<80x128xi32, #tpu.memory_space<vmem>>, vector<1x16xi32>,
    %swap3A_178 = arith.constant 79 : i32
    %swap3A_179 = arith.index_cast %swap3A_178 : i32 to index
    %swap3A_180 = arith.constant 32 : index
    %swap3A_181 = tpu.vector_load %arg8[%swap3A_179, %swap3A_180] {strides = array<i32>} : memref<80x128xi32, #tpu.memory_space<vmem>>, vector<1x16xi32>,
    %swap3A_182 = vector.shape_cast %swap3A_181 : vector<1x16xi32> to vector<16xi32>
    %swap3A_183 = vector.shape_cast %broadcast_in_dim3A_51 : vector<16xi32> to vector<1x16xi32>
    tpu.vector_store %arg8[%swap3A_179, %swap3A_180], %swap3A_183 {strides = array<i32>} : memref<80x128xi32, #tpu.memory_space<vmem>>, vector<1x16xi32>,
    %swap3A_184 = arith.constant 79 : i32
    %swap3A_185 = arith.index_cast %swap3A_184 : i32 to index
    %swap3A_186 = arith.constant 48 : index
    %swap3A_187 = tpu.vector_load %arg8[%swap3A_185, %swap3A_186] {strides = array<i32>} : memref<80x128xi32, #tpu.memory_space<vmem>>, vector<1x16xi32>,
    %swap3A_188 = vector.shape_cast %swap3A_187 : vector<1x16xi32> to vector<16xi32>
    %swap3A_189 = vector.shape_cast %broadcast_in_dim3A_51 : vector<16xi32> to vector<1x16xi32>
    tpu.vector_store %arg8[%swap3A_185, %swap3A_186], %swap3A_189 {strides = array<i32>} : memref<80x128xi32, #tpu.memory_space<vmem>>, vector<1x16xi32>,
    %swap3A_190 = arith.constant 79 : i32
    %swap3A_191 = arith.index_cast %swap3A_190 : i32 to index
    %swap3A_192 = arith.constant 64 : index
    %swap3A_193 = tpu.vector_load %arg8[%swap3A_191, %swap3A_192] {strides = array<i32>} : memref<80x128xi32, #tpu.memory_space<vmem>>, vector<1x16xi32>,
    %swap3A_194 = vector.shape_cast %swap3A_193 : vector<1x16xi32> to vector<16xi32>
    %swap3A_195 = vector.shape_cast %broadcast_in_dim3A_51 : vector<16xi32> to vector<1x16xi32>
    tpu.vector_store %arg8[%swap3A_191, %swap3A_192], %swap3A_195 {strides = array<i32>} : memref<80x128xi32, #tpu.memory_space<vmem>>, vector<1x16xi32>,
    %swap3A_196 = arith.constant 79 : i32
    %swap3A_197 = arith.index_cast %swap3A_196 : i32 to index
    %swap3A_198 = arith.constant 80 : index
    %swap3A_199 = tpu.vector_load %arg8[%swap3A_197, %swap3A_198] {strides = array<i32>} : memref<80x128xi32, #tpu.memory_space<vmem>>, vector<1x16xi32>,
    %swap3A_200 = vector.shape_cast %swap3A_199 : vector<1x16xi32> to vector<16xi32>
    %swap3A_201 = vector.shape_cast %broadcast_in_dim3A_51 : vector<16xi32> to vector<1x16xi32>
    tpu.vector_store %arg8[%swap3A_197, %swap3A_198], %swap3A_201 {strides = array<i32>} : memref<80x128xi32, #tpu.memory_space<vmem>>, vector<1x16xi32>,
    %swap3A_202 = arith.constant 79 : i32
    %swap3A_203 = arith.index_cast %swap3A_202 : i32 to index
    %swap3A_204 = arith.constant 96 : index
    %swap3A_205 = tpu.vector_load %arg8[%swap3A_203, %swap3A_204] {strides = array<i32>} : memref<80x128xi32, #tpu.memory_space<vmem>>, vector<1x16xi32>,
    %swap3A_206 = vector.shape_cast %swap3A_205 : vector<1x16xi32> to vector<16xi32>
    %swap3A_207 = vector.shape_cast %broadcast_in_dim3A_51 : vector<16xi32> to vector<1x16xi32>
    tpu.vector_store %arg8[%swap3A_203, %swap3A_204], %swap3A_207 {strides = array<i32>} : memref<80x128xi32, #tpu.memory_space<vmem>>, vector<1x16xi32>,
    %swap3A_208 = arith.constant 79 : i32
    %swap3A_209 = arith.index_cast %swap3A_208 : i32 to index
    %swap3A_210 = arith.constant 112 : index
    %swap3A_211 = tpu.vector_load %arg8[%swap3A_209, %swap3A_210] {strides = array<i32>} : memref<80x128xi32, #tpu.memory_space<vmem>>, vector<1x16xi32>,
    %swap3A_212 = vector.shape_cast %swap3A_211 : vector<1x16xi32> to vector<16xi32>
    %swap3A_213 = vector.shape_cast %broadcast_in_dim3A_51 : vector<16xi32> to vector<1x16xi32>
    tpu.vector_store %arg8[%swap3A_209, %swap3A_210], %swap3A_213 {strides = array<i32>} : memref<80x128xi32, #tpu.memory_space<vmem>>, vector<1x16xi32>,
    %barrier3A = arith.constant 0 : index
    tpu.barrier barrier_id(%barrier3A)
    %dma_start3A = arith.constant 0 : i32
    %dma_start3A_214 = arith.constant 0 : i32
    %dma_start3A_215 = arith.constant 0 : i32
    %dma_start3A_216 = arith.constant 0 : i32
    %dma_start3A_217 = tpu.memref_slice %arg9[%dma_start3A, %dma_start3A_215, %dma_start3A_216] : memref<4x128x32xf32, #tpu.memory_space<vmem>> -> memref<1x128x32xf32, #tpu.memory_space<vmem>>
    %dma_start3A_218 = tpu.memref_squeeze %dma_start3A_217 : memref<1x128x32xf32, #tpu.memory_space<vmem>> -> memref<128x32xf32, #tpu.memory_space<vmem>>
    %dma_start3A_219 = arith.constant 0 : i32
    %dma_start3A_220 = tpu.memref_slice %arg6[%dma_start3A_219] : memref<10240xi32, #tpu.memory_space<vmem>> -> memref<128xi32, #tpu.memory_space<vmem>>
    %dma_start3A_221 = arith.constant 0 : i32
    %dma_start3A_222 = arith.constant 0 : i32
    %dma_start3A_223 = tpu.memref_slice %arg10[%dma_start3A_221, %dma_start3A_222] : memref<10240x32xf32, #tpu.memory_space<vmem_shared>> -> memref<10240x32xf32, #tpu.memory_space<vmem_shared>>
    %dma_start3A_224 = tpu.memref_slice %arg12[%dma_start3A_214] : memref<4x!tpu.dma_semaphore, #tpu.memory_space<semaphore_mem>> -> memref<1x!tpu.dma_semaphore, #tpu.memory_space<semaphore_mem>>
    %dma_start3A_225 = tpu.memref_squeeze %dma_start3A_224 : memref<1x!tpu.dma_semaphore, #tpu.memory_space<semaphore_mem>> -> memref<!tpu.dma_semaphore, #tpu.memory_space<semaphore_mem>>
    tpu.enqueue_indirect_dma source(%dma_start3A_223 : memref<10240x32xf32, #tpu.memory_space<vmem_shared>>) target(%dma_start3A_218 : memref<128x32xf32, #tpu.memory_space<vmem>>) offsets(%dma_start3A_220 : memref<128xi32, #tpu.memory_space<vmem>>) semaphore(%dma_start3A_225 : memref<!tpu.dma_semaphore, #tpu.memory_space<semaphore_mem>>)
    %dma_start3A_226 = arith.constant 1 : i32
    %dma_start3A_227 = arith.constant 1 : i32
    %dma_start3A_228 = arith.constant 0 : i32
    %dma_start3A_229 = arith.constant 0 : i32
    %dma_start3A_230 = tpu.memref_slice %arg9[%dma_start3A_226, %dma_start3A_228, %dma_start3A_229] : memref<4x128x32xf32, #tpu.memory_space<vmem>> -> memref<1x128x32xf32, #tpu.memory_space<vmem>>
    %dma_start3A_231 = tpu.memref_squeeze %dma_start3A_230 : memref<1x128x32xf32, #tpu.memory_space<vmem>> -> memref<128x32xf32, #tpu.memory_space<vmem>>
    %dma_start3A_232 = arith.constant 128 : i32
    %dma_start3A_233 = tpu.memref_slice %arg6[%dma_start3A_232] : memref<10240xi32, #tpu.memory_space<vmem>> -> memref<128xi32, #tpu.memory_space<vmem>>
    %dma_start3A_234 = arith.constant 0 : i32
    %dma_start3A_235 = arith.constant 0 : i32
    %dma_start3A_236 = tpu.memref_slice %arg10[%dma_start3A_234, %dma_start3A_235] : memref<10240x32xf32, #tpu.memory_space<vmem_shared>> -> memref<10240x32xf32, #tpu.memory_space<vmem_shared>>
    %dma_start3A_237 = tpu.memref_slice %arg12[%dma_start3A_227] : memref<4x!tpu.dma_semaphore, #tpu.memory_space<semaphore_mem>> -> memref<1x!tpu.dma_semaphore, #tpu.memory_space<semaphore_mem>>
    %dma_start3A_238 = tpu.memref_squeeze %dma_start3A_237 : memref<1x!tpu.dma_semaphore, #tpu.memory_space<semaphore_mem>> -> memref<!tpu.dma_semaphore, #tpu.memory_space<semaphore_mem>>
    tpu.enqueue_indirect_dma source(%dma_start3A_236 : memref<10240x32xf32, #tpu.memory_space<vmem_shared>>) target(%dma_start3A_231 : memref<128x32xf32, #tpu.memory_space<vmem>>) offsets(%dma_start3A_233 : memref<128xi32, #tpu.memory_space<vmem>>) semaphore(%dma_start3A_238 : memref<!tpu.dma_semaphore, #tpu.memory_space<semaphore_mem>>)
    %dma_start3A_239 = arith.constant 2 : i32
    %dma_start3A_240 = arith.constant 2 : i32
    %dma_start3A_241 = arith.constant 0 : i32
    %dma_start3A_242 = arith.constant 0 : i32
    %dma_start3A_243 = tpu.memref_slice %arg9[%dma_start3A_239, %dma_start3A_241, %dma_start3A_242] : memref<4x128x32xf32, #tpu.memory_space<vmem>> -> memref<1x128x32xf32, #tpu.memory_space<vmem>>
    %dma_start3A_244 = tpu.memref_squeeze %dma_start3A_243 : memref<1x128x32xf32, #tpu.memory_space<vmem>> -> memref<128x32xf32, #tpu.memory_space<vmem>>
    %dma_start3A_245 = arith.constant 256 : i32
    %dma_start3A_246 = tpu.memref_slice %arg6[%dma_start3A_245] : memref<10240xi32, #tpu.memory_space<vmem>> -> memref<128xi32, #tpu.memory_space<vmem>>
    %dma_start3A_247 = arith.constant 0 : i32
    %dma_start3A_248 = arith.constant 0 : i32
    %dma_start3A_249 = tpu.memref_slice %arg10[%dma_start3A_247, %dma_start3A_248] : memref<10240x32xf32, #tpu.memory_space<vmem_shared>> -> memref<10240x32xf32, #tpu.memory_space<vmem_shared>>
    %dma_start3A_250 = tpu.memref_slice %arg12[%dma_start3A_240] : memref<4x!tpu.dma_semaphore, #tpu.memory_space<semaphore_mem>> -> memref<1x!tpu.dma_semaphore, #tpu.memory_space<semaphore_mem>>
    %dma_start3A_251 = tpu.memref_squeeze %dma_start3A_250 : memref<1x!tpu.dma_semaphore, #tpu.memory_space<semaphore_mem>> -> memref<!tpu.dma_semaphore, #tpu.memory_space<semaphore_mem>>
    tpu.enqueue_indirect_dma source(%dma_start3A_249 : memref<10240x32xf32, #tpu.memory_space<vmem_shared>>) target(%dma_start3A_244 : memref<128x32xf32, #tpu.memory_space<vmem>>) offsets(%dma_start3A_246 : memref<128xi32, #tpu.memory_space<vmem>>) semaphore(%dma_start3A_251 : memref<!tpu.dma_semaphore, #tpu.memory_space<semaphore_mem>>)
    %scan3A_252 = arith.constant 0 : i32
    %scan3A_253 = arith.constant 0 : i32
    %scan3A_254 = arith.constant 20 : i32
    %scan3A_255 = arith.addi %scan3A_253, %scan3A_254 : i32
    %scan3A_256 = arith.constant 1 : i32
    scf.for %scan3A_327 = %scan3A_253 to %scan3A_255 step %scan3A_256  : i32 {
      %mul3A_328 = arith.constant 4 : i32
      %mul3A_329 = arith.muli %scan3A_327, %mul3A_328 : i32
      %add3A_330 = arith.constant 0 : i32
      %add3A_331 = arith.addi %mul3A_329, %add3A_330 : i32
      %jit3A_332 = arith.constant 4 : i32
      %eq3A_333 = arith.constant 0 : i32
      %eq3A_334 = arith.cmpi eq, %jit3A_332, %eq3A_333 : i32
      %jit3A_335 = arith.constant 1 : i32
      %select_n3A_336 = arith.select %eq3A_334, %jit3A_335, %jit3A_332 : i32
      %rem3A_337 = arith.remsi %add3A_331, %select_n3A_336 : i32
      %ne3A_338 = arith.constant 0 : i32
      %ne3A_339 = arith.cmpi ne, %rem3A_337, %ne3A_338 : i32
      %lt3A_340 = arith.constant 0 : i32
      %lt3A_341 = arith.cmpi slt, %rem3A_337, %lt3A_340 : i32
      %lt3A_342 = arith.constant 0 : i32
      %lt3A_343 = arith.cmpi slt, %select_n3A_336, %lt3A_342 : i32
      %ne3A_344 = arith.xori %lt3A_341, %lt3A_343 : i1
      %and3A_345 = arith.andi %ne3A_344, %ne3A_339 : i1
      %add3A_346 = arith.addi %rem3A_337, %select_n3A_336 : i32
      %select_n3A_347 = arith.select %and3A_345, %add3A_346, %rem3A_337 : i32
      %mul3A_348 = arith.constant 128 : i32
      %mul3A_349 = arith.muli %add3A_331, %mul3A_348 : i32
      %dma_wait3A_350 = arith.constant 0 : i32
      %dma_wait3A_351 = arith.constant 0 : i32
      %dma_wait3A_352 = tpu.memref_slice %arg9[%select_n3A_347, %dma_wait3A_350, %dma_wait3A_351] : memref<4x128x32xf32, #tpu.memory_space<vmem>> -> memref<1x128x32xf32, #tpu.memory_space<vmem>>
      %dma_wait3A_353 = tpu.memref_squeeze %dma_wait3A_352 : memref<1x128x32xf32, #tpu.memory_space<vmem>> -> memref<128x32xf32, #tpu.memory_space<vmem>>
      %dma_wait3A_354 = tpu.memref_slice %arg6[%mul3A_349] : memref<10240xi32, #tpu.memory_space<vmem>> -> memref<128xi32, #tpu.memory_space<vmem>>
      %dma_wait3A_355 = arith.constant 0 : i32
      %dma_wait3A_356 = arith.constant 0 : i32
      %dma_wait3A_357 = tpu.memref_slice %arg10[%dma_wait3A_355, %dma_wait3A_356] : memref<10240x32xf32, #tpu.memory_space<vmem_shared>> -> memref<10240x32xf32, #tpu.memory_space<vmem_shared>>
      %dma_wait3A_358 = tpu.memref_slice %arg12[%select_n3A_347] : memref<4x!tpu.dma_semaphore, #tpu.memory_space<semaphore_mem>> -> memref<1x!tpu.dma_semaphore, #tpu.memory_space<semaphore_mem>>
      %dma_wait3A_359 = tpu.memref_squeeze %dma_wait3A_358 : memref<1x!tpu.dma_semaphore, #tpu.memory_space<semaphore_mem>> -> memref<!tpu.dma_semaphore, #tpu.memory_space<semaphore_mem>>
      tpu.wait_indirect_dma semaphore(%dma_wait3A_359 : memref<!tpu.dma_semaphore, #tpu.memory_space<semaphore_mem>>) src(%dma_wait3A_357 : memref<10240x32xf32, #tpu.memory_space<vmem_shared>>) dst(%dma_wait3A_353 : memref<128x32xf32, #tpu.memory_space<vmem>>)
      %jit3A_360 = arith.constant 4 : i32
      %eq3A_361 = arith.constant 0 : i32
      %eq3A_362 = arith.cmpi eq, %jit3A_360, %eq3A_361 : i32
      %jit3A_363 = arith.constant 1 : i32
      %select_n3A_364 = arith.select %eq3A_362, %jit3A_363, %jit3A_360 : i32
      %rem3A_365 = arith.remsi %add3A_331, %select_n3A_364 : i32
      %ne3A_366 = arith.constant 0 : i32
      %ne3A_367 = arith.cmpi ne, %rem3A_365, %ne3A_366 : i32
      %lt3A_368 = arith.constant 0 : i32
      %lt3A_369 = arith.cmpi slt, %rem3A_365, %lt3A_368 : i32
      %lt3A_370 = arith.constant 0 : i32
      %lt3A_371 = arith.cmpi slt, %select_n3A_364, %lt3A_370 : i32
      %ne3A_372 = arith.xori %lt3A_369, %lt3A_371 : i1
      %and3A_373 = arith.andi %ne3A_372, %ne3A_367 : i1
      %add3A_374 = arith.addi %rem3A_365, %select_n3A_364 : i32
      %select_n3A_375 = arith.select %and3A_373, %add3A_374, %rem3A_365 : i32
      %dma_start3A_376 = arith.constant 0 : i32
      %dma_start3A_377 = arith.constant 0 : i32
      %dma_start3A_378 = tpu.memref_slice %arg9[%select_n3A_375, %dma_start3A_376, %dma_start3A_377] : memref<4x128x32xf32, #tpu.memory_space<vmem>> -> memref<1x128x32xf32, #tpu.memory_space<vmem>>
      %dma_start3A_379 = tpu.memref_squeeze %dma_start3A_378 : memref<1x128x32xf32, #tpu.memory_space<vmem>> -> memref<128x32xf32, #tpu.memory_space<vmem>>
      %dma_start3A_380 = arith.constant 0 : i32
      %dma_start3A_381 = tpu.memref_slice %arg8[%add3A_331, %dma_start3A_380] : memref<80x128xi32, #tpu.memory_space<vmem>> -> memref<1x128xi32, #tpu.memory_space<vmem>>
      %dma_start3A_382 = tpu.memref_squeeze %dma_start3A_381 : memref<1x128xi32, #tpu.memory_space<vmem>> -> memref<128xi32, #tpu.memory_space<vmem>>
      %dma_start3A_383 = arith.constant 0 : i32
      %dma_start3A_384 = arith.constant 0 : i32
      %dma_start3A_385 = tpu.memref_slice %arg11[%dma_start3A_383, %dma_start3A_384] : memref<10240x32xf32, #tpu.memory_space<vmem_shared>> -> memref<10240x32xf32, #tpu.memory_space<vmem_shared>>
      %dma_start3A_386 = tpu.memref_slice %arg13[%select_n3A_375] : memref<4x!tpu.dma_semaphore, #tpu.memory_space<semaphore_mem>> -> memref<1x!tpu.dma_semaphore, #tpu.memory_space<semaphore_mem>>
      %dma_start3A_387 = tpu.memref_squeeze %dma_start3A_386 : memref<1x!tpu.dma_semaphore, #tpu.memory_space<semaphore_mem>> -> memref<!tpu.dma_semaphore, #tpu.memory_space<semaphore_mem>>
      tpu.enqueue_indirect_dma source(%dma_start3A_379 : memref<128x32xf32, #tpu.memory_space<vmem>>) target(%dma_start3A_385 : memref<10240x32xf32, #tpu.memory_space<vmem_shared>>) offsets(%dma_start3A_382 : memref<128xi32, #tpu.memory_space<vmem>>) semaphore(%dma_start3A_387 : memref<!tpu.dma_semaphore, #tpu.memory_space<semaphore_mem>>) {add = true}
      %eq3A_388 = arith.constant 0 : i32
      %eq3A_389 = arith.cmpi eq, %scan3A_327, %eq3A_388 : i32
      %convert_element_type3A = arith.extui %eq3A_389 : i1 to i32
      %cond3A = arith.constant 0 : i32
      %cond3A_390 = arith.cmpi ne, %convert_element_type3A, %cond3A : i32
      scf.if %cond3A_390 {
        %dma_start3A_590 = arith.constant 3 : i32
        %dma_start3A_591 = arith.constant 3 : i32
        %dma_start3A_592 = arith.constant 0 : i32
        %dma_start3A_593 = arith.constant 0 : i32
        %dma_start3A_594 = tpu.memref_slice %arg9[%dma_start3A_590, %dma_start3A_592, %dma_start3A_593] : memref<4x128x32xf32, #tpu.memory_space<vmem>> -> memref<1x128x32xf32, #tpu.memory_space<vmem>>
        %dma_start3A_595 = tpu.memref_squeeze %dma_start3A_594 : memref<1x128x32xf32, #tpu.memory_space<vmem>> -> memref<128x32xf32, #tpu.memory_space<vmem>>
        %dma_start3A_596 = arith.constant 384 : i32
        %dma_start3A_597 = tpu.memref_slice %arg6[%dma_start3A_596] : memref<10240xi32, #tpu.memory_space<vmem>> -> memref<128xi32, #tpu.memory_space<vmem>>
        %dma_start3A_598 = arith.constant 0 : i32
        %dma_start3A_599 = arith.constant 0 : i32
        %dma_start3A_600 = tpu.memref_slice %arg10[%dma_start3A_598, %dma_start3A_599] : memref<10240x32xf32, #tpu.memory_space<vmem_shared>> -> memref<10240x32xf32, #tpu.memory_space<vmem_shared>>
        %dma_start3A_601 = tpu.memref_slice %arg12[%dma_start3A_591] : memref<4x!tpu.dma_semaphore, #tpu.memory_space<semaphore_mem>> -> memref<1x!tpu.dma_semaphore, #tpu.memory_space<semaphore_mem>>
        %dma_start3A_602 = tpu.memref_squeeze %dma_start3A_601 : memref<1x!tpu.dma_semaphore, #tpu.memory_space<semaphore_mem>> -> memref<!tpu.dma_semaphore, #tpu.memory_space<semaphore_mem>>
        tpu.enqueue_indirect_dma source(%dma_start3A_600 : memref<10240x32xf32, #tpu.memory_space<vmem_shared>>) target(%dma_start3A_595 : memref<128x32xf32, #tpu.memory_space<vmem>>) offsets(%dma_start3A_597 : memref<128xi32, #tpu.memory_space<vmem>>) semaphore(%dma_start3A_602 : memref<!tpu.dma_semaphore, #tpu.memory_space<semaphore_mem>>)
      } else {
      }
      %ge3A = arith.constant 1 : i32
      %ge3A_391 = arith.cmpi sge, %scan3A_327, %ge3A : i32
      %convert_element_type3A_392 = arith.extui %ge3A_391 : i1 to i32
      %cond3A_393 = arith.constant 0 : i32
      %cond3A_394 = arith.cmpi ne, %convert_element_type3A_392, %cond3A_393 : i32
      scf.if %cond3A_394 {
        %sub3A_590 = arith.constant 1 : i32
        %sub3A_591 = arith.subi %add3A_331, %sub3A_590 : i32
        %sub3A_592 = arith.constant 1 : i32
        %sub3A_593 = arith.subi %add3A_331, %sub3A_592 : i32
        %jit3A_594 = arith.constant 4 : i32
        %eq3A_595 = arith.constant 0 : i32
        %eq3A_596 = arith.cmpi eq, %jit3A_594, %eq3A_595 : i32
        %jit3A_597 = arith.constant 1 : i32
        %select_n3A_598 = arith.select %eq3A_596, %jit3A_597, %jit3A_594 : i32
        %rem3A_599 = arith.remsi %sub3A_593, %select_n3A_598 : i32
        %ne3A_600 = arith.constant 0 : i32
        %ne3A_601 = arith.cmpi ne, %rem3A_599, %ne3A_600 : i32
        %lt3A_602 = arith.constant 0 : i32
        %lt3A_603 = arith.cmpi slt, %rem3A_599, %lt3A_602 : i32
        %lt3A_604 = arith.constant 0 : i32
        %lt3A_605 = arith.cmpi slt, %select_n3A_598, %lt3A_604 : i32
        %ne3A_606 = arith.xori %lt3A_603, %lt3A_605 : i1
        %and3A_607 = arith.andi %ne3A_606, %ne3A_601 : i1
        %add3A_608 = arith.addi %rem3A_599, %select_n3A_598 : i32
        %select_n3A_609 = arith.select %and3A_607, %add3A_608, %rem3A_599 : i32
        %dma_wait3A_610 = arith.constant 0 : i32
        %dma_wait3A_611 = arith.constant 0 : i32
        %dma_wait3A_612 = tpu.memref_slice %arg9[%select_n3A_609, %dma_wait3A_610, %dma_wait3A_611] : memref<4x128x32xf32, #tpu.memory_space<vmem>> -> memref<1x128x32xf32, #tpu.memory_space<vmem>>
        %dma_wait3A_613 = tpu.memref_squeeze %dma_wait3A_612 : memref<1x128x32xf32, #tpu.memory_space<vmem>> -> memref<128x32xf32, #tpu.memory_space<vmem>>
        %dma_wait3A_614 = arith.constant 0 : i32
        %dma_wait3A_615 = tpu.memref_slice %arg8[%sub3A_591, %dma_wait3A_614] : memref<80x128xi32, #tpu.memory_space<vmem>> -> memref<1x128xi32, #tpu.memory_space<vmem>>
        %dma_wait3A_616 = tpu.memref_squeeze %dma_wait3A_615 : memref<1x128xi32, #tpu.memory_space<vmem>> -> memref<128xi32, #tpu.memory_space<vmem>>
        %dma_wait3A_617 = arith.constant 0 : i32
        %dma_wait3A_618 = arith.constant 0 : i32
        %dma_wait3A_619 = tpu.memref_slice %arg11[%dma_wait3A_617, %dma_wait3A_618] : memref<10240x32xf32, #tpu.memory_space<vmem_shared>> -> memref<10240x32xf32, #tpu.memory_space<vmem_shared>>
        %dma_wait3A_620 = tpu.memref_slice %arg13[%select_n3A_609] : memref<4x!tpu.dma_semaphore, #tpu.memory_space<semaphore_mem>> -> memref<1x!tpu.dma_semaphore, #tpu.memory_space<semaphore_mem>>
        %dma_wait3A_621 = tpu.memref_squeeze %dma_wait3A_620 : memref<1x!tpu.dma_semaphore, #tpu.memory_space<semaphore_mem>> -> memref<!tpu.dma_semaphore, #tpu.memory_space<semaphore_mem>>
        tpu.wait_indirect_dma semaphore(%dma_wait3A_621 : memref<!tpu.dma_semaphore, #tpu.memory_space<semaphore_mem>>) src(%dma_wait3A_613 : memref<128x32xf32, #tpu.memory_space<vmem>>) dst(%dma_wait3A_619 : memref<10240x32xf32, #tpu.memory_space<vmem_shared>>)
        %add3A_622 = arith.constant 4 : i32
        %add3A_623 = arith.addi %add3A_331, %add3A_622 : i32
        %sub3A_624 = arith.constant 1 : i32
        %sub3A_625 = arith.subi %add3A_623, %sub3A_624 : i32
        %sub3A_626 = arith.constant 1 : i32
        %sub3A_627 = arith.subi %add3A_331, %sub3A_626 : i32
        %jit3A_628 = arith.constant 4 : i32
        %eq3A_629 = arith.constant 0 : i32
        %eq3A_630 = arith.cmpi eq, %jit3A_628, %eq3A_629 : i32
        %jit3A_631 = arith.constant 1 : i32
        %select_n3A_632 = arith.select %eq3A_630, %jit3A_631, %jit3A_628 : i32
        %rem3A_633 = arith.remsi %sub3A_627, %select_n3A_632 : i32
        %ne3A_634 = arith.constant 0 : i32
        %ne3A_635 = arith.cmpi ne, %rem3A_633, %ne3A_634 : i32
        %lt3A_636 = arith.constant 0 : i32
        %lt3A_637 = arith.cmpi slt, %rem3A_633, %lt3A_636 : i32
        %lt3A_638 = arith.constant 0 : i32
        %lt3A_639 = arith.cmpi slt, %select_n3A_632, %lt3A_638 : i32
        %ne3A_640 = arith.xori %lt3A_637, %lt3A_639 : i1
        %and3A_641 = arith.andi %ne3A_640, %ne3A_635 : i1
        %add3A_642 = arith.addi %rem3A_633, %select_n3A_632 : i32
        %select_n3A_643 = arith.select %and3A_641, %add3A_642, %rem3A_633 : i32
        %mul3A_644 = arith.constant 128 : i32
        %mul3A_645 = arith.muli %sub3A_625, %mul3A_644 : i32
        %dma_start3A_646 = arith.constant 0 : i32
        %dma_start3A_647 = arith.constant 0 : i32
        %dma_start3A_648 = tpu.memref_slice %arg9[%select_n3A_643, %dma_start3A_646, %dma_start3A_647] : memref<4x128x32xf32, #tpu.memory_space<vmem>> -> memref<1x128x32xf32, #tpu.memory_space<vmem>>
        %dma_start3A_649 = tpu.memref_squeeze %dma_start3A_648 : memref<1x128x32xf32, #tpu.memory_space<vmem>> -> memref<128x32xf32, #tpu.memory_space<vmem>>
        %dma_start3A_650 = tpu.memref_slice %arg6[%mul3A_645] : memref<10240xi32, #tpu.memory_space<vmem>> -> memref<128xi32, #tpu.memory_space<vmem>>
        %dma_start3A_651 = arith.constant 0 : i32
        %dma_start3A_652 = arith.constant 0 : i32
        %dma_start3A_653 = tpu.memref_slice %arg10[%dma_start3A_651, %dma_start3A_652] : memref<10240x32xf32, #tpu.memory_space<vmem_shared>> -> memref<10240x32xf32, #tpu.memory_space<vmem_shared>>
        %dma_start3A_654 = tpu.memref_slice %arg12[%select_n3A_643] : memref<4x!tpu.dma_semaphore, #tpu.memory_space<semaphore_mem>> -> memref<1x!tpu.dma_semaphore, #tpu.memory_space<semaphore_mem>>
        %dma_start3A_655 = tpu.memref_squeeze %dma_start3A_654 : memref<1x!tpu.dma_semaphore, #tpu.memory_space<semaphore_mem>> -> memref<!tpu.dma_semaphore, #tpu.memory_space<semaphore_mem>>
        tpu.enqueue_indirect_dma source(%dma_start3A_653 : memref<10240x32xf32, #tpu.memory_space<vmem_shared>>) target(%dma_start3A_649 : memref<128x32xf32, #tpu.memory_space<vmem>>) offsets(%dma_start3A_650 : memref<128xi32, #tpu.memory_space<vmem>>) semaphore(%dma_start3A_655 : memref<!tpu.dma_semaphore, #tpu.memory_space<semaphore_mem>>)
      } else {
      }
      %mul3A_395 = arith.constant 4 : i32
      %mul3A_396 = arith.muli %scan3A_327, %mul3A_395 : i32
      %add3A_397 = arith.constant 1 : i32
      %add3A_398 = arith.addi %mul3A_396, %add3A_397 : i32
      %jit3A_399 = arith.constant 4 : i32
      %eq3A_400 = arith.constant 0 : i32
      %eq3A_401 = arith.cmpi eq, %jit3A_399, %eq3A_400 : i32
      %jit3A_402 = arith.constant 1 : i32
      %select_n3A_403 = arith.select %eq3A_401, %jit3A_402, %jit3A_399 : i32
      %rem3A_404 = arith.remsi %add3A_398, %select_n3A_403 : i32
      %ne3A_405 = arith.constant 0 : i32
      %ne3A_406 = arith.cmpi ne, %rem3A_404, %ne3A_405 : i32
      %lt3A_407 = arith.constant 0 : i32
      %lt3A_408 = arith.cmpi slt, %rem3A_404, %lt3A_407 : i32
      %lt3A_409 = arith.constant 0 : i32
      %lt3A_410 = arith.cmpi slt, %select_n3A_403, %lt3A_409 : i32
      %ne3A_411 = arith.xori %lt3A_408, %lt3A_410 : i1
      %and3A_412 = arith.andi %ne3A_411, %ne3A_406 : i1
      %add3A_413 = arith.addi %rem3A_404, %select_n3A_403 : i32
      %select_n3A_414 = arith.select %and3A_412, %add3A_413, %rem3A_404 : i32
      %mul3A_415 = arith.constant 128 : i32
      %mul3A_416 = arith.muli %add3A_398, %mul3A_415 : i32
      %dma_wait3A_417 = arith.constant 0 : i32
      %dma_wait3A_418 = arith.constant 0 : i32
      %dma_wait3A_419 = tpu.memref_slice %arg9[%select_n3A_414, %dma_wait3A_417, %dma_wait3A_418] : memref<4x128x32xf32, #tpu.memory_space<vmem>> -> memref<1x128x32xf32, #tpu.memory_space<vmem>>
      %dma_wait3A_420 = tpu.memref_squeeze %dma_wait3A_419 : memref<1x128x32xf32, #tpu.memory_space<vmem>> -> memref<128x32xf32, #tpu.memory_space<vmem>>
      %dma_wait3A_421 = tpu.memref_slice %arg6[%mul3A_416] : memref<10240xi32, #tpu.memory_space<vmem>> -> memref<128xi32, #tpu.memory_space<vmem>>
      %dma_wait3A_422 = arith.constant 0 : i32
      %dma_wait3A_423 = arith.constant 0 : i32
      %dma_wait3A_424 = tpu.memref_slice %arg10[%dma_wait3A_422, %dma_wait3A_423] : memref<10240x32xf32, #tpu.memory_space<vmem_shared>> -> memref<10240x32xf32, #tpu.memory_space<vmem_shared>>
      %dma_wait3A_425 = tpu.memref_slice %arg12[%select_n3A_414] : memref<4x!tpu.dma_semaphore, #tpu.memory_space<semaphore_mem>> -> memref<1x!tpu.dma_semaphore, #tpu.memory_space<semaphore_mem>>
      %dma_wait3A_426 = tpu.memref_squeeze %dma_wait3A_425 : memref<1x!tpu.dma_semaphore, #tpu.memory_space<semaphore_mem>> -> memref<!tpu.dma_semaphore, #tpu.memory_space<semaphore_mem>>
      tpu.wait_indirect_dma semaphore(%dma_wait3A_426 : memref<!tpu.dma_semaphore, #tpu.memory_space<semaphore_mem>>) src(%dma_wait3A_424 : memref<10240x32xf32, #tpu.memory_space<vmem_shared>>) dst(%dma_wait3A_420 : memref<128x32xf32, #tpu.memory_space<vmem>>)
      %jit3A_427 = arith.constant 4 : i32
      %eq3A_428 = arith.constant 0 : i32
      %eq3A_429 = arith.cmpi eq, %jit3A_427, %eq3A_428 : i32
      %jit3A_430 = arith.constant 1 : i32
      %select_n3A_431 = arith.select %eq3A_429, %jit3A_430, %jit3A_427 : i32
      %rem3A_432 = arith.remsi %add3A_398, %select_n3A_431 : i32
      %ne3A_433 = arith.constant 0 : i32
      %ne3A_434 = arith.cmpi ne, %rem3A_432, %ne3A_433 : i32
      %lt3A_435 = arith.constant 0 : i32
      %lt3A_436 = arith.cmpi slt, %rem3A_432, %lt3A_435 : i32
      %lt3A_437 = arith.constant 0 : i32
      %lt3A_438 = arith.cmpi slt, %select_n3A_431, %lt3A_437 : i32
      %ne3A_439 = arith.xori %lt3A_436, %lt3A_438 : i1
      %and3A_440 = arith.andi %ne3A_439, %ne3A_434 : i1
      %add3A_441 = arith.addi %rem3A_432, %select_n3A_431 : i32
      %select_n3A_442 = arith.select %and3A_440, %add3A_441, %rem3A_432 : i32
      %dma_start3A_443 = arith.constant 0 : i32
      %dma_start3A_444 = arith.constant 0 : i32
      %dma_start3A_445 = tpu.memref_slice %arg9[%select_n3A_442, %dma_start3A_443, %dma_start3A_444] : memref<4x128x32xf32, #tpu.memory_space<vmem>> -> memref<1x128x32xf32, #tpu.memory_space<vmem>>
      %dma_start3A_446 = tpu.memref_squeeze %dma_start3A_445 : memref<1x128x32xf32, #tpu.memory_space<vmem>> -> memref<128x32xf32, #tpu.memory_space<vmem>>
      %dma_start3A_447 = arith.constant 0 : i32
      %dma_start3A_448 = tpu.memref_slice %arg8[%add3A_398, %dma_start3A_447] : memref<80x128xi32, #tpu.memory_space<vmem>> -> memref<1x128xi32, #tpu.memory_space<vmem>>
      %dma_start3A_449 = tpu.memref_squeeze %dma_start3A_448 : memref<1x128xi32, #tpu.memory_space<vmem>> -> memref<128xi32, #tpu.memory_space<vmem>>
      %dma_start3A_450 = arith.constant 0 : i32
      %dma_start3A_451 = arith.constant 0 : i32
      %dma_start3A_452 = tpu.memref_slice %arg11[%dma_start3A_450, %dma_start3A_451] : memref<10240x32xf32, #tpu.memory_space<vmem_shared>> -> memref<10240x32xf32, #tpu.memory_space<vmem_shared>>
      %dma_start3A_453 = tpu.memref_slice %arg13[%select_n3A_442] : memref<4x!tpu.dma_semaphore, #tpu.memory_space<semaphore_mem>> -> memref<1x!tpu.dma_semaphore, #tpu.memory_space<semaphore_mem>>
      %dma_start3A_454 = tpu.memref_squeeze %dma_start3A_453 : memref<1x!tpu.dma_semaphore, #tpu.memory_space<semaphore_mem>> -> memref<!tpu.dma_semaphore, #tpu.memory_space<semaphore_mem>>
      tpu.enqueue_indirect_dma source(%dma_start3A_446 : memref<128x32xf32, #tpu.memory_space<vmem>>) target(%dma_start3A_452 : memref<10240x32xf32, #tpu.memory_space<vmem_shared>>) offsets(%dma_start3A_449 : memref<128xi32, #tpu.memory_space<vmem>>) semaphore(%dma_start3A_454 : memref<!tpu.dma_semaphore, #tpu.memory_space<semaphore_mem>>) {add = true}
      %lt3A_455 = arith.constant 19 : i32
      %lt3A_456 = arith.cmpi slt, %scan3A_327, %lt3A_455 : i32
      %convert_element_type3A_457 = arith.extui %lt3A_456 : i1 to i32
      %cond3A_458 = arith.constant 0 : i32
      %cond3A_459 = arith.cmpi ne, %convert_element_type3A_457, %cond3A_458 : i32
      scf.if %cond3A_459 {
        %sub3A_590 = arith.constant 1 : i32
        %sub3A_591 = arith.subi %add3A_398, %sub3A_590 : i32
        %sub3A_592 = arith.constant 1 : i32
        %sub3A_593 = arith.subi %add3A_398, %sub3A_592 : i32
        %jit3A_594 = arith.constant 4 : i32
        %eq3A_595 = arith.constant 0 : i32
        %eq3A_596 = arith.cmpi eq, %jit3A_594, %eq3A_595 : i32
        %jit3A_597 = arith.constant 1 : i32
        %select_n3A_598 = arith.select %eq3A_596, %jit3A_597, %jit3A_594 : i32
        %rem3A_599 = arith.remsi %sub3A_593, %select_n3A_598 : i32
        %ne3A_600 = arith.constant 0 : i32
        %ne3A_601 = arith.cmpi ne, %rem3A_599, %ne3A_600 : i32
        %lt3A_602 = arith.constant 0 : i32
        %lt3A_603 = arith.cmpi slt, %rem3A_599, %lt3A_602 : i32
        %lt3A_604 = arith.constant 0 : i32
        %lt3A_605 = arith.cmpi slt, %select_n3A_598, %lt3A_604 : i32
        %ne3A_606 = arith.xori %lt3A_603, %lt3A_605 : i1
        %and3A_607 = arith.andi %ne3A_606, %ne3A_601 : i1
        %add3A_608 = arith.addi %rem3A_599, %select_n3A_598 : i32
        %select_n3A_609 = arith.select %and3A_607, %add3A_608, %rem3A_599 : i32
        %dma_wait3A_610 = arith.constant 0 : i32
        %dma_wait3A_611 = arith.constant 0 : i32
        %dma_wait3A_612 = tpu.memref_slice %arg9[%select_n3A_609, %dma_wait3A_610, %dma_wait3A_611] : memref<4x128x32xf32, #tpu.memory_space<vmem>> -> memref<1x128x32xf32, #tpu.memory_space<vmem>>
        %dma_wait3A_613 = tpu.memref_squeeze %dma_wait3A_612 : memref<1x128x32xf32, #tpu.memory_space<vmem>> -> memref<128x32xf32, #tpu.memory_space<vmem>>
        %dma_wait3A_614 = arith.constant 0 : i32
        %dma_wait3A_615 = tpu.memref_slice %arg8[%sub3A_591, %dma_wait3A_614] : memref<80x128xi32, #tpu.memory_space<vmem>> -> memref<1x128xi32, #tpu.memory_space<vmem>>
        %dma_wait3A_616 = tpu.memref_squeeze %dma_wait3A_615 : memref<1x128xi32, #tpu.memory_space<vmem>> -> memref<128xi32, #tpu.memory_space<vmem>>
        %dma_wait3A_617 = arith.constant 0 : i32
        %dma_wait3A_618 = arith.constant 0 : i32
        %dma_wait3A_619 = tpu.memref_slice %arg11[%dma_wait3A_617, %dma_wait3A_618] : memref<10240x32xf32, #tpu.memory_space<vmem_shared>> -> memref<10240x32xf32, #tpu.memory_space<vmem_shared>>
        %dma_wait3A_620 = tpu.memref_slice %arg13[%select_n3A_609] : memref<4x!tpu.dma_semaphore, #tpu.memory_space<semaphore_mem>> -> memref<1x!tpu.dma_semaphore, #tpu.memory_space<semaphore_mem>>
        %dma_wait3A_621 = tpu.memref_squeeze %dma_wait3A_620 : memref<1x!tpu.dma_semaphore, #tpu.memory_space<semaphore_mem>> -> memref<!tpu.dma_semaphore, #tpu.memory_space<semaphore_mem>>
        tpu.wait_indirect_dma semaphore(%dma_wait3A_621 : memref<!tpu.dma_semaphore, #tpu.memory_space<semaphore_mem>>) src(%dma_wait3A_613 : memref<128x32xf32, #tpu.memory_space<vmem>>) dst(%dma_wait3A_619 : memref<10240x32xf32, #tpu.memory_space<vmem_shared>>)
        %add3A_622 = arith.constant 4 : i32
        %add3A_623 = arith.addi %add3A_398, %add3A_622 : i32
        %sub3A_624 = arith.constant 1 : i32
        %sub3A_625 = arith.subi %add3A_623, %sub3A_624 : i32
        %sub3A_626 = arith.constant 1 : i32
        %sub3A_627 = arith.subi %add3A_398, %sub3A_626 : i32
        %jit3A_628 = arith.constant 4 : i32
        %eq3A_629 = arith.constant 0 : i32
        %eq3A_630 = arith.cmpi eq, %jit3A_628, %eq3A_629 : i32
        %jit3A_631 = arith.constant 1 : i32
        %select_n3A_632 = arith.select %eq3A_630, %jit3A_631, %jit3A_628 : i32
        %rem3A_633 = arith.remsi %sub3A_627, %select_n3A_632 : i32
        %ne3A_634 = arith.constant 0 : i32
        %ne3A_635 = arith.cmpi ne, %rem3A_633, %ne3A_634 : i32
        %lt3A_636 = arith.constant 0 : i32
        %lt3A_637 = arith.cmpi slt, %rem3A_633, %lt3A_636 : i32
        %lt3A_638 = arith.constant 0 : i32
        %lt3A_639 = arith.cmpi slt, %select_n3A_632, %lt3A_638 : i32
        %ne3A_640 = arith.xori %lt3A_637, %lt3A_639 : i1
        %and3A_641 = arith.andi %ne3A_640, %ne3A_635 : i1
        %add3A_642 = arith.addi %rem3A_633, %select_n3A_632 : i32
        %select_n3A_643 = arith.select %and3A_641, %add3A_642, %rem3A_633 : i32
        %mul3A_644 = arith.constant 128 : i32
        %mul3A_645 = arith.muli %sub3A_625, %mul3A_644 : i32
        %dma_start3A_646 = arith.constant 0 : i32
        %dma_start3A_647 = arith.constant 0 : i32
        %dma_start3A_648 = tpu.memref_slice %arg9[%select_n3A_643, %dma_start3A_646, %dma_start3A_647] : memref<4x128x32xf32, #tpu.memory_space<vmem>> -> memref<1x128x32xf32, #tpu.memory_space<vmem>>
        %dma_start3A_649 = tpu.memref_squeeze %dma_start3A_648 : memref<1x128x32xf32, #tpu.memory_space<vmem>> -> memref<128x32xf32, #tpu.memory_space<vmem>>
        %dma_start3A_650 = tpu.memref_slice %arg6[%mul3A_645] : memref<10240xi32, #tpu.memory_space<vmem>> -> memref<128xi32, #tpu.memory_space<vmem>>
        %dma_start3A_651 = arith.constant 0 : i32
        %dma_start3A_652 = arith.constant 0 : i32
        %dma_start3A_653 = tpu.memref_slice %arg10[%dma_start3A_651, %dma_start3A_652] : memref<10240x32xf32, #tpu.memory_space<vmem_shared>> -> memref<10240x32xf32, #tpu.memory_space<vmem_shared>>
        %dma_start3A_654 = tpu.memref_slice %arg12[%select_n3A_643] : memref<4x!tpu.dma_semaphore, #tpu.memory_space<semaphore_mem>> -> memref<1x!tpu.dma_semaphore, #tpu.memory_space<semaphore_mem>>
        %dma_start3A_655 = tpu.memref_squeeze %dma_start3A_654 : memref<1x!tpu.dma_semaphore, #tpu.memory_space<semaphore_mem>> -> memref<!tpu.dma_semaphore, #tpu.memory_space<semaphore_mem>>
        tpu.enqueue_indirect_dma source(%dma_start3A_653 : memref<10240x32xf32, #tpu.memory_space<vmem_shared>>) target(%dma_start3A_649 : memref<128x32xf32, #tpu.memory_space<vmem>>) offsets(%dma_start3A_650 : memref<128xi32, #tpu.memory_space<vmem>>) semaphore(%dma_start3A_655 : memref<!tpu.dma_semaphore, #tpu.memory_space<semaphore_mem>>)
      } else {
      }
      %mul3A_460 = arith.constant 4 : i32
      %mul3A_461 = arith.muli %scan3A_327, %mul3A_460 : i32
      %add3A_462 = arith.constant 2 : i32
      %add3A_463 = arith.addi %mul3A_461, %add3A_462 : i32
      %jit3A_464 = arith.constant 4 : i32
      %eq3A_465 = arith.constant 0 : i32
      %eq3A_466 = arith.cmpi eq, %jit3A_464, %eq3A_465 : i32
      %jit3A_467 = arith.constant 1 : i32
      %select_n3A_468 = arith.select %eq3A_466, %jit3A_467, %jit3A_464 : i32
      %rem3A_469 = arith.remsi %add3A_463, %select_n3A_468 : i32
      %ne3A_470 = arith.constant 0 : i32
      %ne3A_471 = arith.cmpi ne, %rem3A_469, %ne3A_470 : i32
      %lt3A_472 = arith.constant 0 : i32
      %lt3A_473 = arith.cmpi slt, %rem3A_469, %lt3A_472 : i32
      %lt3A_474 = arith.constant 0 : i32
      %lt3A_475 = arith.cmpi slt, %select_n3A_468, %lt3A_474 : i32
      %ne3A_476 = arith.xori %lt3A_473, %lt3A_475 : i1
      %and3A_477 = arith.andi %ne3A_476, %ne3A_471 : i1
      %add3A_478 = arith.addi %rem3A_469, %select_n3A_468 : i32
      %select_n3A_479 = arith.select %and3A_477, %add3A_478, %rem3A_469 : i32
      %mul3A_480 = arith.constant 128 : i32
      %mul3A_481 = arith.muli %add3A_463, %mul3A_480 : i32
      %dma_wait3A_482 = arith.constant 0 : i32
      %dma_wait3A_483 = arith.constant 0 : i32
      %dma_wait3A_484 = tpu.memref_slice %arg9[%select_n3A_479, %dma_wait3A_482, %dma_wait3A_483] : memref<4x128x32xf32, #tpu.memory_space<vmem>> -> memref<1x128x32xf32, #tpu.memory_space<vmem>>
      %dma_wait3A_485 = tpu.memref_squeeze %dma_wait3A_484 : memref<1x128x32xf32, #tpu.memory_space<vmem>> -> memref<128x32xf32, #tpu.memory_space<vmem>>
      %dma_wait3A_486 = tpu.memref_slice %arg6[%mul3A_481] : memref<10240xi32, #tpu.memory_space<vmem>> -> memref<128xi32, #tpu.memory_space<vmem>>
      %dma_wait3A_487 = arith.constant 0 : i32
      %dma_wait3A_488 = arith.constant 0 : i32
      %dma_wait3A_489 = tpu.memref_slice %arg10[%dma_wait3A_487, %dma_wait3A_488] : memref<10240x32xf32, #tpu.memory_space<vmem_shared>> -> memref<10240x32xf32, #tpu.memory_space<vmem_shared>>
      %dma_wait3A_490 = tpu.memref_slice %arg12[%select_n3A_479] : memref<4x!tpu.dma_semaphore, #tpu.memory_space<semaphore_mem>> -> memref<1x!tpu.dma_semaphore, #tpu.memory_space<semaphore_mem>>
      %dma_wait3A_491 = tpu.memref_squeeze %dma_wait3A_490 : memref<1x!tpu.dma_semaphore, #tpu.memory_space<semaphore_mem>> -> memref<!tpu.dma_semaphore, #tpu.memory_space<semaphore_mem>>
      tpu.wait_indirect_dma semaphore(%dma_wait3A_491 : memref<!tpu.dma_semaphore, #tpu.memory_space<semaphore_mem>>) src(%dma_wait3A_489 : memref<10240x32xf32, #tpu.memory_space<vmem_shared>>) dst(%dma_wait3A_485 : memref<128x32xf32, #tpu.memory_space<vmem>>)
      %jit3A_492 = arith.constant 4 : i32
      %eq3A_493 = arith.constant 0 : i32
      %eq3A_494 = arith.cmpi eq, %jit3A_492, %eq3A_493 : i32
      %jit3A_495 = arith.constant 1 : i32
      %select_n3A_496 = arith.select %eq3A_494, %jit3A_495, %jit3A_492 : i32
      %rem3A_497 = arith.remsi %add3A_463, %select_n3A_496 : i32
      %ne3A_498 = arith.constant 0 : i32
      %ne3A_499 = arith.cmpi ne, %rem3A_497, %ne3A_498 : i32
      %lt3A_500 = arith.constant 0 : i32
      %lt3A_501 = arith.cmpi slt, %rem3A_497, %lt3A_500 : i32
      %lt3A_502 = arith.constant 0 : i32
      %lt3A_503 = arith.cmpi slt, %select_n3A_496, %lt3A_502 : i32
      %ne3A_504 = arith.xori %lt3A_501, %lt3A_503 : i1
      %and3A_505 = arith.andi %ne3A_504, %ne3A_499 : i1
      %add3A_506 = arith.addi %rem3A_497, %select_n3A_496 : i32
      %select_n3A_507 = arith.select %and3A_505, %add3A_506, %rem3A_497 : i32
      %dma_start3A_508 = arith.constant 0 : i32
      %dma_start3A_509 = arith.constant 0 : i32
      %dma_start3A_510 = tpu.memref_slice %arg9[%select_n3A_507, %dma_start3A_508, %dma_start3A_509] : memref<4x128x32xf32, #tpu.memory_space<vmem>> -> memref<1x128x32xf32, #tpu.memory_space<vmem>>
      %dma_start3A_511 = tpu.memref_squeeze %dma_start3A_510 : memref<1x128x32xf32, #tpu.memory_space<vmem>> -> memref<128x32xf32, #tpu.memory_space<vmem>>
      %dma_start3A_512 = arith.constant 0 : i32
      %dma_start3A_513 = tpu.memref_slice %arg8[%add3A_463, %dma_start3A_512] : memref<80x128xi32, #tpu.memory_space<vmem>> -> memref<1x128xi32, #tpu.memory_space<vmem>>
      %dma_start3A_514 = tpu.memref_squeeze %dma_start3A_513 : memref<1x128xi32, #tpu.memory_space<vmem>> -> memref<128xi32, #tpu.memory_space<vmem>>
      %dma_start3A_515 = arith.constant 0 : i32
      %dma_start3A_516 = arith.constant 0 : i32
      %dma_start3A_517 = tpu.memref_slice %arg11[%dma_start3A_515, %dma_start3A_516] : memref<10240x32xf32, #tpu.memory_space<vmem_shared>> -> memref<10240x32xf32, #tpu.memory_space<vmem_shared>>
      %dma_start3A_518 = tpu.memref_slice %arg13[%select_n3A_507] : memref<4x!tpu.dma_semaphore, #tpu.memory_space<semaphore_mem>> -> memref<1x!tpu.dma_semaphore, #tpu.memory_space<semaphore_mem>>
      %dma_start3A_519 = tpu.memref_squeeze %dma_start3A_518 : memref<1x!tpu.dma_semaphore, #tpu.memory_space<semaphore_mem>> -> memref<!tpu.dma_semaphore, #tpu.memory_space<semaphore_mem>>
      tpu.enqueue_indirect_dma source(%dma_start3A_511 : memref<128x32xf32, #tpu.memory_space<vmem>>) target(%dma_start3A_517 : memref<10240x32xf32, #tpu.memory_space<vmem_shared>>) offsets(%dma_start3A_514 : memref<128xi32, #tpu.memory_space<vmem>>) semaphore(%dma_start3A_519 : memref<!tpu.dma_semaphore, #tpu.memory_space<semaphore_mem>>) {add = true}
      %lt3A_520 = arith.constant 19 : i32
      %lt3A_521 = arith.cmpi slt, %scan3A_327, %lt3A_520 : i32
      %convert_element_type3A_522 = arith.extui %lt3A_521 : i1 to i32
      %cond3A_523 = arith.constant 0 : i32
      %cond3A_524 = arith.cmpi ne, %convert_element_type3A_522, %cond3A_523 : i32
      scf.if %cond3A_524 {
        %sub3A_590 = arith.constant 1 : i32
        %sub3A_591 = arith.subi %add3A_463, %sub3A_590 : i32
        %sub3A_592 = arith.constant 1 : i32
        %sub3A_593 = arith.subi %add3A_463, %sub3A_592 : i32
        %jit3A_594 = arith.constant 4 : i32
        %eq3A_595 = arith.constant 0 : i32
        %eq3A_596 = arith.cmpi eq, %jit3A_594, %eq3A_595 : i32
        %jit3A_597 = arith.constant 1 : i32
        %select_n3A_598 = arith.select %eq3A_596, %jit3A_597, %jit3A_594 : i32
        %rem3A_599 = arith.remsi %sub3A_593, %select_n3A_598 : i32
        %ne3A_600 = arith.constant 0 : i32
        %ne3A_601 = arith.cmpi ne, %rem3A_599, %ne3A_600 : i32
        %lt3A_602 = arith.constant 0 : i32
        %lt3A_603 = arith.cmpi slt, %rem3A_599, %lt3A_602 : i32
        %lt3A_604 = arith.constant 0 : i32
        %lt3A_605 = arith.cmpi slt, %select_n3A_598, %lt3A_604 : i32
        %ne3A_606 = arith.xori %lt3A_603, %lt3A_605 : i1
        %and3A_607 = arith.andi %ne3A_606, %ne3A_601 : i1
        %add3A_608 = arith.addi %rem3A_599, %select_n3A_598 : i32
        %select_n3A_609 = arith.select %and3A_607, %add3A_608, %rem3A_599 : i32
        %dma_wait3A_610 = arith.constant 0 : i32
        %dma_wait3A_611 = arith.constant 0 : i32
        %dma_wait3A_612 = tpu.memref_slice %arg9[%select_n3A_609, %dma_wait3A_610, %dma_wait3A_611] : memref<4x128x32xf32, #tpu.memory_space<vmem>> -> memref<1x128x32xf32, #tpu.memory_space<vmem>>
        %dma_wait3A_613 = tpu.memref_squeeze %dma_wait3A_612 : memref<1x128x32xf32, #tpu.memory_space<vmem>> -> memref<128x32xf32, #tpu.memory_space<vmem>>
        %dma_wait3A_614 = arith.constant 0 : i32
        %dma_wait3A_615 = tpu.memref_slice %arg8[%sub3A_591, %dma_wait3A_614] : memref<80x128xi32, #tpu.memory_space<vmem>> -> memref<1x128xi32, #tpu.memory_space<vmem>>
        %dma_wait3A_616 = tpu.memref_squeeze %dma_wait3A_615 : memref<1x128xi32, #tpu.memory_space<vmem>> -> memref<128xi32, #tpu.memory_space<vmem>>
        %dma_wait3A_617 = arith.constant 0 : i32
        %dma_wait3A_618 = arith.constant 0 : i32
        %dma_wait3A_619 = tpu.memref_slice %arg11[%dma_wait3A_617, %dma_wait3A_618] : memref<10240x32xf32, #tpu.memory_space<vmem_shared>> -> memref<10240x32xf32, #tpu.memory_space<vmem_shared>>
        %dma_wait3A_620 = tpu.memref_slice %arg13[%select_n3A_609] : memref<4x!tpu.dma_semaphore, #tpu.memory_space<semaphore_mem>> -> memref<1x!tpu.dma_semaphore, #tpu.memory_space<semaphore_mem>>
        %dma_wait3A_621 = tpu.memref_squeeze %dma_wait3A_620 : memref<1x!tpu.dma_semaphore, #tpu.memory_space<semaphore_mem>> -> memref<!tpu.dma_semaphore, #tpu.memory_space<semaphore_mem>>
        tpu.wait_indirect_dma semaphore(%dma_wait3A_621 : memref<!tpu.dma_semaphore, #tpu.memory_space<semaphore_mem>>) src(%dma_wait3A_613 : memref<128x32xf32, #tpu.memory_space<vmem>>) dst(%dma_wait3A_619 : memref<10240x32xf32, #tpu.memory_space<vmem_shared>>)
        %add3A_622 = arith.constant 4 : i32
        %add3A_623 = arith.addi %add3A_463, %add3A_622 : i32
        %sub3A_624 = arith.constant 1 : i32
        %sub3A_625 = arith.subi %add3A_623, %sub3A_624 : i32
        %sub3A_626 = arith.constant 1 : i32
        %sub3A_627 = arith.subi %add3A_463, %sub3A_626 : i32
        %jit3A_628 = arith.constant 4 : i32
        %eq3A_629 = arith.constant 0 : i32
        %eq3A_630 = arith.cmpi eq, %jit3A_628, %eq3A_629 : i32
        %jit3A_631 = arith.constant 1 : i32
        %select_n3A_632 = arith.select %eq3A_630, %jit3A_631, %jit3A_628 : i32
        %rem3A_633 = arith.remsi %sub3A_627, %select_n3A_632 : i32
        %ne3A_634 = arith.constant 0 : i32
        %ne3A_635 = arith.cmpi ne, %rem3A_633, %ne3A_634 : i32
        %lt3A_636 = arith.constant 0 : i32
        %lt3A_637 = arith.cmpi slt, %rem3A_633, %lt3A_636 : i32
        %lt3A_638 = arith.constant 0 : i32
        %lt3A_639 = arith.cmpi slt, %select_n3A_632, %lt3A_638 : i32
        %ne3A_640 = arith.xori %lt3A_637, %lt3A_639 : i1
        %and3A_641 = arith.andi %ne3A_640, %ne3A_635 : i1
        %add3A_642 = arith.addi %rem3A_633, %select_n3A_632 : i32
        %select_n3A_643 = arith.select %and3A_641, %add3A_642, %rem3A_633 : i32
        %mul3A_644 = arith.constant 128 : i32
        %mul3A_645 = arith.muli %sub3A_625, %mul3A_644 : i32
        %dma_start3A_646 = arith.constant 0 : i32
        %dma_start3A_647 = arith.constant 0 : i32
        %dma_start3A_648 = tpu.memref_slice %arg9[%select_n3A_643, %dma_start3A_646, %dma_start3A_647] : memref<4x128x32xf32, #tpu.memory_space<vmem>> -> memref<1x128x32xf32, #tpu.memory_space<vmem>>
        %dma_start3A_649 = tpu.memref_squeeze %dma_start3A_648 : memref<1x128x32xf32, #tpu.memory_space<vmem>> -> memref<128x32xf32, #tpu.memory_space<vmem>>
        %dma_start3A_650 = tpu.memref_slice %arg6[%mul3A_645] : memref<10240xi32, #tpu.memory_space<vmem>> -> memref<128xi32, #tpu.memory_space<vmem>>
        %dma_start3A_651 = arith.constant 0 : i32
        %dma_start3A_652 = arith.constant 0 : i32
        %dma_start3A_653 = tpu.memref_slice %arg10[%dma_start3A_651, %dma_start3A_652] : memref<10240x32xf32, #tpu.memory_space<vmem_shared>> -> memref<10240x32xf32, #tpu.memory_space<vmem_shared>>
        %dma_start3A_654 = tpu.memref_slice %arg12[%select_n3A_643] : memref<4x!tpu.dma_semaphore, #tpu.memory_space<semaphore_mem>> -> memref<1x!tpu.dma_semaphore, #tpu.memory_space<semaphore_mem>>
        %dma_start3A_655 = tpu.memref_squeeze %dma_start3A_654 : memref<1x!tpu.dma_semaphore, #tpu.memory_space<semaphore_mem>> -> memref<!tpu.dma_semaphore, #tpu.memory_space<semaphore_mem>>
        tpu.enqueue_indirect_dma source(%dma_start3A_653 : memref<10240x32xf32, #tpu.memory_space<vmem_shared>>) target(%dma_start3A_649 : memref<128x32xf32, #tpu.memory_space<vmem>>) offsets(%dma_start3A_650 : memref<128xi32, #tpu.memory_space<vmem>>) semaphore(%dma_start3A_655 : memref<!tpu.dma_semaphore, #tpu.memory_space<semaphore_mem>>)
      } else {
      }
      %mul3A_525 = arith.constant 4 : i32
      %mul3A_526 = arith.muli %scan3A_327, %mul3A_525 : i32
      %add3A_527 = arith.constant 3 : i32
      %add3A_528 = arith.addi %mul3A_526, %add3A_527 : i32
      %jit3A_529 = arith.constant 4 : i32
      %eq3A_530 = arith.constant 0 : i32
      %eq3A_531 = arith.cmpi eq, %jit3A_529, %eq3A_530 : i32
      %jit3A_532 = arith.constant 1 : i32
      %select_n3A_533 = arith.select %eq3A_531, %jit3A_532, %jit3A_529 : i32
      %rem3A_534 = arith.remsi %add3A_528, %select_n3A_533 : i32
      %ne3A_535 = arith.constant 0 : i32
      %ne3A_536 = arith.cmpi ne, %rem3A_534, %ne3A_535 : i32
      %lt3A_537 = arith.constant 0 : i32
      %lt3A_538 = arith.cmpi slt, %rem3A_534, %lt3A_537 : i32
      %lt3A_539 = arith.constant 0 : i32
      %lt3A_540 = arith.cmpi slt, %select_n3A_533, %lt3A_539 : i32
      %ne3A_541 = arith.xori %lt3A_538, %lt3A_540 : i1
      %and3A_542 = arith.andi %ne3A_541, %ne3A_536 : i1
      %add3A_543 = arith.addi %rem3A_534, %select_n3A_533 : i32
      %select_n3A_544 = arith.select %and3A_542, %add3A_543, %rem3A_534 : i32
      %mul3A_545 = arith.constant 128 : i32
      %mul3A_546 = arith.muli %add3A_528, %mul3A_545 : i32
      %dma_wait3A_547 = arith.constant 0 : i32
      %dma_wait3A_548 = arith.constant 0 : i32
      %dma_wait3A_549 = tpu.memref_slice %arg9[%select_n3A_544, %dma_wait3A_547, %dma_wait3A_548] : memref<4x128x32xf32, #tpu.memory_space<vmem>> -> memref<1x128x32xf32, #tpu.memory_space<vmem>>
      %dma_wait3A_550 = tpu.memref_squeeze %dma_wait3A_549 : memref<1x128x32xf32, #tpu.memory_space<vmem>> -> memref<128x32xf32, #tpu.memory_space<vmem>>
      %dma_wait3A_551 = tpu.memref_slice %arg6[%mul3A_546] : memref<10240xi32, #tpu.memory_space<vmem>> -> memref<128xi32, #tpu.memory_space<vmem>>
      %dma_wait3A_552 = arith.constant 0 : i32
      %dma_wait3A_553 = arith.constant 0 : i32
      %dma_wait3A_554 = tpu.memref_slice %arg10[%dma_wait3A_552, %dma_wait3A_553] : memref<10240x32xf32, #tpu.memory_space<vmem_shared>> -> memref<10240x32xf32, #tpu.memory_space<vmem_shared>>
      %dma_wait3A_555 = tpu.memref_slice %arg12[%select_n3A_544] : memref<4x!tpu.dma_semaphore, #tpu.memory_space<semaphore_mem>> -> memref<1x!tpu.dma_semaphore, #tpu.memory_space<semaphore_mem>>
      %dma_wait3A_556 = tpu.memref_squeeze %dma_wait3A_555 : memref<1x!tpu.dma_semaphore, #tpu.memory_space<semaphore_mem>> -> memref<!tpu.dma_semaphore, #tpu.memory_space<semaphore_mem>>
      tpu.wait_indirect_dma semaphore(%dma_wait3A_556 : memref<!tpu.dma_semaphore, #tpu.memory_space<semaphore_mem>>) src(%dma_wait3A_554 : memref<10240x32xf32, #tpu.memory_space<vmem_shared>>) dst(%dma_wait3A_550 : memref<128x32xf32, #tpu.memory_space<vmem>>)
      %jit3A_557 = arith.constant 4 : i32
      %eq3A_558 = arith.constant 0 : i32
      %eq3A_559 = arith.cmpi eq, %jit3A_557, %eq3A_558 : i32
      %jit3A_560 = arith.constant 1 : i32
      %select_n3A_561 = arith.select %eq3A_559, %jit3A_560, %jit3A_557 : i32
      %rem3A_562 = arith.remsi %add3A_528, %select_n3A_561 : i32
      %ne3A_563 = arith.constant 0 : i32
      %ne3A_564 = arith.cmpi ne, %rem3A_562, %ne3A_563 : i32
      %lt3A_565 = arith.constant 0 : i32
      %lt3A_566 = arith.cmpi slt, %rem3A_562, %lt3A_565 : i32
      %lt3A_567 = arith.constant 0 : i32
      %lt3A_568 = arith.cmpi slt, %select_n3A_561, %lt3A_567 : i32
      %ne3A_569 = arith.xori %lt3A_566, %lt3A_568 : i1
      %and3A_570 = arith.andi %ne3A_569, %ne3A_564 : i1
      %add3A_571 = arith.addi %rem3A_562, %select_n3A_561 : i32
      %select_n3A_572 = arith.select %and3A_570, %add3A_571, %rem3A_562 : i32
      %dma_start3A_573 = arith.constant 0 : i32
      %dma_start3A_574 = arith.constant 0 : i32
      %dma_start3A_575 = tpu.memref_slice %arg9[%select_n3A_572, %dma_start3A_573, %dma_start3A_574] : memref<4x128x32xf32, #tpu.memory_space<vmem>> -> memref<1x128x32xf32, #tpu.memory_space<vmem>>
      %dma_start3A_576 = tpu.memref_squeeze %dma_start3A_575 : memref<1x128x32xf32, #tpu.memory_space<vmem>> -> memref<128x32xf32, #tpu.memory_space<vmem>>
      %dma_start3A_577 = arith.constant 0 : i32
      %dma_start3A_578 = tpu.memref_slice %arg8[%add3A_528, %dma_start3A_577] : memref<80x128xi32, #tpu.memory_space<vmem>> -> memref<1x128xi32, #tpu.memory_space<vmem>>
      %dma_start3A_579 = tpu.memref_squeeze %dma_start3A_578 : memref<1x128xi32, #tpu.memory_space<vmem>> -> memref<128xi32, #tpu.memory_space<vmem>>
      %dma_start3A_580 = arith.constant 0 : i32
      %dma_start3A_581 = arith.constant 0 : i32
      %dma_start3A_582 = tpu.memref_slice %arg11[%dma_start3A_580, %dma_start3A_581] : memref<10240x32xf32, #tpu.memory_space<vmem_shared>> -> memref<10240x32xf32, #tpu.memory_space<vmem_shared>>
      %dma_start3A_583 = tpu.memref_slice %arg13[%select_n3A_572] : memref<4x!tpu.dma_semaphore, #tpu.memory_space<semaphore_mem>> -> memref<1x!tpu.dma_semaphore, #tpu.memory_space<semaphore_mem>>
      %dma_start3A_584 = tpu.memref_squeeze %dma_start3A_583 : memref<1x!tpu.dma_semaphore, #tpu.memory_space<semaphore_mem>> -> memref<!tpu.dma_semaphore, #tpu.memory_space<semaphore_mem>>
      tpu.enqueue_indirect_dma source(%dma_start3A_576 : memref<128x32xf32, #tpu.memory_space<vmem>>) target(%dma_start3A_582 : memref<10240x32xf32, #tpu.memory_space<vmem_shared>>) offsets(%dma_start3A_579 : memref<128xi32, #tpu.memory_space<vmem>>) semaphore(%dma_start3A_584 : memref<!tpu.dma_semaphore, #tpu.memory_space<semaphore_mem>>) {add = true}
      %lt3A_585 = arith.constant 19 : i32
      %lt3A_586 = arith.cmpi slt, %scan3A_327, %lt3A_585 : i32
      %convert_element_type3A_587 = arith.extui %lt3A_586 : i1 to i32
      %cond3A_588 = arith.constant 0 : i32
      %cond3A_589 = arith.cmpi ne, %convert_element_type3A_587, %cond3A_588 : i32
      scf.if %cond3A_589 {
        %sub3A_590 = arith.constant 1 : i32
        %sub3A_591 = arith.subi %add3A_528, %sub3A_590 : i32
        %sub3A_592 = arith.constant 1 : i32
        %sub3A_593 = arith.subi %add3A_528, %sub3A_592 : i32
        %jit3A_594 = arith.constant 4 : i32
        %eq3A_595 = arith.constant 0 : i32
        %eq3A_596 = arith.cmpi eq, %jit3A_594, %eq3A_595 : i32
        %jit3A_597 = arith.constant 1 : i32
        %select_n3A_598 = arith.select %eq3A_596, %jit3A_597, %jit3A_594 : i32
        %rem3A_599 = arith.remsi %sub3A_593, %select_n3A_598 : i32
        %ne3A_600 = arith.constant 0 : i32
        %ne3A_601 = arith.cmpi ne, %rem3A_599, %ne3A_600 : i32
        %lt3A_602 = arith.constant 0 : i32
        %lt3A_603 = arith.cmpi slt, %rem3A_599, %lt3A_602 : i32
        %lt3A_604 = arith.constant 0 : i32
        %lt3A_605 = arith.cmpi slt, %select_n3A_598, %lt3A_604 : i32
        %ne3A_606 = arith.xori %lt3A_603, %lt3A_605 : i1
        %and3A_607 = arith.andi %ne3A_606, %ne3A_601 : i1
        %add3A_608 = arith.addi %rem3A_599, %select_n3A_598 : i32
        %select_n3A_609 = arith.select %and3A_607, %add3A_608, %rem3A_599 : i32
        %dma_wait3A_610 = arith.constant 0 : i32
        %dma_wait3A_611 = arith.constant 0 : i32
        %dma_wait3A_612 = tpu.memref_slice %arg9[%select_n3A_609, %dma_wait3A_610, %dma_wait3A_611] : memref<4x128x32xf32, #tpu.memory_space<vmem>> -> memref<1x128x32xf32, #tpu.memory_space<vmem>>
        %dma_wait3A_613 = tpu.memref_squeeze %dma_wait3A_612 : memref<1x128x32xf32, #tpu.memory_space<vmem>> -> memref<128x32xf32, #tpu.memory_space<vmem>>
        %dma_wait3A_614 = arith.constant 0 : i32
        %dma_wait3A_615 = tpu.memref_slice %arg8[%sub3A_591, %dma_wait3A_614] : memref<80x128xi32, #tpu.memory_space<vmem>> -> memref<1x128xi32, #tpu.memory_space<vmem>>
        %dma_wait3A_616 = tpu.memref_squeeze %dma_wait3A_615 : memref<1x128xi32, #tpu.memory_space<vmem>> -> memref<128xi32, #tpu.memory_space<vmem>>
        %dma_wait3A_617 = arith.constant 0 : i32
        %dma_wait3A_618 = arith.constant 0 : i32
        %dma_wait3A_619 = tpu.memref_slice %arg11[%dma_wait3A_617, %dma_wait3A_618] : memref<10240x32xf32, #tpu.memory_space<vmem_shared>> -> memref<10240x32xf32, #tpu.memory_space<vmem_shared>>
        %dma_wait3A_620 = tpu.memref_slice %arg13[%select_n3A_609] : memref<4x!tpu.dma_semaphore, #tpu.memory_space<semaphore_mem>> -> memref<1x!tpu.dma_semaphore, #tpu.memory_space<semaphore_mem>>
        %dma_wait3A_621 = tpu.memref_squeeze %dma_wait3A_620 : memref<1x!tpu.dma_semaphore, #tpu.memory_space<semaphore_mem>> -> memref<!tpu.dma_semaphore, #tpu.memory_space<semaphore_mem>>
        tpu.wait_indirect_dma semaphore(%dma_wait3A_621 : memref<!tpu.dma_semaphore, #tpu.memory_space<semaphore_mem>>) src(%dma_wait3A_613 : memref<128x32xf32, #tpu.memory_space<vmem>>) dst(%dma_wait3A_619 : memref<10240x32xf32, #tpu.memory_space<vmem_shared>>)
        %add3A_622 = arith.constant 4 : i32
        %add3A_623 = arith.addi %add3A_528, %add3A_622 : i32
        %sub3A_624 = arith.constant 1 : i32
        %sub3A_625 = arith.subi %add3A_623, %sub3A_624 : i32
        %sub3A_626 = arith.constant 1 : i32
        %sub3A_627 = arith.subi %add3A_528, %sub3A_626 : i32
        %jit3A_628 = arith.constant 4 : i32
        %eq3A_629 = arith.constant 0 : i32
        %eq3A_630 = arith.cmpi eq, %jit3A_628, %eq3A_629 : i32
        %jit3A_631 = arith.constant 1 : i32
        %select_n3A_632 = arith.select %eq3A_630, %jit3A_631, %jit3A_628 : i32
        %rem3A_633 = arith.remsi %sub3A_627, %select_n3A_632 : i32
        %ne3A_634 = arith.constant 0 : i32
        %ne3A_635 = arith.cmpi ne, %rem3A_633, %ne3A_634 : i32
        %lt3A_636 = arith.constant 0 : i32
        %lt3A_637 = arith.cmpi slt, %rem3A_633, %lt3A_636 : i32
        %lt3A_638 = arith.constant 0 : i32
        %lt3A_639 = arith.cmpi slt, %select_n3A_632, %lt3A_638 : i32
        %ne3A_640 = arith.xori %lt3A_637, %lt3A_639 : i1
        %and3A_641 = arith.andi %ne3A_640, %ne3A_635 : i1
        %add3A_642 = arith.addi %rem3A_633, %select_n3A_632 : i32
        %select_n3A_643 = arith.select %and3A_641, %add3A_642, %rem3A_633 : i32
        %mul3A_644 = arith.constant 128 : i32
        %mul3A_645 = arith.muli %sub3A_625, %mul3A_644 : i32
        %dma_start3A_646 = arith.constant 0 : i32
        %dma_start3A_647 = arith.constant 0 : i32
        %dma_start3A_648 = tpu.memref_slice %arg9[%select_n3A_643, %dma_start3A_646, %dma_start3A_647] : memref<4x128x32xf32, #tpu.memory_space<vmem>> -> memref<1x128x32xf32, #tpu.memory_space<vmem>>
        %dma_start3A_649 = tpu.memref_squeeze %dma_start3A_648 : memref<1x128x32xf32, #tpu.memory_space<vmem>> -> memref<128x32xf32, #tpu.memory_space<vmem>>
        %dma_start3A_650 = tpu.memref_slice %arg6[%mul3A_645] : memref<10240xi32, #tpu.memory_space<vmem>> -> memref<128xi32, #tpu.memory_space<vmem>>
        %dma_start3A_651 = arith.constant 0 : i32
        %dma_start3A_652 = arith.constant 0 : i32
        %dma_start3A_653 = tpu.memref_slice %arg10[%dma_start3A_651, %dma_start3A_652] : memref<10240x32xf32, #tpu.memory_space<vmem_shared>> -> memref<10240x32xf32, #tpu.memory_space<vmem_shared>>
        %dma_start3A_654 = tpu.memref_slice %arg12[%select_n3A_643] : memref<4x!tpu.dma_semaphore, #tpu.memory_space<semaphore_mem>> -> memref<1x!tpu.dma_semaphore, #tpu.memory_space<semaphore_mem>>
        %dma_start3A_655 = tpu.memref_squeeze %dma_start3A_654 : memref<1x!tpu.dma_semaphore, #tpu.memory_space<semaphore_mem>> -> memref<!tpu.dma_semaphore, #tpu.memory_space<semaphore_mem>>
        tpu.enqueue_indirect_dma source(%dma_start3A_653 : memref<10240x32xf32, #tpu.memory_space<vmem_shared>>) target(%dma_start3A_649 : memref<128x32xf32, #tpu.memory_space<vmem>>) offsets(%dma_start3A_650 : memref<128xi32, #tpu.memory_space<vmem>>) semaphore(%dma_start3A_655 : memref<!tpu.dma_semaphore, #tpu.memory_space<semaphore_mem>>)
      } else {
      }
    }
    %scan3A_257 = arith.constant 20 : i32
    %dma_wait3A = arith.constant 0 : i32
    %dma_wait3A_258 = arith.constant 76 : i32
    %dma_wait3A_259 = arith.constant 0 : i32
    %dma_wait3A_260 = arith.constant 0 : i32
    %dma_wait3A_261 = arith.constant 0 : i32
    %dma_wait3A_262 = tpu.memref_slice %arg9[%dma_wait3A, %dma_wait3A_260, %dma_wait3A_261] : memref<4x128x32xf32, #tpu.memory_space<vmem>> -> memref<1x128x32xf32, #tpu.memory_space<vmem>>
    %dma_wait3A_263 = tpu.memref_squeeze %dma_wait3A_262 : memref<1x128x32xf32, #tpu.memory_space<vmem>> -> memref<128x32xf32, #tpu.memory_space<vmem>>
    %dma_wait3A_264 = arith.constant 0 : i32
    %dma_wait3A_265 = tpu.memref_slice %arg8[%dma_wait3A_258, %dma_wait3A_264] : memref<80x128xi32, #tpu.memory_space<vmem>> -> memref<1x128xi32, #tpu.memory_space<vmem>>
    %dma_wait3A_266 = tpu.memref_squeeze %dma_wait3A_265 : memref<1x128xi32, #tpu.memory_space<vmem>> -> memref<128xi32, #tpu.memory_space<vmem>>
    %dma_wait3A_267 = arith.constant 0 : i32
    %dma_wait3A_268 = arith.constant 0 : i32
    %dma_wait3A_269 = tpu.memref_slice %arg11[%dma_wait3A_267, %dma_wait3A_268] : memref<10240x32xf32, #tpu.memory_space<vmem_shared>> -> memref<10240x32xf32, #tpu.memory_space<vmem_shared>>
    %dma_wait3A_270 = tpu.memref_slice %arg13[%dma_wait3A_259] : memref<4x!tpu.dma_semaphore, #tpu.memory_space<semaphore_mem>> -> memref<1x!tpu.dma_semaphore, #tpu.memory_space<semaphore_mem>>
    %dma_wait3A_271 = tpu.memref_squeeze %dma_wait3A_270 : memref<1x!tpu.dma_semaphore, #tpu.memory_space<semaphore_mem>> -> memref<!tpu.dma_semaphore, #tpu.memory_space<semaphore_mem>>
    tpu.wait_indirect_dma semaphore(%dma_wait3A_271 : memref<!tpu.dma_semaphore, #tpu.memory_space<semaphore_mem>>) src(%dma_wait3A_263 : memref<128x32xf32, #tpu.memory_space<vmem>>) dst(%dma_wait3A_269 : memref<10240x32xf32, #tpu.memory_space<vmem_shared>>)
    %dma_wait3A_272 = arith.constant 1 : i32
    %dma_wait3A_273 = arith.constant 77 : i32
    %dma_wait3A_274 = arith.constant 1 : i32
    %dma_wait3A_275 = arith.constant 0 : i32
    %dma_wait3A_276 = arith.constant 0 : i32
    %dma_wait3A_277 = tpu.memref_slice %arg9[%dma_wait3A_272, %dma_wait3A_275, %dma_wait3A_276] : memref<4x128x32xf32, #tpu.memory_space<vmem>> -> memref<1x128x32xf32, #tpu.memory_space<vmem>>
    %dma_wait3A_278 = tpu.memref_squeeze %dma_wait3A_277 : memref<1x128x32xf32, #tpu.memory_space<vmem>> -> memref<128x32xf32, #tpu.memory_space<vmem>>
    %dma_wait3A_279 = arith.constant 0 : i32
    %dma_wait3A_280 = tpu.memref_slice %arg8[%dma_wait3A_273, %dma_wait3A_279] : memref<80x128xi32, #tpu.memory_space<vmem>> -> memref<1x128xi32, #tpu.memory_space<vmem>>
    %dma_wait3A_281 = tpu.memref_squeeze %dma_wait3A_280 : memref<1x128xi32, #tpu.memory_space<vmem>> -> memref<128xi32, #tpu.memory_space<vmem>>
    %dma_wait3A_282 = arith.constant 0 : i32
    %dma_wait3A_283 = arith.constant 0 : i32
    %dma_wait3A_284 = tpu.memref_slice %arg11[%dma_wait3A_282, %dma_wait3A_283] : memref<10240x32xf32, #tpu.memory_space<vmem_shared>> -> memref<10240x32xf32, #tpu.memory_space<vmem_shared>>
    %dma_wait3A_285 = tpu.memref_slice %arg13[%dma_wait3A_274] : memref<4x!tpu.dma_semaphore, #tpu.memory_space<semaphore_mem>> -> memref<1x!tpu.dma_semaphore, #tpu.memory_space<semaphore_mem>>
    %dma_wait3A_286 = tpu.memref_squeeze %dma_wait3A_285 : memref<1x!tpu.dma_semaphore, #tpu.memory_space<semaphore_mem>> -> memref<!tpu.dma_semaphore, #tpu.memory_space<semaphore_mem>>
    tpu.wait_indirect_dma semaphore(%dma_wait3A_286 : memref<!tpu.dma_semaphore, #tpu.memory_space<semaphore_mem>>) src(%dma_wait3A_278 : memref<128x32xf32, #tpu.memory_space<vmem>>) dst(%dma_wait3A_284 : memref<10240x32xf32, #tpu.memory_space<vmem_shared>>)
    %dma_wait3A_287 = arith.constant 2 : i32
    %dma_wait3A_288 = arith.constant 78 : i32
    %dma_wait3A_289 = arith.constant 2 : i32
    %dma_wait3A_290 = arith.constant 0 : i32
    %dma_wait3A_291 = arith.constant 0 : i32
    %dma_wait3A_292 = tpu.memref_slice %arg9[%dma_wait3A_287, %dma_wait3A_290, %dma_wait3A_291] : memref<4x128x32xf32, #tpu.memory_space<vmem>> -> memref<1x128x32xf32, #tpu.memory_space<vmem>>
    %dma_wait3A_293 = tpu.memref_squeeze %dma_wait3A_292 : memref<1x128x32xf32, #tpu.memory_space<vmem>> -> memref<128x32xf32, #tpu.memory_space<vmem>>
    %dma_wait3A_294 = arith.constant 0 : i32
    %dma_wait3A_295 = tpu.memref_slice %arg8[%dma_wait3A_288, %dma_wait3A_294] : memref<80x128xi32, #tpu.memory_space<vmem>> -> memref<1x128xi32, #tpu.memory_space<vmem>>
    %dma_wait3A_296 = tpu.memref_squeeze %dma_wait3A_295 : memref<1x128xi32, #tpu.memory_space<vmem>> -> memref<128xi32, #tpu.memory_space<vmem>>
    %dma_wait3A_297 = arith.constant 0 : i32
    %dma_wait3A_298 = arith.constant 0 : i32
    %dma_wait3A_299 = tpu.memref_slice %arg11[%dma_wait3A_297, %dma_wait3A_298] : memref<10240x32xf32, #tpu.memory_space<vmem_shared>> -> memref<10240x32xf32, #tpu.memory_space<vmem_shared>>
    %dma_wait3A_300 = tpu.memref_slice %arg13[%dma_wait3A_289] : memref<4x!tpu.dma_semaphore, #tpu.memory_space<semaphore_mem>> -> memref<1x!tpu.dma_semaphore, #tpu.memory_space<semaphore_mem>>
    %dma_wait3A_301 = tpu.memref_squeeze %dma_wait3A_300 : memref<1x!tpu.dma_semaphore, #tpu.memory_space<semaphore_mem>> -> memref<!tpu.dma_semaphore, #tpu.memory_space<semaphore_mem>>
    tpu.wait_indirect_dma semaphore(%dma_wait3A_301 : memref<!tpu.dma_semaphore, #tpu.memory_space<semaphore_mem>>) src(%dma_wait3A_293 : memref<128x32xf32, #tpu.memory_space<vmem>>) dst(%dma_wait3A_299 : memref<10240x32xf32, #tpu.memory_space<vmem_shared>>)
    %dma_wait3A_302 = arith.constant 3 : i32
    %dma_wait3A_303 = arith.constant 79 : i32
    %dma_wait3A_304 = arith.constant 3 : i32
    %dma_wait3A_305 = arith.constant 0 : i32
    %dma_wait3A_306 = arith.constant 0 : i32
    %dma_wait3A_307 = tpu.memref_slice %arg9[%dma_wait3A_302, %dma_wait3A_305, %dma_wait3A_306] : memref<4x128x32xf32, #tpu.memory_space<vmem>> -> memref<1x128x32xf32, #tpu.memory_space<vmem>>
    %dma_wait3A_308 = tpu.memref_squeeze %dma_wait3A_307 : memref<1x128x32xf32, #tpu.memory_space<vmem>> -> memref<128x32xf32, #tpu.memory_space<vmem>>
    %dma_wait3A_309 = arith.constant 0 : i32
    %dma_wait3A_310 = tpu.memref_slice %arg8[%dma_wait3A_303, %dma_wait3A_309] : memref<80x128xi32, #tpu.memory_space<vmem>> -> memref<1x128xi32, #tpu.memory_space<vmem>>
    %dma_wait3A_311 = tpu.memref_squeeze %dma_wait3A_310 : memref<1x128xi32, #tpu.memory_space<vmem>> -> memref<128xi32, #tpu.memory_space<vmem>>
    %dma_wait3A_312 = arith.constant 0 : i32
    %dma_wait3A_313 = arith.constant 0 : i32
    %dma_wait3A_314 = tpu.memref_slice %arg11[%dma_wait3A_312, %dma_wait3A_313] : memref<10240x32xf32, #tpu.memory_space<vmem_shared>> -> memref<10240x32xf32, #tpu.memory_space<vmem_shared>>
    %dma_wait3A_315 = tpu.memref_slice %arg13[%dma_wait3A_304] : memref<4x!tpu.dma_semaphore, #tpu.memory_space<semaphore_mem>> -> memref<1x!tpu.dma_semaphore, #tpu.memory_space<semaphore_mem>>
    %dma_wait3A_316 = tpu.memref_squeeze %dma_wait3A_315 : memref<1x!tpu.dma_semaphore, #tpu.memory_space<semaphore_mem>> -> memref<!tpu.dma_semaphore, #tpu.memory_space<semaphore_mem>>
    tpu.wait_indirect_dma semaphore(%dma_wait3A_316 : memref<!tpu.dma_semaphore, #tpu.memory_space<semaphore_mem>>) src(%dma_wait3A_308 : memref<128x32xf32, #tpu.memory_space<vmem>>) dst(%dma_wait3A_314 : memref<10240x32xf32, #tpu.memory_space<vmem_shared>>)
    %barrier3A_317 = arith.constant 0 : index
    tpu.barrier barrier_id(%barrier3A_317)
    %mul3A_318 = arith.constant 2560 : i32
    %mul3A_319 = arith.muli %select_n3A, %mul3A_318 : i32
    %mul3A_320 = arith.constant 640 : i32
    %mul3A_321 = arith.muli %select_n3A_35, %mul3A_320 : i32
    %add3A_322 = arith.addi %mul3A_319, %mul3A_321 : i32
    %mul3A_323 = arith.constant 640 : i32
    %mul3A_324 = arith.muli %select_n3A_35, %mul3A_323 : i32
    %mul3A_325 = arith.constant 32 : i32
    %mul3A_326 = arith.muli %select_n3A, %mul3A_325 : i32
    "tpu.region"() ({
      %run_scoped3A_327 = tpu.sem_alloc : memref<!tpu.dma_semaphore, #tpu.memory_space<semaphore_mem>>
      %dma_start3A_328 = tpu.memref_slice %arg5[%arg0, %mul3A_324, %mul3A_326] : memref<2x2560x128xf32, #tpu.memory_space<hbm>> -> memref<1x640x32xf32, #tpu.memory_space<hbm>>
      %dma_start3A_329 = tpu.memref_squeeze %dma_start3A_328 : memref<1x640x32xf32, #tpu.memory_space<hbm>> -> memref<640x32xf32, #tpu.memory_space<hbm>>
      %dma_start3A_330 = arith.constant 0 : i32
      %dma_start3A_331 = tpu.memref_slice %arg11[%add3A_322, %dma_start3A_330] : memref<10240x32xf32, #tpu.memory_space<vmem_shared>> -> memref<640x32xf32, #tpu.memory_space<vmem_shared>>
      tpu.enqueue_dma source(%dma_start3A_331 : memref<640x32xf32, #tpu.memory_space<vmem_shared>>) target(%dma_start3A_329 : memref<640x32xf32, #tpu.memory_space<hbm>>) target_semaphore(%run_scoped3A_327 : memref<!tpu.dma_semaphore, #tpu.memory_space<semaphore_mem>>)
      %dma_wait3A_332 = tpu.memref_slice %arg5[%arg0, %mul3A_324, %mul3A_326] : memref<2x2560x128xf32, #tpu.memory_space<hbm>> -> memref<1x640x32xf32, #tpu.memory_space<hbm>>
      %dma_wait3A_333 = tpu.memref_squeeze %dma_wait3A_332 : memref<1x640x32xf32, #tpu.memory_space<hbm>> -> memref<640x32xf32, #tpu.memory_space<hbm>>
      %dma_wait3A_334 = arith.constant 0 : i32
      %dma_wait3A_335 = tpu.memref_slice %arg11[%add3A_322, %dma_wait3A_334] : memref<10240x32xf32, #tpu.memory_space<vmem_shared>> -> memref<640x32xf32, #tpu.memory_space<vmem_shared>>
      tpu.wait_dma2 semaphore(%run_scoped3A_327 : memref<!tpu.dma_semaphore, #tpu.memory_space<semaphore_mem>>) src(%dma_wait3A_335 : memref<640x32xf32, #tpu.memory_space<vmem_shared>>) dst(%dma_wait3A_333 : memref<640x32xf32, #tpu.memory_space<hbm>>)
      tpu.yield
    }) : () -> ()
    return
  }
}

module attributes {stable_mosaic.version = 14 : i64} {
  func.func @_proj_body(%arg0: memref<10000x128xf32, #tpu.memory_space<vmem>>, %arg1: memref<128x32xf32, #tpu.memory_space<vmem>>, %arg2: memref<2560x128xf32, #tpu.memory_space<vmem>>) attributes {dimension_semantics = [], scalar_prefetch = 0 : i64, scratch_operands = 0 : i64, tpu.core_type = #tpu.core_type<tc>} {
    %get3A = arith.constant 0 : index
    %get3A_0 = arith.constant 0 : index
    %get3A_1 = vector.load %arg0[%get3A, %get3A_0] : memref<10000x128xf32, #tpu.memory_space<vmem>>, vector<2560x128xf32>
    %get3A_2 = arith.constant 0 : index
    %get3A_3 = arith.constant 0 : index
    %get3A_4 = vector.load %arg1[%get3A_2, %get3A_3] : memref<128x32xf32, #tpu.memory_space<vmem>>, vector<128x32xf32>
    %dot_general3A = arith.constant dense<0.000000e+00> : vector<2560x32xf32>
    %dot_general3A_5 = tpu.matmul %get3A_1, %get3A_4, %dot_general3A {dimension_numbers = #tpu.dot_dimension_numbers<[1], [0], [0], [1], [0, 0, 1, 1], [], []>, transpose_lhs_hint = false} : vector<2560x128xf32>, vector<128x32xf32>, vector<2560x32xf32> -> vector<2560x32xf32>
    %get3A_6 = arith.constant 2560 : index
    %get3A_7 = arith.constant 0 : index
    %get3A_8 = vector.load %arg0[%get3A_6, %get3A_7] : memref<10000x128xf32, #tpu.memory_space<vmem>>, vector<2560x128xf32>
    %get3A_9 = arith.constant 0 : index
    %get3A_10 = arith.constant 0 : index
    %get3A_11 = vector.load %arg1[%get3A_9, %get3A_10] : memref<128x32xf32, #tpu.memory_space<vmem>>, vector<128x32xf32>
    %dot_general3A_12 = arith.constant dense<0.000000e+00> : vector<2560x32xf32>
    %dot_general3A_13 = tpu.matmul %get3A_8, %get3A_11, %dot_general3A_12 {dimension_numbers = #tpu.dot_dimension_numbers<[1], [0], [0], [1], [0, 0, 1, 1], [], []>, transpose_lhs_hint = false} : vector<2560x128xf32>, vector<128x32xf32>, vector<2560x32xf32> -> vector<2560x32xf32>
    %get3A_14 = arith.constant 5120 : index
    %get3A_15 = arith.constant 0 : index
    %get3A_16 = vector.load %arg0[%get3A_14, %get3A_15] : memref<10000x128xf32, #tpu.memory_space<vmem>>, vector<2560x128xf32>
    %get3A_17 = arith.constant 0 : index
    %get3A_18 = arith.constant 0 : index
    %get3A_19 = vector.load %arg1[%get3A_17, %get3A_18] : memref<128x32xf32, #tpu.memory_space<vmem>>, vector<128x32xf32>
    %dot_general3A_20 = arith.constant dense<0.000000e+00> : vector<2560x32xf32>
    %dot_general3A_21 = tpu.matmul %get3A_16, %get3A_19, %dot_general3A_20 {dimension_numbers = #tpu.dot_dimension_numbers<[1], [0], [0], [1], [0, 0, 1, 1], [], []>, transpose_lhs_hint = false} : vector<2560x128xf32>, vector<128x32xf32>, vector<2560x32xf32> -> vector<2560x32xf32>
    %get3A_22 = arith.constant 7680 : index
    %get3A_23 = arith.constant 0 : index
    %get3A_24 = vector.load %arg0[%get3A_22, %get3A_23] : memref<10000x128xf32, #tpu.memory_space<vmem>>, vector<2320x128xf32>
    %get3A_25 = arith.constant 0 : index
    %get3A_26 = arith.constant 0 : index
    %get3A_27 = vector.load %arg1[%get3A_25, %get3A_26] : memref<128x32xf32, #tpu.memory_space<vmem>>, vector<128x32xf32>
    %dot_general3A_28 = arith.constant dense<0.000000e+00> : vector<2320x32xf32>
    %dot_general3A_29 = tpu.matmul %get3A_24, %get3A_27, %dot_general3A_28 {dimension_numbers = #tpu.dot_dimension_numbers<[1], [0], [0], [1], [0, 0, 1, 1], [], []>, transpose_lhs_hint = false} : vector<2320x128xf32>, vector<128x32xf32>, vector<2320x32xf32> -> vector<2320x32xf32>
    %broadcast_in_dim3A = arith.constant 0.000000e+00 : f32
    %broadcast_in_dim3A_30 = vector.broadcast %broadcast_in_dim3A : f32 to vector<240x32xf32>
    %concatenate3A = tpu.concatenate %dot_general3A_29, %broadcast_in_dim3A_30 in 0 : vector<2320x32xf32>, vector<240x32xf32> -> vector<2560x32xf32>
    %concatenate3A_31 = tpu.concatenate %dot_general3A_5, %dot_general3A_13, %dot_general3A_21, %concatenate3A in 1 : vector<2560x32xf32>, vector<2560x32xf32>, vector<2560x32xf32>, vector<2560x32xf32> -> vector<2560x128xf32>
    %swap3A = arith.constant 0 : index
    %swap3A_32 = arith.constant 0 : index
    %swap3A_33 = vector.load %arg2[%swap3A, %swap3A_32] : memref<2560x128xf32, #tpu.memory_space<vmem>>, vector<2560x128xf32>
    tpu.vector_store %arg2[%swap3A, %swap3A_32], %concatenate3A_31 {strides = array<i32>} : memref<2560x128xf32, #tpu.memory_space<vmem>>, vector<2560x128xf32>,
    return
  }
}

module attributes {stable_mosaic.version = 14 : i64} {
  func.func @_mid_body(%arg0: memref<2x2560x128xf32, #tpu.memory_space<vmem>>, %arg1: memref<1x128xf32, #tpu.memory_space<vmem>>, %arg2: memref<128x128xf32, #tpu.memory_space<vmem>>, %arg3: memref<1x128xf32, #tpu.memory_space<vmem>>, %arg4: memref<128x4xf32, #tpu.memory_space<vmem>>, %arg5: memref<4x128xf32, #tpu.memory_space<vmem>>, %arg6: memref<128x128xf32, #tpu.memory_space<vmem>>, %arg7: memref<2560x128xf32, #tpu.memory_space<vmem>>) attributes {dimension_semantics = [], scalar_prefetch = 0 : i64, scratch_operands = 0 : i64, tpu.core_type = #tpu.core_type<tc>} {
    %get3A = arith.constant 0 : index
    %get3A_0 = arith.constant 0 : index
    %get3A_1 = arith.constant 0 : index
    %get3A_2 = vector.load %arg0[%get3A, %get3A_0, %get3A_1] : memref<2x2560x128xf32, #tpu.memory_space<vmem>>, vector<1x2560x128xf32>
    %get3A_3 = vector.shape_cast %get3A_2 : vector<1x2560x128xf32> to vector<2560x128xf32>
    %get3A_4 = arith.constant 1 : index
    %get3A_5 = arith.constant 0 : index
    %get3A_6 = arith.constant 0 : index
    %get3A_7 = vector.load %arg0[%get3A_4, %get3A_5, %get3A_6] : memref<2x2560x128xf32, #tpu.memory_space<vmem>>, vector<1x2560x128xf32>
    %get3A_8 = vector.shape_cast %get3A_7 : vector<1x2560x128xf32> to vector<2560x128xf32>
    %add3A = arith.addf %get3A_3, %get3A_8 : vector<2560x128xf32>
    %get3A_9 = arith.constant 0 : index
    %get3A_10 = arith.constant 0 : index
    %get3A_11 = vector.load %arg1[%get3A_9, %get3A_10] : memref<1x128xf32, #tpu.memory_space<vmem>>, vector<1x128xf32>
    %add3A_12 = vector.broadcast %get3A_11 : vector<1x128xf32> to vector<2560x128xf32>
    %add3A_13 = arith.addf %add3A, %add3A_12 : vector<2560x128xf32>
    %max3A = arith.constant 0.000000e+00 : f32
    %max3A_14 = vector.broadcast %max3A : f32 to vector<2560x128xf32>
    %max3A_15 = arith.maximumf %add3A_13, %max3A_14 : vector<2560x128xf32>
    %get3A_16 = arith.constant 0 : index
    %get3A_17 = arith.constant 0 : index
    %get3A_18 = vector.load %arg2[%get3A_16, %get3A_17] : memref<128x128xf32, #tpu.memory_space<vmem>>, vector<128x128xf32>
    %dot_general3A = arith.constant dense<0.000000e+00> : vector<2560x128xf32>
    %dot_general3A_19 = tpu.matmul %max3A_15, %get3A_18, %dot_general3A {dimension_numbers = #tpu.dot_dimension_numbers<[1], [0], [0], [1], [0, 0, 1, 1], [], []>, transpose_lhs_hint = false} : vector<2560x128xf32>, vector<128x128xf32>, vector<2560x128xf32> -> vector<2560x128xf32>
    %get3A_20 = arith.constant 0 : index
    %get3A_21 = arith.constant 0 : index
    %get3A_22 = vector.load %arg3[%get3A_20, %get3A_21] : memref<1x128xf32, #tpu.memory_space<vmem>>, vector<1x128xf32>
    %add3A_23 = vector.broadcast %get3A_22 : vector<1x128xf32> to vector<2560x128xf32>
    %add3A_24 = arith.addf %dot_general3A_19, %add3A_23 : vector<2560x128xf32>
    %max3A_25 = arith.constant 0.000000e+00 : f32
    %max3A_26 = vector.broadcast %max3A_25 : f32 to vector<2560x128xf32>
    %max3A_27 = arith.maximumf %add3A_24, %max3A_26 : vector<2560x128xf32>
    %mul3A = arith.mulf %max3A_27, %max3A_27 : vector<2560x128xf32>
    %get3A_28 = arith.constant 0 : index
    %get3A_29 = arith.constant 0 : index
    %get3A_30 = vector.load %arg4[%get3A_28, %get3A_29] : memref<128x4xf32, #tpu.memory_space<vmem>>, vector<128x4xf32>
    %dot_general3A_31 = arith.constant dense<0.000000e+00> : vector<2560x4xf32>
    %dot_general3A_32 = tpu.matmul %mul3A, %get3A_30, %dot_general3A_31 {dimension_numbers = #tpu.dot_dimension_numbers<[1], [0], [0], [1], [0, 0, 1, 1], [], []>, transpose_lhs_hint = false} : vector<2560x128xf32>, vector<128x4xf32>, vector<2560x4xf32> -> vector<2560x4xf32>
    %sqrt3A = math.sqrt %dot_general3A_32 : vector<2560x4xf32>
    %max3A_33 = arith.constant 9.99999996E-13 : f32
    %max3A_34 = vector.broadcast %max3A_33 : f32 to vector<2560x4xf32>
    %max3A_35 = arith.maximumf %sqrt3A, %max3A_34 : vector<2560x4xf32>
    %get3A_36 = arith.constant 0 : index
    %get3A_37 = arith.constant 0 : index
    %get3A_38 = vector.load %arg5[%get3A_36, %get3A_37] : memref<4x128xf32, #tpu.memory_space<vmem>>, vector<4x128xf32>
    %dot_general3A_39 = arith.constant dense<0.000000e+00> : vector<2560x128xf32>
    %dot_general3A_40 = tpu.matmul %max3A_35, %get3A_38, %dot_general3A_39 {dimension_numbers = #tpu.dot_dimension_numbers<[1], [0], [0], [1], [0, 0, 1, 1], [], []>, transpose_lhs_hint = false} : vector<2560x4xf32>, vector<4x128xf32>, vector<2560x128xf32> -> vector<2560x128xf32>
    %div3A = arith.divf %max3A_27, %dot_general3A_40 : vector<2560x128xf32>
    %max3A_41 = arith.constant 0.000000e+00 : f32
    %max3A_42 = vector.broadcast %max3A_41 : f32 to vector<2560x128xf32>
    %max3A_43 = arith.maximumf %div3A, %max3A_42 : vector<2560x128xf32>
    %get3A_44 = arith.constant 0 : index
    %get3A_45 = arith.constant 0 : index
    %get3A_46 = vector.load %arg6[%get3A_44, %get3A_45] : memref<128x128xf32, #tpu.memory_space<vmem>>, vector<128x128xf32>
    %dot_general3A_47 = arith.constant dense<0.000000e+00> : vector<2560x128xf32>
    %dot_general3A_48 = tpu.matmul %max3A_43, %get3A_46, %dot_general3A_47 {dimension_numbers = #tpu.dot_dimension_numbers<[1], [0], [0], [1], [0, 0, 1, 1], [], []>, transpose_lhs_hint = false} : vector<2560x128xf32>, vector<128x128xf32>, vector<2560x128xf32> -> vector<2560x128xf32>
    %swap3A = arith.constant 0 : index
    %swap3A_49 = arith.constant 0 : index
    %swap3A_50 = vector.load %arg7[%swap3A, %swap3A_49] : memref<2560x128xf32, #tpu.memory_space<vmem>>, vector<2560x128xf32>
    tpu.vector_store %arg7[%swap3A, %swap3A_49], %dot_general3A_48 {strides = array<i32>} : memref<2560x128xf32, #tpu.memory_space<vmem>>, vector<2560x128xf32>,
    return
  }
}

module attributes {stable_mosaic.version = 14 : i64} {
  func.func @_fin_body(%arg0: memref<2x2560x128xf32, #tpu.memory_space<vmem>>, %arg1: memref<1x128xf32, #tpu.memory_space<vmem>>, %arg2: memref<128x128xf32, #tpu.memory_space<vmem>>, %arg3: memref<1x128xf32, #tpu.memory_space<vmem>>, %arg4: memref<128x4xf32, #tpu.memory_space<vmem>>, %arg5: memref<4x128xf32, #tpu.memory_space<vmem>>, %arg6: memref<32x10xf32, #tpu.memory_space<vmem>>, %arg7: memref<32x10xf32, #tpu.memory_space<vmem>>, %arg8: memref<1x10xf32, #tpu.memory_space<vmem>>, %arg9: memref<1x10xf32, #tpu.memory_space<vmem>>) attributes {dimension_semantics = [], scalar_prefetch = 0 : i64, scratch_operands = 0 : i64, tpu.core_type = #tpu.core_type<tc>} {
    %get3A = arith.constant 0 : index
    %get3A_0 = arith.constant 0 : index
    %get3A_1 = arith.constant 0 : index
    %get3A_2 = vector.load %arg0[%get3A, %get3A_0, %get3A_1] : memref<2x2560x128xf32, #tpu.memory_space<vmem>>, vector<1x2560x128xf32>
    %get3A_3 = vector.shape_cast %get3A_2 : vector<1x2560x128xf32> to vector<2560x128xf32>
    %get3A_4 = arith.constant 1 : index
    %get3A_5 = arith.constant 0 : index
    %get3A_6 = arith.constant 0 : index
    %get3A_7 = vector.load %arg0[%get3A_4, %get3A_5, %get3A_6] : memref<2x2560x128xf32, #tpu.memory_space<vmem>>, vector<1x2560x128xf32>
    %get3A_8 = vector.shape_cast %get3A_7 : vector<1x2560x128xf32> to vector<2560x128xf32>
    %add3A = arith.addf %get3A_3, %get3A_8 : vector<2560x128xf32>
    %get3A_9 = arith.constant 0 : index
    %get3A_10 = arith.constant 0 : index
    %get3A_11 = vector.load %arg1[%get3A_9, %get3A_10] : memref<1x128xf32, #tpu.memory_space<vmem>>, vector<1x128xf32>
    %add3A_12 = vector.broadcast %get3A_11 : vector<1x128xf32> to vector<2560x128xf32>
    %add3A_13 = arith.addf %add3A, %add3A_12 : vector<2560x128xf32>
    %max3A = arith.constant 0.000000e+00 : f32
    %max3A_14 = vector.broadcast %max3A : f32 to vector<2560x128xf32>
    %max3A_15 = arith.maximumf %add3A_13, %max3A_14 : vector<2560x128xf32>
    %get3A_16 = arith.constant 0 : index
    %get3A_17 = arith.constant 0 : index
    %get3A_18 = vector.load %arg2[%get3A_16, %get3A_17] : memref<128x128xf32, #tpu.memory_space<vmem>>, vector<128x128xf32>
    %dot_general3A = arith.constant dense<0.000000e+00> : vector<2560x128xf32>
    %dot_general3A_19 = tpu.matmul %max3A_15, %get3A_18, %dot_general3A {dimension_numbers = #tpu.dot_dimension_numbers<[1], [0], [0], [1], [0, 0, 1, 1], [], []>, transpose_lhs_hint = false} : vector<2560x128xf32>, vector<128x128xf32>, vector<2560x128xf32> -> vector<2560x128xf32>
    %get3A_20 = arith.constant 0 : index
    %get3A_21 = arith.constant 0 : index
    %get3A_22 = vector.load %arg3[%get3A_20, %get3A_21] : memref<1x128xf32, #tpu.memory_space<vmem>>, vector<1x128xf32>
    %add3A_23 = vector.broadcast %get3A_22 : vector<1x128xf32> to vector<2560x128xf32>
    %add3A_24 = arith.addf %dot_general3A_19, %add3A_23 : vector<2560x128xf32>
    %max3A_25 = arith.constant 0.000000e+00 : f32
    %max3A_26 = vector.broadcast %max3A_25 : f32 to vector<2560x128xf32>
    %max3A_27 = arith.maximumf %add3A_24, %max3A_26 : vector<2560x128xf32>
    %mul3A = arith.mulf %max3A_27, %max3A_27 : vector<2560x128xf32>
    %get3A_28 = arith.constant 0 : index
    %get3A_29 = arith.constant 0 : index
    %get3A_30 = vector.load %arg4[%get3A_28, %get3A_29] : memref<128x4xf32, #tpu.memory_space<vmem>>, vector<128x4xf32>
    %dot_general3A_31 = arith.constant dense<0.000000e+00> : vector<2560x4xf32>
    %dot_general3A_32 = tpu.matmul %mul3A, %get3A_30, %dot_general3A_31 {dimension_numbers = #tpu.dot_dimension_numbers<[1], [0], [0], [1], [0, 0, 1, 1], [], []>, transpose_lhs_hint = false} : vector<2560x128xf32>, vector<128x4xf32>, vector<2560x4xf32> -> vector<2560x4xf32>
    %sqrt3A = math.sqrt %dot_general3A_32 : vector<2560x4xf32>
    %max3A_33 = arith.constant 9.99999996E-13 : f32
    %max3A_34 = vector.broadcast %max3A_33 : f32 to vector<2560x4xf32>
    %max3A_35 = arith.maximumf %sqrt3A, %max3A_34 : vector<2560x4xf32>
    %get3A_36 = arith.constant 0 : index
    %get3A_37 = arith.constant 0 : index
    %get3A_38 = vector.load %arg5[%get3A_36, %get3A_37] : memref<4x128xf32, #tpu.memory_space<vmem>>, vector<4x128xf32>
    %dot_general3A_39 = arith.constant dense<0.000000e+00> : vector<2560x128xf32>
    %dot_general3A_40 = tpu.matmul %max3A_35, %get3A_38, %dot_general3A_39 {dimension_numbers = #tpu.dot_dimension_numbers<[1], [0], [0], [1], [0, 0, 1, 1], [], []>, transpose_lhs_hint = false} : vector<2560x4xf32>, vector<4x128xf32>, vector<2560x128xf32> -> vector<2560x128xf32>
    %div3A = arith.divf %max3A_27, %dot_general3A_40 : vector<2560x128xf32>
    %max3A_41 = arith.constant 0.000000e+00 : f32
    %max3A_42 = vector.broadcast %max3A_41 : f32 to vector<2560x128xf32>
    %max3A_43 = arith.maximumf %div3A, %max3A_42 : vector<2560x128xf32>
    %iota3A = tpu.iota {dimensions = array<i32: 0>} : vector<2560x128xi32>
    %iota3A_44 = tpu.iota {dimensions = array<i32: 1>} : vector<2560x128xi32>
    %lt3A = arith.constant 96 : i32
    %lt3A_45 = vector.broadcast %lt3A : i32 to vector<2560x128xi32>
    %lt3A_46 = arith.cmpi slt, %iota3A_44, %lt3A_45 : vector<2560x128xi32>
    %lt3A_47 = arith.constant 2320 : i32
    %lt3A_48 = vector.broadcast %lt3A_47 : i32 to vector<2560x128xi32>
    %lt3A_49 = arith.cmpi slt, %iota3A, %lt3A_48 : vector<2560x128xi32>
    %or3A = arith.ori %lt3A_46, %lt3A_49 : vector<2560x128xi1>
    %jit3A = arith.constant 0.000000e+00 : f32
    %broadcast_in_dim3A = vector.broadcast %jit3A : f32 to vector<2560x128xf32>
    %select_n3A = arith.select %or3A, %max3A_43, %broadcast_in_dim3A : vector<2560x128xi1>, vector<2560x128xf32>
    %reduce_max3A = arith.constant dense<0xFF800000> : vector<128xf32>
    %reduce_max3A_50 = vector.multi_reduction <maximumf>, %select_n3A, %reduce_max3A [0] : vector<2560x128xf32> to vector<128xf32>
    %broadcast_in_dim3A_51 = vector.shape_cast %reduce_max3A_50 : vector<128xf32> to vector<1x128xf32>
    %reduce_sum3A = arith.constant dense<0.000000e+00> : vector<128xf32>
    %reduce_sum3A_52 = vector.multi_reduction <add>, %select_n3A, %reduce_sum3A [0] : vector<2560x128xf32> to vector<128xf32>
    %broadcast_in_dim3A_53 = vector.shape_cast %reduce_sum3A_52 : vector<128xf32> to vector<1x128xf32>
    %slice3A = vector.extract_strided_slice %broadcast_in_dim3A_51 {offsets = [0, 0], sizes = [1, 32], strides = [1, 1]} : vector<1x128xf32> to vector<1x32xf32>
    %slice3A_54 = vector.extract_strided_slice %broadcast_in_dim3A_51 {offsets = [0, 32], sizes = [1, 32], strides = [1, 1]} : vector<1x128xf32> to vector<1x32xf32>
    %max3A_55 = arith.maximumf %slice3A, %slice3A_54 : vector<1x32xf32>
    %slice3A_56 = vector.extract_strided_slice %broadcast_in_dim3A_51 {offsets = [0, 64], sizes = [1, 32], strides = [1, 1]} : vector<1x128xf32> to vector<1x32xf32>
    %slice3A_57 = vector.extract_strided_slice %broadcast_in_dim3A_51 {offsets = [0, 96], sizes = [1, 32], strides = [1, 1]} : vector<1x128xf32> to vector<1x32xf32>
    %max3A_58 = arith.maximumf %slice3A_56, %slice3A_57 : vector<1x32xf32>
    %max3A_59 = arith.maximumf %max3A_55, %max3A_58 : vector<1x32xf32>
    %slice3A_60 = vector.extract_strided_slice %broadcast_in_dim3A_53 {offsets = [0, 0], sizes = [1, 32], strides = [1, 1]} : vector<1x128xf32> to vector<1x32xf32>
    %slice3A_61 = vector.extract_strided_slice %broadcast_in_dim3A_53 {offsets = [0, 32], sizes = [1, 32], strides = [1, 1]} : vector<1x128xf32> to vector<1x32xf32>
    %add3A_62 = arith.addf %slice3A_60, %slice3A_61 : vector<1x32xf32>
    %slice3A_63 = vector.extract_strided_slice %broadcast_in_dim3A_53 {offsets = [0, 64], sizes = [1, 32], strides = [1, 1]} : vector<1x128xf32> to vector<1x32xf32>
    %add3A_64 = arith.addf %add3A_62, %slice3A_63 : vector<1x32xf32>
    %slice3A_65 = vector.extract_strided_slice %broadcast_in_dim3A_53 {offsets = [0, 96], sizes = [1, 32], strides = [1, 1]} : vector<1x128xf32> to vector<1x32xf32>
    %add3A_66 = arith.addf %add3A_64, %slice3A_65 : vector<1x32xf32>
    %mul3A_67 = arith.constant 9.99999974E-5 : f32
    %mul3A_68 = vector.broadcast %mul3A_67 : f32 to vector<1x32xf32>
    %mul3A_69 = arith.mulf %add3A_66, %mul3A_68 : vector<1x32xf32>
    %get3A_70 = arith.constant 0 : index
    %get3A_71 = arith.constant 0 : index
    %get3A_72 = vector.load %arg6[%get3A_70, %get3A_71] : memref<32x10xf32, #tpu.memory_space<vmem>>, vector<32x10xf32>
    %dot_general3A_73 = arith.constant dense<0.000000e+00> : vector<1x10xf32>
    %dot_general3A_74 = tpu.matmul %max3A_59, %get3A_72, %dot_general3A_73 {dimension_numbers = #tpu.dot_dimension_numbers<[1], [0], [0], [1], [0, 0, 1, 1], [], []>, transpose_lhs_hint = false} : vector<1x32xf32>, vector<32x10xf32>, vector<1x10xf32> -> vector<1x10xf32>
    %get3A_75 = arith.constant 0 : index
    %get3A_76 = arith.constant 0 : index
    %get3A_77 = vector.load %arg7[%get3A_75, %get3A_76] : memref<32x10xf32, #tpu.memory_space<vmem>>, vector<32x10xf32>
    %dot_general3A_78 = arith.constant dense<0.000000e+00> : vector<1x10xf32>
    %dot_general3A_79 = tpu.matmul %mul3A_69, %get3A_77, %dot_general3A_78 {dimension_numbers = #tpu.dot_dimension_numbers<[1], [0], [0], [1], [0, 0, 1, 1], [], []>, transpose_lhs_hint = false} : vector<1x32xf32>, vector<32x10xf32>, vector<1x10xf32> -> vector<1x10xf32>
    %add3A_80 = arith.addf %dot_general3A_74, %dot_general3A_79 : vector<1x10xf32>
    %get3A_81 = arith.constant 0 : index
    %get3A_82 = arith.constant 0 : index
    %get3A_83 = vector.load %arg8[%get3A_81, %get3A_82] : memref<1x10xf32, #tpu.memory_space<vmem>>, vector<1x10xf32>
    %add3A_84 = arith.addf %add3A_80, %get3A_83 : vector<1x10xf32>
    %swap3A = arith.constant 0 : index
    %swap3A_85 = arith.constant 0 : index
    %swap3A_86 = vector.load %arg9[%swap3A, %swap3A_85] : memref<1x10xf32, #tpu.memory_space<vmem>>, vector<1x10xf32>
    tpu.vector_store %arg9[%swap3A, %swap3A_85], %add3A_84 {strides = array<i32>} : memref<1x10xf32, #tpu.memory_space<vmem>>, vector<1x10xf32>,
    return
  }
}

</mosaic_0001>

<sc_bundles>
// kernel: kernel.12.cloned.1.call-start
scs
__scs_entry_jumppad:
0x0: {  	(pc) =	sbr.rel $0x88, $3  }
0x1: {  	(tag) =	ssettag $0x0;
	lr =	simm.s32 $0x1  }
0x2: {  	[smem:$0x3F91] =	sst lr;
	_ =	strace $0xD0000000  }
0x3: {  	_ = 	snop  }
0x4: {  	_ = 	snop  }
0x5: {  	_ = 	snop  }
0x6: {  	_ = 	snop  }
0x7: {  	_ = 	snop  }
__scs_overlays_trampoline_lowered:
0x8: {  	[smem:$0x3FA0] =	sst s0  }
0x9: {  	[smem:$0x3FA1] =	sst s1  }
0xa: {  	[smem:$0x3FA2] =	sst s2  }
0xb: {  	[smem:$0x3FA3] =	sst s3  }
0xc: {  	[smem:$0x3FA4] =	sst s4  }
0xd: {  	[smem:$0x3FA5] =	sst s5  }
0xe: {  	[smem:$0x3FA6] =	sst s6  }
0xf: {  	[smem:$0x3FA7] =	sst s7  }
0x10: {  	[smem:$0x3FA8] =	sst s8  }
0x11: {  	[smem:$0x3FA9] =	sst s9;
	s0 =	simm.s32 @!p0 $0x0  }
0x12: {  	s1 =	sld [smem:$0x3F8F];
	s0 =	simm.s32 @p0 $0x1  }
0x13: {  	[smem:$0x3FAA] =	sst s0;
	s0 =	simm.s32 @!p1 $0x0  }
0x14: {  	s2 =	sld [smem:$0x3F8E];
	s0 =	simm.s32 @p1 $0x1  }
0x15: {  	[smem:$0x3FAB] =	sst s0;
	s0 =	simm.s32 @!p2 $0x0  }
0x16: {  	s3 =	sld [smem:$0x3FDB];
	s0 =	simm.s32 @p2 $0x1  }
0x17: {  	s4 =	simm.s32 $0x1BF5;
	[smem:$0x3FAD] =	sst s0  }
0x18: {  	s0 =	sld [smem:$0x3F90];
	_ =	swait.ge [sflag:s4], $0x0  }
0x19: {  	s7 =	sld [smem:$0x3F91]  }
0x1a: {  	s8 =	sadd.s32 $0xFFFFE003, lr  }
0x1b: {  	s9 =	sadd.s32 $0xFFFFFEF7, lr;
	s5 =	simm.s32 $0xFFFFFFFF;
	p2 =	slt.u32 s8, $0xFFFFF086  }
0x1c: {  	p1 =	slt.u32 s9, $0xF7A;
	s5 =	simm.s32 @!p2 $0x0  }
0x1d: {  	s5 =	simm.s32 @p1 $0x1;
	p0 =	seq.s32 s7, s2  }
0x1e: {  	s7 =	smul.u32 @!p0 $0xF7A, s2;
	p2 =	seq.s32 @!p0 s5, $0x0  }
0x1f: {  	s9 =	smul.u32 $0xF7A, s1;
	s8 =	simm.s32 @!p0 $0x1BF5;
	p2 =	por !p2, p0  }
0x20: {  	[sflag:s8] =	ssyncset.s32 @!p0 $0xFFFFF086;
	s6 =	sadd.s32 @!p0 s3, s7;
	s7 =	simm.s32 @!p0 $0x108  }
0x21: {  	s3 =	sadd.s32 s3, s9;
	s6 =	sadd.s32 @!p0 $0x88, s6;
	s7 =	simm.s32 @p2 $0x1082  }
0x22: {  	[simem:s7], [sflag:s8] =	dma.local @!p0 [hbm:s6], $0xF7A  }
0x23: {  	s9 =	sor.u32 $0xD0000000, s2;
	s6 =	simm.s32 $0x108;
	_ =	swait.ge @!p0 [sflag:s8], $0x0  }
0x24: {  	s3 =	sadd.s32 $0x88, s3;
	s6 =	simm.s32 @!p1 $0x1082;
	[sflag:s4] =	ssyncset.s32 $0xFFFFF086  }
0x25: {  	[simem:s6], [sflag:s4] =	dma.local [hbm:s3], $0xF7A  }
0x26: {  	[smem:$0x3F91] =	sst s1;
	(tag) =	ssettag s2;
	_ =	strace s9  }
0x27: {  	s1 =	sld [smem:$0x3FA1]  }
0x28: {  	s2 =	sld [smem:$0x3FA2]  }
0x29: {  	s4 =	sld [smem:$0x3FA4]  }
0x2a: {  	p0 =	seq.s32 s5, $0x0;
	s5 =	sld [smem:$0x3FA5]  }
0x2b: {  	s6 =	sld [smem:$0x3FA6]  }
0x2c: {  	s7 =	sld [smem:$0x3FA7]  }
0x2d: {  	s3 =	simm.s32 $0x108;
	s8 =	sld [smem:$0x3FA8]  }
0x2e: {  	s3 =	simm.s32 @!p0 $0x1082;
	s9 =	sld [smem:$0x3FA9]  }
0x2f: {  	lr =	sadd.s32 s0, s3;
	s0 =	sld [smem:$0x3FA0]  }
0x30: {  	s3 =	sld [smem:$0x3FA3]  }
0x31: {  	[smem:$0x3FAC] =	sst s10  }
0x32: {  	s10 =	sld [smem:$0x3FAA];
	_ =	sdelay $0x3  }
0x33: {  	p0 =	seq.s32 s10, $0x1;
	s10 =	sld [smem:$0x3FAC];
	_ =	sdelay $0x3  }
0x34: {  	[smem:$0x3FAC] =	sst s10  }
0x35: {  	s10 =	sld [smem:$0x3FAB];
	_ =	sdelay $0x3  }
0x36: {  	p1 =	seq.s32 s10, $0x1;
	s10 =	sld [smem:$0x3FAC];
	_ =	sdelay $0x3  }
0x37: {  	[smem:$0x3FAC] =	sst s10  }
0x38: {  	s10 =	sld [smem:$0x3FAD]  }
0x39: {  	_ = 	snop;
	(pc) =	sbr.ind lr, $3  }
0x3a: {  	_ = 	snop  }
0x3b: {  	_ = 	snop  }
0x3c: {  	p2 =	seq.s32 s10, $0x1;
	s10 =	sld [smem:$0x3FAC]  }
0x3d: {  	_ =	shalt  }
0x3e: {  	_ =	shalt  }
0x3f: {  	_ =	shalt  }
0x40: {  	_ =	shalt  }
0x41: {  	_ =	shalt  }
0x42: {  	_ =	shalt  }
0x43: {  	_ =	shalt  }
0x44: {  	_ =	shalt  }
0x45: {  	_ =	shalt  }
0x46: {  	_ =	shalt  }
0x47: {  	_ =	shalt  }
0x48: {  	_ =	shalt  }
0x49: {  	_ =	shalt  }
0x4a: {  	_ =	shalt  }
0x4b: {  	_ =	shalt  }
0x4c: {  	_ =	shalt  }
0x4d: {  	_ =	shalt  }
0x4e: {  	_ =	shalt  }
0x4f: {  	_ =	shalt  }
0x50: {  	_ =	shalt  }
0x51: {  	_ =	shalt  }
0x52: {  	_ =	shalt  }
0x53: {  	_ =	shalt  }
0x54: {  	_ =	shalt  }
0x55: {  	_ =	shalt  }
0x56: {  	_ =	shalt  }
0x57: {  	_ =	shalt  }
0x58: {  	_ =	shalt  }
0x59: {  	_ =	shalt  }
0x5a: {  	_ =	shalt  }
0x5b: {  	_ =	shalt  }
0x5c: {  	_ =	shalt  }
0x5d: {  	_ =	shalt  }
0x5e: {  	_ =	shalt  }
0x5f: {  	_ =	shalt  }
0x60: {  	_ =	shalt  }
0x61: {  	_ =	shalt  }
0x62: {  	_ =	shalt  }
0x63: {  	_ =	shalt  }
0x64: {  	_ =	shalt  }
0x65: {  	_ =	shalt  }
0x66: {  	_ =	shalt  }
0x67: {  	_ =	shalt  }
0x68: {  	_ =	shalt  }
0x69: {  	_ =	shalt  }
0x6a: {  	_ =	shalt  }
0x6b: {  	_ =	shalt  }
0x6c: {  	_ =	shalt  }
0x6d: {  	_ =	shalt  }
0x6e: {  	_ =	shalt  }
0x6f: {  	_ =	shalt  }
0x70: {  	_ =	shalt  }
0x71: {  	_ =	shalt  }
0x72: {  	_ =	shalt  }
0x73: {  	_ =	shalt  }
0x74: {  	_ =	shalt  }
0x75: {  	_ =	shalt  }
0x76: {  	_ =	shalt  }
0x77: {  	_ =	shalt  }
0x78: {  	_ =	shalt  }
0x79: {  	_ =	shalt  }
0x7a: {  	_ =	shalt  }
0x7b: {  	_ =	shalt  }
0x7c: {  	_ =	shalt  }
0x7d: {  	_ =	shalt  }
0x7e: {  	_ =	shalt  }
0x7f: {  	_ =	shalt  }
0x80: {  	_ =	shalt  }
0x81: {  	_ =	shalt  }
0x82: {  	_ =	shalt  }
0x83: {  	_ =	shalt  }
0x84: {  	_ =	shalt  }
0x85: {  	_ =	shalt  }
0x86: {  	_ =	shalt  }
0x87: {  	_ =	shalt  }
.Lfunc_end0:
.L_simem_size_0:
called_computation.1_lowered:
.L_overlay_start_0:
0x88: {  	s2 =	sld [smem:$0x3FD9]  }
0x89: {  	s3 =	sld [smem:$0x3FFE];
	_ =	sdelay $0x1  }
0x8a: {  	s1 =	srdreg.scid  }
0x8b: {  	s0 =	sand.u32 $0x1, s1  }
0x8c: {  	s16 =	sshll.u32 s0, $0xA;
	s2 =	sadd.s32 s3, s2  }
0x8d: {  	s2 =	sadd.s32 s2, s16  }
0x8e: {  	[smem:$0x3FB8] =	sst s2  }
0x8f: {  	_ = 	snop  }
0x90: {  	(tm) =	ssettm $0x1  }
0x91: {  	s17 =	sld [smem:$0x3FFB];
	_ =	sdelay $0x3  }
0x92: {  	_ =	strace s17  }
0x93: {  	s2 =	sld [smem:$0x3FFC];
	_ =	sdelay $0x3  }
0x94: {  	_ =	strace s2  }
0x95: {  	s2 =	sld [smem:$0x3FFD];
	_ =	sdelay $0x3  }
0x96: {  	_ =	strace s2  }
0x97: {  	_ =	strace $0x8FFFFFFF  }
0x98: {  	s18 =	sld [smem:$0x3FDB];
	_ =	sdelay $0x1  }
0x99: {  	s19 =	simm.s32 $_scs_section_size  }
0x9a: {  	s4 =	simm.s32 $_size__tile_overlayer_lowered;
	s5 =	simm.s32 $_tile_overlayer_lowered  }
0x9b: {  	s22 =	simm.s32 $0x1BFF;
	s21 =	sshll.u32 s5, $0x1;
	s2 =	sadd.s32 s19, s18  }
0x9c: {  	s6 =	simm.s32 $0x0;
	s20 =	sshll.u32 s4, $0x1;
	s4 =	sadd.s32 s21, s2  }
0x9d: {  	[timem:s6], [sflag:s22] =	dma.local [hbm:s4], s20  }
0x9e: {  	_ =	swait.ge [sflag:s22], s20  }
0x9f: {  	s3 =	ssub.s32 $0x0, s20;
	[sflag:s22] =	ssyncset.done $0x0  }
0xa0: {  	[sflag:s22] =	ssyncadd.s32 s3;
	_ =	sdelay $0x1  }
0xa1: {  	s23 =	simm.s32 $0x1B8B  }
0xa2: {  	_ =	swait.ge [sflag:s23], $0x1  }
0xa3: {  	[sflag:s23] =	ssyncset.done $0x0  }
0xa4: {  	s25 =	simm.s32 $0x1B8E;
	s24 =	sld [smem:$0x3FFE];
	[sflag:s23] =	ssyncadd.s32 $0xFFFFFFFF  }
0xa5: {  	s26 =	simm.s32 $execute0_lowered;
	[smem:$0x3FD2] =	sst s25  }
0xa6: {  	s4 =	sshll.u32 s26, $0x1;
	_ =	strace $0x80000049;
	[dreg:$0x1] =	wrdreg $0xFFFFFFFF  }
0xa7: {  	s28 =	simm.s32 $_size_execute0_lowered;
	s2 =	sadd.s32 s2, s4;
	[dreg:$0x0] =	wrdreg $0x0  }
0xa8: {  	s4 =	sshll.u32 s28, $0x1;
	[dreg:$0x2] =	wrdreg s2  }
0xa9: {  	[dreg:$0x3] =	wrdreg s4  }
0xaa: {  	[dreg:$0x4] =	wrdreg $0xC0  }
0xab: {  	_ =	task [dreg:s6], $0x5FFFF  }
0xac: {  	[dreg:$0x1] =	wrdreg $0xFFFFFFFF  }
0xad: {  	[dreg:$0x0] =	wrdreg $0x60  }
0xae: {  	[dreg:$0x2] =	wrdreg s24  }
0xaf: {  	[dreg:$0x3] =	wrdreg $0xB7100  }
0xb0: {  	[dreg:$0x4] =	wrdreg $0x107100  }
0xb1: {  	[dreg:$0x5] =	wrdreg $0x9  }
0xb2: {  	_ =	task.clear_ibuf [dreg:s6], $0x6FFFF;
	_ =	strace $0x90000049  }
0xb3: {  	s29 =	simm.s32 $0x9;
	_ =	strace $0x8000004B  }
0xb4: {  	_ =	swait.ge [sflag:s29], $0x1  }
0xb5: {  	[sflag:s29] =	ssyncadd.s32 $0xFFFFFFFF  }
0xb6: {  	_ =	strace $0x9000004B  }
0xb7: {  	_ =	sfence  }
0xb8: {  	s30 =	sld [smem:$0x0];
	_ =	sdelay $0x2  }
0xb9: {  	s31 =	sshll.u32 s1, $0xD;
	s1 =	sshrl.u32 s1, $0x2  }
0xba: {  	s3 =	sand.u32 $0x4000, s31;
	s1 =	sadd.s32 s1, s30  }
0xbb: {  	s0 =	sor.u32 s3, s0;
	s1 =	sshll.u32 s1, $0x11  }
0xbc: {  	s0 =	sor.u32 s1, s0  }
0xbd: {  	s0 =	sadd.s32 $0x8F2B, s0  }
0xbe: {  	[sflag:s0] =	ssyncadd.remote.s32 $0x1  }
0xbf: {  	_ =	sfence.sel $0xFFFF  }
0xc0: {  	[dreg:$0x0] =	wrdreg $0xFFFFFFFF;
	(pc) =	sbr.abs _section_cstart, $3  }
0xc1: {  	[dreg:$0x1] =	wrdreg $0xFFFFFFFF  }
0xc2: {  	_ =	task.clear_ibuf [dreg:s6], $0x2FFFF;
	_ =	strace $0x9FFFFFFF  }
0xc3: {  	(tm) =	ssettm $0x7FFFFFFF  }
tec
execute0_lowered:
.L_overlay_start_1:
0x0: {  	(tag) =	ssettag $0x1  }
0x1: {  	s0 =	rddreg [dreg:$0x0]  }
0x2: {  	s1 =	srdreg.scid;
	s2 =	rddreg [dreg:$0x1]  }
0x3: {  	s3 =	rddreg [dreg:$0x2];
	s13 =	stileid.u32;
	s6 =	simm.s32 $0x0  }
0x4: {  	s15 =	simm.s32 $0x1;
	s16 =	simm.s32 $0x4;
	s17 =	simm.s32 $0x10  }
0x5: {  	s28 =	simm.s32 $0xA710;
	s29 =	simm.s32 $0x2;
	s31 =	simm.s32 $0x5  }
0x6: {  	s30 =	simm.s32 $0x7;
	s5 =	sand.u32 $0x3, s13;
	s11 =	smul.u32 $0x5000, s13  }
0x7: {  	s1 =	sand.u32 $0x1, s1;
	[smem:$0x7FF] =	sst s6;
	s7 =	smul.u32 $0x14000, s5  }
0x8: {  	s19 =	sshrl.u32 s13, $0x2;
	s26 =	sshll.u32 s13, $0x6;
	s10 =	smul.u32 $0x50000, s1  }
0x9: {  	s4 =	sshll.u32 s1, $0x4;
	_ =	strace $0x8000004A;
	s5 =	smul.u32 $0x280, s5  }
0xa: {  	s8 =	sshll.u32 s19, $0x5;
	s6 =	smul.u32 $0xA00, s19;
	s1 =	ssub.s32 $0x2, s1  }
0xb: {  	s19 =	simm.s32 $0x80;
	s4 =	sor.u32 s13, s4;
	s20 =	sshrl.u32 s11, $0x3  }
0xc: {  	s22 =	sshrl.u32 s1, $0x1;
	s12 =	sadd.s32 s11, s3;
	s11 =	simm.s32 $0x9  }
0xd: {  	s13 =	sor.u32 $0x1C09, s26;
	s4 =	smul.u32 $0x2710, s4;
	s9 =	sor.u32 s8, s7  }
0xe: {  	s7 =	sadd.s32 s10, s7;
	s21 =	sadd.s32 s20, s0;
	s6 =	sadd.s32 s5, s6  }
0xf: {  	s1 =	ssub.s32 s1, s22;
	s18 =	sshrl.u32 s12, $0x3;
	s20 =	simm.s32 $0x7710  }
0x10: {  	s22 =	simm.s32 $0x6;
	s12 =	simm.s32 $0x0;
	s9 =	sshrl.u32 s9, $0x3  }
0x11: {  	s7 =	sor.u32 s8, s7;
	s23 =	sshll.u32 s6, $0x5;
	s8 =	sadd.s32 $0x21200, s21  }
0x12: {  	s10 =	smax.u32 s1, $0x1;
	s21 =	simm.s32 $0x8710;
	s1 =	simm.s32 $0x3  }
0x13: {  	s4 =	sshrl.u32 s4, $0x3;
	s9 =	sadd.s32 s9, s0;
	s7 =	sshrl.u32 s7, $0x3  }
0x14: {  	s24 =	sadd.s32 s23, s2;
	s25 =	sadd.s32 s23, s3;
	s23 =	simm.s32 $0x9710  }
0x15: {  	s4 =	sadd.s32 s4, s0;
	s0 =	sadd.s32 s7, s0;
	s7 =	sadd.s32 $0x17200, s9  }
0x16: {  	s14 =	sshrl.u32 s24, $0x3;
	s25 =	sshrl.u32 s25, $0x3;
	s24 =	simm.s32 $0x8  }
0x17: {  	v0 =	vimm.s32 $0x0;
	v1 =	vimm.s32 $0x2710;
	s5 =	sadd.s32 $0x3800, s4;
	s6 =	sadd.s32 $0xD440, s4;
	s9 =	sadd.s32 $0x2B200, s0  }
.LBB2_1:
0x18: {  	s0 =	simm.s32 $0x0  }
0x19: {  	[tilespmem:s0], [sflag:$0x9] =	stream.linear.gather [hbm4b:s5+s0], $0x2710, $0x38;
	[tilespmem:$0x15710] =	vst v63  }
0x1a: {  	_ =	swait.ge [sflag:s11], $0x2710  }
0x1b: {  	[sflag:s11] =	ssyncset.done $0x0  }
0x1c: {  	s4 =	simm.s32 $0x2800;
	[sflag:s11] =	ssyncadd.s32 $0xFFFFD8F0  }
0x1d: {  	[tilespmem:s4], [sflag:$0x9] =	stream.linear.gather [hbm4b:s6+s0], $0x2710, $0x38;
	[tilespmem:$0x15710] =	vst v63  }
0x1e: {  	_ =	swait.ge [sflag:s11], $0x2710  }
0x1f: {  	[sflag:s11] =	ssyncset.done $0x0  }
0x20: {  	[sflag:s11] =	ssyncadd.s32 $0xFFFFD8F0  }
0x21: {  	[spmem:s14@s16], [sflag:s13] =	dma.strided [hbm:s7@s17], $0xA00, s15, $0x4   }
0x22: {  	_ =	swait.ge [sflag:s11], $0xA00  }
0x23: {  	[sflag:s11] =	ssyncset.done $0x0  }
0x24: {  	[sflag:s11] =	ssyncadd.s32 $0xFFFFF600  }
0x25: {  	[spmem:s18], [sflag:s13] =	dma.local [hbm:s8], $0xA00  }
0x26: {  	_ =	swait.ge [sflag:s11], $0xA00  }
0x27: {  	[sflag:s11] =	ssyncset.done $0x0  }
0x28: {  	[sflag:s11] =	ssyncadd.s32 $0xFFFFF600  }
0x29: {  	[tilespmem:$0x2710] =	vst v0  }
0x2a: {  	[tilespmem:$0x2720] =	vst v0  }
0x2b: {  	[tilespmem:$0x2730] =	vst v0  }
0x2c: {  	[tilespmem:$0x2740] =	vst v0  }
0x2d: {  	[tilespmem:$0x2750] =	vst v0  }
0x2e: {  	[tilespmem:$0x2760] =	vst v0  }
0x2f: {  	[tilespmem:$0x2770] =	vst v0  }
0x30: {  	[tilespmem:$0x2780] =	vst v0  }
0x31: {  	[tilespmem:$0x2790] =	vst v0  }
0x32: {  	[tilespmem:$0x27A0] =	vst v0  }
0x33: {  	[tilespmem:$0x27B0] =	vst v0  }
0x34: {  	[tilespmem:$0x27C0] =	vst v0  }
0x35: {  	[tilespmem:$0x27D0] =	vst v0  }
0x36: {  	[tilespmem:$0x27E0] =	vst v0  }
0x37: {  	s0 =	simm.s32 $0x0;
	[tilespmem:$0x27F0] =	vst v0  }
0x38: {  	v5 =	vld [tilespmem:s0+$0x2870]  }
0x39: {  	v6 =	vld [tilespmem:s0+$0x2800]  }
0x3a: {  	v7 =	vld [tilespmem:s0+$0x2810]  }
0x3b: {  	v4 =	vld [tilespmem:s0+$0x2820]  }
0x3c: {  	v2 =	vld [tilespmem:s0+$0x2830]  }
0x3d: {  	v3 =	vld [tilespmem:s0+$0x2840];
	[tilespmem:s0+$0x4F80] =	vst v5  }
0x3e: {  	[tilespmem:s0+$0x4F10] =	vst v6;
	v5 =	vld [tilespmem:s0+$0x2850]  }
0x3f: {  	s26 =	simm.s32 $0x80;
	s4 =	simm.s32 $0x400;
	[tilespmem:s0+$0x4F20] =	vst v7;
	v6 =	vld [tilespmem:s0+$0x2860]  }
.LBB2_2:
0x40: {  	p0 =	sne.s32 s4, $0x9A00;
	v7 =	vld [tilespmem:s26+$0x2870];
	[tilespmem:s0+$0x4F30] =	vst v4  }
0x41: {  	v8 =	vld [tilespmem:s26+$0x2800];
	[tilespmem:s0+$0x4F40] =	vst v2  }
0x42: {  	v9 =	vld [tilespmem:s26+$0x2810];
	[tilespmem:s0+$0x4F50] =	vst v3  }
.Ltmp0:
0x43: {  	v4 =	vld [tilespmem:s26+$0x2820];
	[tilespmem:s0+$0x4F60] =	vst v5;
	(pc) =	sbr.rel @p0 .LBB2_2-.Ltmp0, $4  }
0x44: {  	v2 =	vld [tilespmem:s26+$0x2830];
	[tilespmem:s0+$0x4F70] =	vst v6;
	s0 =	smov.u32 s26  }
0x45: {  	v3 =	vld [tilespmem:s0+$0x2840];
	[tilespmem:s0+$0x4F80] =	vst v7  }
0x46: {  	[tilespmem:s0+$0x4F10] =	vst v8;
	v5 =	vld [tilespmem:s0+$0x2850]  }
0x47: {  	s26 =	sshra.s32 s4, $0x2;
	s4 =	sadd.s32 $0x200, s4;
	[tilespmem:s0+$0x4F20] =	vst v9;
	v6 =	vld [tilespmem:s0+$0x2860]  }
0x48: {  	v7 =	vld [tilespmem:s26+$0x2870];
	[tilespmem:s0+$0x4F30] =	vst v4  }
0x49: {  	v4 =	vld [tilespmem:s26+$0x2800];
	[tilespmem:s0+$0x4F40] =	vst v2  }
0x4a: {  	v2 =	vld [tilespmem:s26+$0x2810];
	[tilespmem:s0+$0x4F50] =	vst v3  }
0x4b: {  	v3 =	vld [tilespmem:s26+$0x2820];
	[tilespmem:s0+$0x4F60] =	vst v5  }
0x4c: {  	v5 =	vld [tilespmem:s26+$0x2830];
	[tilespmem:s0+$0x4F70] =	vst v6  }
0x4d: {  	v6 =	vld [tilespmem:s26+$0x2840];
	[tilespmem:s26+$0x4F80] =	vst v7  }
0x4e: {  	v63 =	vld [tilespmem:s26+$0x2850];
	[tilespmem:s26+$0x4F10] =	vst v4  }
0x4f: {  	[tilespmem:s26+$0x4F20] =	vst v2;
	v2 =	vld [tilespmem:s26+$0x2860]  }
0x50: {  	[tilespmem:s26+$0x4F30] =	vst v3  }
0x51: {  	[tilespmem:s26+$0x4F40] =	vst v5  }
0x52: {  	[tilespmem:s26+$0x4F50] =	vst v6  }
0x53: {  	[tilespmem:s26+$0x4F60] =	vst v63  }
0x54: {  	[tilespmem:s26+$0x4F70] =	vst v2  }
0x55: {  	[tilespmem:$0x7620] =	vst v1  }
0x56: {  	[tilespmem:$0x7630] =	vst v1  }
0x57: {  	[tilespmem:$0x7640] =	vst v1  }
0x58: {  	[tilespmem:$0x7650] =	vst v1  }
0x59: {  	[tilespmem:$0x7660] =	vst v1  }
0x5a: {  	[tilespmem:$0x7670] =	vst v1  }
0x5b: {  	[tilespmem:$0x7680] =	vst v1  }
0x5c: {  	[tilespmem:$0x7690] =	vst v1  }
0x5d: {  	[tilespmem:$0x76A0] =	vst v1  }
0x5e: {  	[tilespmem:$0x76B0] =	vst v1  }
0x5f: {  	v2 =	vld [tilespmem:$0x4F00];
	[tilespmem:$0x76C0] =	vst v1  }
0x60: {  	[tilespmem:$0x76D0] =	vst v1  }
0x61: {  	[tilespmem:$0x76E0] =	vst v1  }
0x62: {  	[tilespmem:$0x76F0] =	vst v1  }
0x63: {  	[tilespmem:$0x7700] =	vst v1  }
0x64: {  	[tilespmem:$0x7610] =	vst v2  }
0x65: {  	s4 =	simm.s32 $0x0;
	[bflag:$0x0] =	sbarrier.arrive $0xFFFF  }
0x66: {  	[tilespmem:s20], [sflag:$0x1] =	stream.indirect.gather [spmem:s2], $0x20, s4, s19, $0xb8;
	[tilespmem:$0x15710] =	vst v63  }
0x67: {  	_ = 	snop  }
0x68: {  	[tilespmem:s21], [sflag:$0x2] =	stream.indirect.gather [spmem:s2], $0x20, s19, s19, $0xb8;
	[tilespmem:$0x15710] =	vst v63  }
0x69: {  	s26 =	simm.s32 $0x100  }
0x6a: {  	[tilespmem:s23], [sflag:$0x3] =	stream.indirect.gather [spmem:s2], $0x20, s26, s19, $0xb8;
	[tilespmem:$0x15710] =	vst v63  }
0x6b: {  	_ =	swait.ge [sflag:s15], $0x1000  }
0x6c: {  	[sflag:s15] =	ssyncset.done $0x0  }
0x6d: {  	s4 =	simm.s32 $0x4F10;
	[sflag:s15] =	ssyncadd.s32 $0xFFFFF000  }
0x6e: {  	[spmem:s3] =	stream.indirect.scatter.add.f32 [tilespmem:s20], [sflag:$0x5], $0x20, s4, s19, $0xb8;
	[tilespmem:$0x15710] =	vst v63  }
0x6f: {  	s26 =	simm.s32 $0x180  }
0x70: {  	[tilespmem:s28], [sflag:$0x4] =	stream.indirect.gather [spmem:s2], $0x20, s26, s19, $0xb8;
	[tilespmem:$0x15710] =	vst v63  }
0x71: {  	_ =	swait.ge [sflag:s29], $0x1000  }
0x72: {  	[sflag:s29] =	ssyncset.done $0x0  }
0x73: {  	s4 =	simm.s32 $0x4F90;
	[sflag:s29] =	ssyncadd.s32 $0xFFFFF000  }
0x74: {  	[spmem:s3] =	stream.indirect.scatter.add.f32 [tilespmem:s21], [sflag:$0x6], $0x20, s4, s19, $0xb8;
	[tilespmem:$0x15710] =	vst v63  }
0x75: {  	_ =	swait.ge [sflag:s31], $0x1000  }
0x76: {  	[sflag:s31] =	ssyncset.done $0x0  }
0x77: {  	s26 =	simm.s32 $0x200;
	[sflag:s31] =	ssyncadd.s32 $0xFFFFF000  }
0x78: {  	[tilespmem:s20], [sflag:$0x1] =	stream.indirect.gather [spmem:s2], $0x20, s26, s19, $0xb8;
	[tilespmem:$0x15710] =	vst v63  }
0x79: {  	_ =	swait.ge [sflag:s1], $0x1000  }
0x7a: {  	[sflag:s1] =	ssyncset.done $0x0  }
0x7b: {  	s4 =	simm.s32 $0x5010;
	[sflag:s1] =	ssyncadd.s32 $0xFFFFF000  }
0x7c: {  	[spmem:s3] =	stream.indirect.scatter.add.f32 [tilespmem:s23], [sflag:$0x7], $0x20, s4, s19, $0xb8;
	[tilespmem:$0x15710] =	vst v63  }
0x7d: {  	_ =	swait.ge [sflag:s22], $0x1000  }
0x7e: {  	[sflag:s22] =	ssyncset.done $0x0  }
0x7f: {  	s26 =	simm.s32 $0x280;
	[sflag:s22] =	ssyncadd.s32 $0xFFFFF000  }
0x80: {  	[tilespmem:s21], [sflag:$0x2] =	stream.indirect.gather [spmem:s2], $0x20, s26, s19, $0xb8;
	[tilespmem:$0x15710] =	vst v63  }
0x81: {  	_ =	swait.ge [sflag:s16], $0x1000  }
0x82: {  	[sflag:s16] =	ssyncset.done $0x0  }
0x83: {  	s4 =	simm.s32 $0x5090;
	[sflag:s16] =	ssyncadd.s32 $0xFFFFF000  }
0x84: {  	[spmem:s3] =	stream.indirect.scatter.add.f32 [tilespmem:s28], [sflag:$0x8], $0x20, s4, s19, $0xb8;
	[tilespmem:$0x15710] =	vst v63  }
0x85: {  	_ =	swait.ge [sflag:s30], $0x1000  }
0x86: {  	[sflag:s30] =	ssyncset.done $0x0  }
0x87: {  	s26 =	simm.s32 $0x300;
	[sflag:s30] =	ssyncadd.s32 $0xFFFFF000  }
0x88: {  	[tilespmem:s23], [sflag:$0x3] =	stream.indirect.gather [spmem:s2], $0x20, s26, s19, $0xb8;
	[tilespmem:$0x15710] =	vst v63  }
0x89: {  	_ =	swait.ge [sflag:s15], $0x1000  }
0x8a: {  	[sflag:s15] =	ssyncset.done $0x0  }
0x8b: {  	s4 =	simm.s32 $0x5110;
	[sflag:s15] =	ssyncadd.s32 $0xFFFFF000  }
0x8c: {  	[spmem:s3] =	stream.indirect.scatter.add.f32 [tilespmem:s20], [sflag:$0x5], $0x20, s4, s19, $0xb8;
	[tilespmem:$0x15710] =	vst v63  }
0x8d: {  	_ =	swait.ge [sflag:s24], $0x1000  }
0x8e: {  	[sflag:s24] =	ssyncset.done $0x0  }
0x8f: {  	s26 =	simm.s32 $0x380;
	[sflag:s24] =	ssyncadd.s32 $0xFFFFF000  }
0x90: {  	[tilespmem:s28], [sflag:$0x4] =	stream.indirect.gather [spmem:s2], $0x20, s26, s19, $0xb8;
	[tilespmem:$0x15710] =	vst v63  }
0x91: {  	_ =	swait.ge [sflag:s29], $0x1000  }
0x92: {  	[sflag:s29] =	ssyncset.done $0x0  }
0x93: {  	s4 =	simm.s32 $0x5190;
	[sflag:s29] =	ssyncadd.s32 $0xFFFFF000  }
0x94: {  	[spmem:s3] =	stream.indirect.scatter.add.f32 [tilespmem:s21], [sflag:$0x6], $0x20, s4, s19, $0xb8;
	[tilespmem:$0x15710] =	vst v63  }
0x95: {  	_ =	swait.ge [sflag:s31], $0x1000  }
0x96: {  	[sflag:s31] =	ssyncset.done $0x0  }
0x97: {  	s26 =	simm.s32 $0x400;
	[sflag:s31] =	ssyncadd.s32 $0xFFFFF000  }
0x98: {  	[tilespmem:s20], [sflag:$0x1] =	stream.indirect.gather [spmem:s2], $0x20, s26, s19, $0xb8;
	[tilespmem:$0x15710] =	vst v63  }
0x99: {  	_ =	swait.ge [sflag:s1], $0x1000  }
0x9a: {  	[sflag:s1] =	ssyncset.done $0x0  }
0x9b: {  	s4 =	simm.s32 $0x5210;
	[sflag:s1] =	ssyncadd.s32 $0xFFFFF000  }
0x9c: {  	[spmem:s3] =	stream.indirect.scatter.add.f32 [tilespmem:s23], [sflag:$0x7], $0x20, s4, s19, $0xb8;
	[tilespmem:$0x15710] =	vst v63  }
0x9d: {  	_ =	swait.ge [sflag:s22], $0x1000  }
0x9e: {  	[sflag:s22] =	ssyncset.done $0x0  }
0x9f: {  	s26 =	simm.s32 $0x480;
	[sflag:s22] =	ssyncadd.s32 $0xFFFFF000  }
0xa0: {  	[tilespmem:s21], [sflag:$0x2] =	stream.indirect.gather [spmem:s2], $0x20, s26, s19, $0xb8;
	[tilespmem:$0x15710] =	vst v63  }
0xa1: {  	_ =	swait.ge [sflag:s16], $0x1000  }
0xa2: {  	[sflag:s16] =	ssyncset.done $0x0  }
0xa3: {  	s4 =	simm.s32 $0x5290;
	[sflag:s16] =	ssyncadd.s32 $0xFFFFF000  }
0xa4: {  	[spmem:s3] =	stream.indirect.scatter.add.f32 [tilespmem:s28], [sflag:$0x8], $0x20, s4, s19, $0xb8;
	[tilespmem:$0x15710] =	vst v63  }
0xa5: {  	_ =	swait.ge [sflag:s30], $0x1000  }
0xa6: {  	[sflag:s30] =	ssyncset.done $0x0  }
0xa7: {  	s26 =	simm.s32 $0x500;
	[sflag:s30] =	ssyncadd.s32 $0xFFFFF000  }
0xa8: {  	[tilespmem:s23], [sflag:$0x3] =	stream.indirect.gather [spmem:s2], $0x20, s26, s19, $0xb8;
	[tilespmem:$0x15710] =	vst v63  }
0xa9: {  	_ =	swait.ge [sflag:s15], $0x1000  }
0xaa: {  	[sflag:s15] =	ssyncset.done $0x0  }
0xab: {  	s4 =	simm.s32 $0x5310;
	[sflag:s15] =	ssyncadd.s32 $0xFFFFF000  }
0xac: {  	[spmem:s3] =	stream.indirect.scatter.add.f32 [tilespmem:s20], [sflag:$0x5], $0x20, s4, s19, $0xb8;
	[tilespmem:$0x15710] =	vst v63  }
0xad: {  	_ =	swait.ge [sflag:s24], $0x1000  }
0xae: {  	[sflag:s24] =	ssyncset.done $0x0  }
0xaf: {  	s26 =	simm.s32 $0x580;
	[sflag:s24] =	ssyncadd.s32 $0xFFFFF000  }
0xb0: {  	[tilespmem:s28], [sflag:$0x4] =	stream.indirect.gather [spmem:s2], $0x20, s26, s19, $0xb8;
	[tilespmem:$0x15710] =	vst v63  }
0xb1: {  	_ =	swait.ge [sflag:s29], $0x1000  }
0xb2: {  	[sflag:s29] =	ssyncset.done $0x0  }
0xb3: {  	s0 =	simm.s32 $0x5390;
	s26 =	simm.s32 $0x800;
	[sflag:s29] =	ssyncadd.s32 $0xFFFFF000  }
.LBB2_4:
0xb4: {  	[spmem:s3] =	stream.indirect.scatter.add.f32 [tilespmem:s21], [sflag:$0x6], $0x20, s0, s19, $0xb8;
	[tilespmem:$0x15710] =	vst v63  }
0xb5: {  	s0 =	smov.u32 s26;
	s26 =	sadd.s32 $0x800, s26;
	_ =	swait.ge [sflag:s31], $0x1000  }
0xb6: {  	s0 =	sshra.s32 s0, $0x2;
	p0 =	sne.s32 s26, $0x9000;
	[sflag:s31] =	ssyncset.done $0x0  }
0xb7: {  	s4 =	sadd.s32 $0x400, s0;
	[sflag:s31] =	ssyncadd.s32 $0xFFFFF000  }
0xb8: {  	[tilespmem:s20], [sflag:$0x1] =	stream.indirect.gather [spmem:s2], $0x20, s4, s19, $0xb8;
	[tilespmem:$0x15710] =	vst v63  }
0xb9: {  	_ =	swait.ge [sflag:s1], $0x1000  }
0xba: {  	[sflag:s1] =	ssyncset.done $0x0  }
0xbb: {  	s4 =	sadd.s32 $0x5210, s0;
	[sflag:s1] =	ssyncadd.s32 $0xFFFFF000  }
0xbc: {  	[spmem:s3] =	stream.indirect.scatter.add.f32 [tilespmem:s23], [sflag:$0x7], $0x20, s4, s19, $0xb8;
	[tilespmem:$0x15710] =	vst v63  }
0xbd: {  	_ =	swait.ge [sflag:s22], $0x1000  }
0xbe: {  	[sflag:s22] =	ssyncset.done $0x0  }
0xbf: {  	s4 =	sadd.s32 $0x480, s0;
	[sflag:s22] =	ssyncadd.s32 $0xFFFFF000  }
0xc0: {  	[tilespmem:s21], [sflag:$0x2] =	stream.indirect.gather [spmem:s2], $0x20, s4, s19, $0xb8;
	[tilespmem:$0x15710] =	vst v63  }
0xc1: {  	_ =	swait.ge [sflag:s16], $0x1000  }
0xc2: {  	[sflag:s16] =	ssyncset.done $0x0  }
0xc3: {  	s4 =	sadd.s32 $0x5290, s0;
	[sflag:s16] =	ssyncadd.s32 $0xFFFFF000  }
0xc4: {  	[spmem:s3] =	stream.indirect.scatter.add.f32 [tilespmem:s28], [sflag:$0x8], $0x20, s4, s19, $0xb8;
	[tilespmem:$0x15710] =	vst v63  }
0xc5: {  	_ =	swait.ge [sflag:s30], $0x1000  }
0xc6: {  	[sflag:s30] =	ssyncset.done $0x0  }
0xc7: {  	s4 =	sadd.s32 $0x500, s0;
	[sflag:s30] =	ssyncadd.s32 $0xFFFFF000  }
0xc8: {  	[tilespmem:s23], [sflag:$0x3] =	stream.indirect.gather [spmem:s2], $0x20, s4, s19, $0xb8;
	[tilespmem:$0x15710] =	vst v63  }
0xc9: {  	_ =	swait.ge [sflag:s15], $0x1000  }
0xca: {  	[sflag:s15] =	ssyncset.done $0x0  }
0xcb: {  	s4 =	sadd.s32 $0x5310, s0;
	[sflag:s15] =	ssyncadd.s32 $0xFFFFF000  }
0xcc: {  	[spmem:s3] =	stream.indirect.scatter.add.f32 [tilespmem:s20], [sflag:$0x5], $0x20, s4, s19, $0xb8;
	[tilespmem:$0x15710] =	vst v63  }
0xcd: {  	_ =	swait.ge [sflag:s24], $0x1000  }
0xce: {  	[sflag:s24] =	ssyncset.done $0x0  }
.Ltmp1:
0xcf: {  	s4 =	sadd.s32 $0x580, s0;
	[sflag:s24] =	ssyncadd.s32 $0xFFFFF000;
	(pc) =	sbr.rel @p0 .LBB2_4-.Ltmp1, $4  }
0xd0: {  	[tilespmem:s28], [sflag:$0x4] =	stream.indirect.gather [spmem:s2], $0x20, s4, s19, $0xb8;
	[tilespmem:$0x15710] =	vst v63  }
0xd1: {  	_ =	swait.ge [sflag:s29], $0x1000  }
0xd2: {  	[sflag:s29] =	ssyncset.done $0x0  }
0xd3: {  	s0 =	sadd.s32 $0x5390, s0;
	[sflag:s29] =	ssyncadd.s32 $0xFFFFF000  }
0xd4: {  	[spmem:s3] =	stream.indirect.scatter.add.f32 [tilespmem:s21], [sflag:$0x6], $0x20, s0, s19, $0xb8;
	[tilespmem:$0x15710] =	vst v63  }
0xd5: {  	_ =	swait.ge [sflag:s1], $0x1000  }
0xd6: {  	s26 =	sshra.s32 s26, $0x2;
	[sflag:s1] =	ssyncset.done $0x0  }
0xd7: {  	s4 =	sadd.s32 $0x5210, s26;
	[sflag:s1] =	ssyncadd.s32 $0xFFFFF000  }
0xd8: {  	[spmem:s3] =	stream.indirect.scatter.add.f32 [tilespmem:s23], [sflag:$0x7], $0x20, s4, s19, $0xb8;
	[tilespmem:$0x15710] =	vst v63  }
0xd9: {  	_ =	swait.ge [sflag:s16], $0x1000  }
0xda: {  	[sflag:s16] =	ssyncset.done $0x0  }
0xdb: {  	s0 =	sadd.s32 $0x5290, s26;
	[sflag:s16] =	ssyncadd.s32 $0xFFFFF000  }
0xdc: {  	[spmem:s3] =	stream.indirect.scatter.add.f32 [tilespmem:s28], [sflag:$0x8], $0x20, s0, s19, $0xb8;
	[tilespmem:$0x15710] =	vst v63  }
0xdd: {  	_ =	swait.ge [sflag:s31], $0x1000  }
0xde: {  	[sflag:s31] =	ssyncset.done $0x0  }
0xdf: {  	[sflag:s31] =	ssyncadd.s32 $0xFFFFF000  }
0xe0: {  	_ =	swait.ge [sflag:s22], $0x1000  }
0xe1: {  	[sflag:s22] =	ssyncset.done $0x0  }
0xe2: {  	[sflag:s22] =	ssyncadd.s32 $0xFFFFF000  }
0xe3: {  	_ =	swait.ge [sflag:s30], $0x1000  }
0xe4: {  	[sflag:s30] =	ssyncset.done $0x0  }
0xe5: {  	[sflag:s30] =	ssyncadd.s32 $0xFFFFF000  }
0xe6: {  	_ =	swait.ge [sflag:s24], $0x1000  }
0xe7: {  	s12 =	sadd.s32 $0x1, s12;
	[sflag:s24] =	ssyncset.done $0x0  }
0xe8: {  	p0 =	sne.s32 s12, s10;
	[sflag:s24] =	ssyncadd.s32 $0xFFFFF000  }
.Ltmp2:
0xe9: {  	[bflag:$0x0] =	sbarrier.arrive $0xFFFF;
	(pc) =	sbr.rel @p0 .LBB2_1-.Ltmp2, $4  }
0xea: {  	[hbm:s9@s17], [sflag:s13] =	dma.strided [spmem:s25@s16], $0xA00, s15, $0x4   }
0xeb: {  	_ =	swait.ge [sflag:s11], $0xA00  }
0xec: {  	[sflag:s11] =	ssyncset.done $0x0  }
0xed: {  	[sflag:s11] =	ssyncadd.s32 $0xFFFFF600  }
0xee: {  	_ =	sfence.sel $0x180000  }
0xef: {  	[bflag:$0x0] =	sbarrier.arrive $0xFFFF  }
0xf0: {  	_ =	strace $0x9000004A  }
0xf1: {  	s0 =	stileid.u32;
	[bflag:$0x2] =	sbarrier.arrive $0xFFFF  }
0xf2: {  	p0 =	sne.s32 s0, $0x0;
	s0 =	rddreg [dreg:$0x3]  }
0xf3: {  	s0 =	sadd.s32 @!p0 $0x100000, s0  }
0xf4: {  	[sflag:s0] =	ssyncadd.tile.s32 @!p0 $0x1;
	_ =	shalt  }
.Lfunc_end2:
_tile_overlayer_lowered:
.L_overlay_start_2:
0xf5: {  	(tag) =	ssettag $0x2  }
0xf6: {  	s0 =	rddreg [dreg:$0x0];
	s2 =	stileid.u32  }
0xf7: {  	s1 =	rddreg [dreg:$0x1];
	p0 =	sne.s32 s2, $0x0  }
0xf8: {  	s3 =	rddreg [dreg:$0x2];
	[bflag:$0x3] =	sbarrier.arrive $0xFFFF;
	s2 =	simm.s32 @!p0 $0x1C09  }
0xf9: {  	[timem:s3], [sflag:s2] =	dma.local @!p0 [hbm:s0], s1  }
0xfa: {  	s0 =	simm.s32 @!p0 $0x9  }
0xfb: {  	_ =	swait.ge @!p0 [sflag:s0], s1  }
0xfc: {  	s1 =	ssub.s32 @!p0 $0x0, s1;
	[sflag:s0] =	ssyncset.done @!p0 $0x0  }
0xfd: {  	[sflag:s0] =	ssyncadd.s32 @!p0 s1  }
0xfe: {  	[bflag:$0x3] =	sbarrier.arrive $0xFFFF  }
0xff: {  	_ =	shalt  }

// kernel: kernel.15.cloned.1.call-start
scs
__scs_entry_jumppad:
0x0: {  	(pc) =	sbr.rel $0x88, $3  }
0x1: {  	(tag) =	ssettag $0x0;
	lr =	simm.s32 $0x1  }
0x2: {  	[smem:$0x3F91] =	sst lr;
	_ =	strace $0xD0000000  }
0x3: {  	_ = 	snop  }
0x4: {  	_ = 	snop  }
0x5: {  	_ = 	snop  }
0x6: {  	_ = 	snop  }
0x7: {  	_ = 	snop  }
__scs_overlays_trampoline_lowered:
0x8: {  	[smem:$0x3FA0] =	sst s0  }
0x9: {  	[smem:$0x3FA1] =	sst s1  }
0xa: {  	[smem:$0x3FA2] =	sst s2  }
0xb: {  	[smem:$0x3FA3] =	sst s3  }
0xc: {  	[smem:$0x3FA4] =	sst s4  }
0xd: {  	[smem:$0x3FA5] =	sst s5  }
0xe: {  	[smem:$0x3FA6] =	sst s6  }
0xf: {  	[smem:$0x3FA7] =	sst s7  }
0x10: {  	[smem:$0x3FA8] =	sst s8  }
0x11: {  	[smem:$0x3FA9] =	sst s9;
	s0 =	simm.s32 @!p0 $0x0  }
0x12: {  	s1 =	sld [smem:$0x3F8F];
	s0 =	simm.s32 @p0 $0x1  }
0x13: {  	[smem:$0x3FAA] =	sst s0;
	s0 =	simm.s32 @!p1 $0x0  }
0x14: {  	s2 =	sld [smem:$0x3F8E];
	s0 =	simm.s32 @p1 $0x1  }
0x15: {  	[smem:$0x3FAB] =	sst s0;
	s0 =	simm.s32 @!p2 $0x0  }
0x16: {  	s3 =	sld [smem:$0x3FDB];
	s0 =	simm.s32 @p2 $0x1  }
0x17: {  	s4 =	simm.s32 $0x1BF5;
	[smem:$0x3FAD] =	sst s0  }
0x18: {  	s0 =	sld [smem:$0x3F90];
	_ =	swait.ge [sflag:s4], $0x0  }
0x19: {  	s7 =	sld [smem:$0x3F91]  }
0x1a: {  	s8 =	sadd.s32 $0xFFFFE003, lr  }
0x1b: {  	s9 =	sadd.s32 $0xFFFFFEF7, lr;
	s5 =	simm.s32 $0xFFFFFFFF;
	p2 =	slt.u32 s8, $0xFFFFF086  }
0x1c: {  	p1 =	slt.u32 s9, $0xF7A;
	s5 =	simm.s32 @!p2 $0x0  }
0x1d: {  	s5 =	simm.s32 @p1 $0x1;
	p0 =	seq.s32 s7, s2  }
0x1e: {  	s7 =	smul.u32 @!p0 $0xF7A, s2;
	p2 =	seq.s32 @!p0 s5, $0x0  }
0x1f: {  	s9 =	smul.u32 $0xF7A, s1;
	s8 =	simm.s32 @!p0 $0x1BF5;
	p2 =	por !p2, p0  }
0x20: {  	[sflag:s8] =	ssyncset.s32 @!p0 $0xFFFFF086;
	s6 =	sadd.s32 @!p0 s3, s7;
	s7 =	simm.s32 @!p0 $0x108  }
0x21: {  	s3 =	sadd.s32 s3, s9;
	s6 =	sadd.s32 @!p0 $0x88, s6;
	s7 =	simm.s32 @p2 $0x1082  }
0x22: {  	[simem:s7], [sflag:s8] =	dma.local @!p0 [hbm:s6], $0xF7A  }
0x23: {  	s9 =	sor.u32 $0xD0000000, s2;
	s6 =	simm.s32 $0x108;
	_ =	swait.ge @!p0 [sflag:s8], $0x0  }
0x24: {  	s3 =	sadd.s32 $0x88, s3;
	s6 =	simm.s32 @!p1 $0x1082;
	[sflag:s4] =	ssyncset.s32 $0xFFFFF086  }
0x25: {  	[simem:s6], [sflag:s4] =	dma.local [hbm:s3], $0xF7A  }
0x26: {  	[smem:$0x3F91] =	sst s1;
	(tag) =	ssettag s2;
	_ =	strace s9  }
0x27: {  	s1 =	sld [smem:$0x3FA1]  }
0x28: {  	s2 =	sld [smem:$0x3FA2]  }
0x29: {  	s4 =	sld [smem:$0x3FA4]  }
0x2a: {  	p0 =	seq.s32 s5, $0x0;
	s5 =	sld [smem:$0x3FA5]  }
0x2b: {  	s6 =	sld [smem:$0x3FA6]  }
0x2c: {  	s7 =	sld [smem:$0x3FA7]  }
0x2d: {  	s3 =	simm.s32 $0x108;
	s8 =	sld [smem:$0x3FA8]  }
0x2e: {  	s3 =	simm.s32 @!p0 $0x1082;
	s9 =	sld [smem:$0x3FA9]  }
0x2f: {  	lr =	sadd.s32 s0, s3;
	s0 =	sld [smem:$0x3FA0]  }
0x30: {  	s3 =	sld [smem:$0x3FA3]  }
0x31: {  	[smem:$0x3FAC] =	sst s10  }
0x32: {  	s10 =	sld [smem:$0x3FAA];
	_ =	sdelay $0x3  }
0x33: {  	p0 =	seq.s32 s10, $0x1;
	s10 =	sld [smem:$0x3FAC];
	_ =	sdelay $0x3  }
0x34: {  	[smem:$0x3FAC] =	sst s10  }
0x35: {  	s10 =	sld [smem:$0x3FAB];
	_ =	sdelay $0x3  }
0x36: {  	p1 =	seq.s32 s10, $0x1;
	s10 =	sld [smem:$0x3FAC];
	_ =	sdelay $0x3  }
0x37: {  	[smem:$0x3FAC] =	sst s10  }
0x38: {  	s10 =	sld [smem:$0x3FAD]  }
0x39: {  	_ = 	snop;
	(pc) =	sbr.ind lr, $3  }
0x3a: {  	_ = 	snop  }
0x3b: {  	_ = 	snop  }
0x3c: {  	p2 =	seq.s32 s10, $0x1;
	s10 =	sld [smem:$0x3FAC]  }
0x3d: {  	_ =	shalt  }
0x3e: {  	_ =	shalt  }
0x3f: {  	_ =	shalt  }
0x40: {  	_ =	shalt  }
0x41: {  	_ =	shalt  }
0x42: {  	_ =	shalt  }
0x43: {  	_ =	shalt  }
0x44: {  	_ =	shalt  }
0x45: {  	_ =	shalt  }
0x46: {  	_ =	shalt  }
0x47: {  	_ =	shalt  }
0x48: {  	_ =	shalt  }
0x49: {  	_ =	shalt  }
0x4a: {  	_ =	shalt  }
0x4b: {  	_ =	shalt  }
0x4c: {  	_ =	shalt  }
0x4d: {  	_ =	shalt  }
0x4e: {  	_ =	shalt  }
0x4f: {  	_ =	shalt  }
0x50: {  	_ =	shalt  }
0x51: {  	_ =	shalt  }
0x52: {  	_ =	shalt  }
0x53: {  	_ =	shalt  }
0x54: {  	_ =	shalt  }
0x55: {  	_ =	shalt  }
0x56: {  	_ =	shalt  }
0x57: {  	_ =	shalt  }
0x58: {  	_ =	shalt  }
0x59: {  	_ =	shalt  }
0x5a: {  	_ =	shalt  }
0x5b: {  	_ =	shalt  }
0x5c: {  	_ =	shalt  }
0x5d: {  	_ =	shalt  }
0x5e: {  	_ =	shalt  }
0x5f: {  	_ =	shalt  }
0x60: {  	_ =	shalt  }
0x61: {  	_ =	shalt  }
0x62: {  	_ =	shalt  }
0x63: {  	_ =	shalt  }
0x64: {  	_ =	shalt  }
0x65: {  	_ =	shalt  }
0x66: {  	_ =	shalt  }
0x67: {  	_ =	shalt  }
0x68: {  	_ =	shalt  }
0x69: {  	_ =	shalt  }
0x6a: {  	_ =	shalt  }
0x6b: {  	_ =	shalt  }
0x6c: {  	_ =	shalt  }
0x6d: {  	_ =	shalt  }
0x6e: {  	_ =	shalt  }
0x6f: {  	_ =	shalt  }
0x70: {  	_ =	shalt  }
0x71: {  	_ =	shalt  }
0x72: {  	_ =	shalt  }
0x73: {  	_ =	shalt  }
0x74: {  	_ =	shalt  }
0x75: {  	_ =	shalt  }
0x76: {  	_ =	shalt  }
0x77: {  	_ =	shalt  }
0x78: {  	_ =	shalt  }
0x79: {  	_ =	shalt  }
0x7a: {  	_ =	shalt  }
0x7b: {  	_ =	shalt  }
0x7c: {  	_ =	shalt  }
0x7d: {  	_ =	shalt  }
0x7e: {  	_ =	shalt  }
0x7f: {  	_ =	shalt  }
0x80: {  	_ =	shalt  }
0x81: {  	_ =	shalt  }
0x82: {  	_ =	shalt  }
0x83: {  	_ =	shalt  }
0x84: {  	_ =	shalt  }
0x85: {  	_ =	shalt  }
0x86: {  	_ =	shalt  }
0x87: {  	_ =	shalt  }
.Lfunc_end0:
.L_simem_size_0:
called_computation.2_lowered:
.L_overlay_start_0:
0x88: {  	s2 =	sld [smem:$0x3FD9]  }
0x89: {  	s3 =	sld [smem:$0x3FFE];
	_ =	sdelay $0x1  }
0x8a: {  	s1 =	srdreg.scid  }
0x8b: {  	s0 =	sand.u32 $0x1, s1  }
0x8c: {  	s16 =	sshll.u32 s0, $0xA;
	s2 =	sadd.s32 s3, s2  }
0x8d: {  	s2 =	sadd.s32 s2, s16  }
0x8e: {  	[smem:$0x3FB8] =	sst s2  }
0x8f: {  	_ = 	snop  }
0x90: {  	(tm) =	ssettm $0x1  }
0x91: {  	s17 =	sld [smem:$0x3FFB];
	_ =	sdelay $0x3  }
0x92: {  	_ =	strace s17  }
0x93: {  	s2 =	sld [smem:$0x3FFC];
	_ =	sdelay $0x3  }
0x94: {  	_ =	strace s2  }
0x95: {  	s2 =	sld [smem:$0x3FFD];
	_ =	sdelay $0x3  }
0x96: {  	_ =	strace s2  }
0x97: {  	_ =	strace $0x8FFFFFFF  }
0x98: {  	s18 =	sld [smem:$0x3FDB];
	_ =	sdelay $0x1  }
0x99: {  	s19 =	simm.s32 $_scs_section_size  }
0x9a: {  	s4 =	simm.s32 $_size__tile_overlayer_lowered;
	s5 =	simm.s32 $_tile_overlayer_lowered  }
0x9b: {  	s22 =	simm.s32 $0x1BFF;
	s21 =	sshll.u32 s5, $0x1;
	s2 =	sadd.s32 s19, s18  }
0x9c: {  	s6 =	simm.s32 $0x0;
	s20 =	sshll.u32 s4, $0x1;
	s4 =	sadd.s32 s21, s2  }
0x9d: {  	[timem:s6], [sflag:s22] =	dma.local [hbm:s4], s20  }
0x9e: {  	_ =	swait.ge [sflag:s22], s20  }
0x9f: {  	s3 =	ssub.s32 $0x0, s20;
	[sflag:s22] =	ssyncset.done $0x0  }
0xa0: {  	[sflag:s22] =	ssyncadd.s32 s3;
	_ =	sdelay $0x1  }
0xa1: {  	s23 =	simm.s32 $0x1B8B  }
0xa2: {  	_ =	swait.ge [sflag:s23], $0x1  }
0xa3: {  	[sflag:s23] =	ssyncset.done $0x0  }
0xa4: {  	s25 =	simm.s32 $0x1B8E;
	s24 =	sld [smem:$0x3FFE];
	[sflag:s23] =	ssyncadd.s32 $0xFFFFFFFF  }
0xa5: {  	s26 =	simm.s32 $execute0_lowered;
	[smem:$0x3FD2] =	sst s25  }
0xa6: {  	s4 =	sshll.u32 s26, $0x1;
	_ =	strace $0x8000004C;
	[dreg:$0x1] =	wrdreg $0xFFFFFFFF  }
0xa7: {  	s28 =	simm.s32 $_size_execute0_lowered;
	s2 =	sadd.s32 s2, s4;
	[dreg:$0x0] =	wrdreg $0x0  }
0xa8: {  	s4 =	sshll.u32 s28, $0x1;
	[dreg:$0x2] =	wrdreg s2  }
0xa9: {  	[dreg:$0x3] =	wrdreg s4  }
0xaa: {  	[dreg:$0x4] =	wrdreg $0xC0  }
0xab: {  	_ =	task [dreg:s6], $0x5FFFF  }
0xac: {  	[dreg:$0x1] =	wrdreg $0xFFFFFFFF  }
0xad: {  	[dreg:$0x0] =	wrdreg $0x60  }
0xae: {  	[dreg:$0x2] =	wrdreg s24  }
0xaf: {  	[dreg:$0x3] =	wrdreg $0xB7100  }
0xb0: {  	[dreg:$0x4] =	wrdreg $0x107100  }
0xb1: {  	[dreg:$0x5] =	wrdreg $0x9  }
0xb2: {  	_ =	task.clear_ibuf [dreg:s6], $0x6FFFF;
	_ =	strace $0x9000004C  }
0xb3: {  	s29 =	simm.s32 $0x9;
	_ =	strace $0x8000004E  }
0xb4: {  	_ =	swait.ge [sflag:s29], $0x1  }
0xb5: {  	[sflag:s29] =	ssyncadd.s32 $0xFFFFFFFF  }
0xb6: {  	_ =	strace $0x9000004E  }
0xb7: {  	_ =	sfence  }
0xb8: {  	s30 =	sld [smem:$0x0];
	_ =	sdelay $0x2  }
0xb9: {  	s31 =	sshll.u32 s1, $0xD;
	s1 =	sshrl.u32 s1, $0x2  }
0xba: {  	s3 =	sand.u32 $0x4000, s31;
	s1 =	sadd.s32 s1, s30  }
0xbb: {  	s0 =	sor.u32 s3, s0;
	s1 =	sshll.u32 s1, $0x11  }
0xbc: {  	s0 =	sor.u32 s1, s0  }
0xbd: {  	s0 =	sadd.s32 $0x8F2B, s0  }
0xbe: {  	[sflag:s0] =	ssyncadd.remote.s32 $0x1  }
0xbf: {  	_ =	sfence.sel $0xFFFF  }
0xc0: {  	[dreg:$0x0] =	wrdreg $0xFFFFFFFF;
	(pc) =	sbr.abs _section_cstart, $3  }
0xc1: {  	[dreg:$0x1] =	wrdreg $0xFFFFFFFF  }
0xc2: {  	_ =	task.clear_ibuf [dreg:s6], $0x2FFFF;
	_ =	strace $0x9FFFFFFF  }
0xc3: {  	(tm) =	ssettm $0x7FFFFFFF  }
tec
execute0_lowered:
.L_overlay_start_1:
0x0: {  	(tag) =	ssettag $0x1  }
0x1: {  	s0 =	rddreg [dreg:$0x0]  }
0x2: {  	s1 =	srdreg.scid;
	s2 =	rddreg [dreg:$0x1]  }
0x3: {  	s3 =	rddreg [dreg:$0x2];
	s13 =	stileid.u32;
	s6 =	simm.s32 $0x0  }
0x4: {  	s15 =	simm.s32 $0x1;
	s16 =	simm.s32 $0x4;
	s17 =	simm.s32 $0x10  }
0x5: {  	s28 =	simm.s32 $0xA710;
	s29 =	simm.s32 $0x2;
	s31 =	simm.s32 $0x5  }
0x6: {  	s30 =	simm.s32 $0x7;
	s5 =	sand.u32 $0x3, s13;
	s11 =	smul.u32 $0x5000, s13  }
0x7: {  	s1 =	sand.u32 $0x1, s1;
	[smem:$0x7FF] =	sst s6;
	s7 =	smul.u32 $0x14000, s5  }
0x8: {  	s19 =	sshrl.u32 s13, $0x2;
	s26 =	sshll.u32 s13, $0x6;
	s10 =	smul.u32 $0x50000, s1  }
0x9: {  	s4 =	sshll.u32 s1, $0x4;
	_ =	strace $0x8000004D;
	s5 =	smul.u32 $0x280, s5  }
0xa: {  	s8 =	sshll.u32 s19, $0x5;
	s6 =	smul.u32 $0xA00, s19;
	s1 =	ssub.s32 $0x2, s1  }
0xb: {  	s19 =	simm.s32 $0x80;
	s4 =	sor.u32 s13, s4;
	s20 =	sshrl.u32 s11, $0x3  }
0xc: {  	s22 =	sshrl.u32 s1, $0x1;
	s12 =	sadd.s32 s11, s3;
	s11 =	simm.s32 $0x9  }
0xd: {  	s13 =	sor.u32 $0x1C09, s26;
	s4 =	smul.u32 $0x2710, s4;
	s9 =	sor.u32 s8, s7  }
0xe: {  	s7 =	sadd.s32 s10, s7;
	s21 =	sadd.s32 s20, s0;
	s6 =	sadd.s32 s5, s6  }
0xf: {  	s1 =	ssub.s32 s1, s22;
	s18 =	sshrl.u32 s12, $0x3;
	s20 =	simm.s32 $0x7710  }
0x10: {  	s22 =	simm.s32 $0x6;
	s12 =	simm.s32 $0x0;
	s9 =	sshrl.u32 s9, $0x3  }
0x11: {  	s7 =	sor.u32 s8, s7;
	s23 =	sshll.u32 s6, $0x5;
	s8 =	sadd.s32 $0x21200, s21  }
0x12: {  	s10 =	smax.u32 s1, $0x1;
	s21 =	simm.s32 $0x8710;
	s1 =	simm.s32 $0x3  }
0x13: {  	s4 =	sshrl.u32 s4, $0x3;
	s9 =	sadd.s32 s9, s0;
	s7 =	sshrl.u32 s7, $0x3  }
0x14: {  	s24 =	sadd.s32 s23, s2;
	s25 =	sadd.s32 s23, s3;
	s23 =	simm.s32 $0x9710  }
0x15: {  	s4 =	sadd.s32 s4, s0;
	s0 =	sadd.s32 s7, s0;
	s7 =	sadd.s32 $0x17200, s9  }
0x16: {  	s14 =	sshrl.u32 s24, $0x3;
	s25 =	sshrl.u32 s25, $0x3;
	s24 =	simm.s32 $0x8  }
0x17: {  	v0 =	vimm.s32 $0x0;
	v1 =	vimm.s32 $0x2710;
	s5 =	sadd.s32 $0x3800, s4;
	s6 =	sadd.s32 $0xD440, s4;
	s9 =	sadd.s32 $0x2B200, s0  }
.LBB2_1:
0x18: {  	s0 =	simm.s32 $0x0  }
0x19: {  	[tilespmem:s0], [sflag:$0x9] =	stream.linear.gather [hbm4b:s5+s0], $0x2710, $0x38;
	[tilespmem:$0x15710] =	vst v63  }
0x1a: {  	_ =	swait.ge [sflag:s11], $0x2710  }
0x1b: {  	[sflag:s11] =	ssyncset.done $0x0  }
0x1c: {  	s4 =	simm.s32 $0x2800;
	[sflag:s11] =	ssyncadd.s32 $0xFFFFD8F0  }
0x1d: {  	[tilespmem:s4], [sflag:$0x9] =	stream.linear.gather [hbm4b:s6+s0], $0x2710, $0x38;
	[tilespmem:$0x15710] =	vst v63  }
0x1e: {  	_ =	swait.ge [sflag:s11], $0x2710  }
0x1f: {  	[sflag:s11] =	ssyncset.done $0x0  }
0x20: {  	[sflag:s11] =	ssyncadd.s32 $0xFFFFD8F0  }
0x21: {  	[spmem:s14@s16], [sflag:s13] =	dma.strided [hbm:s7@s17], $0xA00, s15, $0x4   }
0x22: {  	_ =	swait.ge [sflag:s11], $0xA00  }
0x23: {  	[sflag:s11] =	ssyncset.done $0x0  }
0x24: {  	[sflag:s11] =	ssyncadd.s32 $0xFFFFF600  }
0x25: {  	[spmem:s18], [sflag:s13] =	dma.local [hbm:s8], $0xA00  }
0x26: {  	_ =	swait.ge [sflag:s11], $0xA00  }
0x27: {  	[sflag:s11] =	ssyncset.done $0x0  }
0x28: {  	[sflag:s11] =	ssyncadd.s32 $0xFFFFF600  }
0x29: {  	[tilespmem:$0x2710] =	vst v0  }
0x2a: {  	[tilespmem:$0x2720] =	vst v0  }
0x2b: {  	[tilespmem:$0x2730] =	vst v0  }
0x2c: {  	[tilespmem:$0x2740] =	vst v0  }
0x2d: {  	[tilespmem:$0x2750] =	vst v0  }
0x2e: {  	[tilespmem:$0x2760] =	vst v0  }
0x2f: {  	[tilespmem:$0x2770] =	vst v0  }
0x30: {  	[tilespmem:$0x2780] =	vst v0  }
0x31: {  	[tilespmem:$0x2790] =	vst v0  }
0x32: {  	[tilespmem:$0x27A0] =	vst v0  }
0x33: {  	[tilespmem:$0x27B0] =	vst v0  }
0x34: {  	[tilespmem:$0x27C0] =	vst v0  }
0x35: {  	[tilespmem:$0x27D0] =	vst v0  }
0x36: {  	[tilespmem:$0x27E0] =	vst v0  }
0x37: {  	s0 =	simm.s32 $0x0;
	[tilespmem:$0x27F0] =	vst v0  }
0x38: {  	v5 =	vld [tilespmem:s0+$0x2870]  }
0x39: {  	v6 =	vld [tilespmem:s0+$0x2800]  }
0x3a: {  	v7 =	vld [tilespmem:s0+$0x2810]  }
0x3b: {  	v4 =	vld [tilespmem:s0+$0x2820]  }
0x3c: {  	v2 =	vld [tilespmem:s0+$0x2830]  }
0x3d: {  	v3 =	vld [tilespmem:s0+$0x2840];
	[tilespmem:s0+$0x4F80] =	vst v5  }
0x3e: {  	[tilespmem:s0+$0x4F10] =	vst v6;
	v5 =	vld [tilespmem:s0+$0x2850]  }
0x3f: {  	s26 =	simm.s32 $0x80;
	s4 =	simm.s32 $0x400;
	[tilespmem:s0+$0x4F20] =	vst v7;
	v6 =	vld [tilespmem:s0+$0x2860]  }
.LBB2_2:
0x40: {  	p0 =	sne.s32 s4, $0x9A00;
	v7 =	vld [tilespmem:s26+$0x2870];
	[tilespmem:s0+$0x4F30] =	vst v4  }
0x41: {  	v8 =	vld [tilespmem:s26+$0x2800];
	[tilespmem:s0+$0x4F40] =	vst v2  }
0x42: {  	v9 =	vld [tilespmem:s26+$0x2810];
	[tilespmem:s0+$0x4F50] =	vst v3  }
.Ltmp0:
0x43: {  	v4 =	vld [tilespmem:s26+$0x2820];
	[tilespmem:s0+$0x4F60] =	vst v5;
	(pc) =	sbr.rel @p0 .LBB2_2-.Ltmp0, $4  }
0x44: {  	v2 =	vld [tilespmem:s26+$0x2830];
	[tilespmem:s0+$0x4F70] =	vst v6;
	s0 =	smov.u32 s26  }
0x45: {  	v3 =	vld [tilespmem:s0+$0x2840];
	[tilespmem:s0+$0x4F80] =	vst v7  }
0x46: {  	[tilespmem:s0+$0x4F10] =	vst v8;
	v5 =	vld [tilespmem:s0+$0x2850]  }
0x47: {  	s26 =	sshra.s32 s4, $0x2;
	s4 =	sadd.s32 $0x200, s4;
	[tilespmem:s0+$0x4F20] =	vst v9;
	v6 =	vld [tilespmem:s0+$0x2860]  }
0x48: {  	v7 =	vld [tilespmem:s26+$0x2870];
	[tilespmem:s0+$0x4F30] =	vst v4  }
0x49: {  	v4 =	vld [tilespmem:s26+$0x2800];
	[tilespmem:s0+$0x4F40] =	vst v2  }
0x4a: {  	v2 =	vld [tilespmem:s26+$0x2810];
	[tilespmem:s0+$0x4F50] =	vst v3  }
0x4b: {  	v3 =	vld [tilespmem:s26+$0x2820];
	[tilespmem:s0+$0x4F60] =	vst v5  }
0x4c: {  	v5 =	vld [tilespmem:s26+$0x2830];
	[tilespmem:s0+$0x4F70] =	vst v6  }
0x4d: {  	v6 =	vld [tilespmem:s26+$0x2840];
	[tilespmem:s26+$0x4F80] =	vst v7  }
0x4e: {  	v63 =	vld [tilespmem:s26+$0x2850];
	[tilespmem:s26+$0x4F10] =	vst v4  }
0x4f: {  	[tilespmem:s26+$0x4F20] =	vst v2;
	v2 =	vld [tilespmem:s26+$0x2860]  }
0x50: {  	[tilespmem:s26+$0x4F30] =	vst v3  }
0x51: {  	[tilespmem:s26+$0x4F40] =	vst v5  }
0x52: {  	[tilespmem:s26+$0x4F50] =	vst v6  }
0x53: {  	[tilespmem:s26+$0x4F60] =	vst v63  }
0x54: {  	[tilespmem:s26+$0x4F70] =	vst v2  }
0x55: {  	[tilespmem:$0x7620] =	vst v1  }
0x56: {  	[tilespmem:$0x7630] =	vst v1  }
0x57: {  	[tilespmem:$0x7640] =	vst v1  }
0x58: {  	[tilespmem:$0x7650] =	vst v1  }
0x59: {  	[tilespmem:$0x7660] =	vst v1  }
0x5a: {  	[tilespmem:$0x7670] =	vst v1  }
0x5b: {  	[tilespmem:$0x7680] =	vst v1  }
0x5c: {  	[tilespmem:$0x7690] =	vst v1  }
0x5d: {  	[tilespmem:$0x76A0] =	vst v1  }
0x5e: {  	[tilespmem:$0x76B0] =	vst v1  }
0x5f: {  	v2 =	vld [tilespmem:$0x4F00];
	[tilespmem:$0x76C0] =	vst v1  }
0x60: {  	[tilespmem:$0x76D0] =	vst v1  }
0x61: {  	[tilespmem:$0x76E0] =	vst v1  }
0x62: {  	[tilespmem:$0x76F0] =	vst v1  }
0x63: {  	[tilespmem:$0x7700] =	vst v1  }
0x64: {  	[tilespmem:$0x7610] =	vst v2  }
0x65: {  	s4 =	simm.s32 $0x0;
	[bflag:$0x0] =	sbarrier.arrive $0xFFFF  }
0x66: {  	[tilespmem:s20], [sflag:$0x1] =	stream.indirect.gather [spmem:s2], $0x20, s4, s19, $0xb8;
	[tilespmem:$0x15710] =	vst v63  }
0x67: {  	_ = 	snop  }
0x68: {  	[tilespmem:s21], [sflag:$0x2] =	stream.indirect.gather [spmem:s2], $0x20, s19, s19, $0xb8;
	[tilespmem:$0x15710] =	vst v63  }
0x69: {  	s26 =	simm.s32 $0x100  }
0x6a: {  	[tilespmem:s23], [sflag:$0x3] =	stream.indirect.gather [spmem:s2], $0x20, s26, s19, $0xb8;
	[tilespmem:$0x15710] =	vst v63  }
0x6b: {  	_ =	swait.ge [sflag:s15], $0x1000  }
0x6c: {  	[sflag:s15] =	ssyncset.done $0x0  }
0x6d: {  	s4 =	simm.s32 $0x4F10;
	[sflag:s15] =	ssyncadd.s32 $0xFFFFF000  }
0x6e: {  	[spmem:s3] =	stream.indirect.scatter.add.f32 [tilespmem:s20], [sflag:$0x5], $0x20, s4, s19, $0xb8;
	[tilespmem:$0x15710] =	vst v63  }
0x6f: {  	s26 =	simm.s32 $0x180  }
0x70: {  	[tilespmem:s28], [sflag:$0x4] =	stream.indirect.gather [spmem:s2], $0x20, s26, s19, $0xb8;
	[tilespmem:$0x15710] =	vst v63  }
0x71: {  	_ =	swait.ge [sflag:s29], $0x1000  }
0x72: {  	[sflag:s29] =	ssyncset.done $0x0  }
0x73: {  	s4 =	simm.s32 $0x4F90;
	[sflag:s29] =	ssyncadd.s32 $0xFFFFF000  }
0x74: {  	[spmem:s3] =	stream.indirect.scatter.add.f32 [tilespmem:s21], [sflag:$0x6], $0x20, s4, s19, $0xb8;
	[tilespmem:$0x15710] =	vst v63  }
0x75: {  	_ =	swait.ge [sflag:s31], $0x1000  }
0x76: {  	[sflag:s31] =	ssyncset.done $0x0  }
0x77: {  	s26 =	simm.s32 $0x200;
	[sflag:s31] =	ssyncadd.s32 $0xFFFFF000  }
0x78: {  	[tilespmem:s20], [sflag:$0x1] =	stream.indirect.gather [spmem:s2], $0x20, s26, s19, $0xb8;
	[tilespmem:$0x15710] =	vst v63  }
0x79: {  	_ =	swait.ge [sflag:s1], $0x1000  }
0x7a: {  	[sflag:s1] =	ssyncset.done $0x0  }
0x7b: {  	s4 =	simm.s32 $0x5010;
	[sflag:s1] =	ssyncadd.s32 $0xFFFFF000  }
0x7c: {  	[spmem:s3] =	stream.indirect.scatter.add.f32 [tilespmem:s23], [sflag:$0x7], $0x20, s4, s19, $0xb8;
	[tilespmem:$0x15710] =	vst v63  }
0x7d: {  	_ =	swait.ge [sflag:s22], $0x1000  }
0x7e: {  	[sflag:s22] =	ssyncset.done $0x0  }
0x7f: {  	s26 =	simm.s32 $0x280;
	[sflag:s22] =	ssyncadd.s32 $0xFFFFF000  }
0x80: {  	[tilespmem:s21], [sflag:$0x2] =	stream.indirect.gather [spmem:s2], $0x20, s26, s19, $0xb8;
	[tilespmem:$0x15710] =	vst v63  }
0x81: {  	_ =	swait.ge [sflag:s16], $0x1000  }
0x82: {  	[sflag:s16] =	ssyncset.done $0x0  }
0x83: {  	s4 =	simm.s32 $0x5090;
	[sflag:s16] =	ssyncadd.s32 $0xFFFFF000  }
0x84: {  	[spmem:s3] =	stream.indirect.scatter.add.f32 [tilespmem:s28], [sflag:$0x8], $0x20, s4, s19, $0xb8;
	[tilespmem:$0x15710] =	vst v63  }
0x85: {  	_ =	swait.ge [sflag:s30], $0x1000  }
0x86: {  	[sflag:s30] =	ssyncset.done $0x0  }
0x87: {  	s26 =	simm.s32 $0x300;
	[sflag:s30] =	ssyncadd.s32 $0xFFFFF000  }
0x88: {  	[tilespmem:s23], [sflag:$0x3] =	stream.indirect.gather [spmem:s2], $0x20, s26, s19, $0xb8;
	[tilespmem:$0x15710] =	vst v63  }
0x89: {  	_ =	swait.ge [sflag:s15], $0x1000  }
0x8a: {  	[sflag:s15] =	ssyncset.done $0x0  }
0x8b: {  	s4 =	simm.s32 $0x5110;
	[sflag:s15] =	ssyncadd.s32 $0xFFFFF000  }
0x8c: {  	[spmem:s3] =	stream.indirect.scatter.add.f32 [tilespmem:s20], [sflag:$0x5], $0x20, s4, s19, $0xb8;
	[tilespmem:$0x15710] =	vst v63  }
0x8d: {  	_ =	swait.ge [sflag:s24], $0x1000  }
0x8e: {  	[sflag:s24] =	ssyncset.done $0x0  }
0x8f: {  	s26 =	simm.s32 $0x380;
	[sflag:s24] =	ssyncadd.s32 $0xFFFFF000  }
0x90: {  	[tilespmem:s28], [sflag:$0x4] =	stream.indirect.gather [spmem:s2], $0x20, s26, s19, $0xb8;
	[tilespmem:$0x15710] =	vst v63  }
0x91: {  	_ =	swait.ge [sflag:s29], $0x1000  }
0x92: {  	[sflag:s29] =	ssyncset.done $0x0  }
0x93: {  	s4 =	simm.s32 $0x5190;
	[sflag:s29] =	ssyncadd.s32 $0xFFFFF000  }
0x94: {  	[spmem:s3] =	stream.indirect.scatter.add.f32 [tilespmem:s21], [sflag:$0x6], $0x20, s4, s19, $0xb8;
	[tilespmem:$0x15710] =	vst v63  }
0x95: {  	_ =	swait.ge [sflag:s31], $0x1000  }
0x96: {  	[sflag:s31] =	ssyncset.done $0x0  }
0x97: {  	s26 =	simm.s32 $0x400;
	[sflag:s31] =	ssyncadd.s32 $0xFFFFF000  }
0x98: {  	[tilespmem:s20], [sflag:$0x1] =	stream.indirect.gather [spmem:s2], $0x20, s26, s19, $0xb8;
	[tilespmem:$0x15710] =	vst v63  }
0x99: {  	_ =	swait.ge [sflag:s1], $0x1000  }
0x9a: {  	[sflag:s1] =	ssyncset.done $0x0  }
0x9b: {  	s4 =	simm.s32 $0x5210;
	[sflag:s1] =	ssyncadd.s32 $0xFFFFF000  }
0x9c: {  	[spmem:s3] =	stream.indirect.scatter.add.f32 [tilespmem:s23], [sflag:$0x7], $0x20, s4, s19, $0xb8;
	[tilespmem:$0x15710] =	vst v63  }
0x9d: {  	_ =	swait.ge [sflag:s22], $0x1000  }
0x9e: {  	[sflag:s22] =	ssyncset.done $0x0  }
0x9f: {  	s26 =	simm.s32 $0x480;
	[sflag:s22] =	ssyncadd.s32 $0xFFFFF000  }
0xa0: {  	[tilespmem:s21], [sflag:$0x2] =	stream.indirect.gather [spmem:s2], $0x20, s26, s19, $0xb8;
	[tilespmem:$0x15710] =	vst v63  }
0xa1: {  	_ =	swait.ge [sflag:s16], $0x1000  }
0xa2: {  	[sflag:s16] =	ssyncset.done $0x0  }
0xa3: {  	s4 =	simm.s32 $0x5290;
	[sflag:s16] =	ssyncadd.s32 $0xFFFFF000  }
0xa4: {  	[spmem:s3] =	stream.indirect.scatter.add.f32 [tilespmem:s28], [sflag:$0x8], $0x20, s4, s19, $0xb8;
	[tilespmem:$0x15710] =	vst v63  }
0xa5: {  	_ =	swait.ge [sflag:s30], $0x1000  }
0xa6: {  	[sflag:s30] =	ssyncset.done $0x0  }
0xa7: {  	s26 =	simm.s32 $0x500;
	[sflag:s30] =	ssyncadd.s32 $0xFFFFF000  }
0xa8: {  	[tilespmem:s23], [sflag:$0x3] =	stream.indirect.gather [spmem:s2], $0x20, s26, s19, $0xb8;
	[tilespmem:$0x15710] =	vst v63  }
0xa9: {  	_ =	swait.ge [sflag:s15], $0x1000  }
0xaa: {  	[sflag:s15] =	ssyncset.done $0x0  }
0xab: {  	s4 =	simm.s32 $0x5310;
	[sflag:s15] =	ssyncadd.s32 $0xFFFFF000  }
0xac: {  	[spmem:s3] =	stream.indirect.scatter.add.f32 [tilespmem:s20], [sflag:$0x5], $0x20, s4, s19, $0xb8;
	[tilespmem:$0x15710] =	vst v63  }
0xad: {  	_ =	swait.ge [sflag:s24], $0x1000  }
0xae: {  	[sflag:s24] =	ssyncset.done $0x0  }
0xaf: {  	s26 =	simm.s32 $0x580;
	[sflag:s24] =	ssyncadd.s32 $0xFFFFF000  }
0xb0: {  	[tilespmem:s28], [sflag:$0x4] =	stream.indirect.gather [spmem:s2], $0x20, s26, s19, $0xb8;
	[tilespmem:$0x15710] =	vst v63  }
0xb1: {  	_ =	swait.ge [sflag:s29], $0x1000  }
0xb2: {  	[sflag:s29] =	ssyncset.done $0x0  }
0xb3: {  	s0 =	simm.s32 $0x5390;
	s26 =	simm.s32 $0x800;
	[sflag:s29] =	ssyncadd.s32 $0xFFFFF000  }
.LBB2_4:
0xb4: {  	[spmem:s3] =	stream.indirect.scatter.add.f32 [tilespmem:s21], [sflag:$0x6], $0x20, s0, s19, $0xb8;
	[tilespmem:$0x15710] =	vst v63  }
0xb5: {  	s0 =	smov.u32 s26;
	s26 =	sadd.s32 $0x800, s26;
	_ =	swait.ge [sflag:s31], $0x1000  }
0xb6: {  	s0 =	sshra.s32 s0, $0x2;
	p0 =	sne.s32 s26, $0x9000;
	[sflag:s31] =	ssyncset.done $0x0  }
0xb7: {  	s4 =	sadd.s32 $0x400, s0;
	[sflag:s31] =	ssyncadd.s32 $0xFFFFF000  }
0xb8: {  	[tilespmem:s20], [sflag:$0x1] =	stream.indirect.gather [spmem:s2], $0x20, s4, s19, $0xb8;
	[tilespmem:$0x15710] =	vst v63  }
0xb9: {  	_ =	swait.ge [sflag:s1], $0x1000  }
0xba: {  	[sflag:s1] =	ssyncset.done $0x0  }
0xbb: {  	s4 =	sadd.s32 $0x5210, s0;
	[sflag:s1] =	ssyncadd.s32 $0xFFFFF000  }
0xbc: {  	[spmem:s3] =	stream.indirect.scatter.add.f32 [tilespmem:s23], [sflag:$0x7], $0x20, s4, s19, $0xb8;
	[tilespmem:$0x15710] =	vst v63  }
0xbd: {  	_ =	swait.ge [sflag:s22], $0x1000  }
0xbe: {  	[sflag:s22] =	ssyncset.done $0x0  }
0xbf: {  	s4 =	sadd.s32 $0x480, s0;
	[sflag:s22] =	ssyncadd.s32 $0xFFFFF000  }
0xc0: {  	[tilespmem:s21], [sflag:$0x2] =	stream.indirect.gather [spmem:s2], $0x20, s4, s19, $0xb8;
	[tilespmem:$0x15710] =	vst v63  }
0xc1: {  	_ =	swait.ge [sflag:s16], $0x1000  }
0xc2: {  	[sflag:s16] =	ssyncset.done $0x0  }
0xc3: {  	s4 =	sadd.s32 $0x5290, s0;
	[sflag:s16] =	ssyncadd.s32 $0xFFFFF000  }
0xc4: {  	[spmem:s3] =	stream.indirect.scatter.add.f32 [tilespmem:s28], [sflag:$0x8], $0x20, s4, s19, $0xb8;
	[tilespmem:$0x15710] =	vst v63  }
0xc5: {  	_ =	swait.ge [sflag:s30], $0x1000  }
0xc6: {  	[sflag:s30] =	ssyncset.done $0x0  }
0xc7: {  	s4 =	sadd.s32 $0x500, s0;
	[sflag:s30] =	ssyncadd.s32 $0xFFFFF000  }
0xc8: {  	[tilespmem:s23], [sflag:$0x3] =	stream.indirect.gather [spmem:s2], $0x20, s4, s19, $0xb8;
	[tilespmem:$0x15710] =	vst v63  }
0xc9: {  	_ =	swait.ge [sflag:s15], $0x1000  }
0xca: {  	[sflag:s15] =	ssyncset.done $0x0  }
0xcb: {  	s4 =	sadd.s32 $0x5310, s0;
	[sflag:s15] =	ssyncadd.s32 $0xFFFFF000  }
0xcc: {  	[spmem:s3] =	stream.indirect.scatter.add.f32 [tilespmem:s20], [sflag:$0x5], $0x20, s4, s19, $0xb8;
	[tilespmem:$0x15710] =	vst v63  }
0xcd: {  	_ =	swait.ge [sflag:s24], $0x1000  }
0xce: {  	[sflag:s24] =	ssyncset.done $0x0  }
.Ltmp1:
0xcf: {  	s4 =	sadd.s32 $0x580, s0;
	[sflag:s24] =	ssyncadd.s32 $0xFFFFF000;
	(pc) =	sbr.rel @p0 .LBB2_4-.Ltmp1, $4  }
0xd0: {  	[tilespmem:s28], [sflag:$0x4] =	stream.indirect.gather [spmem:s2], $0x20, s4, s19, $0xb8;
	[tilespmem:$0x15710] =	vst v63  }
0xd1: {  	_ =	swait.ge [sflag:s29], $0x1000  }
0xd2: {  	[sflag:s29] =	ssyncset.done $0x0  }
0xd3: {  	s0 =	sadd.s32 $0x5390, s0;
	[sflag:s29] =	ssyncadd.s32 $0xFFFFF000  }
0xd4: {  	[spmem:s3] =	stream.indirect.scatter.add.f32 [tilespmem:s21], [sflag:$0x6], $0x20, s0, s19, $0xb8;
	[tilespmem:$0x15710] =	vst v63  }
0xd5: {  	_ =	swait.ge [sflag:s1], $0x1000  }
0xd6: {  	s26 =	sshra.s32 s26, $0x2;
	[sflag:s1] =	ssyncset.done $0x0  }
0xd7: {  	s4 =	sadd.s32 $0x5210, s26;
	[sflag:s1] =	ssyncadd.s32 $0xFFFFF000  }
0xd8: {  	[spmem:s3] =	stream.indirect.scatter.add.f32 [tilespmem:s23], [sflag:$0x7], $0x20, s4, s19, $0xb8;
	[tilespmem:$0x15710] =	vst v63  }
0xd9: {  	_ =	swait.ge [sflag:s16], $0x1000  }
0xda: {  	[sflag:s16] =	ssyncset.done $0x0  }
0xdb: {  	s0 =	sadd.s32 $0x5290, s26;
	[sflag:s16] =	ssyncadd.s32 $0xFFFFF000  }
0xdc: {  	[spmem:s3] =	stream.indirect.scatter.add.f32 [tilespmem:s28], [sflag:$0x8], $0x20, s0, s19, $0xb8;
	[tilespmem:$0x15710] =	vst v63  }
0xdd: {  	_ =	swait.ge [sflag:s31], $0x1000  }
0xde: {  	[sflag:s31] =	ssyncset.done $0x0  }
0xdf: {  	[sflag:s31] =	ssyncadd.s32 $0xFFFFF000  }
0xe0: {  	_ =	swait.ge [sflag:s22], $0x1000  }
0xe1: {  	[sflag:s22] =	ssyncset.done $0x0  }
0xe2: {  	[sflag:s22] =	ssyncadd.s32 $0xFFFFF000  }
0xe3: {  	_ =	swait.ge [sflag:s30], $0x1000  }
0xe4: {  	[sflag:s30] =	ssyncset.done $0x0  }
0xe5: {  	[sflag:s30] =	ssyncadd.s32 $0xFFFFF000  }
0xe6: {  	_ =	swait.ge [sflag:s24], $0x1000  }
0xe7: {  	s12 =	sadd.s32 $0x1, s12;
	[sflag:s24] =	ssyncset.done $0x0  }
0xe8: {  	p0 =	sne.s32 s12, s10;
	[sflag:s24] =	ssyncadd.s32 $0xFFFFF000  }
.Ltmp2:
0xe9: {  	[bflag:$0x0] =	sbarrier.arrive $0xFFFF;
	(pc) =	sbr.rel @p0 .LBB2_1-.Ltmp2, $4  }
0xea: {  	[hbm:s9@s17], [sflag:s13] =	dma.strided [spmem:s25@s16], $0xA00, s15, $0x4   }
0xeb: {  	_ =	swait.ge [sflag:s11], $0xA00  }
0xec: {  	[sflag:s11] =	ssyncset.done $0x0  }
0xed: {  	[sflag:s11] =	ssyncadd.s32 $0xFFFFF600  }
0xee: {  	_ =	sfence.sel $0x180000  }
0xef: {  	[bflag:$0x0] =	sbarrier.arrive $0xFFFF  }
0xf0: {  	_ =	strace $0x9000004D  }
0xf1: {  	s0 =	stileid.u32;
	[bflag:$0x2] =	sbarrier.arrive $0xFFFF  }
0xf2: {  	p0 =	sne.s32 s0, $0x0;
	s0 =	rddreg [dreg:$0x3]  }
0xf3: {  	s0 =	sadd.s32 @!p0 $0x100000, s0  }
0xf4: {  	[sflag:s0] =	ssyncadd.tile.s32 @!p0 $0x1;
	_ =	shalt  }
.Lfunc_end2:
_tile_overlayer_lowered:
.L_overlay_start_2:
0xf5: {  	(tag) =	ssettag $0x2  }
0xf6: {  	s0 =	rddreg [dreg:$0x0];
	s2 =	stileid.u32  }
0xf7: {  	s1 =	rddreg [dreg:$0x1];
	p0 =	sne.s32 s2, $0x0  }
0xf8: {  	s3 =	rddreg [dreg:$0x2];
	[bflag:$0x3] =	sbarrier.arrive $0xFFFF;
	s2 =	simm.s32 @!p0 $0x1C09  }
0xf9: {  	[timem:s3], [sflag:s2] =	dma.local @!p0 [hbm:s0], s1  }
0xfa: {  	s0 =	simm.s32 @!p0 $0x9  }
0xfb: {  	_ =	swait.ge @!p0 [sflag:s0], s1  }
0xfc: {  	s1 =	ssub.s32 @!p0 $0x0, s1;
	[sflag:s0] =	ssyncset.done @!p0 $0x0  }
0xfd: {  	[sflag:s0] =	ssyncadd.s32 @!p0 s1  }
0xfe: {  	[bflag:$0x3] =	sbarrier.arrive $0xFFFF  }
0xff: {  	_ =	shalt  }

// kernel: kernel.9.cloned.1.call-start
scs
__scs_entry_jumppad:
0x0: {  	(pc) =	sbr.rel $0x88, $3  }
0x1: {  	(tag) =	ssettag $0x0;
	lr =	simm.s32 $0x1  }
0x2: {  	[smem:$0x3F91] =	sst lr;
	_ =	strace $0xD0000000  }
0x3: {  	_ = 	snop  }
0x4: {  	_ = 	snop  }
0x5: {  	_ = 	snop  }
0x6: {  	_ = 	snop  }
0x7: {  	_ = 	snop  }
__scs_overlays_trampoline_lowered:
0x8: {  	[smem:$0x3FA0] =	sst s0  }
0x9: {  	[smem:$0x3FA1] =	sst s1  }
0xa: {  	[smem:$0x3FA2] =	sst s2  }
0xb: {  	[smem:$0x3FA3] =	sst s3  }
0xc: {  	[smem:$0x3FA4] =	sst s4  }
0xd: {  	[smem:$0x3FA5] =	sst s5  }
0xe: {  	[smem:$0x3FA6] =	sst s6  }
0xf: {  	[smem:$0x3FA7] =	sst s7  }
0x10: {  	[smem:$0x3FA8] =	sst s8  }
0x11: {  	[smem:$0x3FA9] =	sst s9;
	s0 =	simm.s32 @!p0 $0x0  }
0x12: {  	s1 =	sld [smem:$0x3F8F];
	s0 =	simm.s32 @p0 $0x1  }
0x13: {  	[smem:$0x3FAA] =	sst s0;
	s0 =	simm.s32 @!p1 $0x0  }
0x14: {  	s2 =	sld [smem:$0x3F8E];
	s0 =	simm.s32 @p1 $0x1  }
0x15: {  	[smem:$0x3FAB] =	sst s0;
	s0 =	simm.s32 @!p2 $0x0  }
0x16: {  	s3 =	sld [smem:$0x3FDB];
	s0 =	simm.s32 @p2 $0x1  }
0x17: {  	s4 =	simm.s32 $0x1BF5;
	[smem:$0x3FAD] =	sst s0  }
0x18: {  	s0 =	sld [smem:$0x3F90];
	_ =	swait.ge [sflag:s4], $0x0  }
0x19: {  	s7 =	sld [smem:$0x3F91]  }
0x1a: {  	s8 =	sadd.s32 $0xFFFFE003, lr  }
0x1b: {  	s9 =	sadd.s32 $0xFFFFFEF7, lr;
	s5 =	simm.s32 $0xFFFFFFFF;
	p2 =	slt.u32 s8, $0xFFFFF086  }
0x1c: {  	p1 =	slt.u32 s9, $0xF7A;
	s5 =	simm.s32 @!p2 $0x0  }
0x1d: {  	s5 =	simm.s32 @p1 $0x1;
	p0 =	seq.s32 s7, s2  }
0x1e: {  	s7 =	smul.u32 @!p0 $0xF7A, s2;
	p2 =	seq.s32 @!p0 s5, $0x0  }
0x1f: {  	s9 =	smul.u32 $0xF7A, s1;
	s8 =	simm.s32 @!p0 $0x1BF5;
	p2 =	por !p2, p0  }
0x20: {  	[sflag:s8] =	ssyncset.s32 @!p0 $0xFFFFF086;
	s6 =	sadd.s32 @!p0 s3, s7;
	s7 =	simm.s32 @!p0 $0x108  }
0x21: {  	s3 =	sadd.s32 s3, s9;
	s6 =	sadd.s32 @!p0 $0x88, s6;
	s7 =	simm.s32 @p2 $0x1082  }
0x22: {  	[simem:s7], [sflag:s8] =	dma.local @!p0 [hbm:s6], $0xF7A  }
0x23: {  	s9 =	sor.u32 $0xD0000000, s2;
	s6 =	simm.s32 $0x108;
	_ =	swait.ge @!p0 [sflag:s8], $0x0  }
0x24: {  	s3 =	sadd.s32 $0x88, s3;
	s6 =	simm.s32 @!p1 $0x1082;
	[sflag:s4] =	ssyncset.s32 $0xFFFFF086  }
0x25: {  	[simem:s6], [sflag:s4] =	dma.local [hbm:s3], $0xF7A  }
0x26: {  	[smem:$0x3F91] =	sst s1;
	(tag) =	ssettag s2;
	_ =	strace s9  }
0x27: {  	s1 =	sld [smem:$0x3FA1]  }
0x28: {  	s2 =	sld [smem:$0x3FA2]  }
0x29: {  	s4 =	sld [smem:$0x3FA4]  }
0x2a: {  	p0 =	seq.s32 s5, $0x0;
	s5 =	sld [smem:$0x3FA5]  }
0x2b: {  	s6 =	sld [smem:$0x3FA6]  }
0x2c: {  	s7 =	sld [smem:$0x3FA7]  }
0x2d: {  	s3 =	simm.s32 $0x108;
	s8 =	sld [smem:$0x3FA8]  }
0x2e: {  	s3 =	simm.s32 @!p0 $0x1082;
	s9 =	sld [smem:$0x3FA9]  }
0x2f: {  	lr =	sadd.s32 s0, s3;
	s0 =	sld [smem:$0x3FA0]  }
0x30: {  	s3 =	sld [smem:$0x3FA3]  }
0x31: {  	[smem:$0x3FAC] =	sst s10  }
0x32: {  	s10 =	sld [smem:$0x3FAA];
	_ =	sdelay $0x3  }
0x33: {  	p0 =	seq.s32 s10, $0x1;
	s10 =	sld [smem:$0x3FAC];
	_ =	sdelay $0x3  }
0x34: {  	[smem:$0x3FAC] =	sst s10  }
0x35: {  	s10 =	sld [smem:$0x3FAB];
	_ =	sdelay $0x3  }
0x36: {  	p1 =	seq.s32 s10, $0x1;
	s10 =	sld [smem:$0x3FAC];
	_ =	sdelay $0x3  }
0x37: {  	[smem:$0x3FAC] =	sst s10  }
0x38: {  	s10 =	sld [smem:$0x3FAD]  }
0x39: {  	_ = 	snop;
	(pc) =	sbr.ind lr, $3  }
0x3a: {  	_ = 	snop  }
0x3b: {  	_ = 	snop  }
0x3c: {  	p2 =	seq.s32 s10, $0x1;
	s10 =	sld [smem:$0x3FAC]  }
0x3d: {  	_ =	shalt  }
0x3e: {  	_ =	shalt  }
0x3f: {  	_ =	shalt  }
0x40: {  	_ =	shalt  }
0x41: {  	_ =	shalt  }
0x42: {  	_ =	shalt  }
0x43: {  	_ =	shalt  }
0x44: {  	_ =	shalt  }
0x45: {  	_ =	shalt  }
0x46: {  	_ =	shalt  }
0x47: {  	_ =	shalt  }
0x48: {  	_ =	shalt  }
0x49: {  	_ =	shalt  }
0x4a: {  	_ =	shalt  }
0x4b: {  	_ =	shalt  }
0x4c: {  	_ =	shalt  }
0x4d: {  	_ =	shalt  }
0x4e: {  	_ =	shalt  }
0x4f: {  	_ =	shalt  }
0x50: {  	_ =	shalt  }
0x51: {  	_ =	shalt  }
0x52: {  	_ =	shalt  }
0x53: {  	_ =	shalt  }
0x54: {  	_ =	shalt  }
0x55: {  	_ =	shalt  }
0x56: {  	_ =	shalt  }
0x57: {  	_ =	shalt  }
0x58: {  	_ =	shalt  }
0x59: {  	_ =	shalt  }
0x5a: {  	_ =	shalt  }
0x5b: {  	_ =	shalt  }
0x5c: {  	_ =	shalt  }
0x5d: {  	_ =	shalt  }
0x5e: {  	_ =	shalt  }
0x5f: {  	_ =	shalt  }
0x60: {  	_ =	shalt  }
0x61: {  	_ =	shalt  }
0x62: {  	_ =	shalt  }
0x63: {  	_ =	shalt  }
0x64: {  	_ =	shalt  }
0x65: {  	_ =	shalt  }
0x66: {  	_ =	shalt  }
0x67: {  	_ =	shalt  }
0x68: {  	_ =	shalt  }
0x69: {  	_ =	shalt  }
0x6a: {  	_ =	shalt  }
0x6b: {  	_ =	shalt  }
0x6c: {  	_ =	shalt  }
0x6d: {  	_ =	shalt  }
0x6e: {  	_ =	shalt  }
0x6f: {  	_ =	shalt  }
0x70: {  	_ =	shalt  }
0x71: {  	_ =	shalt  }
0x72: {  	_ =	shalt  }
0x73: {  	_ =	shalt  }
0x74: {  	_ =	shalt  }
0x75: {  	_ =	shalt  }
0x76: {  	_ =	shalt  }
0x77: {  	_ =	shalt  }
0x78: {  	_ =	shalt  }
0x79: {  	_ =	shalt  }
0x7a: {  	_ =	shalt  }
0x7b: {  	_ =	shalt  }
0x7c: {  	_ =	shalt  }
0x7d: {  	_ =	shalt  }
0x7e: {  	_ =	shalt  }
0x7f: {  	_ =	shalt  }
0x80: {  	_ =	shalt  }
0x81: {  	_ =	shalt  }
0x82: {  	_ =	shalt  }
0x83: {  	_ =	shalt  }
0x84: {  	_ =	shalt  }
0x85: {  	_ =	shalt  }
0x86: {  	_ =	shalt  }
0x87: {  	_ =	shalt  }
.Lfunc_end0:
.L_simem_size_0:
called_computation_lowered:
.L_overlay_start_0:
0x88: {  	s2 =	sld [smem:$0x3FD9]  }
0x89: {  	s3 =	sld [smem:$0x3FFE];
	_ =	sdelay $0x1  }
0x8a: {  	s1 =	srdreg.scid  }
0x8b: {  	s0 =	sand.u32 $0x1, s1  }
0x8c: {  	s16 =	sshll.u32 s0, $0xA;
	s2 =	sadd.s32 s3, s2  }
0x8d: {  	s2 =	sadd.s32 s2, s16  }
0x8e: {  	[smem:$0x3FB8] =	sst s2  }
0x8f: {  	_ = 	snop  }
0x90: {  	(tm) =	ssettm $0x1  }
0x91: {  	s17 =	sld [smem:$0x3FFB];
	_ =	sdelay $0x3  }
0x92: {  	_ =	strace s17  }
0x93: {  	s2 =	sld [smem:$0x3FFC];
	_ =	sdelay $0x3  }
0x94: {  	_ =	strace s2  }
0x95: {  	s2 =	sld [smem:$0x3FFD];
	_ =	sdelay $0x3  }
0x96: {  	_ =	strace s2  }
0x97: {  	_ =	strace $0x8FFFFFFF  }
0x98: {  	s18 =	sld [smem:$0x3FDB];
	_ =	sdelay $0x1  }
0x99: {  	s19 =	simm.s32 $_scs_section_size  }
0x9a: {  	s4 =	simm.s32 $_size__tile_overlayer_lowered;
	s5 =	simm.s32 $_tile_overlayer_lowered  }
0x9b: {  	s22 =	simm.s32 $0x1BFF;
	s21 =	sshll.u32 s5, $0x1;
	s2 =	sadd.s32 s19, s18  }
0x9c: {  	s6 =	simm.s32 $0x0;
	s20 =	sshll.u32 s4, $0x1;
	s4 =	sadd.s32 s21, s2  }
0x9d: {  	[timem:s6], [sflag:s22] =	dma.local [hbm:s4], s20  }
0x9e: {  	_ =	swait.ge [sflag:s22], s20  }
0x9f: {  	s3 =	ssub.s32 $0x0, s20;
	[sflag:s22] =	ssyncset.done $0x0  }
0xa0: {  	[sflag:s22] =	ssyncadd.s32 s3;
	_ =	sdelay $0x1  }
0xa1: {  	s23 =	simm.s32 $0x1B8B  }
0xa2: {  	_ =	swait.ge [sflag:s23], $0x1  }
0xa3: {  	[sflag:s23] =	ssyncset.done $0x0  }
0xa4: {  	s25 =	simm.s32 $0x1B8E;
	s24 =	sld [smem:$0x3FFE];
	[sflag:s23] =	ssyncadd.s32 $0xFFFFFFFF  }
0xa5: {  	s26 =	simm.s32 $execute0_lowered;
	[smem:$0x3FD2] =	sst s25  }
0xa6: {  	s4 =	sshll.u32 s26, $0x1;
	_ =	strace $0x80000046;
	[dreg:$0x1] =	wrdreg $0xFFFFFFFF  }
0xa7: {  	s28 =	simm.s32 $_size_execute0_lowered;
	s2 =	sadd.s32 s2, s4;
	[dreg:$0x0] =	wrdreg $0x0  }
0xa8: {  	s4 =	sshll.u32 s28, $0x1;
	[dreg:$0x2] =	wrdreg s2  }
0xa9: {  	[dreg:$0x3] =	wrdreg s4  }
0xaa: {  	[dreg:$0x4] =	wrdreg $0xC0  }
0xab: {  	_ =	task [dreg:s6], $0x5FFFF  }
0xac: {  	[dreg:$0x1] =	wrdreg $0xFFFFFFFF  }
0xad: {  	[dreg:$0x0] =	wrdreg $0x60  }
0xae: {  	[dreg:$0x2] =	wrdreg s24  }
0xaf: {  	[dreg:$0x3] =	wrdreg $0xB7100  }
0xb0: {  	[dreg:$0x4] =	wrdreg $0x107100  }
0xb1: {  	[dreg:$0x5] =	wrdreg $0x9  }
0xb2: {  	_ =	task.clear_ibuf [dreg:s6], $0x6FFFF;
	_ =	strace $0x90000046  }
0xb3: {  	s29 =	simm.s32 $0x9;
	_ =	strace $0x80000048  }
0xb4: {  	_ =	swait.ge [sflag:s29], $0x1  }
0xb5: {  	[sflag:s29] =	ssyncadd.s32 $0xFFFFFFFF  }
0xb6: {  	_ =	strace $0x90000048  }
0xb7: {  	_ =	sfence  }
0xb8: {  	s30 =	sld [smem:$0x0];
	_ =	sdelay $0x2  }
0xb9: {  	s31 =	sshll.u32 s1, $0xD;
	s1 =	sshrl.u32 s1, $0x2  }
0xba: {  	s3 =	sand.u32 $0x4000, s31;
	s1 =	sadd.s32 s1, s30  }
0xbb: {  	s0 =	sor.u32 s3, s0;
	s1 =	sshll.u32 s1, $0x11  }
0xbc: {  	s0 =	sor.u32 s1, s0  }
0xbd: {  	s0 =	sadd.s32 $0x8F2B, s0  }
0xbe: {  	[sflag:s0] =	ssyncadd.remote.s32 $0x1  }
0xbf: {  	_ =	sfence.sel $0xFFFF  }
0xc0: {  	[dreg:$0x0] =	wrdreg $0xFFFFFFFF;
	(pc) =	sbr.abs _section_cstart, $3  }
0xc1: {  	[dreg:$0x1] =	wrdreg $0xFFFFFFFF  }
0xc2: {  	_ =	task.clear_ibuf [dreg:s6], $0x2FFFF;
	_ =	strace $0x9FFFFFFF  }
0xc3: {  	(tm) =	ssettm $0x7FFFFFFF  }
tec
execute0_lowered:
.L_overlay_start_1:
0x0: {  	(tag) =	ssettag $0x1  }
0x1: {  	s0 =	rddreg [dreg:$0x0]  }
0x2: {  	s1 =	srdreg.scid;
	s2 =	rddreg [dreg:$0x1]  }
0x3: {  	s3 =	rddreg [dreg:$0x2];
	s13 =	stileid.u32;
	s6 =	simm.s32 $0x0  }
0x4: {  	s15 =	simm.s32 $0x1;
	s16 =	simm.s32 $0x4;
	s17 =	simm.s32 $0x10  }
0x5: {  	s28 =	simm.s32 $0xA710;
	s29 =	simm.s32 $0x2;
	s31 =	simm.s32 $0x5  }
0x6: {  	s30 =	simm.s32 $0x7;
	s5 =	sand.u32 $0x3, s13;
	s11 =	smul.u32 $0x5000, s13  }
0x7: {  	s1 =	sand.u32 $0x1, s1;
	[smem:$0x7FF] =	sst s6;
	s7 =	smul.u32 $0x14000, s5  }
0x8: {  	s19 =	sshrl.u32 s13, $0x2;
	s26 =	sshll.u32 s13, $0x6;
	s10 =	smul.u32 $0x50000, s1  }
0x9: {  	s4 =	sshll.u32 s1, $0x4;
	_ =	strace $0x80000047;
	s5 =	smul.u32 $0x280, s5  }
0xa: {  	s8 =	sshll.u32 s19, $0x5;
	s6 =	smul.u32 $0xA00, s19;
	s1 =	ssub.s32 $0x2, s1  }
0xb: {  	s19 =	simm.s32 $0x80;
	s4 =	sor.u32 s13, s4;
	s20 =	sshrl.u32 s11, $0x3  }
0xc: {  	s22 =	sshrl.u32 s1, $0x1;
	s12 =	sadd.s32 s11, s3;
	s11 =	simm.s32 $0x9  }
0xd: {  	s13 =	sor.u32 $0x1C09, s26;
	s4 =	smul.u32 $0x2710, s4;
	s9 =	sor.u32 s8, s7  }
0xe: {  	s7 =	sadd.s32 s10, s7;
	s21 =	sadd.s32 s20, s0;
	s6 =	sadd.s32 s5, s6  }
0xf: {  	s1 =	ssub.s32 s1, s22;
	s18 =	sshrl.u32 s12, $0x3;
	s20 =	simm.s32 $0x7710  }
0x10: {  	s22 =	simm.s32 $0x6;
	s12 =	simm.s32 $0x0;
	s9 =	sshrl.u32 s9, $0x3  }
0x11: {  	s7 =	sor.u32 s8, s7;
	s23 =	sshll.u32 s6, $0x5;
	s8 =	sadd.s32 $0x21200, s21  }
0x12: {  	s10 =	smax.u32 s1, $0x1;
	s21 =	simm.s32 $0x8710;
	s1 =	simm.s32 $0x3  }
0x13: {  	s4 =	sshrl.u32 s4, $0x3;
	s9 =	sadd.s32 s9, s0;
	s7 =	sshrl.u32 s7, $0x3  }
0x14: {  	s24 =	sadd.s32 s23, s2;
	s25 =	sadd.s32 s23, s3;
	s23 =	simm.s32 $0x9710  }
0x15: {  	s4 =	sadd.s32 s4, s0;
	s0 =	sadd.s32 s7, s0;
	s7 =	sadd.s32 $0x17200, s9  }
0x16: {  	s14 =	sshrl.u32 s24, $0x3;
	s25 =	sshrl.u32 s25, $0x3;
	s24 =	simm.s32 $0x8  }
0x17: {  	v0 =	vimm.s32 $0x0;
	v1 =	vimm.s32 $0x2710;
	s5 =	sadd.s32 $0x3800, s4;
	s6 =	sadd.s32 $0xD440, s4;
	s9 =	sadd.s32 $0x2B200, s0  }
.LBB2_1:
0x18: {  	s0 =	simm.s32 $0x0  }
0x19: {  	[tilespmem:s0], [sflag:$0x9] =	stream.linear.gather [hbm4b:s5+s0], $0x2710, $0x38;
	[tilespmem:$0x15710] =	vst v63  }
0x1a: {  	_ =	swait.ge [sflag:s11], $0x2710  }
0x1b: {  	[sflag:s11] =	ssyncset.done $0x0  }
0x1c: {  	s4 =	simm.s32 $0x2800;
	[sflag:s11] =	ssyncadd.s32 $0xFFFFD8F0  }
0x1d: {  	[tilespmem:s4], [sflag:$0x9] =	stream.linear.gather [hbm4b:s6+s0], $0x2710, $0x38;
	[tilespmem:$0x15710] =	vst v63  }
0x1e: {  	_ =	swait.ge [sflag:s11], $0x2710  }
0x1f: {  	[sflag:s11] =	ssyncset.done $0x0  }
0x20: {  	[sflag:s11] =	ssyncadd.s32 $0xFFFFD8F0  }
0x21: {  	[spmem:s14@s16], [sflag:s13] =	dma.strided [hbm:s7@s17], $0xA00, s15, $0x4   }
0x22: {  	_ =	swait.ge [sflag:s11], $0xA00  }
0x23: {  	[sflag:s11] =	ssyncset.done $0x0  }
0x24: {  	[sflag:s11] =	ssyncadd.s32 $0xFFFFF600  }
0x25: {  	[spmem:s18], [sflag:s13] =	dma.local [hbm:s8], $0xA00  }
0x26: {  	_ =	swait.ge [sflag:s11], $0xA00  }
0x27: {  	[sflag:s11] =	ssyncset.done $0x0  }
0x28: {  	[sflag:s11] =	ssyncadd.s32 $0xFFFFF600  }
0x29: {  	[tilespmem:$0x2710] =	vst v0  }
0x2a: {  	[tilespmem:$0x2720] =	vst v0  }
0x2b: {  	[tilespmem:$0x2730] =	vst v0  }
0x2c: {  	[tilespmem:$0x2740] =	vst v0  }
0x2d: {  	[tilespmem:$0x2750] =	vst v0  }
0x2e: {  	[tilespmem:$0x2760] =	vst v0  }
0x2f: {  	[tilespmem:$0x2770] =	vst v0  }
0x30: {  	[tilespmem:$0x2780] =	vst v0  }
0x31: {  	[tilespmem:$0x2790] =	vst v0  }
0x32: {  	[tilespmem:$0x27A0] =	vst v0  }
0x33: {  	[tilespmem:$0x27B0] =	vst v0  }
0x34: {  	[tilespmem:$0x27C0] =	vst v0  }
0x35: {  	[tilespmem:$0x27D0] =	vst v0  }
0x36: {  	[tilespmem:$0x27E0] =	vst v0  }
0x37: {  	s0 =	simm.s32 $0x0;
	[tilespmem:$0x27F0] =	vst v0  }
0x38: {  	v5 =	vld [tilespmem:s0+$0x2870]  }
0x39: {  	v6 =	vld [tilespmem:s0+$0x2800]  }
0x3a: {  	v7 =	vld [tilespmem:s0+$0x2810]  }
0x3b: {  	v4 =	vld [tilespmem:s0+$0x2820]  }
0x3c: {  	v2 =	vld [tilespmem:s0+$0x2830]  }
0x3d: {  	v3 =	vld [tilespmem:s0+$0x2840];
	[tilespmem:s0+$0x4F80] =	vst v5  }
0x3e: {  	[tilespmem:s0+$0x4F10] =	vst v6;
	v5 =	vld [tilespmem:s0+$0x2850]  }
0x3f: {  	s26 =	simm.s32 $0x80;
	s4 =	simm.s32 $0x400;
	[tilespmem:s0+$0x4F20] =	vst v7;
	v6 =	vld [tilespmem:s0+$0x2860]  }
.LBB2_2:
0x40: {  	p0 =	sne.s32 s4, $0x9A00;
	v7 =	vld [tilespmem:s26+$0x2870];
	[tilespmem:s0+$0x4F30] =	vst v4  }
0x41: {  	v8 =	vld [tilespmem:s26+$0x2800];
	[tilespmem:s0+$0x4F40] =	vst v2  }
0x42: {  	v9 =	vld [tilespmem:s26+$0x2810];
	[tilespmem:s0+$0x4F50] =	vst v3  }
.Ltmp0:
0x43: {  	v4 =	vld [tilespmem:s26+$0x2820];
	[tilespmem:s0+$0x4F60] =	vst v5;
	(pc) =	sbr.rel @p0 .LBB2_2-.Ltmp0, $4  }
0x44: {  	v2 =	vld [tilespmem:s26+$0x2830];
	[tilespmem:s0+$0x4F70] =	vst v6;
	s0 =	smov.u32 s26  }
0x45: {  	v3 =	vld [tilespmem:s0+$0x2840];
	[tilespmem:s0+$0x4F80] =	vst v7  }
0x46: {  	[tilespmem:s0+$0x4F10] =	vst v8;
	v5 =	vld [tilespmem:s0+$0x2850]  }
0x47: {  	s26 =	sshra.s32 s4, $0x2;
	s4 =	sadd.s32 $0x200, s4;
	[tilespmem:s0+$0x4F20] =	vst v9;
	v6 =	vld [tilespmem:s0+$0x2860]  }
0x48: {  	v7 =	vld [tilespmem:s26+$0x2870];
	[tilespmem:s0+$0x4F30] =	vst v4  }
0x49: {  	v4 =	vld [tilespmem:s26+$0x2800];
	[tilespmem:s0+$0x4F40] =	vst v2  }
0x4a: {  	v2 =	vld [tilespmem:s26+$0x2810];
	[tilespmem:s0+$0x4F50] =	vst v3  }
0x4b: {  	v3 =	vld [tilespmem:s26+$0x2820];
	[tilespmem:s0+$0x4F60] =	vst v5  }
0x4c: {  	v5 =	vld [tilespmem:s26+$0x2830];
	[tilespmem:s0+$0x4F70] =	vst v6  }
0x4d: {  	v6 =	vld [tilespmem:s26+$0x2840];
	[tilespmem:s26+$0x4F80] =	vst v7  }
0x4e: {  	v63 =	vld [tilespmem:s26+$0x2850];
	[tilespmem:s26+$0x4F10] =	vst v4  }
0x4f: {  	[tilespmem:s26+$0x4F20] =	vst v2;
	v2 =	vld [tilespmem:s26+$0x2860]  }
0x50: {  	[tilespmem:s26+$0x4F30] =	vst v3  }
0x51: {  	[tilespmem:s26+$0x4F40] =	vst v5  }
0x52: {  	[tilespmem:s26+$0x4F50] =	vst v6  }
0x53: {  	[tilespmem:s26+$0x4F60] =	vst v63  }
0x54: {  	[tilespmem:s26+$0x4F70] =	vst v2  }
0x55: {  	[tilespmem:$0x7620] =	vst v1  }
0x56: {  	[tilespmem:$0x7630] =	vst v1  }
0x57: {  	[tilespmem:$0x7640] =	vst v1  }
0x58: {  	[tilespmem:$0x7650] =	vst v1  }
0x59: {  	[tilespmem:$0x7660] =	vst v1  }
0x5a: {  	[tilespmem:$0x7670] =	vst v1  }
0x5b: {  	[tilespmem:$0x7680] =	vst v1  }
0x5c: {  	[tilespmem:$0x7690] =	vst v1  }
0x5d: {  	[tilespmem:$0x76A0] =	vst v1  }
0x5e: {  	[tilespmem:$0x76B0] =	vst v1  }
0x5f: {  	v2 =	vld [tilespmem:$0x4F00];
	[tilespmem:$0x76C0] =	vst v1  }
0x60: {  	[tilespmem:$0x76D0] =	vst v1  }
0x61: {  	[tilespmem:$0x76E0] =	vst v1  }
0x62: {  	[tilespmem:$0x76F0] =	vst v1  }
0x63: {  	[tilespmem:$0x7700] =	vst v1  }
0x64: {  	[tilespmem:$0x7610] =	vst v2  }
0x65: {  	s4 =	simm.s32 $0x0;
	[bflag:$0x0] =	sbarrier.arrive $0xFFFF  }
0x66: {  	[tilespmem:s20], [sflag:$0x1] =	stream.indirect.gather [spmem:s2], $0x20, s4, s19, $0xb8;
	[tilespmem:$0x15710] =	vst v63  }
0x67: {  	_ = 	snop  }
0x68: {  	[tilespmem:s21], [sflag:$0x2] =	stream.indirect.gather [spmem:s2], $0x20, s19, s19, $0xb8;
	[tilespmem:$0x15710] =	vst v63  }
0x69: {  	s26 =	simm.s32 $0x100  }
0x6a: {  	[tilespmem:s23], [sflag:$0x3] =	stream.indirect.gather [spmem:s2], $0x20, s26, s19, $0xb8;
	[tilespmem:$0x15710] =	vst v63  }
0x6b: {  	_ =	swait.ge [sflag:s15], $0x1000  }
0x6c: {  	[sflag:s15] =	ssyncset.done $0x0  }
0x6d: {  	s4 =	simm.s32 $0x4F10;
	[sflag:s15] =	ssyncadd.s32 $0xFFFFF000  }
0x6e: {  	[spmem:s3] =	stream.indirect.scatter.add.f32 [tilespmem:s20], [sflag:$0x5], $0x20, s4, s19, $0xb8;
	[tilespmem:$0x15710] =	vst v63  }
0x6f: {  	s26 =	simm.s32 $0x180  }
0x70: {  	[tilespmem:s28], [sflag:$0x4] =	stream.indirect.gather [spmem:s2], $0x20, s26, s19, $0xb8;
	[tilespmem:$0x15710] =	vst v63  }
0x71: {  	_ =	swait.ge [sflag:s29], $0x1000  }
0x72: {  	[sflag:s29] =	ssyncset.done $0x0  }
0x73: {  	s4 =	simm.s32 $0x4F90;
	[sflag:s29] =	ssyncadd.s32 $0xFFFFF000  }
0x74: {  	[spmem:s3] =	stream.indirect.scatter.add.f32 [tilespmem:s21], [sflag:$0x6], $0x20, s4, s19, $0xb8;
	[tilespmem:$0x15710] =	vst v63  }
0x75: {  	_ =	swait.ge [sflag:s31], $0x1000  }
0x76: {  	[sflag:s31] =	ssyncset.done $0x0  }
0x77: {  	s26 =	simm.s32 $0x200;
	[sflag:s31] =	ssyncadd.s32 $0xFFFFF000  }
0x78: {  	[tilespmem:s20], [sflag:$0x1] =	stream.indirect.gather [spmem:s2], $0x20, s26, s19, $0xb8;
	[tilespmem:$0x15710] =	vst v63  }
0x79: {  	_ =	swait.ge [sflag:s1], $0x1000  }
0x7a: {  	[sflag:s1] =	ssyncset.done $0x0  }
0x7b: {  	s4 =	simm.s32 $0x5010;
	[sflag:s1] =	ssyncadd.s32 $0xFFFFF000  }
0x7c: {  	[spmem:s3] =	stream.indirect.scatter.add.f32 [tilespmem:s23], [sflag:$0x7], $0x20, s4, s19, $0xb8;
	[tilespmem:$0x15710] =	vst v63  }
0x7d: {  	_ =	swait.ge [sflag:s22], $0x1000  }
0x7e: {  	[sflag:s22] =	ssyncset.done $0x0  }
0x7f: {  	s26 =	simm.s32 $0x280;
	[sflag:s22] =	ssyncadd.s32 $0xFFFFF000  }
0x80: {  	[tilespmem:s21], [sflag:$0x2] =	stream.indirect.gather [spmem:s2], $0x20, s26, s19, $0xb8;
	[tilespmem:$0x15710] =	vst v63  }
0x81: {  	_ =	swait.ge [sflag:s16], $0x1000  }
0x82: {  	[sflag:s16] =	ssyncset.done $0x0  }
0x83: {  	s4 =	simm.s32 $0x5090;
	[sflag:s16] =	ssyncadd.s32 $0xFFFFF000  }
0x84: {  	[spmem:s3] =	stream.indirect.scatter.add.f32 [tilespmem:s28], [sflag:$0x8], $0x20, s4, s19, $0xb8;
	[tilespmem:$0x15710] =	vst v63  }
0x85: {  	_ =	swait.ge [sflag:s30], $0x1000  }
0x86: {  	[sflag:s30] =	ssyncset.done $0x0  }
0x87: {  	s26 =	simm.s32 $0x300;
	[sflag:s30] =	ssyncadd.s32 $0xFFFFF000  }
0x88: {  	[tilespmem:s23], [sflag:$0x3] =	stream.indirect.gather [spmem:s2], $0x20, s26, s19, $0xb8;
	[tilespmem:$0x15710] =	vst v63  }
0x89: {  	_ =	swait.ge [sflag:s15], $0x1000  }
0x8a: {  	[sflag:s15] =	ssyncset.done $0x0  }
0x8b: {  	s4 =	simm.s32 $0x5110;
	[sflag:s15] =	ssyncadd.s32 $0xFFFFF000  }
0x8c: {  	[spmem:s3] =	stream.indirect.scatter.add.f32 [tilespmem:s20], [sflag:$0x5], $0x20, s4, s19, $0xb8;
	[tilespmem:$0x15710] =	vst v63  }
0x8d: {  	_ =	swait.ge [sflag:s24], $0x1000  }
0x8e: {  	[sflag:s24] =	ssyncset.done $0x0  }
0x8f: {  	s26 =	simm.s32 $0x380;
	[sflag:s24] =	ssyncadd.s32 $0xFFFFF000  }
0x90: {  	[tilespmem:s28], [sflag:$0x4] =	stream.indirect.gather [spmem:s2], $0x20, s26, s19, $0xb8;
	[tilespmem:$0x15710] =	vst v63  }
0x91: {  	_ =	swait.ge [sflag:s29], $0x1000  }
0x92: {  	[sflag:s29] =	ssyncset.done $0x0  }
0x93: {  	s4 =	simm.s32 $0x5190;
	[sflag:s29] =	ssyncadd.s32 $0xFFFFF000  }
0x94: {  	[spmem:s3] =	stream.indirect.scatter.add.f32 [tilespmem:s21], [sflag:$0x6], $0x20, s4, s19, $0xb8;
	[tilespmem:$0x15710] =	vst v63  }
0x95: {  	_ =	swait.ge [sflag:s31], $0x1000  }
0x96: {  	[sflag:s31] =	ssyncset.done $0x0  }
0x97: {  	s26 =	simm.s32 $0x400;
	[sflag:s31] =	ssyncadd.s32 $0xFFFFF000  }
0x98: {  	[tilespmem:s20], [sflag:$0x1] =	stream.indirect.gather [spmem:s2], $0x20, s26, s19, $0xb8;
	[tilespmem:$0x15710] =	vst v63  }
0x99: {  	_ =	swait.ge [sflag:s1], $0x1000  }
0x9a: {  	[sflag:s1] =	ssyncset.done $0x0  }
0x9b: {  	s4 =	simm.s32 $0x5210;
	[sflag:s1] =	ssyncadd.s32 $0xFFFFF000  }
0x9c: {  	[spmem:s3] =	stream.indirect.scatter.add.f32 [tilespmem:s23], [sflag:$0x7], $0x20, s4, s19, $0xb8;
	[tilespmem:$0x15710] =	vst v63  }
0x9d: {  	_ =	swait.ge [sflag:s22], $0x1000  }
0x9e: {  	[sflag:s22] =	ssyncset.done $0x0  }
0x9f: {  	s26 =	simm.s32 $0x480;
	[sflag:s22] =	ssyncadd.s32 $0xFFFFF000  }
0xa0: {  	[tilespmem:s21], [sflag:$0x2] =	stream.indirect.gather [spmem:s2], $0x20, s26, s19, $0xb8;
	[tilespmem:$0x15710] =	vst v63  }
0xa1: {  	_ =	swait.ge [sflag:s16], $0x1000  }
0xa2: {  	[sflag:s16] =	ssyncset.done $0x0  }
0xa3: {  	s4 =	simm.s32 $0x5290;
	[sflag:s16] =	ssyncadd.s32 $0xFFFFF000  }
0xa4: {  	[spmem:s3] =	stream.indirect.scatter.add.f32 [tilespmem:s28], [sflag:$0x8], $0x20, s4, s19, $0xb8;
	[tilespmem:$0x15710] =	vst v63  }
0xa5: {  	_ =	swait.ge [sflag:s30], $0x1000  }
0xa6: {  	[sflag:s30] =	ssyncset.done $0x0  }
0xa7: {  	s26 =	simm.s32 $0x500;
	[sflag:s30] =	ssyncadd.s32 $0xFFFFF000  }
0xa8: {  	[tilespmem:s23], [sflag:$0x3] =	stream.indirect.gather [spmem:s2], $0x20, s26, s19, $0xb8;
	[tilespmem:$0x15710] =	vst v63  }
0xa9: {  	_ =	swait.ge [sflag:s15], $0x1000  }
0xaa: {  	[sflag:s15] =	ssyncset.done $0x0  }
0xab: {  	s4 =	simm.s32 $0x5310;
	[sflag:s15] =	ssyncadd.s32 $0xFFFFF000  }
0xac: {  	[spmem:s3] =	stream.indirect.scatter.add.f32 [tilespmem:s20], [sflag:$0x5], $0x20, s4, s19, $0xb8;
	[tilespmem:$0x15710] =	vst v63  }
0xad: {  	_ =	swait.ge [sflag:s24], $0x1000  }
0xae: {  	[sflag:s24] =	ssyncset.done $0x0  }
0xaf: {  	s26 =	simm.s32 $0x580;
	[sflag:s24] =	ssyncadd.s32 $0xFFFFF000  }
0xb0: {  	[tilespmem:s28], [sflag:$0x4] =	stream.indirect.gather [spmem:s2], $0x20, s26, s19, $0xb8;
	[tilespmem:$0x15710] =	vst v63  }
0xb1: {  	_ =	swait.ge [sflag:s29], $0x1000  }
0xb2: {  	[sflag:s29] =	ssyncset.done $0x0  }
0xb3: {  	s0 =	simm.s32 $0x5390;
	s26 =	simm.s32 $0x800;
	[sflag:s29] =	ssyncadd.s32 $0xFFFFF000  }
.LBB2_4:
0xb4: {  	[spmem:s3] =	stream.indirect.scatter.add.f32 [tilespmem:s21], [sflag:$0x6], $0x20, s0, s19, $0xb8;
	[tilespmem:$0x15710] =	vst v63  }
0xb5: {  	s0 =	smov.u32 s26;
	s26 =	sadd.s32 $0x800, s26;
	_ =	swait.ge [sflag:s31], $0x1000  }
0xb6: {  	s0 =	sshra.s32 s0, $0x2;
	p0 =	sne.s32 s26, $0x9000;
	[sflag:s31] =	ssyncset.done $0x0  }
0xb7: {  	s4 =	sadd.s32 $0x400, s0;
	[sflag:s31] =	ssyncadd.s32 $0xFFFFF000  }
0xb8: {  	[tilespmem:s20], [sflag:$0x1] =	stream.indirect.gather [spmem:s2], $0x20, s4, s19, $0xb8;
	[tilespmem:$0x15710] =	vst v63  }
0xb9: {  	_ =	swait.ge [sflag:s1], $0x1000  }
0xba: {  	[sflag:s1] =	ssyncset.done $0x0  }
0xbb: {  	s4 =	sadd.s32 $0x5210, s0;
	[sflag:s1] =	ssyncadd.s32 $0xFFFFF000  }
0xbc: {  	[spmem:s3] =	stream.indirect.scatter.add.f32 [tilespmem:s23], [sflag:$0x7], $0x20, s4, s19, $0xb8;
	[tilespmem:$0x15710] =	vst v63  }
0xbd: {  	_ =	swait.ge [sflag:s22], $0x1000  }
0xbe: {  	[sflag:s22] =	ssyncset.done $0x0  }
0xbf: {  	s4 =	sadd.s32 $0x480, s0;
	[sflag:s22] =	ssyncadd.s32 $0xFFFFF000  }
0xc0: {  	[tilespmem:s21], [sflag:$0x2] =	stream.indirect.gather [spmem:s2], $0x20, s4, s19, $0xb8;
	[tilespmem:$0x15710] =	vst v63  }
0xc1: {  	_ =	swait.ge [sflag:s16], $0x1000  }
0xc2: {  	[sflag:s16] =	ssyncset.done $0x0  }
0xc3: {  	s4 =	sadd.s32 $0x5290, s0;
	[sflag:s16] =	ssyncadd.s32 $0xFFFFF000  }
0xc4: {  	[spmem:s3] =	stream.indirect.scatter.add.f32 [tilespmem:s28], [sflag:$0x8], $0x20, s4, s19, $0xb8;
	[tilespmem:$0x15710] =	vst v63  }
0xc5: {  	_ =	swait.ge [sflag:s30], $0x1000  }
0xc6: {  	[sflag:s30] =	ssyncset.done $0x0  }
0xc7: {  	s4 =	sadd.s32 $0x500, s0;
	[sflag:s30] =	ssyncadd.s32 $0xFFFFF000  }
0xc8: {  	[tilespmem:s23], [sflag:$0x3] =	stream.indirect.gather [spmem:s2], $0x20, s4, s19, $0xb8;
	[tilespmem:$0x15710] =	vst v63  }
0xc9: {  	_ =	swait.ge [sflag:s15], $0x1000  }
0xca: {  	[sflag:s15] =	ssyncset.done $0x0  }
0xcb: {  	s4 =	sadd.s32 $0x5310, s0;
	[sflag:s15] =	ssyncadd.s32 $0xFFFFF000  }
0xcc: {  	[spmem:s3] =	stream.indirect.scatter.add.f32 [tilespmem:s20], [sflag:$0x5], $0x20, s4, s19, $0xb8;
	[tilespmem:$0x15710] =	vst v63  }
0xcd: {  	_ =	swait.ge [sflag:s24], $0x1000  }
0xce: {  	[sflag:s24] =	ssyncset.done $0x0  }
.Ltmp1:
0xcf: {  	s4 =	sadd.s32 $0x580, s0;
	[sflag:s24] =	ssyncadd.s32 $0xFFFFF000;
	(pc) =	sbr.rel @p0 .LBB2_4-.Ltmp1, $4  }
0xd0: {  	[tilespmem:s28], [sflag:$0x4] =	stream.indirect.gather [spmem:s2], $0x20, s4, s19, $0xb8;
	[tilespmem:$0x15710] =	vst v63  }
0xd1: {  	_ =	swait.ge [sflag:s29], $0x1000  }
0xd2: {  	[sflag:s29] =	ssyncset.done $0x0  }
0xd3: {  	s0 =	sadd.s32 $0x5390, s0;
	[sflag:s29] =	ssyncadd.s32 $0xFFFFF000  }
0xd4: {  	[spmem:s3] =	stream.indirect.scatter.add.f32 [tilespmem:s21], [sflag:$0x6], $0x20, s0, s19, $0xb8;
	[tilespmem:$0x15710] =	vst v63  }
0xd5: {  	_ =	swait.ge [sflag:s1], $0x1000  }
0xd6: {  	s26 =	sshra.s32 s26, $0x2;
	[sflag:s1] =	ssyncset.done $0x0  }
0xd7: {  	s4 =	sadd.s32 $0x5210, s26;
	[sflag:s1] =	ssyncadd.s32 $0xFFFFF000  }
0xd8: {  	[spmem:s3] =	stream.indirect.scatter.add.f32 [tilespmem:s23], [sflag:$0x7], $0x20, s4, s19, $0xb8;
	[tilespmem:$0x15710] =	vst v63  }
0xd9: {  	_ =	swait.ge [sflag:s16], $0x1000  }
0xda: {  	[sflag:s16] =	ssyncset.done $0x0  }
0xdb: {  	s0 =	sadd.s32 $0x5290, s26;
	[sflag:s16] =	ssyncadd.s32 $0xFFFFF000  }
0xdc: {  	[spmem:s3] =	stream.indirect.scatter.add.f32 [tilespmem:s28], [sflag:$0x8], $0x20, s0, s19, $0xb8;
	[tilespmem:$0x15710] =	vst v63  }
0xdd: {  	_ =	swait.ge [sflag:s31], $0x1000  }
0xde: {  	[sflag:s31] =	ssyncset.done $0x0  }
0xdf: {  	[sflag:s31] =	ssyncadd.s32 $0xFFFFF000  }
0xe0: {  	_ =	swait.ge [sflag:s22], $0x1000  }
0xe1: {  	[sflag:s22] =	ssyncset.done $0x0  }
0xe2: {  	[sflag:s22] =	ssyncadd.s32 $0xFFFFF000  }
0xe3: {  	_ =	swait.ge [sflag:s30], $0x1000  }
0xe4: {  	[sflag:s30] =	ssyncset.done $0x0  }
0xe5: {  	[sflag:s30] =	ssyncadd.s32 $0xFFFFF000  }
0xe6: {  	_ =	swait.ge [sflag:s24], $0x1000  }
0xe7: {  	s12 =	sadd.s32 $0x1, s12;
	[sflag:s24] =	ssyncset.done $0x0  }
0xe8: {  	p0 =	sne.s32 s12, s10;
	[sflag:s24] =	ssyncadd.s32 $0xFFFFF000  }
.Ltmp2:
0xe9: {  	[bflag:$0x0] =	sbarrier.arrive $0xFFFF;
	(pc) =	sbr.rel @p0 .LBB2_1-.Ltmp2, $4  }
0xea: {  	[hbm:s9@s17], [sflag:s13] =	dma.strided [spmem:s25@s16], $0xA00, s15, $0x4   }
0xeb: {  	_ =	swait.ge [sflag:s11], $0xA00  }
0xec: {  	[sflag:s11] =	ssyncset.done $0x0  }
0xed: {  	[sflag:s11] =	ssyncadd.s32 $0xFFFFF600  }
0xee: {  	_ =	sfence.sel $0x180000  }
0xef: {  	[bflag:$0x0] =	sbarrier.arrive $0xFFFF  }
0xf0: {  	_ =	strace $0x90000047  }
0xf1: {  	s0 =	stileid.u32;
	[bflag:$0x2] =	sbarrier.arrive $0xFFFF  }
0xf2: {  	p0 =	sne.s32 s0, $0x0;
	s0 =	rddreg [dreg:$0x3]  }
0xf3: {  	s0 =	sadd.s32 @!p0 $0x100000, s0  }
0xf4: {  	[sflag:s0] =	ssyncadd.tile.s32 @!p0 $0x1;
	_ =	shalt  }
.Lfunc_end2:
_tile_overlayer_lowered:
.L_overlay_start_2:
0xf5: {  	(tag) =	ssettag $0x2  }
0xf6: {  	s0 =	rddreg [dreg:$0x0];
	s2 =	stileid.u32  }
0xf7: {  	s1 =	rddreg [dreg:$0x1];
	p0 =	sne.s32 s2, $0x0  }
0xf8: {  	s3 =	rddreg [dreg:$0x2];
	[bflag:$0x3] =	sbarrier.arrive $0xFFFF;
	s2 =	simm.s32 @!p0 $0x1C09  }
0xf9: {  	[timem:s3], [sflag:s2] =	dma.local @!p0 [hbm:s0], s1  }
0xfa: {  	s0 =	simm.s32 @!p0 $0x9  }
0xfb: {  	_ =	swait.ge @!p0 [sflag:s0], s1  }
0xfc: {  	s1 =	ssub.s32 @!p0 $0x0, s1;
	[sflag:s0] =	ssyncset.done @!p0 $0x0  }
0xfd: {  	[sflag:s0] =	ssyncadd.s32 @!p0 s1  }
0xfe: {  	[bflag:$0x3] =	sbarrier.arrive $0xFFFF  }
0xff: {  	_ =	shalt  }

</sc_bundles>
